<compile_context>
chip_gen: v7x
topology: tpu7x:2x2x1
jax: 0.10.2.dev20260603
libtpu: 0.0.44.dev20260713+nightly
codegen_flags: <defaults>
</compile_context>

<pallas_src>
import functools
import jax
import jax.numpy as jnp
from jax import lax
from jax.experimental import pallas as pl
from jax.experimental.pallas import tpu as pltpu
from jax.experimental.pallas import tpu_sc as plsc

N = 65536
HS = 128
NG = 64
NCELL = NG * NG
X_MIN, X_MAX = -3.0, 3.0
Y_MIN, Y_MAX = -3.0, 3.0
DX = (X_MAX - X_MIN) / NG
DY = (Y_MAX - Y_MIN) / NG

_TC_B = 2048
_NROW = N // HS
_RB = _TC_B // HS


def _lstm_tc_body(x_ref, h_ref, c_ref, xs_ref, ys_ref, wih_ref, whh_ref,
                  bi_ref, bh_ref, hnew_ref, cnew_ref, cell_ref):
    xt = x_ref[...]
    h = h_ref[...].astype(jnp.bfloat16)
    c = c_ref[...]
    gates = (lax.dot_general(xt, wih_ref[...], (((0,), (0,)), ((), ())),
                             preferred_element_type=jnp.float32)
             + jnp.dot(h, whh_ref[...], preferred_element_type=jnp.float32)
             + (bi_ref[...] + bh_ref[...]))

    def sigmoid(z):
        return 0.5 * jnp.tanh(0.5 * z) + 0.5

    i = sigmoid(gates[:, 0:HS])
    f = sigmoid(gates[:, HS:2 * HS])
    g = jnp.tanh(gates[:, 2 * HS:3 * HS])
    o = sigmoid(gates[:, 3 * HS:4 * HS])
    c_new = f * c + i * g
    hnew_ref[...] = o * jnp.tanh(c_new)
    cnew_ref[...] = c_new
    xc = jnp.clip(xs_ref[...], X_MIN, X_MAX)
    yc = jnp.clip(ys_ref[...], Y_MIN, Y_MAX)
    xi = jnp.clip(jnp.floor((xc - X_MIN) / DX).astype(jnp.int32), 0, NG - 1)
    yi = jnp.clip(jnp.floor((yc - Y_MIN) / DY).astype(jnp.int32), 0, NG - 1)
    cell_ref[...] = xi * NG + yi


def _lstm_tc_body2(x_ref, h_ref, c_ref, xs_ref, ys_ref, wih_ref, whh_ref,
                   bi_ref, bh_ref, cdest_ref, hnew_ref, cnew_ref, cell_ref):
    del cdest_ref
    _lstm_tc_body(x_ref, h_ref, c_ref, xs_ref, ys_ref, wih_ref, whh_ref,
                  bi_ref, bh_ref, hnew_ref, cnew_ref, cell_ref)


def _lstm_tc(off, nb, coords_t, h, c, xs2d, ys2d, wih_t, whh_t, b_i, b_h,
             c_donate=None, interpret=False):
    in_specs = [
        pl.BlockSpec((3, _TC_B), lambda i: (0, i + off)),
        pl.BlockSpec((_TC_B, HS), lambda i: (i + off, 0)),
        pl.BlockSpec((_TC_B, HS), lambda i: (i + off, 0)),
        pl.BlockSpec((_RB, HS), lambda i: (i + off, 0)),
        pl.BlockSpec((_RB, HS), lambda i: (i + off, 0)),
        pl.BlockSpec((3, 4 * HS), lambda i: (0, 0)),
        pl.BlockSpec((HS, 4 * HS), lambda i: (0, 0)),
        pl.BlockSpec((1, 4 * HS), lambda i: (0, 0)),
        pl.BlockSpec((1, 4 * HS), lambda i: (0, 0)),
    ]
    args = [coords_t, h, c, xs2d, ys2d, wih_t, whh_t, b_i, b_h]
    if c_donate is None:
        body = _lstm_tc_body
        aliases = {}
    else:
        body = _lstm_tc_body2
        in_specs = in_specs + [pl.BlockSpec((8, HS), lambda i: (0, 0))]
        args = args + [c_donate]
        aliases = {9: 1}
    return pl.pallas_call(
        body,
        grid=(nb,),
        in_specs=in_specs,
        out_specs=[
            pl.BlockSpec((_TC_B, HS), lambda i: (i, 0)),
            pl.BlockSpec((_TC_B, HS), lambda i: (i + off, 0)),
            pl.BlockSpec((_RB, HS), lambda i: (i, 0)),
        ],
        out_shape=[
            jax.ShapeDtypeStruct((nb * _TC_B, HS), jnp.float32),
            jax.ShapeDtypeStruct((N, HS), jnp.float32),
            jax.ShapeDtypeStruct((nb * _RB, HS), jnp.int32),
        ],
        input_output_aliases=aliases,
        interpret=interpret,
    )(*args)


@functools.cache
def _sc_mesh():
    return plsc.VectorSubcoreMesh(core_axis_name="c", subcore_axis_name="s",
                                  num_cores=2, num_subcores=16)
_RPG = _NROW // 32


_NSLOT = 5


def _sc_scatter(h_new, cell2d, inits=None):
    init_args = [] if inits is None else list(inits)
    crow = cell2d.shape[0]
    rpc = crow // 32
    @functools.partial(
        pl.kernel,
        out_type=[jax.ShapeDtypeStruct((NCELL, HS), jnp.float32),
                  jax.ShapeDtypeStruct((NCELL, HS), jnp.float32)],
        mesh=_sc_mesh(),
        scratch_types=[
            pltpu.VMEM_SHARED((NCELL, HS), jnp.float32),
            pltpu.VMEM((rpc, HS), jnp.int32),
            pltpu.VMEM((_NSLOT, HS, HS), jnp.float32),
        ] + [pltpu.SemaphoreType.DMA] * _NSLOT,
    )
    def scatter_k(h_hbm, cell_hbm, *rest):
        if inits is None:
            (t0_hbm, t1_hbm, tbl, idx_v, hbuf), sems = rest[:5], rest[5:]
        else:
            (i0_hbm, i1_hbm, t0_hbm, t1_hbm, tbl, idx_v, hbuf) = rest[:7]
            sems = rest[7:]
        c = lax.axis_index("c")
        s = lax.axis_index("s")
        if inits is None:
            @pl.loop(0, HS)
            def _(r):
                for cb in range(HS // 16):
                    hbuf.at[0, r, pl.ds(cb * 16, 16)][...] = jnp.zeros(
                        (16,), jnp.float32)

            pltpu.sync_copy(hbuf.at[0], tbl.at[pl.ds(s * 256, HS)])
            pltpu.sync_copy(hbuf.at[0], tbl.at[pl.ds(s * 256 + HS, HS)])
        else:
            @pl.when(c == 0)
            def _():
                pltpu.sync_copy(i0_hbm.at[pl.ds(s * 256, 256)],
                                tbl.at[pl.ds(s * 256, 256)])

            @pl.when(c == 1)
            def _():
                pltpu.sync_copy(i1_hbm.at[pl.ds(s * 256, 256)],
                                tbl.at[pl.ds(s * 256, 256)])
        plsc.subcore_barrier()
        row0 = c * (crow // 2) + s * rpc
        pltpu.sync_copy(cell_hbm.at[pl.ds(row0, rpc)], idx_v)

        def load(w, start):
            slot = w % _NSLOT
            args = (h_hbm.at[pl.ds((row0 + w) * HS, HS)], hbuf.at[slot],
                    sems[slot])
            if start:
                pltpu.async_copy(*args)
            else:
                pltpu.make_async_copy(*args).wait()

        def scat(w, start):
            slot = w % _NSLOT
            args = (hbuf.at[slot], tbl.at[idx_v.at[w]], sems[slot])
            if start:
                pltpu.async_copy(*args, add=True)
            else:
                pltpu.make_async_copy(*args).wait()

        for w in range(min(_NSLOT, rpc)):
            load(w, True)
        for w in range(rpc):
            load(w, False)
            scat(w, True)
            if w + _NSLOT < rpc:
                scat(w, False)
                load(w + _NSLOT, True)
        for w in range(max(0, rpc - _NSLOT), rpc):
            scat(w, False)

        plsc.subcore_barrier()

        @pl.when(c == 0)
        def _():
            pltpu.sync_copy(tbl.at[pl.ds(s * 256, 256)],
                            t0_hbm.at[pl.ds(s * 256, 256)])

        @pl.when(c == 1)
        def _():
            pltpu.sync_copy(tbl.at[pl.ds(s * 256, 256)],
                            t1_hbm.at[pl.ds(s * 256, 256)])

    return scatter_k(h_new, cell2d, *init_args)


def _sc_gather(tabs, cell2d, iota2d):
    @functools.partial(
        pl.kernel,
        out_type=jax.ShapeDtypeStruct((N, HS), jnp.float32),
        mesh=_sc_mesh(),
        scratch_types=[
            pltpu.VMEM_SHARED((NCELL, HS), jnp.float32),
            pltpu.VMEM((2, HS), jnp.int32),
            pltpu.VMEM((_RPG, HS), jnp.int32),
            pltpu.VMEM((_NSLOT, HS, HS), jnp.float32),
        ] + [pltpu.SemaphoreType.DMA] * _NSLOT,
    )
    def gather_k(ta_hbm, tb_hbm, ca_hbm, cb_hbm, cc_hbm, iota_hbm, o_hbm,
                 tbl, iv, idx_v, buf, *sems):
        c = lax.axis_index("c")
        s = lax.axis_index("s")
        pltpu.sync_copy(iota_hbm.at[pl.ds(2 * s, 2)], iv)

        def stage(own_hbm, other_hbm):
            for h in range(2):
                pltpu.async_copy(
                    other_hbm.at[pl.ds(s * 256 + h * HS, HS)], buf.at[h],
                    sems[h])
            pltpu.sync_copy(own_hbm.at[pl.ds(s * 256, 256)],
                            tbl.at[pl.ds(s * 256, 256)])
            for h in range(2):
                pltpu.make_async_copy(
                    other_hbm.at[pl.ds(s * 256 + h * HS, HS)], buf.at[h],
                    sems[h]).wait()
                pltpu.async_copy(buf.at[h], tbl.at[iv.at[h]], sems[h],
                                 add=True)
            for h in range(2):
                pltpu.make_async_copy(buf.at[h], tbl.at[iv.at[h]],
                                      sems[h]).wait()

        @pl.when(c == 0)
        def _():
            stage(ta_hbm, tb_hbm)

        @pl.when(c == 1)
        def _():
            stage(tb_hbm, ta_hbm)
        plsc.subcore_barrier()
        row0 = (c * 16 + s) * _RPG

        @pl.when(c == 0)
        def _():
            pltpu.sync_copy(ca_hbm.at[pl.ds(s * _RPG, _RPG)], idx_v)

        @pl.when(jnp.logical_and(c == 1, s < 8))
        def _():
            pltpu.sync_copy(cb_hbm.at[pl.ds(s * _RPG, _RPG)], idx_v)

        @pl.when(jnp.logical_and(c == 1, s >= 8))
        def _():
            pltpu.sync_copy(cc_hbm.at[pl.ds((s - 8) * _RPG, _RPG)], idx_v)

        def gath(w, start):
            slot = w % _NSLOT
            args = (tbl.at[idx_v.at[w]], buf.at[slot], sems[slot])
            if start:
                pltpu.async_copy(*args)
            else:
                pltpu.make_async_copy(*args).wait()

        def wout(w, start):
            slot = w % _NSLOT
            args = (buf.at[slot], o_hbm.at[pl.ds((row0 + w) * HS, HS)],
                    sems[slot])
            if start:
                pltpu.async_copy(*args)
            else:
                pltpu.make_async_copy(*args).wait()

        for w in range(min(_NSLOT, _RPG)):
            gath(w, True)
        for w in range(_RPG):
            gath(w, False)
            wout(w, True)
            if w + _NSLOT < _RPG:
                wout(w, False)
                gath(w + _NSLOT, True)
        for w in range(max(0, _RPG - _NSLOT), _RPG):
            wout(w, False)

    return gather_k(tabs[0], tabs[1], cell2d[0], cell2d[1], cell2d[2], iota2d)


def kernel(coords, hidden_state, cell_state, W_ih, W_hh, b_ih, b_hh):
    wih_t = W_ih.T.astype(jnp.bfloat16)
    whh_t = W_hh.T.astype(jnp.bfloat16)
    b_i = b_ih[None, :]
    b_h = b_hh[None, :]
    coords_t = coords.T.astype(jnp.bfloat16)
    xs2d = coords[:, 0].reshape(_NROW, HS)
    ys2d = coords[:, 1].reshape(_NROW, HS)
    hs, cds = [], []
    c_buf = None
    for off, nb in ((0, 16), (16, 8), (24, 8)):
        hk, c_buf, cdk = _lstm_tc(off, nb, coords_t, hidden_state,
                                  cell_state, xs2d, ys2d, wih_t, whh_t,
                                  b_i, b_h, c_donate=c_buf)
        hs.append(hk)
        cds.append(cdk)
    iota2d = jnp.arange(NCELL, dtype=jnp.int32).reshape(NCELL // HS, HS)
    tabs = None
    for k in range(3):
        tabs = _sc_scatter(hs[k], cds[k], inits=tabs)
    h_social = _sc_gather(tabs, cds, iota2d)
    return (h_social, c_buf)

# --- scband reference (transcript-rebuilt; emitter-appended) ---
"""Pipeline reference for scband-social-lstm-33947421507802 (READ-ONLY COPY).

The authoritative reference and input builder live on the scoring server;
editing this copy changes nothing except your own understanding.
"""

import jax, jax.numpy as jnp
import numpy as np

N = 65536
HS = 128
NUM_GRIDS = 64
GRID_RANGE = ((-3.0, 3.0), (-3.0, 3.0))


def setup_inputs(seed: int = 0) -> dict:
    key = jax.random.key(seed)
    k1, k2, k3, k4, k5, k6, k7 = jax.random.split(key, 7)
    coords = jax.random.normal(k1, (N, 3), dtype=jnp.float32)
    hidden_state = jax.random.normal(k2, (N, HS), dtype=jnp.float32)
    cell_state = jax.random.normal(k3, (N, HS), dtype=jnp.float32)
    # LSTMCell(3, HS) parameters, PyTorch gate order [i, f, g, o]
    W_ih = jax.random.normal(k4, (4 * HS, 3), dtype=jnp.float32) * 0.1
    W_hh = jax.random.normal(k5, (4 * HS, HS), dtype=jnp.float32) * 0.05
    b_ih = jax.random.normal(k6, (4 * HS,), dtype=jnp.float32) * 0.01
    b_hh = jax.random.normal(k7, (4 * HS,), dtype=jnp.float32) * 0.01
    return {"coords": coords, "hidden_state": hidden_state, "cell_state": cell_state,
            "W_ih": W_ih, "W_hh": W_hh, "b_ih": b_ih, "b_hh": b_hh}


def _lstm_cell(x, h, c, W_ih, W_hh, b_ih, b_hh):
    gates = x @ W_ih.T + b_ih + h @ W_hh.T + b_hh
    i, f, g, o = jnp.split(gates, 4, axis=1)
    i = jax.nn.sigmoid(i)
    f = jax.nn.sigmoid(f)
    g = jnp.tanh(g)
    o = jax.nn.sigmoid(o)
    c_new = f * c + i * g
    h_new = o * jnp.tanh(c_new)
    return h_new, c_new


def _social_layer(h, coords):
    (x_min, x_max), (y_min, y_max) = GRID_RANGE
    dx = (x_max - x_min) / NUM_GRIDS
    dy = (y_max - y_min) / NUM_GRIDS
    x = jnp.clip(coords[:, 0], x_min, x_max)
    y = jnp.clip(coords[:, 1], y_min, y_max)
    x_ind = jnp.clip(jnp.floor((x - x_min) / dx).astype(jnp.int32), 0, NUM_GRIDS - 1)
    y_ind = jnp.clip(jnp.floor((y - y_min) / dy).astype(jnp.int32), 0, NUM_GRIDS - 1)
    cell = x_ind * NUM_GRIDS + y_ind
    # scatter-add per-cell sum of hidden states, then gather back per agent
    cell_sums = jax.ops.segment_sum(h, cell, num_segments=NUM_GRIDS * NUM_GRIDS)
    return cell_sums[cell]


def reference(coords, hidden_state, cell_state, W_ih, W_hh, b_ih, b_hh):
    h_new, c_new = _lstm_cell(coords, hidden_state, cell_state, W_ih, W_hh, b_ih, b_hh)
    h_social = _social_layer(h_new, coords)
    return (h_social, c_new)

if __name__ == "__main__":
    import jax
    _d = setup_inputs()
    print(jax.jit(kernel)(*tuple(_d.values())))

</pallas_src>

<mosaic_0001>
#map = affine_map<(d0, d1) -> (0, 0)>
module attributes {stable_mosaic.version = 14 : i64} {
  func.func @scatter_k(%arg0: i32, %arg1: i32, %arg2: memref<16384x128xf32, #tpu.memory_space<hbm>>, %arg3: memref<128x128xi32, #tpu.memory_space<hbm>>, %arg4: memref<4096x128xf32, #tpu.memory_space<hbm>>, %arg5: memref<4096x128xf32, #tpu.memory_space<hbm>>, %arg6: memref<4096x128xf32, #tpu.memory_space<hbm>>, %arg7: memref<4096x128xf32, #tpu.memory_space<hbm>>, %arg8: memref<4096x128xf32, #tpu.memory_space<vmem_shared>>, %arg9: memref<4x128xi32, #tpu.memory_space<vmem>>, %arg10: memref<5x128x128xf32, #tpu.memory_space<vmem>>, %arg11: memref<!tpu.dma_semaphore, #tpu.memory_space<semaphore_mem>>, %arg12: memref<!tpu.dma_semaphore, #tpu.memory_space<semaphore_mem>>, %arg13: memref<!tpu.dma_semaphore, #tpu.memory_space<semaphore_mem>>, %arg14: memref<!tpu.dma_semaphore, #tpu.memory_space<semaphore_mem>>, %arg15: memref<!tpu.dma_semaphore, #tpu.memory_space<semaphore_mem>>) attributes {dimension_semantics = [#tpu.dimension_semantics<core_parallel>, #tpu.dimension_semantics<subcore_parallel>], iteration_bounds = array<i64: 2, 16>, scalar_prefetch = 0 : i64, scratch_operands = 8 : i64, tpu.core_type = #tpu.core_type<sc_vector_subcore>, window_params = [{transform_indices = #map}, {transform_indices = #map}, {transform_indices = #map}, {transform_indices = #map}, {transform_indices = #map}, {transform_indices = #map}]} {
    %eq3A = arith.constant 0 : i32
    %eq3A_0 = arith.cmpi eq, %arg0, %eq3A : i32
    %convert_element_type3A = arith.extui %eq3A_0 : i1 to i32
    %cond3A = arith.constant 0 : i32
    %cond3A_1 = arith.cmpi ne, %convert_element_type3A, %cond3A : i32
    scf.if %cond3A_1 {
      %mul3A_251 = arith.constant 256 : i32
      %mul3A_252 = arith.muli %arg1, %mul3A_251 : i32
      %mul3A_253 = arith.constant 256 : i32
      %mul3A_254 = arith.muli %arg1, %mul3A_253 : i32
      "tpu.region"() ({
        %run_scoped3A = tpu.sem_alloc : memref<!tpu.dma_semaphore, #tpu.memory_space<semaphore_mem>>
        %dma_start3A_255 = arith.constant 0 : i32
        %dma_start3A_256 = tpu.memref_slice %arg8[%mul3A_254, %dma_start3A_255] : memref<4096x128xf32, #tpu.memory_space<vmem_shared>> -> memref<256x128xf32, #tpu.memory_space<vmem_shared>>
        %dma_start3A_257 = arith.constant 0 : i32
        %dma_start3A_258 = tpu.memref_slice %arg4[%mul3A_252, %dma_start3A_257] : memref<4096x128xf32, #tpu.memory_space<hbm>> -> memref<256x128xf32, #tpu.memory_space<hbm>>
        tpu.enqueue_dma source(%dma_start3A_258 : memref<256x128xf32, #tpu.memory_space<hbm>>) target(%dma_start3A_256 : memref<256x128xf32, #tpu.memory_space<vmem_shared>>) target_semaphore(%run_scoped3A : memref<!tpu.dma_semaphore, #tpu.memory_space<semaphore_mem>>)
        %dma_wait3A_259 = arith.constant 0 : i32
        %dma_wait3A_260 = tpu.memref_slice %arg8[%mul3A_254, %dma_wait3A_259] : memref<4096x128xf32, #tpu.memory_space<vmem_shared>> -> memref<256x128xf32, #tpu.memory_space<vmem_shared>>
        %dma_wait3A_261 = arith.constant 0 : i32
        %dma_wait3A_262 = tpu.memref_slice %arg4[%mul3A_252, %dma_wait3A_261] : memref<4096x128xf32, #tpu.memory_space<hbm>> -> memref<256x128xf32, #tpu.memory_space<hbm>>
        tpu.wait_dma2 semaphore(%run_scoped3A : memref<!tpu.dma_semaphore, #tpu.memory_space<semaphore_mem>>) src(%dma_wait3A_262 : memref<256x128xf32, #tpu.memory_space<hbm>>) dst(%dma_wait3A_260 : memref<256x128xf32, #tpu.memory_space<vmem_shared>>)
        tpu.yield
      }) : () -> ()
    } else {
    }
    %eq3A_2 = arith.constant 1 : i32
    %eq3A_3 = arith.cmpi eq, %arg0, %eq3A_2 : i32
    %convert_element_type3A_4 = arith.extui %eq3A_3 : i1 to i32
    %cond3A_5 = arith.constant 0 : i32
    %cond3A_6 = arith.cmpi ne, %convert_element_type3A_4, %cond3A_5 : i32
    scf.if %cond3A_6 {
      %mul3A_251 = arith.constant 256 : i32
      %mul3A_252 = arith.muli %arg1, %mul3A_251 : i32
      %mul3A_253 = arith.constant 256 : i32
      %mul3A_254 = arith.muli %arg1, %mul3A_253 : i32
      "tpu.region"() ({
        %run_scoped3A = tpu.sem_alloc : memref<!tpu.dma_semaphore, #tpu.memory_space<semaphore_mem>>
        %dma_start3A_255 = arith.constant 0 : i32
        %dma_start3A_256 = tpu.memref_slice %arg8[%mul3A_254, %dma_start3A_255] : memref<4096x128xf32, #tpu.memory_space<vmem_shared>> -> memref<256x128xf32, #tpu.memory_space<vmem_shared>>
        %dma_start3A_257 = arith.constant 0 : i32
        %dma_start3A_258 = tpu.memref_slice %arg5[%mul3A_252, %dma_start3A_257] : memref<4096x128xf32, #tpu.memory_space<hbm>> -> memref<256x128xf32, #tpu.memory_space<hbm>>
        tpu.enqueue_dma source(%dma_start3A_258 : memref<256x128xf32, #tpu.memory_space<hbm>>) target(%dma_start3A_256 : memref<256x128xf32, #tpu.memory_space<vmem_shared>>) target_semaphore(%run_scoped3A : memref<!tpu.dma_semaphore, #tpu.memory_space<semaphore_mem>>)
        %dma_wait3A_259 = arith.constant 0 : i32
        %dma_wait3A_260 = tpu.memref_slice %arg8[%mul3A_254, %dma_wait3A_259] : memref<4096x128xf32, #tpu.memory_space<vmem_shared>> -> memref<256x128xf32, #tpu.memory_space<vmem_shared>>
        %dma_wait3A_261 = arith.constant 0 : i32
        %dma_wait3A_262 = tpu.memref_slice %arg5[%mul3A_252, %dma_wait3A_261] : memref<4096x128xf32, #tpu.memory_space<hbm>> -> memref<256x128xf32, #tpu.memory_space<hbm>>
        tpu.wait_dma2 semaphore(%run_scoped3A : memref<!tpu.dma_semaphore, #tpu.memory_space<semaphore_mem>>) src(%dma_wait3A_262 : memref<256x128xf32, #tpu.memory_space<hbm>>) dst(%dma_wait3A_260 : memref<256x128xf32, #tpu.memory_space<vmem_shared>>)
        tpu.yield
      }) : () -> ()
    } else {
    }
    %barrier3A = arith.constant 0 : index
    tpu.barrier barrier_id(%barrier3A)
    %mul3A = arith.constant 64 : i32
    %mul3A_7 = arith.muli %arg0, %mul3A : i32
    %mul3A_8 = arith.constant 4 : i32
    %mul3A_9 = arith.muli %arg1, %mul3A_8 : i32
    %add3A = arith.addi %mul3A_7, %mul3A_9 : i32
    "tpu.region"() ({
      %run_scoped3A = tpu.sem_alloc : memref<!tpu.dma_semaphore, #tpu.memory_space<semaphore_mem>>
      %dma_start3A_251 = arith.constant 0 : i32
      %dma_start3A_252 = tpu.memref_slice %arg3[%add3A, %dma_start3A_251] : memref<128x128xi32, #tpu.memory_space<hbm>> -> memref<4x128xi32, #tpu.memory_space<hbm>>
      %dma_start3A_253 = arith.constant 0 : i32
      %dma_start3A_254 = tpu.memref_slice %arg3[%add3A, %dma_start3A_253] : memref<128x128xi32, #tpu.memory_space<hbm>> -> memref<4x128xi32, #tpu.memory_space<hbm>>
      tpu.enqueue_dma source(%dma_start3A_254 : memref<4x128xi32, #tpu.memory_space<hbm>>) target(%arg9 : memref<4x128xi32, #tpu.memory_space<vmem>>) target_semaphore(%run_scoped3A : memref<!tpu.dma_semaphore, #tpu.memory_space<semaphore_mem>>)
      %dma_wait3A_255 = arith.constant 0 : i32
      %dma_wait3A_256 = tpu.memref_slice %arg3[%add3A, %dma_wait3A_255] : memref<128x128xi32, #tpu.memory_space<hbm>> -> memref<4x128xi32, #tpu.memory_space<hbm>>
      %dma_wait3A_257 = arith.constant 0 : i32
      %dma_wait3A_258 = tpu.memref_slice %arg3[%add3A, %dma_wait3A_257] : memref<128x128xi32, #tpu.memory_space<hbm>> -> memref<4x128xi32, #tpu.memory_space<hbm>>
      tpu.wait_dma2 semaphore(%run_scoped3A : memref<!tpu.dma_semaphore, #tpu.memory_space<semaphore_mem>>) src(%dma_wait3A_258 : memref<4x128xi32, #tpu.memory_space<hbm>>) dst(%arg9 : memref<4x128xi32, #tpu.memory_space<vmem>>)
      tpu.yield
    }) : () -> ()
    %add3A_10 = arith.constant 0 : i32
    %add3A_11 = arith.addi %add3A, %add3A_10 : i32
    %mul3A_12 = arith.constant 128 : i32
    %mul3A_13 = arith.muli %add3A_11, %mul3A_12 : i32
    %dma_start3A = arith.constant 0 : i32
    %dma_start3A_14 = arith.constant 0 : i32
    %dma_start3A_15 = arith.constant 0 : i32
    %dma_start3A_16 = tpu.memref_slice %arg10[%dma_start3A, %dma_start3A_14, %dma_start3A_15] : memref<5x128x128xf32, #tpu.memory_space<vmem>> -> memref<1x128x128xf32, #tpu.memory_space<vmem>>
    %dma_start3A_17 = tpu.memref_squeeze %dma_start3A_16 : memref<1x128x128xf32, #tpu.memory_space<vmem>> -> memref<128x128xf32, #tpu.memory_space<vmem>>
    %dma_start3A_18 = arith.constant 0 : i32
    %dma_start3A_19 = tpu.memref_slice %arg2[%mul3A_13, %dma_start3A_18] : memref<16384x128xf32, #tpu.memory_space<hbm>> -> memref<128x128xf32, #tpu.memory_space<hbm>>
    %dma_start3A_20 = arith.constant 0 : i32
    %dma_start3A_21 = arith.constant 0 : i32
    %dma_start3A_22 = tpu.memref_slice %arg10[%dma_start3A, %dma_start3A_20, %dma_start3A_21] : memref<5x128x128xf32, #tpu.memory_space<vmem>> -> memref<1x128x128xf32, #tpu.memory_space<vmem>>
    %dma_start3A_23 = tpu.memref_squeeze %dma_start3A_22 : memref<1x128x128xf32, #tpu.memory_space<vmem>> -> memref<128x128xf32, #tpu.memory_space<vmem>>
    %dma_start3A_24 = arith.constant 0 : i32
    %dma_start3A_25 = tpu.memref_slice %arg2[%mul3A_13, %dma_start3A_24] : memref<16384x128xf32, #tpu.memory_space<hbm>> -> memref<128x128xf32, #tpu.memory_space<hbm>>
    tpu.enqueue_dma source(%dma_start3A_25 : memref<128x128xf32, #tpu.memory_space<hbm>>) target(%dma_start3A_23 : memref<128x128xf32, #tpu.memory_space<vmem>>) target_semaphore(%arg11 : memref<!tpu.dma_semaphore, #tpu.memory_space<semaphore_mem>>)
    %add3A_26 = arith.constant 1 : i32
    %add3A_27 = arith.addi %add3A, %add3A_26 : i32
    %mul3A_28 = arith.constant 128 : i32
    %mul3A_29 = arith.muli %add3A_27, %mul3A_28 : i32
    %dma_start3A_30 = arith.constant 1 : i32
    %dma_start3A_31 = arith.constant 0 : i32
    %dma_start3A_32 = arith.constant 0 : i32
    %dma_start3A_33 = tpu.memref_slice %arg10[%dma_start3A_30, %dma_start3A_31, %dma_start3A_32] : memref<5x128x128xf32, #tpu.memory_space<vmem>> -> memref<1x128x128xf32, #tpu.memory_space<vmem>>
    %dma_start3A_34 = tpu.memref_squeeze %dma_start3A_33 : memref<1x128x128xf32, #tpu.memory_space<vmem>> -> memref<128x128xf32, #tpu.memory_space<vmem>>
    %dma_start3A_35 = arith.constant 0 : i32
    %dma_start3A_36 = tpu.memref_slice %arg2[%mul3A_29, %dma_start3A_35] : memref<16384x128xf32, #tpu.memory_space<hbm>> -> memref<128x128xf32, #tpu.memory_space<hbm>>
    %dma_start3A_37 = arith.constant 0 : i32
    %dma_start3A_38 = arith.constant 0 : i32
    %dma_start3A_39 = tpu.memref_slice %arg10[%dma_start3A_30, %dma_start3A_37, %dma_start3A_38] : memref<5x128x128xf32, #tpu.memory_space<vmem>> -> memref<1x128x128xf32, #tpu.memory_space<vmem>>
    %dma_start3A_40 = tpu.memref_squeeze %dma_start3A_39 : memref<1x128x128xf32, #tpu.memory_space<vmem>> -> memref<128x128xf32, #tpu.memory_space<vmem>>
    %dma_start3A_41 = arith.constant 0 : i32
    %dma_start3A_42 = tpu.memref_slice %arg2[%mul3A_29, %dma_start3A_41] : memref<16384x128xf32, #tpu.memory_space<hbm>> -> memref<128x128xf32, #tpu.memory_space<hbm>>
    tpu.enqueue_dma source(%dma_start3A_42 : memref<128x128xf32, #tpu.memory_space<hbm>>) target(%dma_start3A_40 : memref<128x128xf32, #tpu.memory_space<vmem>>) target_semaphore(%arg12 : memref<!tpu.dma_semaphore, #tpu.memory_space<semaphore_mem>>)
    %add3A_43 = arith.constant 2 : i32
    %add3A_44 = arith.addi %add3A, %add3A_43 : i32
    %mul3A_45 = arith.constant 128 : i32
    %mul3A_46 = arith.muli %add3A_44, %mul3A_45 : i32
    %dma_start3A_47 = arith.constant 2 : i32
    %dma_start3A_48 = arith.constant 0 : i32
    %dma_start3A_49 = arith.constant 0 : i32
    %dma_start3A_50 = tpu.memref_slice %arg10[%dma_start3A_47, %dma_start3A_48, %dma_start3A_49] : memref<5x128x128xf32, #tpu.memory_space<vmem>> -> memref<1x128x128xf32, #tpu.memory_space<vmem>>
    %dma_start3A_51 = tpu.memref_squeeze %dma_start3A_50 : memref<1x128x128xf32, #tpu.memory_space<vmem>> -> memref<128x128xf32, #tpu.memory_space<vmem>>
    %dma_start3A_52 = arith.constant 0 : i32
    %dma_start3A_53 = tpu.memref_slice %arg2[%mul3A_46, %dma_start3A_52] : memref<16384x128xf32, #tpu.memory_space<hbm>> -> memref<128x128xf32, #tpu.memory_space<hbm>>
    %dma_start3A_54 = arith.constant 0 : i32
    %dma_start3A_55 = arith.constant 0 : i32
    %dma_start3A_56 = tpu.memref_slice %arg10[%dma_start3A_47, %dma_start3A_54, %dma_start3A_55] : memref<5x128x128xf32, #tpu.memory_space<vmem>> -> memref<1x128x128xf32, #tpu.memory_space<vmem>>
    %dma_start3A_57 = tpu.memref_squeeze %dma_start3A_56 : memref<1x128x128xf32, #tpu.memory_space<vmem>> -> memref<128x128xf32, #tpu.memory_space<vmem>>
    %dma_start3A_58 = arith.constant 0 : i32
    %dma_start3A_59 = tpu.memref_slice %arg2[%mul3A_46, %dma_start3A_58] : memref<16384x128xf32, #tpu.memory_space<hbm>> -> memref<128x128xf32, #tpu.memory_space<hbm>>
    tpu.enqueue_dma source(%dma_start3A_59 : memref<128x128xf32, #tpu.memory_space<hbm>>) target(%dma_start3A_57 : memref<128x128xf32, #tpu.memory_space<vmem>>) target_semaphore(%arg13 : memref<!tpu.dma_semaphore, #tpu.memory_space<semaphore_mem>>)
    %add3A_60 = arith.constant 3 : i32
    %add3A_61 = arith.addi %add3A, %add3A_60 : i32
    %mul3A_62 = arith.constant 128 : i32
    %mul3A_63 = arith.muli %add3A_61, %mul3A_62 : i32
    %dma_start3A_64 = arith.constant 3 : i32
    %dma_start3A_65 = arith.constant 0 : i32
    %dma_start3A_66 = arith.constant 0 : i32
    %dma_start3A_67 = tpu.memref_slice %arg10[%dma_start3A_64, %dma_start3A_65, %dma_start3A_66] : memref<5x128x128xf32, #tpu.memory_space<vmem>> -> memref<1x128x128xf32, #tpu.memory_space<vmem>>
    %dma_start3A_68 = tpu.memref_squeeze %dma_start3A_67 : memref<1x128x128xf32, #tpu.memory_space<vmem>> -> memref<128x128xf32, #tpu.memory_space<vmem>>
    %dma_start3A_69 = arith.constant 0 : i32
    %dma_start3A_70 = tpu.memref_slice %arg2[%mul3A_63, %dma_start3A_69] : memref<16384x128xf32, #tpu.memory_space<hbm>> -> memref<128x128xf32, #tpu.memory_space<hbm>>
    %dma_start3A_71 = arith.constant 0 : i32
    %dma_start3A_72 = arith.constant 0 : i32
    %dma_start3A_73 = tpu.memref_slice %arg10[%dma_start3A_64, %dma_start3A_71, %dma_start3A_72] : memref<5x128x128xf32, #tpu.memory_space<vmem>> -> memref<1x128x128xf32, #tpu.memory_space<vmem>>
    %dma_start3A_74 = tpu.memref_squeeze %dma_start3A_73 : memref<1x128x128xf32, #tpu.memory_space<vmem>> -> memref<128x128xf32, #tpu.memory_space<vmem>>
    %dma_start3A_75 = arith.constant 0 : i32
    %dma_start3A_76 = tpu.memref_slice %arg2[%mul3A_63, %dma_start3A_75] : memref<16384x128xf32, #tpu.memory_space<hbm>> -> memref<128x128xf32, #tpu.memory_space<hbm>>
    tpu.enqueue_dma source(%dma_start3A_76 : memref<128x128xf32, #tpu.memory_space<hbm>>) target(%dma_start3A_74 : memref<128x128xf32, #tpu.memory_space<vmem>>) target_semaphore(%arg14 : memref<!tpu.dma_semaphore, #tpu.memory_space<semaphore_mem>>)
    %add3A_77 = arith.constant 0 : i32
    %add3A_78 = arith.addi %add3A, %add3A_77 : i32
    %mul3A_79 = arith.constant 128 : i32
    %mul3A_80 = arith.muli %add3A_78, %mul3A_79 : i32
    %dma_wait3A = arith.constant 0 : i32
    %dma_wait3A_81 = arith.constant 0 : i32
    %dma_wait3A_82 = arith.constant 0 : i32
    %dma_wait3A_83 = tpu.memref_slice %arg10[%dma_wait3A, %dma_wait3A_81, %dma_wait3A_82] : memref<5x128x128xf32, #tpu.memory_space<vmem>> -> memref<1x128x128xf32, #tpu.memory_space<vmem>>
    %dma_wait3A_84 = tpu.memref_squeeze %dma_wait3A_83 : memref<1x128x128xf32, #tpu.memory_space<vmem>> -> memref<128x128xf32, #tpu.memory_space<vmem>>
    %dma_wait3A_85 = arith.constant 0 : i32
    %dma_wait3A_86 = tpu.memref_slice %arg2[%mul3A_80, %dma_wait3A_85] : memref<16384x128xf32, #tpu.memory_space<hbm>> -> memref<128x128xf32, #tpu.memory_space<hbm>>
    %dma_wait3A_87 = arith.constant 0 : i32
    %dma_wait3A_88 = arith.constant 0 : i32
    %dma_wait3A_89 = tpu.memref_slice %arg10[%dma_wait3A, %dma_wait3A_87, %dma_wait3A_88] : memref<5x128x128xf32, #tpu.memory_space<vmem>> -> memref<1x128x128xf32, #tpu.memory_space<vmem>>
    %dma_wait3A_90 = tpu.memref_squeeze %dma_wait3A_89 : memref<1x128x128xf32, #tpu.memory_space<vmem>> -> memref<128x128xf32, #tpu.memory_space<vmem>>
    %dma_wait3A_91 = arith.constant 0 : i32
    %dma_wait3A_92 = tpu.memref_slice %arg2[%mul3A_80, %dma_wait3A_91] : memref<16384x128xf32, #tpu.memory_space<hbm>> -> memref<128x128xf32, #tpu.memory_space<hbm>>
    tpu.wait_dma2 semaphore(%arg11 : memref<!tpu.dma_semaphore, #tpu.memory_space<semaphore_mem>>) src(%dma_wait3A_92 : memref<128x128xf32, #tpu.memory_space<hbm>>) dst(%dma_wait3A_90 : memref<128x128xf32, #tpu.memory_space<vmem>>)
    %dma_start3A_93 = arith.constant 0 : i32
    %dma_start3A_94 = arith.constant 0 : i32
    %dma_start3A_95 = arith.constant 0 : i32
    %dma_start3A_96 = arith.constant 0 : i32
    %dma_start3A_97 = tpu.memref_slice %arg10[%dma_start3A_93, %dma_start3A_95, %dma_start3A_96] : memref<5x128x128xf32, #tpu.memory_space<vmem>> -> memref<1x128x128xf32, #tpu.memory_space<vmem>>
    %dma_start3A_98 = tpu.memref_squeeze %dma_start3A_97 : memref<1x128x128xf32, #tpu.memory_space<vmem>> -> memref<128x128xf32, #tpu.memory_space<vmem>>
    %dma_start3A_99 = arith.constant 0 : i32
    %dma_start3A_100 = tpu.memref_slice %arg9[%dma_start3A_94, %dma_start3A_99] : memref<4x128xi32, #tpu.memory_space<vmem>> -> memref<1x128xi32, #tpu.memory_space<vmem>>
    %dma_start3A_101 = tpu.memref_squeeze %dma_start3A_100 : memref<1x128xi32, #tpu.memory_space<vmem>> -> memref<128xi32, #tpu.memory_space<vmem>>
    %dma_start3A_102 = arith.constant 0 : i32
    %dma_start3A_103 = arith.constant 0 : i32
    %dma_start3A_104 = tpu.memref_slice %arg8[%dma_start3A_102, %dma_start3A_103] : memref<4096x128xf32, #tpu.memory_space<vmem_shared>> -> memref<4096x128xf32, #tpu.memory_space<vmem_shared>>
    tpu.enqueue_indirect_dma source(%dma_start3A_98 : memref<128x128xf32, #tpu.memory_space<vmem>>) target(%dma_start3A_104 : memref<4096x128xf32, #tpu.memory_space<vmem_shared>>) offsets(%dma_start3A_101 : memref<128xi32, #tpu.memory_space<vmem>>) semaphore(%arg11 : memref<!tpu.dma_semaphore, #tpu.memory_space<semaphore_mem>>) {add = true}
    %add3A_105 = arith.constant 1 : i32
    %add3A_106 = arith.addi %add3A, %add3A_105 : i32
    %mul3A_107 = arith.constant 128 : i32
    %mul3A_108 = arith.muli %add3A_106, %mul3A_107 : i32
    %dma_wait3A_109 = arith.constant 1 : i32
    %dma_wait3A_110 = arith.constant 0 : i32
    %dma_wait3A_111 = arith.constant 0 : i32
    %dma_wait3A_112 = tpu.memref_slice %arg10[%dma_wait3A_109, %dma_wait3A_110, %dma_wait3A_111] : memref<5x128x128xf32, #tpu.memory_space<vmem>> -> memref<1x128x128xf32, #tpu.memory_space<vmem>>
    %dma_wait3A_113 = tpu.memref_squeeze %dma_wait3A_112 : memref<1x128x128xf32, #tpu.memory_space<vmem>> -> memref<128x128xf32, #tpu.memory_space<vmem>>
    %dma_wait3A_114 = arith.constant 0 : i32
    %dma_wait3A_115 = tpu.memref_slice %arg2[%mul3A_108, %dma_wait3A_114] : memref<16384x128xf32, #tpu.memory_space<hbm>> -> memref<128x128xf32, #tpu.memory_space<hbm>>
    %dma_wait3A_116 = arith.constant 0 : i32
    %dma_wait3A_117 = arith.constant 0 : i32
    %dma_wait3A_118 = tpu.memref_slice %arg10[%dma_wait3A_109, %dma_wait3A_116, %dma_wait3A_117] : memref<5x128x128xf32, #tpu.memory_space<vmem>> -> memref<1x128x128xf32, #tpu.memory_space<vmem>>
    %dma_wait3A_119 = tpu.memref_squeeze %dma_wait3A_118 : memref<1x128x128xf32, #tpu.memory_space<vmem>> -> memref<128x128xf32, #tpu.memory_space<vmem>>
    %dma_wait3A_120 = arith.constant 0 : i32
    %dma_wait3A_121 = tpu.memref_slice %arg2[%mul3A_108, %dma_wait3A_120] : memref<16384x128xf32, #tpu.memory_space<hbm>> -> memref<128x128xf32, #tpu.memory_space<hbm>>
    tpu.wait_dma2 semaphore(%arg12 : memref<!tpu.dma_semaphore, #tpu.memory_space<semaphore_mem>>) src(%dma_wait3A_121 : memref<128x128xf32, #tpu.memory_space<hbm>>) dst(%dma_wait3A_119 : memref<128x128xf32, #tpu.memory_space<vmem>>)
    %dma_start3A_122 = arith.constant 1 : i32
    %dma_start3A_123 = arith.constant 1 : i32
    %dma_start3A_124 = arith.constant 0 : i32
    %dma_start3A_125 = arith.constant 0 : i32
    %dma_start3A_126 = tpu.memref_slice %arg10[%dma_start3A_122, %dma_start3A_124, %dma_start3A_125] : memref<5x128x128xf32, #tpu.memory_space<vmem>> -> memref<1x128x128xf32, #tpu.memory_space<vmem>>
    %dma_start3A_127 = tpu.memref_squeeze %dma_start3A_126 : memref<1x128x128xf32, #tpu.memory_space<vmem>> -> memref<128x128xf32, #tpu.memory_space<vmem>>
    %dma_start3A_128 = arith.constant 0 : i32
    %dma_start3A_129 = tpu.memref_slice %arg9[%dma_start3A_123, %dma_start3A_128] : memref<4x128xi32, #tpu.memory_space<vmem>> -> memref<1x128xi32, #tpu.memory_space<vmem>>
    %dma_start3A_130 = tpu.memref_squeeze %dma_start3A_129 : memref<1x128xi32, #tpu.memory_space<vmem>> -> memref<128xi32, #tpu.memory_space<vmem>>
    %dma_start3A_131 = arith.constant 0 : i32
    %dma_start3A_132 = arith.constant 0 : i32
    %dma_start3A_133 = tpu.memref_slice %arg8[%dma_start3A_131, %dma_start3A_132] : memref<4096x128xf32, #tpu.memory_space<vmem_shared>> -> memref<4096x128xf32, #tpu.memory_space<vmem_shared>>
    tpu.enqueue_indirect_dma source(%dma_start3A_127 : memref<128x128xf32, #tpu.memory_space<vmem>>) target(%dma_start3A_133 : memref<4096x128xf32, #tpu.memory_space<vmem_shared>>) offsets(%dma_start3A_130 : memref<128xi32, #tpu.memory_space<vmem>>) semaphore(%arg12 : memref<!tpu.dma_semaphore, #tpu.memory_space<semaphore_mem>>) {add = true}
    %add3A_134 = arith.constant 2 : i32
    %add3A_135 = arith.addi %add3A, %add3A_134 : i32
    %mul3A_136 = arith.constant 128 : i32
    %mul3A_137 = arith.muli %add3A_135, %mul3A_136 : i32
    %dma_wait3A_138 = arith.constant 2 : i32
    %dma_wait3A_139 = arith.constant 0 : i32
    %dma_wait3A_140 = arith.constant 0 : i32
    %dma_wait3A_141 = tpu.memref_slice %arg10[%dma_wait3A_138, %dma_wait3A_139, %dma_wait3A_140] : memref<5x128x128xf32, #tpu.memory_space<vmem>> -> memref<1x128x128xf32, #tpu.memory_space<vmem>>
    %dma_wait3A_142 = tpu.memref_squeeze %dma_wait3A_141 : memref<1x128x128xf32, #tpu.memory_space<vmem>> -> memref<128x128xf32, #tpu.memory_space<vmem>>
    %dma_wait3A_143 = arith.constant 0 : i32
    %dma_wait3A_144 = tpu.memref_slice %arg2[%mul3A_137, %dma_wait3A_143] : memref<16384x128xf32, #tpu.memory_space<hbm>> -> memref<128x128xf32, #tpu.memory_space<hbm>>
    %dma_wait3A_145 = arith.constant 0 : i32
    %dma_wait3A_146 = arith.constant 0 : i32
    %dma_wait3A_147 = tpu.memref_slice %arg10[%dma_wait3A_138, %dma_wait3A_145, %dma_wait3A_146] : memref<5x128x128xf32, #tpu.memory_space<vmem>> -> memref<1x128x128xf32, #tpu.memory_space<vmem>>
    %dma_wait3A_148 = tpu.memref_squeeze %dma_wait3A_147 : memref<1x128x128xf32, #tpu.memory_space<vmem>> -> memref<128x128xf32, #tpu.memory_space<vmem>>
    %dma_wait3A_149 = arith.constant 0 : i32
    %dma_wait3A_150 = tpu.memref_slice %arg2[%mul3A_137, %dma_wait3A_149] : memref<16384x128xf32, #tpu.memory_space<hbm>> -> memref<128x128xf32, #tpu.memory_space<hbm>>
    tpu.wait_dma2 semaphore(%arg13 : memref<!tpu.dma_semaphore, #tpu.memory_space<semaphore_mem>>) src(%dma_wait3A_150 : memref<128x128xf32, #tpu.memory_space<hbm>>) dst(%dma_wait3A_148 : memref<128x128xf32, #tpu.memory_space<vmem>>)
    %dma_start3A_151 = arith.constant 2 : i32
    %dma_start3A_152 = arith.constant 2 : i32
    %dma_start3A_153 = arith.constant 0 : i32
    %dma_start3A_154 = arith.constant 0 : i32
    %dma_start3A_155 = tpu.memref_slice %arg10[%dma_start3A_151, %dma_start3A_153, %dma_start3A_154] : memref<5x128x128xf32, #tpu.memory_space<vmem>> -> memref<1x128x128xf32, #tpu.memory_space<vmem>>
    %dma_start3A_156 = tpu.memref_squeeze %dma_start3A_155 : memref<1x128x128xf32, #tpu.memory_space<vmem>> -> memref<128x128xf32, #tpu.memory_space<vmem>>
    %dma_start3A_157 = arith.constant 0 : i32
    %dma_start3A_158 = tpu.memref_slice %arg9[%dma_start3A_152, %dma_start3A_157] : memref<4x128xi32, #tpu.memory_space<vmem>> -> memref<1x128xi32, #tpu.memory_space<vmem>>
    %dma_start3A_159 = tpu.memref_squeeze %dma_start3A_158 : memref<1x128xi32, #tpu.memory_space<vmem>> -> memref<128xi32, #tpu.memory_space<vmem>>
    %dma_start3A_160 = arith.constant 0 : i32
    %dma_start3A_161 = arith.constant 0 : i32
    %dma_start3A_162 = tpu.memref_slice %arg8[%dma_start3A_160, %dma_start3A_161] : memref<4096x128xf32, #tpu.memory_space<vmem_shared>> -> memref<4096x128xf32, #tpu.memory_space<vmem_shared>>
    tpu.enqueue_indirect_dma source(%dma_start3A_156 : memref<128x128xf32, #tpu.memory_space<vmem>>) target(%dma_start3A_162 : memref<4096x128xf32, #tpu.memory_space<vmem_shared>>) offsets(%dma_start3A_159 : memref<128xi32, #tpu.memory_space<vmem>>) semaphore(%arg13 : memref<!tpu.dma_semaphore, #tpu.memory_space<semaphore_mem>>) {add = true}
    %add3A_163 = arith.constant 3 : i32
    %add3A_164 = arith.addi %add3A, %add3A_163 : i32
    %mul3A_165 = arith.constant 128 : i32
    %mul3A_166 = arith.muli %add3A_164, %mul3A_165 : i32
    %dma_wait3A_167 = arith.constant 3 : i32
    %dma_wait3A_168 = arith.constant 0 : i32
    %dma_wait3A_169 = arith.constant 0 : i32
    %dma_wait3A_170 = tpu.memref_slice %arg10[%dma_wait3A_167, %dma_wait3A_168, %dma_wait3A_169] : memref<5x128x128xf32, #tpu.memory_space<vmem>> -> memref<1x128x128xf32, #tpu.memory_space<vmem>>
    %dma_wait3A_171 = tpu.memref_squeeze %dma_wait3A_170 : memref<1x128x128xf32, #tpu.memory_space<vmem>> -> memref<128x128xf32, #tpu.memory_space<vmem>>
    %dma_wait3A_172 = arith.constant 0 : i32
    %dma_wait3A_173 = tpu.memref_slice %arg2[%mul3A_166, %dma_wait3A_172] : memref<16384x128xf32, #tpu.memory_space<hbm>> -> memref<128x128xf32, #tpu.memory_space<hbm>>
    %dma_wait3A_174 = arith.constant 0 : i32
    %dma_wait3A_175 = arith.constant 0 : i32
    %dma_wait3A_176 = tpu.memref_slice %arg10[%dma_wait3A_167, %dma_wait3A_174, %dma_wait3A_175] : memref<5x128x128xf32, #tpu.memory_space<vmem>> -> memref<1x128x128xf32, #tpu.memory_space<vmem>>
    %dma_wait3A_177 = tpu.memref_squeeze %dma_wait3A_176 : memref<1x128x128xf32, #tpu.memory_space<vmem>> -> memref<128x128xf32, #tpu.memory_space<vmem>>
    %dma_wait3A_178 = arith.constant 0 : i32
    %dma_wait3A_179 = tpu.memref_slice %arg2[%mul3A_166, %dma_wait3A_178] : memref<16384x128xf32, #tpu.memory_space<hbm>> -> memref<128x128xf32, #tpu.memory_space<hbm>>
    tpu.wait_dma2 semaphore(%arg14 : memref<!tpu.dma_semaphore, #tpu.memory_space<semaphore_mem>>) src(%dma_wait3A_179 : memref<128x128xf32, #tpu.memory_space<hbm>>) dst(%dma_wait3A_177 : memref<128x128xf32, #tpu.memory_space<vmem>>)
    %dma_start3A_180 = arith.constant 3 : i32
    %dma_start3A_181 = arith.constant 3 : i32
    %dma_start3A_182 = arith.constant 0 : i32
    %dma_start3A_183 = arith.constant 0 : i32
    %dma_start3A_184 = tpu.memref_slice %arg10[%dma_start3A_180, %dma_start3A_182, %dma_start3A_183] : memref<5x128x128xf32, #tpu.memory_space<vmem>> -> memref<1x128x128xf32, #tpu.memory_space<vmem>>
    %dma_start3A_185 = tpu.memref_squeeze %dma_start3A_184 : memref<1x128x128xf32, #tpu.memory_space<vmem>> -> memref<128x128xf32, #tpu.memory_space<vmem>>
    %dma_start3A_186 = arith.constant 0 : i32
    %dma_start3A_187 = tpu.memref_slice %arg9[%dma_start3A_181, %dma_start3A_186] : memref<4x128xi32, #tpu.memory_space<vmem>> -> memref<1x128xi32, #tpu.memory_space<vmem>>
    %dma_start3A_188 = tpu.memref_squeeze %dma_start3A_187 : memref<1x128xi32, #tpu.memory_space<vmem>> -> memref<128xi32, #tpu.memory_space<vmem>>
    %dma_start3A_189 = arith.constant 0 : i32
    %dma_start3A_190 = arith.constant 0 : i32
    %dma_start3A_191 = tpu.memref_slice %arg8[%dma_start3A_189, %dma_start3A_190] : memref<4096x128xf32, #tpu.memory_space<vmem_shared>> -> memref<4096x128xf32, #tpu.memory_space<vmem_shared>>
    tpu.enqueue_indirect_dma source(%dma_start3A_185 : memref<128x128xf32, #tpu.memory_space<vmem>>) target(%dma_start3A_191 : memref<4096x128xf32, #tpu.memory_space<vmem_shared>>) offsets(%dma_start3A_188 : memref<128xi32, #tpu.memory_space<vmem>>) semaphore(%arg14 : memref<!tpu.dma_semaphore, #tpu.memory_space<semaphore_mem>>) {add = true}
    %dma_wait3A_192 = arith.constant 0 : i32
    %dma_wait3A_193 = arith.constant 0 : i32
    %dma_wait3A_194 = arith.constant 0 : i32
    %dma_wait3A_195 = arith.constant 0 : i32
    %dma_wait3A_196 = tpu.memref_slice %arg10[%dma_wait3A_192, %dma_wait3A_194, %dma_wait3A_195] : memref<5x128x128xf32, #tpu.memory_space<vmem>> -> memref<1x128x128xf32, #tpu.memory_space<vmem>>
    %dma_wait3A_197 = tpu.memref_squeeze %dma_wait3A_196 : memref<1x128x128xf32, #tpu.memory_space<vmem>> -> memref<128x128xf32, #tpu.memory_space<vmem>>
    %dma_wait3A_198 = arith.constant 0 : i32
    %dma_wait3A_199 = tpu.memref_slice %arg9[%dma_wait3A_193, %dma_wait3A_198] : memref<4x128xi32, #tpu.memory_space<vmem>> -> memref<1x128xi32, #tpu.memory_space<vmem>>
    %dma_wait3A_200 = tpu.memref_squeeze %dma_wait3A_199 : memref<1x128xi32, #tpu.memory_space<vmem>> -> memref<128xi32, #tpu.memory_space<vmem>>
    %dma_wait3A_201 = arith.constant 0 : i32
    %dma_wait3A_202 = arith.constant 0 : i32
    %dma_wait3A_203 = tpu.memref_slice %arg8[%dma_wait3A_201, %dma_wait3A_202] : memref<4096x128xf32, #tpu.memory_space<vmem_shared>> -> memref<4096x128xf32, #tpu.memory_space<vmem_shared>>
    tpu.wait_indirect_dma semaphore(%arg11 : memref<!tpu.dma_semaphore, #tpu.memory_space<semaphore_mem>>) src(%dma_wait3A_197 : memref<128x128xf32, #tpu.memory_space<vmem>>) dst(%dma_wait3A_203 : memref<4096x128xf32, #tpu.memory_space<vmem_shared>>)
    %dma_wait3A_204 = arith.constant 1 : i32
    %dma_wait3A_205 = arith.constant 1 : i32
    %dma_wait3A_206 = arith.constant 0 : i32
    %dma_wait3A_207 = arith.constant 0 : i32
    %dma_wait3A_208 = tpu.memref_slice %arg10[%dma_wait3A_204, %dma_wait3A_206, %dma_wait3A_207] : memref<5x128x128xf32, #tpu.memory_space<vmem>> -> memref<1x128x128xf32, #tpu.memory_space<vmem>>
    %dma_wait3A_209 = tpu.memref_squeeze %dma_wait3A_208 : memref<1x128x128xf32, #tpu.memory_space<vmem>> -> memref<128x128xf32, #tpu.memory_space<vmem>>
    %dma_wait3A_210 = arith.constant 0 : i32
    %dma_wait3A_211 = tpu.memref_slice %arg9[%dma_wait3A_205, %dma_wait3A_210] : memref<4x128xi32, #tpu.memory_space<vmem>> -> memref<1x128xi32, #tpu.memory_space<vmem>>
    %dma_wait3A_212 = tpu.memref_squeeze %dma_wait3A_211 : memref<1x128xi32, #tpu.memory_space<vmem>> -> memref<128xi32, #tpu.memory_space<vmem>>
    %dma_wait3A_213 = arith.constant 0 : i32
    %dma_wait3A_214 = arith.constant 0 : i32
    %dma_wait3A_215 = tpu.memref_slice %arg8[%dma_wait3A_213, %dma_wait3A_214] : memref<4096x128xf32, #tpu.memory_space<vmem_shared>> -> memref<4096x128xf32, #tpu.memory_space<vmem_shared>>
    tpu.wait_indirect_dma semaphore(%arg12 : memref<!tpu.dma_semaphore, #tpu.memory_space<semaphore_mem>>) src(%dma_wait3A_209 : memref<128x128xf32, #tpu.memory_space<vmem>>) dst(%dma_wait3A_215 : memref<4096x128xf32, #tpu.memory_space<vmem_shared>>)
    %dma_wait3A_216 = arith.constant 2 : i32
    %dma_wait3A_217 = arith.constant 2 : i32
    %dma_wait3A_218 = arith.constant 0 : i32
    %dma_wait3A_219 = arith.constant 0 : i32
    %dma_wait3A_220 = tpu.memref_slice %arg10[%dma_wait3A_216, %dma_wait3A_218, %dma_wait3A_219] : memref<5x128x128xf32, #tpu.memory_space<vmem>> -> memref<1x128x128xf32, #tpu.memory_space<vmem>>
    %dma_wait3A_221 = tpu.memref_squeeze %dma_wait3A_220 : memref<1x128x128xf32, #tpu.memory_space<vmem>> -> memref<128x128xf32, #tpu.memory_space<vmem>>
    %dma_wait3A_222 = arith.constant 0 : i32
    %dma_wait3A_223 = tpu.memref_slice %arg9[%dma_wait3A_217, %dma_wait3A_222] : memref<4x128xi32, #tpu.memory_space<vmem>> -> memref<1x128xi32, #tpu.memory_space<vmem>>
    %dma_wait3A_224 = tpu.memref_squeeze %dma_wait3A_223 : memref<1x128xi32, #tpu.memory_space<vmem>> -> memref<128xi32, #tpu.memory_space<vmem>>
    %dma_wait3A_225 = arith.constant 0 : i32
    %dma_wait3A_226 = arith.constant 0 : i32
    %dma_wait3A_227 = tpu.memref_slice %arg8[%dma_wait3A_225, %dma_wait3A_226] : memref<4096x128xf32, #tpu.memory_space<vmem_shared>> -> memref<4096x128xf32, #tpu.memory_space<vmem_shared>>
    tpu.wait_indirect_dma semaphore(%arg13 : memref<!tpu.dma_semaphore, #tpu.memory_space<semaphore_mem>>) src(%dma_wait3A_221 : memref<128x128xf32, #tpu.memory_space<vmem>>) dst(%dma_wait3A_227 : memref<4096x128xf32, #tpu.memory_space<vmem_shared>>)
    %dma_wait3A_228 = arith.constant 3 : i32
    %dma_wait3A_229 = arith.constant 3 : i32
    %dma_wait3A_230 = arith.constant 0 : i32
    %dma_wait3A_231 = arith.constant 0 : i32
    %dma_wait3A_232 = tpu.memref_slice %arg10[%dma_wait3A_228, %dma_wait3A_230, %dma_wait3A_231] : memref<5x128x128xf32, #tpu.memory_space<vmem>> -> memref<1x128x128xf32, #tpu.memory_space<vmem>>
    %dma_wait3A_233 = tpu.memref_squeeze %dma_wait3A_232 : memref<1x128x128xf32, #tpu.memory_space<vmem>> -> memref<128x128xf32, #tpu.memory_space<vmem>>
    %dma_wait3A_234 = arith.constant 0 : i32
    %dma_wait3A_235 = tpu.memref_slice %arg9[%dma_wait3A_229, %dma_wait3A_234] : memref<4x128xi32, #tpu.memory_space<vmem>> -> memref<1x128xi32, #tpu.memory_space<vmem>>
    %dma_wait3A_236 = tpu.memref_squeeze %dma_wait3A_235 : memref<1x128xi32, #tpu.memory_space<vmem>> -> memref<128xi32, #tpu.memory_space<vmem>>
    %dma_wait3A_237 = arith.constant 0 : i32
    %dma_wait3A_238 = arith.constant 0 : i32
    %dma_wait3A_239 = tpu.memref_slice %arg8[%dma_wait3A_237, %dma_wait3A_238] : memref<4096x128xf32, #tpu.memory_space<vmem_shared>> -> memref<4096x128xf32, #tpu.memory_space<vmem_shared>>
    tpu.wait_indirect_dma semaphore(%arg14 : memref<!tpu.dma_semaphore, #tpu.memory_space<semaphore_mem>>) src(%dma_wait3A_233 : memref<128x128xf32, #tpu.memory_space<vmem>>) dst(%dma_wait3A_239 : memref<4096x128xf32, #tpu.memory_space<vmem_shared>>)
    %barrier3A_240 = arith.constant 0 : index
    tpu.barrier barrier_id(%barrier3A_240)
    %eq3A_241 = arith.constant 0 : i32
    %eq3A_242 = arith.cmpi eq, %arg0, %eq3A_241 : i32
    %convert_element_type3A_243 = arith.extui %eq3A_242 : i1 to i32
    %cond3A_244 = arith.constant 0 : i32
    %cond3A_245 = arith.cmpi ne, %convert_element_type3A_243, %cond3A_244 : i32
    scf.if %cond3A_245 {
      %mul3A_251 = arith.constant 256 : i32
      %mul3A_252 = arith.muli %arg1, %mul3A_251 : i32
      %mul3A_253 = arith.constant 256 : i32
      %mul3A_254 = arith.muli %arg1, %mul3A_253 : i32
      "tpu.region"() ({
        %run_scoped3A = tpu.sem_alloc : memref<!tpu.dma_semaphore, #tpu.memory_space<semaphore_mem>>
        %dma_start3A_255 = arith.constant 0 : i32
        %dma_start3A_256 = tpu.memref_slice %arg6[%mul3A_254, %dma_start3A_255] : memref<4096x128xf32, #tpu.memory_space<hbm>> -> memref<256x128xf32, #tpu.memory_space<hbm>>
        %dma_start3A_257 = arith.constant 0 : i32
        %dma_start3A_258 = tpu.memref_slice %arg8[%mul3A_252, %dma_start3A_257] : memref<4096x128xf32, #tpu.memory_space<vmem_shared>> -> memref<256x128xf32, #tpu.memory_space<vmem_shared>>
        tpu.enqueue_dma source(%dma_start3A_258 : memref<256x128xf32, #tpu.memory_space<vmem_shared>>) target(%dma_start3A_256 : memref<256x128xf32, #tpu.memory_space<hbm>>) target_semaphore(%run_scoped3A : memref<!tpu.dma_semaphore, #tpu.memory_space<semaphore_mem>>)
        %dma_wait3A_259 = arith.constant 0 : i32
        %dma_wait3A_260 = tpu.memref_slice %arg6[%mul3A_254, %dma_wait3A_259] : memref<4096x128xf32, #tpu.memory_space<hbm>> -> memref<256x128xf32, #tpu.memory_space<hbm>>
        %dma_wait3A_261 = arith.constant 0 : i32
        %dma_wait3A_262 = tpu.memref_slice %arg8[%mul3A_252, %dma_wait3A_261] : memref<4096x128xf32, #tpu.memory_space<vmem_shared>> -> memref<256x128xf32, #tpu.memory_space<vmem_shared>>
        tpu.wait_dma2 semaphore(%run_scoped3A : memref<!tpu.dma_semaphore, #tpu.memory_space<semaphore_mem>>) src(%dma_wait3A_262 : memref<256x128xf32, #tpu.memory_space<vmem_shared>>) dst(%dma_wait3A_260 : memref<256x128xf32, #tpu.memory_space<hbm>>)
        tpu.yield
      }) : () -> ()
    } else {
    }
    %eq3A_246 = arith.constant 1 : i32
    %eq3A_247 = arith.cmpi eq, %arg0, %eq3A_246 : i32
    %convert_element_type3A_248 = arith.extui %eq3A_247 : i1 to i32
    %cond3A_249 = arith.constant 0 : i32
    %cond3A_250 = arith.cmpi ne, %convert_element_type3A_248, %cond3A_249 : i32
    scf.if %cond3A_250 {
      %mul3A_251 = arith.constant 256 : i32
      %mul3A_252 = arith.muli %arg1, %mul3A_251 : i32
      %mul3A_253 = arith.constant 256 : i32
      %mul3A_254 = arith.muli %arg1, %mul3A_253 : i32
      "tpu.region"() ({
        %run_scoped3A = tpu.sem_alloc : memref<!tpu.dma_semaphore, #tpu.memory_space<semaphore_mem>>
        %dma_start3A_255 = arith.constant 0 : i32
        %dma_start3A_256 = tpu.memref_slice %arg7[%mul3A_254, %dma_start3A_255] : memref<4096x128xf32, #tpu.memory_space<hbm>> -> memref<256x128xf32, #tpu.memory_space<hbm>>
        %dma_start3A_257 = arith.constant 0 : i32
        %dma_start3A_258 = tpu.memref_slice %arg8[%mul3A_252, %dma_start3A_257] : memref<4096x128xf32, #tpu.memory_space<vmem_shared>> -> memref<256x128xf32, #tpu.memory_space<vmem_shared>>
        tpu.enqueue_dma source(%dma_start3A_258 : memref<256x128xf32, #tpu.memory_space<vmem_shared>>) target(%dma_start3A_256 : memref<256x128xf32, #tpu.memory_space<hbm>>) target_semaphore(%run_scoped3A : memref<!tpu.dma_semaphore, #tpu.memory_space<semaphore_mem>>)
        %dma_wait3A_259 = arith.constant 0 : i32
        %dma_wait3A_260 = tpu.memref_slice %arg7[%mul3A_254, %dma_wait3A_259] : memref<4096x128xf32, #tpu.memory_space<hbm>> -> memref<256x128xf32, #tpu.memory_space<hbm>>
        %dma_wait3A_261 = arith.constant 0 : i32
        %dma_wait3A_262 = tpu.memref_slice %arg8[%mul3A_252, %dma_wait3A_261] : memref<4096x128xf32, #tpu.memory_space<vmem_shared>> -> memref<256x128xf32, #tpu.memory_space<vmem_shared>>
        tpu.wait_dma2 semaphore(%run_scoped3A : memref<!tpu.dma_semaphore, #tpu.memory_space<semaphore_mem>>) src(%dma_wait3A_262 : memref<256x128xf32, #tpu.memory_space<vmem_shared>>) dst(%dma_wait3A_260 : memref<256x128xf32, #tpu.memory_space<hbm>>)
        tpu.yield
      }) : () -> ()
    } else {
    }
    return
  }
}

#map = affine_map<(d0, d1) -> (0, 0)>
module attributes {stable_mosaic.version = 14 : i64} {
  func.func @scatter_k(%arg0: i32, %arg1: i32, %arg2: memref<16384x128xf32, #tpu.memory_space<hbm>>, %arg3: memref<128x128xi32, #tpu.memory_space<hbm>>, %arg4: memref<4096x128xf32, #tpu.memory_space<hbm>>, %arg5: memref<4096x128xf32, #tpu.memory_space<hbm>>, %arg6: memref<4096x128xf32, #tpu.memory_space<hbm>>, %arg7: memref<4096x128xf32, #tpu.memory_space<hbm>>, %arg8: memref<4096x128xf32, #tpu.memory_space<vmem_shared>>, %arg9: memref<4x128xi32, #tpu.memory_space<vmem>>, %arg10: memref<5x128x128xf32, #tpu.memory_space<vmem>>, %arg11: memref<!tpu.dma_semaphore, #tpu.memory_space<semaphore_mem>>, %arg12: memref<!tpu.dma_semaphore, #tpu.memory_space<semaphore_mem>>, %arg13: memref<!tpu.dma_semaphore, #tpu.memory_space<semaphore_mem>>, %arg14: memref<!tpu.dma_semaphore, #tpu.memory_space<semaphore_mem>>, %arg15: memref<!tpu.dma_semaphore, #tpu.memory_space<semaphore_mem>>) attributes {dimension_semantics = [#tpu.dimension_semantics<core_parallel>, #tpu.dimension_semantics<subcore_parallel>], iteration_bounds = array<i64: 2, 16>, scalar_prefetch = 0 : i64, scratch_operands = 8 : i64, tpu.core_type = #tpu.core_type<sc_vector_subcore>, window_params = [{transform_indices = #map}, {transform_indices = #map}, {transform_indices = #map}, {transform_indices = #map}, {transform_indices = #map}, {transform_indices = #map}]} {
    %eq3A = arith.constant 0 : i32
    %eq3A_0 = arith.cmpi eq, %arg0, %eq3A : i32
    %convert_element_type3A = arith.extui %eq3A_0 : i1 to i32
    %cond3A = arith.constant 0 : i32
    %cond3A_1 = arith.cmpi ne, %convert_element_type3A, %cond3A : i32
    scf.if %cond3A_1 {
      %mul3A_251 = arith.constant 256 : i32
      %mul3A_252 = arith.muli %arg1, %mul3A_251 : i32
      %mul3A_253 = arith.constant 256 : i32
      %mul3A_254 = arith.muli %arg1, %mul3A_253 : i32
      "tpu.region"() ({
        %run_scoped3A = tpu.sem_alloc : memref<!tpu.dma_semaphore, #tpu.memory_space<semaphore_mem>>
        %dma_start3A_255 = arith.constant 0 : i32
        %dma_start3A_256 = tpu.memref_slice %arg8[%mul3A_254, %dma_start3A_255] : memref<4096x128xf32, #tpu.memory_space<vmem_shared>> -> memref<256x128xf32, #tpu.memory_space<vmem_shared>>
        %dma_start3A_257 = arith.constant 0 : i32
        %dma_start3A_258 = tpu.memref_slice %arg4[%mul3A_252, %dma_start3A_257] : memref<4096x128xf32, #tpu.memory_space<hbm>> -> memref<256x128xf32, #tpu.memory_space<hbm>>
        tpu.enqueue_dma source(%dma_start3A_258 : memref<256x128xf32, #tpu.memory_space<hbm>>) target(%dma_start3A_256 : memref<256x128xf32, #tpu.memory_space<vmem_shared>>) target_semaphore(%run_scoped3A : memref<!tpu.dma_semaphore, #tpu.memory_space<semaphore_mem>>)
        %dma_wait3A_259 = arith.constant 0 : i32
        %dma_wait3A_260 = tpu.memref_slice %arg8[%mul3A_254, %dma_wait3A_259] : memref<4096x128xf32, #tpu.memory_space<vmem_shared>> -> memref<256x128xf32, #tpu.memory_space<vmem_shared>>
        %dma_wait3A_261 = arith.constant 0 : i32
        %dma_wait3A_262 = tpu.memref_slice %arg4[%mul3A_252, %dma_wait3A_261] : memref<4096x128xf32, #tpu.memory_space<hbm>> -> memref<256x128xf32, #tpu.memory_space<hbm>>
        tpu.wait_dma2 semaphore(%run_scoped3A : memref<!tpu.dma_semaphore, #tpu.memory_space<semaphore_mem>>) src(%dma_wait3A_262 : memref<256x128xf32, #tpu.memory_space<hbm>>) dst(%dma_wait3A_260 : memref<256x128xf32, #tpu.memory_space<vmem_shared>>)
        tpu.yield
      }) : () -> ()
    } else {
    }
    %eq3A_2 = arith.constant 1 : i32
    %eq3A_3 = arith.cmpi eq, %arg0, %eq3A_2 : i32
    %convert_element_type3A_4 = arith.extui %eq3A_3 : i1 to i32
    %cond3A_5 = arith.constant 0 : i32
    %cond3A_6 = arith.cmpi ne, %convert_element_type3A_4, %cond3A_5 : i32
    scf.if %cond3A_6 {
      %mul3A_251 = arith.constant 256 : i32
      %mul3A_252 = arith.muli %arg1, %mul3A_251 : i32
      %mul3A_253 = arith.constant 256 : i32
      %mul3A_254 = arith.muli %arg1, %mul3A_253 : i32
      "tpu.region"() ({
        %run_scoped3A = tpu.sem_alloc : memref<!tpu.dma_semaphore, #tpu.memory_space<semaphore_mem>>
        %dma_start3A_255 = arith.constant 0 : i32
        %dma_start3A_256 = tpu.memref_slice %arg8[%mul3A_254, %dma_start3A_255] : memref<4096x128xf32, #tpu.memory_space<vmem_shared>> -> memref<256x128xf32, #tpu.memory_space<vmem_shared>>
        %dma_start3A_257 = arith.constant 0 : i32
        %dma_start3A_258 = tpu.memref_slice %arg5[%mul3A_252, %dma_start3A_257] : memref<4096x128xf32, #tpu.memory_space<hbm>> -> memref<256x128xf32, #tpu.memory_space<hbm>>
        tpu.enqueue_dma source(%dma_start3A_258 : memref<256x128xf32, #tpu.memory_space<hbm>>) target(%dma_start3A_256 : memref<256x128xf32, #tpu.memory_space<vmem_shared>>) target_semaphore(%run_scoped3A : memref<!tpu.dma_semaphore, #tpu.memory_space<semaphore_mem>>)
        %dma_wait3A_259 = arith.constant 0 : i32
        %dma_wait3A_260 = tpu.memref_slice %arg8[%mul3A_254, %dma_wait3A_259] : memref<4096x128xf32, #tpu.memory_space<vmem_shared>> -> memref<256x128xf32, #tpu.memory_space<vmem_shared>>
        %dma_wait3A_261 = arith.constant 0 : i32
        %dma_wait3A_262 = tpu.memref_slice %arg5[%mul3A_252, %dma_wait3A_261] : memref<4096x128xf32, #tpu.memory_space<hbm>> -> memref<256x128xf32, #tpu.memory_space<hbm>>
        tpu.wait_dma2 semaphore(%run_scoped3A : memref<!tpu.dma_semaphore, #tpu.memory_space<semaphore_mem>>) src(%dma_wait3A_262 : memref<256x128xf32, #tpu.memory_space<hbm>>) dst(%dma_wait3A_260 : memref<256x128xf32, #tpu.memory_space<vmem_shared>>)
        tpu.yield
      }) : () -> ()
    } else {
    }
    %barrier3A = arith.constant 0 : index
    tpu.barrier barrier_id(%barrier3A)
    %mul3A = arith.constant 64 : i32
    %mul3A_7 = arith.muli %arg0, %mul3A : i32
    %mul3A_8 = arith.constant 4 : i32
    %mul3A_9 = arith.muli %arg1, %mul3A_8 : i32
    %add3A = arith.addi %mul3A_7, %mul3A_9 : i32
    "tpu.region"() ({
      %run_scoped3A = tpu.sem_alloc : memref<!tpu.dma_semaphore, #tpu.memory_space<semaphore_mem>>
      %dma_start3A_251 = arith.constant 0 : i32
      %dma_start3A_252 = tpu.memref_slice %arg3[%add3A, %dma_start3A_251] : memref<128x128xi32, #tpu.memory_space<hbm>> -> memref<4x128xi32, #tpu.memory_space<hbm>>
      %dma_start3A_253 = arith.constant 0 : i32
      %dma_start3A_254 = tpu.memref_slice %arg3[%add3A, %dma_start3A_253] : memref<128x128xi32, #tpu.memory_space<hbm>> -> memref<4x128xi32, #tpu.memory_space<hbm>>
      tpu.enqueue_dma source(%dma_start3A_254 : memref<4x128xi32, #tpu.memory_space<hbm>>) target(%arg9 : memref<4x128xi32, #tpu.memory_space<vmem>>) target_semaphore(%run_scoped3A : memref<!tpu.dma_semaphore, #tpu.memory_space<semaphore_mem>>)
      %dma_wait3A_255 = arith.constant 0 : i32
      %dma_wait3A_256 = tpu.memref_slice %arg3[%add3A, %dma_wait3A_255] : memref<128x128xi32, #tpu.memory_space<hbm>> -> memref<4x128xi32, #tpu.memory_space<hbm>>
      %dma_wait3A_257 = arith.constant 0 : i32
      %dma_wait3A_258 = tpu.memref_slice %arg3[%add3A, %dma_wait3A_257] : memref<128x128xi32, #tpu.memory_space<hbm>> -> memref<4x128xi32, #tpu.memory_space<hbm>>
      tpu.wait_dma2 semaphore(%run_scoped3A : memref<!tpu.dma_semaphore, #tpu.memory_space<semaphore_mem>>) src(%dma_wait3A_258 : memref<4x128xi32, #tpu.memory_space<hbm>>) dst(%arg9 : memref<4x128xi32, #tpu.memory_space<vmem>>)
      tpu.yield
    }) : () -> ()
    %add3A_10 = arith.constant 0 : i32
    %add3A_11 = arith.addi %add3A, %add3A_10 : i32
    %mul3A_12 = arith.constant 128 : i32
    %mul3A_13 = arith.muli %add3A_11, %mul3A_12 : i32
    %dma_start3A = arith.constant 0 : i32
    %dma_start3A_14 = arith.constant 0 : i32
    %dma_start3A_15 = arith.constant 0 : i32
    %dma_start3A_16 = tpu.memref_slice %arg10[%dma_start3A, %dma_start3A_14, %dma_start3A_15] : memref<5x128x128xf32, #tpu.memory_space<vmem>> -> memref<1x128x128xf32, #tpu.memory_space<vmem>>
    %dma_start3A_17 = tpu.memref_squeeze %dma_start3A_16 : memref<1x128x128xf32, #tpu.memory_space<vmem>> -> memref<128x128xf32, #tpu.memory_space<vmem>>
    %dma_start3A_18 = arith.constant 0 : i32
    %dma_start3A_19 = tpu.memref_slice %arg2[%mul3A_13, %dma_start3A_18] : memref<16384x128xf32, #tpu.memory_space<hbm>> -> memref<128x128xf32, #tpu.memory_space<hbm>>
    %dma_start3A_20 = arith.constant 0 : i32
    %dma_start3A_21 = arith.constant 0 : i32
    %dma_start3A_22 = tpu.memref_slice %arg10[%dma_start3A, %dma_start3A_20, %dma_start3A_21] : memref<5x128x128xf32, #tpu.memory_space<vmem>> -> memref<1x128x128xf32, #tpu.memory_space<vmem>>
    %dma_start3A_23 = tpu.memref_squeeze %dma_start3A_22 : memref<1x128x128xf32, #tpu.memory_space<vmem>> -> memref<128x128xf32, #tpu.memory_space<vmem>>
    %dma_start3A_24 = arith.constant 0 : i32
    %dma_start3A_25 = tpu.memref_slice %arg2[%mul3A_13, %dma_start3A_24] : memref<16384x128xf32, #tpu.memory_space<hbm>> -> memref<128x128xf32, #tpu.memory_space<hbm>>
    tpu.enqueue_dma source(%dma_start3A_25 : memref<128x128xf32, #tpu.memory_space<hbm>>) target(%dma_start3A_23 : memref<128x128xf32, #tpu.memory_space<vmem>>) target_semaphore(%arg11 : memref<!tpu.dma_semaphore, #tpu.memory_space<semaphore_mem>>)
    %add3A_26 = arith.constant 1 : i32
    %add3A_27 = arith.addi %add3A, %add3A_26 : i32
    %mul3A_28 = arith.constant 128 : i32
    %mul3A_29 = arith.muli %add3A_27, %mul3A_28 : i32
    %dma_start3A_30 = arith.constant 1 : i32
    %dma_start3A_31 = arith.constant 0 : i32
    %dma_start3A_32 = arith.constant 0 : i32
    %dma_start3A_33 = tpu.memref_slice %arg10[%dma_start3A_30, %dma_start3A_31, %dma_start3A_32] : memref<5x128x128xf32, #tpu.memory_space<vmem>> -> memref<1x128x128xf32, #tpu.memory_space<vmem>>
    %dma_start3A_34 = tpu.memref_squeeze %dma_start3A_33 : memref<1x128x128xf32, #tpu.memory_space<vmem>> -> memref<128x128xf32, #tpu.memory_space<vmem>>
    %dma_start3A_35 = arith.constant 0 : i32
    %dma_start3A_36 = tpu.memref_slice %arg2[%mul3A_29, %dma_start3A_35] : memref<16384x128xf32, #tpu.memory_space<hbm>> -> memref<128x128xf32, #tpu.memory_space<hbm>>
    %dma_start3A_37 = arith.constant 0 : i32
    %dma_start3A_38 = arith.constant 0 : i32
    %dma_start3A_39 = tpu.memref_slice %arg10[%dma_start3A_30, %dma_start3A_37, %dma_start3A_38] : memref<5x128x128xf32, #tpu.memory_space<vmem>> -> memref<1x128x128xf32, #tpu.memory_space<vmem>>
    %dma_start3A_40 = tpu.memref_squeeze %dma_start3A_39 : memref<1x128x128xf32, #tpu.memory_space<vmem>> -> memref<128x128xf32, #tpu.memory_space<vmem>>
    %dma_start3A_41 = arith.constant 0 : i32
    %dma_start3A_42 = tpu.memref_slice %arg2[%mul3A_29, %dma_start3A_41] : memref<16384x128xf32, #tpu.memory_space<hbm>> -> memref<128x128xf32, #tpu.memory_space<hbm>>
    tpu.enqueue_dma source(%dma_start3A_42 : memref<128x128xf32, #tpu.memory_space<hbm>>) target(%dma_start3A_40 : memref<128x128xf32, #tpu.memory_space<vmem>>) target_semaphore(%arg12 : memref<!tpu.dma_semaphore, #tpu.memory_space<semaphore_mem>>)
    %add3A_43 = arith.constant 2 : i32
    %add3A_44 = arith.addi %add3A, %add3A_43 : i32
    %mul3A_45 = arith.constant 128 : i32
    %mul3A_46 = arith.muli %add3A_44, %mul3A_45 : i32
    %dma_start3A_47 = arith.constant 2 : i32
    %dma_start3A_48 = arith.constant 0 : i32
    %dma_start3A_49 = arith.constant 0 : i32
    %dma_start3A_50 = tpu.memref_slice %arg10[%dma_start3A_47, %dma_start3A_48, %dma_start3A_49] : memref<5x128x128xf32, #tpu.memory_space<vmem>> -> memref<1x128x128xf32, #tpu.memory_space<vmem>>
    %dma_start3A_51 = tpu.memref_squeeze %dma_start3A_50 : memref<1x128x128xf32, #tpu.memory_space<vmem>> -> memref<128x128xf32, #tpu.memory_space<vmem>>
    %dma_start3A_52 = arith.constant 0 : i32
    %dma_start3A_53 = tpu.memref_slice %arg2[%mul3A_46, %dma_start3A_52] : memref<16384x128xf32, #tpu.memory_space<hbm>> -> memref<128x128xf32, #tpu.memory_space<hbm>>
    %dma_start3A_54 = arith.constant 0 : i32
    %dma_start3A_55 = arith.constant 0 : i32
    %dma_start3A_56 = tpu.memref_slice %arg10[%dma_start3A_47, %dma_start3A_54, %dma_start3A_55] : memref<5x128x128xf32, #tpu.memory_space<vmem>> -> memref<1x128x128xf32, #tpu.memory_space<vmem>>
    %dma_start3A_57 = tpu.memref_squeeze %dma_start3A_56 : memref<1x128x128xf32, #tpu.memory_space<vmem>> -> memref<128x128xf32, #tpu.memory_space<vmem>>
    %dma_start3A_58 = arith.constant 0 : i32
    %dma_start3A_59 = tpu.memref_slice %arg2[%mul3A_46, %dma_start3A_58] : memref<16384x128xf32, #tpu.memory_space<hbm>> -> memref<128x128xf32, #tpu.memory_space<hbm>>
    tpu.enqueue_dma source(%dma_start3A_59 : memref<128x128xf32, #tpu.memory_space<hbm>>) target(%dma_start3A_57 : memref<128x128xf32, #tpu.memory_space<vmem>>) target_semaphore(%arg13 : memref<!tpu.dma_semaphore, #tpu.memory_space<semaphore_mem>>)
    %add3A_60 = arith.constant 3 : i32
    %add3A_61 = arith.addi %add3A, %add3A_60 : i32
    %mul3A_62 = arith.constant 128 : i32
    %mul3A_63 = arith.muli %add3A_61, %mul3A_62 : i32
    %dma_start3A_64 = arith.constant 3 : i32
    %dma_start3A_65 = arith.constant 0 : i32
    %dma_start3A_66 = arith.constant 0 : i32
    %dma_start3A_67 = tpu.memref_slice %arg10[%dma_start3A_64, %dma_start3A_65, %dma_start3A_66] : memref<5x128x128xf32, #tpu.memory_space<vmem>> -> memref<1x128x128xf32, #tpu.memory_space<vmem>>
    %dma_start3A_68 = tpu.memref_squeeze %dma_start3A_67 : memref<1x128x128xf32, #tpu.memory_space<vmem>> -> memref<128x128xf32, #tpu.memory_space<vmem>>
    %dma_start3A_69 = arith.constant 0 : i32
    %dma_start3A_70 = tpu.memref_slice %arg2[%mul3A_63, %dma_start3A_69] : memref<16384x128xf32, #tpu.memory_space<hbm>> -> memref<128x128xf32, #tpu.memory_space<hbm>>
    %dma_start3A_71 = arith.constant 0 : i32
    %dma_start3A_72 = arith.constant 0 : i32
    %dma_start3A_73 = tpu.memref_slice %arg10[%dma_start3A_64, %dma_start3A_71, %dma_start3A_72] : memref<5x128x128xf32, #tpu.memory_space<vmem>> -> memref<1x128x128xf32, #tpu.memory_space<vmem>>
    %dma_start3A_74 = tpu.memref_squeeze %dma_start3A_73 : memref<1x128x128xf32, #tpu.memory_space<vmem>> -> memref<128x128xf32, #tpu.memory_space<vmem>>
    %dma_start3A_75 = arith.constant 0 : i32
    %dma_start3A_76 = tpu.memref_slice %arg2[%mul3A_63, %dma_start3A_75] : memref<16384x128xf32, #tpu.memory_space<hbm>> -> memref<128x128xf32, #tpu.memory_space<hbm>>
    tpu.enqueue_dma source(%dma_start3A_76 : memref<128x128xf32, #tpu.memory_space<hbm>>) target(%dma_start3A_74 : memref<128x128xf32, #tpu.memory_space<vmem>>) target_semaphore(%arg14 : memref<!tpu.dma_semaphore, #tpu.memory_space<semaphore_mem>>)
    %add3A_77 = arith.constant 0 : i32
    %add3A_78 = arith.addi %add3A, %add3A_77 : i32
    %mul3A_79 = arith.constant 128 : i32
    %mul3A_80 = arith.muli %add3A_78, %mul3A_79 : i32
    %dma_wait3A = arith.constant 0 : i32
    %dma_wait3A_81 = arith.constant 0 : i32
    %dma_wait3A_82 = arith.constant 0 : i32
    %dma_wait3A_83 = tpu.memref_slice %arg10[%dma_wait3A, %dma_wait3A_81, %dma_wait3A_82] : memref<5x128x128xf32, #tpu.memory_space<vmem>> -> memref<1x128x128xf32, #tpu.memory_space<vmem>>
    %dma_wait3A_84 = tpu.memref_squeeze %dma_wait3A_83 : memref<1x128x128xf32, #tpu.memory_space<vmem>> -> memref<128x128xf32, #tpu.memory_space<vmem>>
    %dma_wait3A_85 = arith.constant 0 : i32
    %dma_wait3A_86 = tpu.memref_slice %arg2[%mul3A_80, %dma_wait3A_85] : memref<16384x128xf32, #tpu.memory_space<hbm>> -> memref<128x128xf32, #tpu.memory_space<hbm>>
    %dma_wait3A_87 = arith.constant 0 : i32
    %dma_wait3A_88 = arith.constant 0 : i32
    %dma_wait3A_89 = tpu.memref_slice %arg10[%dma_wait3A, %dma_wait3A_87, %dma_wait3A_88] : memref<5x128x128xf32, #tpu.memory_space<vmem>> -> memref<1x128x128xf32, #tpu.memory_space<vmem>>
    %dma_wait3A_90 = tpu.memref_squeeze %dma_wait3A_89 : memref<1x128x128xf32, #tpu.memory_space<vmem>> -> memref<128x128xf32, #tpu.memory_space<vmem>>
    %dma_wait3A_91 = arith.constant 0 : i32
    %dma_wait3A_92 = tpu.memref_slice %arg2[%mul3A_80, %dma_wait3A_91] : memref<16384x128xf32, #tpu.memory_space<hbm>> -> memref<128x128xf32, #tpu.memory_space<hbm>>
    tpu.wait_dma2 semaphore(%arg11 : memref<!tpu.dma_semaphore, #tpu.memory_space<semaphore_mem>>) src(%dma_wait3A_92 : memref<128x128xf32, #tpu.memory_space<hbm>>) dst(%dma_wait3A_90 : memref<128x128xf32, #tpu.memory_space<vmem>>)
    %dma_start3A_93 = arith.constant 0 : i32
    %dma_start3A_94 = arith.constant 0 : i32
    %dma_start3A_95 = arith.constant 0 : i32
    %dma_start3A_96 = arith.constant 0 : i32
    %dma_start3A_97 = tpu.memref_slice %arg10[%dma_start3A_93, %dma_start3A_95, %dma_start3A_96] : memref<5x128x128xf32, #tpu.memory_space<vmem>> -> memref<1x128x128xf32, #tpu.memory_space<vmem>>
    %dma_start3A_98 = tpu.memref_squeeze %dma_start3A_97 : memref<1x128x128xf32, #tpu.memory_space<vmem>> -> memref<128x128xf32, #tpu.memory_space<vmem>>
    %dma_start3A_99 = arith.constant 0 : i32
    %dma_start3A_100 = tpu.memref_slice %arg9[%dma_start3A_94, %dma_start3A_99] : memref<4x128xi32, #tpu.memory_space<vmem>> -> memref<1x128xi32, #tpu.memory_space<vmem>>
    %dma_start3A_101 = tpu.memref_squeeze %dma_start3A_100 : memref<1x128xi32, #tpu.memory_space<vmem>> -> memref<128xi32, #tpu.memory_space<vmem>>
    %dma_start3A_102 = arith.constant 0 : i32
    %dma_start3A_103 = arith.constant 0 : i32
    %dma_start3A_104 = tpu.memref_slice %arg8[%dma_start3A_102, %dma_start3A_103] : memref<4096x128xf32, #tpu.memory_space<vmem_shared>> -> memref<4096x128xf32, #tpu.memory_space<vmem_shared>>
    tpu.enqueue_indirect_dma source(%dma_start3A_98 : memref<128x128xf32, #tpu.memory_space<vmem>>) target(%dma_start3A_104 : memref<4096x128xf32, #tpu.memory_space<vmem_shared>>) offsets(%dma_start3A_101 : memref<128xi32, #tpu.memory_space<vmem>>) semaphore(%arg11 : memref<!tpu.dma_semaphore, #tpu.memory_space<semaphore_mem>>) {add = true}
    %add3A_105 = arith.constant 1 : i32
    %add3A_106 = arith.addi %add3A, %add3A_105 : i32
    %mul3A_107 = arith.constant 128 : i32
    %mul3A_108 = arith.muli %add3A_106, %mul3A_107 : i32
    %dma_wait3A_109 = arith.constant 1 : i32
    %dma_wait3A_110 = arith.constant 0 : i32
    %dma_wait3A_111 = arith.constant 0 : i32
    %dma_wait3A_112 = tpu.memref_slice %arg10[%dma_wait3A_109, %dma_wait3A_110, %dma_wait3A_111] : memref<5x128x128xf32, #tpu.memory_space<vmem>> -> memref<1x128x128xf32, #tpu.memory_space<vmem>>
    %dma_wait3A_113 = tpu.memref_squeeze %dma_wait3A_112 : memref<1x128x128xf32, #tpu.memory_space<vmem>> -> memref<128x128xf32, #tpu.memory_space<vmem>>
    %dma_wait3A_114 = arith.constant 0 : i32
    %dma_wait3A_115 = tpu.memref_slice %arg2[%mul3A_108, %dma_wait3A_114] : memref<16384x128xf32, #tpu.memory_space<hbm>> -> memref<128x128xf32, #tpu.memory_space<hbm>>
    %dma_wait3A_116 = arith.constant 0 : i32
    %dma_wait3A_117 = arith.constant 0 : i32
    %dma_wait3A_118 = tpu.memref_slice %arg10[%dma_wait3A_109, %dma_wait3A_116, %dma_wait3A_117] : memref<5x128x128xf32, #tpu.memory_space<vmem>> -> memref<1x128x128xf32, #tpu.memory_space<vmem>>
    %dma_wait3A_119 = tpu.memref_squeeze %dma_wait3A_118 : memref<1x128x128xf32, #tpu.memory_space<vmem>> -> memref<128x128xf32, #tpu.memory_space<vmem>>
    %dma_wait3A_120 = arith.constant 0 : i32
    %dma_wait3A_121 = tpu.memref_slice %arg2[%mul3A_108, %dma_wait3A_120] : memref<16384x128xf32, #tpu.memory_space<hbm>> -> memref<128x128xf32, #tpu.memory_space<hbm>>
    tpu.wait_dma2 semaphore(%arg12 : memref<!tpu.dma_semaphore, #tpu.memory_space<semaphore_mem>>) src(%dma_wait3A_121 : memref<128x128xf32, #tpu.memory_space<hbm>>) dst(%dma_wait3A_119 : memref<128x128xf32, #tpu.memory_space<vmem>>)
    %dma_start3A_122 = arith.constant 1 : i32
    %dma_start3A_123 = arith.constant 1 : i32
    %dma_start3A_124 = arith.constant 0 : i32
    %dma_start3A_125 = arith.constant 0 : i32
    %dma_start3A_126 = tpu.memref_slice %arg10[%dma_start3A_122, %dma_start3A_124, %dma_start3A_125] : memref<5x128x128xf32, #tpu.memory_space<vmem>> -> memref<1x128x128xf32, #tpu.memory_space<vmem>>
    %dma_start3A_127 = tpu.memref_squeeze %dma_start3A_126 : memref<1x128x128xf32, #tpu.memory_space<vmem>> -> memref<128x128xf32, #tpu.memory_space<vmem>>
    %dma_start3A_128 = arith.constant 0 : i32
    %dma_start3A_129 = tpu.memref_slice %arg9[%dma_start3A_123, %dma_start3A_128] : memref<4x128xi32, #tpu.memory_space<vmem>> -> memref<1x128xi32, #tpu.memory_space<vmem>>
    %dma_start3A_130 = tpu.memref_squeeze %dma_start3A_129 : memref<1x128xi32, #tpu.memory_space<vmem>> -> memref<128xi32, #tpu.memory_space<vmem>>
    %dma_start3A_131 = arith.constant 0 : i32
    %dma_start3A_132 = arith.constant 0 : i32
    %dma_start3A_133 = tpu.memref_slice %arg8[%dma_start3A_131, %dma_start3A_132] : memref<4096x128xf32, #tpu.memory_space<vmem_shared>> -> memref<4096x128xf32, #tpu.memory_space<vmem_shared>>
    tpu.enqueue_indirect_dma source(%dma_start3A_127 : memref<128x128xf32, #tpu.memory_space<vmem>>) target(%dma_start3A_133 : memref<4096x128xf32, #tpu.memory_space<vmem_shared>>) offsets(%dma_start3A_130 : memref<128xi32, #tpu.memory_space<vmem>>) semaphore(%arg12 : memref<!tpu.dma_semaphore, #tpu.memory_space<semaphore_mem>>) {add = true}
    %add3A_134 = arith.constant 2 : i32
    %add3A_135 = arith.addi %add3A, %add3A_134 : i32
    %mul3A_136 = arith.constant 128 : i32
    %mul3A_137 = arith.muli %add3A_135, %mul3A_136 : i32
    %dma_wait3A_138 = arith.constant 2 : i32
    %dma_wait3A_139 = arith.constant 0 : i32
    %dma_wait3A_140 = arith.constant 0 : i32
    %dma_wait3A_141 = tpu.memref_slice %arg10[%dma_wait3A_138, %dma_wait3A_139, %dma_wait3A_140] : memref<5x128x128xf32, #tpu.memory_space<vmem>> -> memref<1x128x128xf32, #tpu.memory_space<vmem>>
    %dma_wait3A_142 = tpu.memref_squeeze %dma_wait3A_141 : memref<1x128x128xf32, #tpu.memory_space<vmem>> -> memref<128x128xf32, #tpu.memory_space<vmem>>
    %dma_wait3A_143 = arith.constant 0 : i32
    %dma_wait3A_144 = tpu.memref_slice %arg2[%mul3A_137, %dma_wait3A_143] : memref<16384x128xf32, #tpu.memory_space<hbm>> -> memref<128x128xf32, #tpu.memory_space<hbm>>
    %dma_wait3A_145 = arith.constant 0 : i32
    %dma_wait3A_146 = arith.constant 0 : i32
    %dma_wait3A_147 = tpu.memref_slice %arg10[%dma_wait3A_138, %dma_wait3A_145, %dma_wait3A_146] : memref<5x128x128xf32, #tpu.memory_space<vmem>> -> memref<1x128x128xf32, #tpu.memory_space<vmem>>
    %dma_wait3A_148 = tpu.memref_squeeze %dma_wait3A_147 : memref<1x128x128xf32, #tpu.memory_space<vmem>> -> memref<128x128xf32, #tpu.memory_space<vmem>>
    %dma_wait3A_149 = arith.constant 0 : i32
    %dma_wait3A_150 = tpu.memref_slice %arg2[%mul3A_137, %dma_wait3A_149] : memref<16384x128xf32, #tpu.memory_space<hbm>> -> memref<128x128xf32, #tpu.memory_space<hbm>>
    tpu.wait_dma2 semaphore(%arg13 : memref<!tpu.dma_semaphore, #tpu.memory_space<semaphore_mem>>) src(%dma_wait3A_150 : memref<128x128xf32, #tpu.memory_space<hbm>>) dst(%dma_wait3A_148 : memref<128x128xf32, #tpu.memory_space<vmem>>)
    %dma_start3A_151 = arith.constant 2 : i32
    %dma_start3A_152 = arith.constant 2 : i32
    %dma_start3A_153 = arith.constant 0 : i32
    %dma_start3A_154 = arith.constant 0 : i32
    %dma_start3A_155 = tpu.memref_slice %arg10[%dma_start3A_151, %dma_start3A_153, %dma_start3A_154] : memref<5x128x128xf32, #tpu.memory_space<vmem>> -> memref<1x128x128xf32, #tpu.memory_space<vmem>>
    %dma_start3A_156 = tpu.memref_squeeze %dma_start3A_155 : memref<1x128x128xf32, #tpu.memory_space<vmem>> -> memref<128x128xf32, #tpu.memory_space<vmem>>
    %dma_start3A_157 = arith.constant 0 : i32
    %dma_start3A_158 = tpu.memref_slice %arg9[%dma_start3A_152, %dma_start3A_157] : memref<4x128xi32, #tpu.memory_space<vmem>> -> memref<1x128xi32, #tpu.memory_space<vmem>>
    %dma_start3A_159 = tpu.memref_squeeze %dma_start3A_158 : memref<1x128xi32, #tpu.memory_space<vmem>> -> memref<128xi32, #tpu.memory_space<vmem>>
    %dma_start3A_160 = arith.constant 0 : i32
    %dma_start3A_161 = arith.constant 0 : i32
    %dma_start3A_162 = tpu.memref_slice %arg8[%dma_start3A_160, %dma_start3A_161] : memref<4096x128xf32, #tpu.memory_space<vmem_shared>> -> memref<4096x128xf32, #tpu.memory_space<vmem_shared>>
    tpu.enqueue_indirect_dma source(%dma_start3A_156 : memref<128x128xf32, #tpu.memory_space<vmem>>) target(%dma_start3A_162 : memref<4096x128xf32, #tpu.memory_space<vmem_shared>>) offsets(%dma_start3A_159 : memref<128xi32, #tpu.memory_space<vmem>>) semaphore(%arg13 : memref<!tpu.dma_semaphore, #tpu.memory_space<semaphore_mem>>) {add = true}
    %add3A_163 = arith.constant 3 : i32
    %add3A_164 = arith.addi %add3A, %add3A_163 : i32
    %mul3A_165 = arith.constant 128 : i32
    %mul3A_166 = arith.muli %add3A_164, %mul3A_165 : i32
    %dma_wait3A_167 = arith.constant 3 : i32
    %dma_wait3A_168 = arith.constant 0 : i32
    %dma_wait3A_169 = arith.constant 0 : i32
    %dma_wait3A_170 = tpu.memref_slice %arg10[%dma_wait3A_167, %dma_wait3A_168, %dma_wait3A_169] : memref<5x128x128xf32, #tpu.memory_space<vmem>> -> memref<1x128x128xf32, #tpu.memory_space<vmem>>
    %dma_wait3A_171 = tpu.memref_squeeze %dma_wait3A_170 : memref<1x128x128xf32, #tpu.memory_space<vmem>> -> memref<128x128xf32, #tpu.memory_space<vmem>>
    %dma_wait3A_172 = arith.constant 0 : i32
    %dma_wait3A_173 = tpu.memref_slice %arg2[%mul3A_166, %dma_wait3A_172] : memref<16384x128xf32, #tpu.memory_space<hbm>> -> memref<128x128xf32, #tpu.memory_space<hbm>>
    %dma_wait3A_174 = arith.constant 0 : i32
    %dma_wait3A_175 = arith.constant 0 : i32
    %dma_wait3A_176 = tpu.memref_slice %arg10[%dma_wait3A_167, %dma_wait3A_174, %dma_wait3A_175] : memref<5x128x128xf32, #tpu.memory_space<vmem>> -> memref<1x128x128xf32, #tpu.memory_space<vmem>>
    %dma_wait3A_177 = tpu.memref_squeeze %dma_wait3A_176 : memref<1x128x128xf32, #tpu.memory_space<vmem>> -> memref<128x128xf32, #tpu.memory_space<vmem>>
    %dma_wait3A_178 = arith.constant 0 : i32
    %dma_wait3A_179 = tpu.memref_slice %arg2[%mul3A_166, %dma_wait3A_178] : memref<16384x128xf32, #tpu.memory_space<hbm>> -> memref<128x128xf32, #tpu.memory_space<hbm>>
    tpu.wait_dma2 semaphore(%arg14 : memref<!tpu.dma_semaphore, #tpu.memory_space<semaphore_mem>>) src(%dma_wait3A_179 : memref<128x128xf32, #tpu.memory_space<hbm>>) dst(%dma_wait3A_177 : memref<128x128xf32, #tpu.memory_space<vmem>>)
    %dma_start3A_180 = arith.constant 3 : i32
    %dma_start3A_181 = arith.constant 3 : i32
    %dma_start3A_182 = arith.constant 0 : i32
    %dma_start3A_183 = arith.constant 0 : i32
    %dma_start3A_184 = tpu.memref_slice %arg10[%dma_start3A_180, %dma_start3A_182, %dma_start3A_183] : memref<5x128x128xf32, #tpu.memory_space<vmem>> -> memref<1x128x128xf32, #tpu.memory_space<vmem>>
    %dma_start3A_185 = tpu.memref_squeeze %dma_start3A_184 : memref<1x128x128xf32, #tpu.memory_space<vmem>> -> memref<128x128xf32, #tpu.memory_space<vmem>>
    %dma_start3A_186 = arith.constant 0 : i32
    %dma_start3A_187 = tpu.memref_slice %arg9[%dma_start3A_181, %dma_start3A_186] : memref<4x128xi32, #tpu.memory_space<vmem>> -> memref<1x128xi32, #tpu.memory_space<vmem>>
    %dma_start3A_188 = tpu.memref_squeeze %dma_start3A_187 : memref<1x128xi32, #tpu.memory_space<vmem>> -> memref<128xi32, #tpu.memory_space<vmem>>
    %dma_start3A_189 = arith.constant 0 : i32
    %dma_start3A_190 = arith.constant 0 : i32
    %dma_start3A_191 = tpu.memref_slice %arg8[%dma_start3A_189, %dma_start3A_190] : memref<4096x128xf32, #tpu.memory_space<vmem_shared>> -> memref<4096x128xf32, #tpu.memory_space<vmem_shared>>
    tpu.enqueue_indirect_dma source(%dma_start3A_185 : memref<128x128xf32, #tpu.memory_space<vmem>>) target(%dma_start3A_191 : memref<4096x128xf32, #tpu.memory_space<vmem_shared>>) offsets(%dma_start3A_188 : memref<128xi32, #tpu.memory_space<vmem>>) semaphore(%arg14 : memref<!tpu.dma_semaphore, #tpu.memory_space<semaphore_mem>>) {add = true}
    %dma_wait3A_192 = arith.constant 0 : i32
    %dma_wait3A_193 = arith.constant 0 : i32
    %dma_wait3A_194 = arith.constant 0 : i32
    %dma_wait3A_195 = arith.constant 0 : i32
    %dma_wait3A_196 = tpu.memref_slice %arg10[%dma_wait3A_192, %dma_wait3A_194, %dma_wait3A_195] : memref<5x128x128xf32, #tpu.memory_space<vmem>> -> memref<1x128x128xf32, #tpu.memory_space<vmem>>
    %dma_wait3A_197 = tpu.memref_squeeze %dma_wait3A_196 : memref<1x128x128xf32, #tpu.memory_space<vmem>> -> memref<128x128xf32, #tpu.memory_space<vmem>>
    %dma_wait3A_198 = arith.constant 0 : i32
    %dma_wait3A_199 = tpu.memref_slice %arg9[%dma_wait3A_193, %dma_wait3A_198] : memref<4x128xi32, #tpu.memory_space<vmem>> -> memref<1x128xi32, #tpu.memory_space<vmem>>
    %dma_wait3A_200 = tpu.memref_squeeze %dma_wait3A_199 : memref<1x128xi32, #tpu.memory_space<vmem>> -> memref<128xi32, #tpu.memory_space<vmem>>
    %dma_wait3A_201 = arith.constant 0 : i32
    %dma_wait3A_202 = arith.constant 0 : i32
    %dma_wait3A_203 = tpu.memref_slice %arg8[%dma_wait3A_201, %dma_wait3A_202] : memref<4096x128xf32, #tpu.memory_space<vmem_shared>> -> memref<4096x128xf32, #tpu.memory_space<vmem_shared>>
    tpu.wait_indirect_dma semaphore(%arg11 : memref<!tpu.dma_semaphore, #tpu.memory_space<semaphore_mem>>) src(%dma_wait3A_197 : memref<128x128xf32, #tpu.memory_space<vmem>>) dst(%dma_wait3A_203 : memref<4096x128xf32, #tpu.memory_space<vmem_shared>>)
    %dma_wait3A_204 = arith.constant 1 : i32
    %dma_wait3A_205 = arith.constant 1 : i32
    %dma_wait3A_206 = arith.constant 0 : i32
    %dma_wait3A_207 = arith.constant 0 : i32
    %dma_wait3A_208 = tpu.memref_slice %arg10[%dma_wait3A_204, %dma_wait3A_206, %dma_wait3A_207] : memref<5x128x128xf32, #tpu.memory_space<vmem>> -> memref<1x128x128xf32, #tpu.memory_space<vmem>>
    %dma_wait3A_209 = tpu.memref_squeeze %dma_wait3A_208 : memref<1x128x128xf32, #tpu.memory_space<vmem>> -> memref<128x128xf32, #tpu.memory_space<vmem>>
    %dma_wait3A_210 = arith.constant 0 : i32
    %dma_wait3A_211 = tpu.memref_slice %arg9[%dma_wait3A_205, %dma_wait3A_210] : memref<4x128xi32, #tpu.memory_space<vmem>> -> memref<1x128xi32, #tpu.memory_space<vmem>>
    %dma_wait3A_212 = tpu.memref_squeeze %dma_wait3A_211 : memref<1x128xi32, #tpu.memory_space<vmem>> -> memref<128xi32, #tpu.memory_space<vmem>>
    %dma_wait3A_213 = arith.constant 0 : i32
    %dma_wait3A_214 = arith.constant 0 : i32
    %dma_wait3A_215 = tpu.memref_slice %arg8[%dma_wait3A_213, %dma_wait3A_214] : memref<4096x128xf32, #tpu.memory_space<vmem_shared>> -> memref<4096x128xf32, #tpu.memory_space<vmem_shared>>
    tpu.wait_indirect_dma semaphore(%arg12 : memref<!tpu.dma_semaphore, #tpu.memory_space<semaphore_mem>>) src(%dma_wait3A_209 : memref<128x128xf32, #tpu.memory_space<vmem>>) dst(%dma_wait3A_215 : memref<4096x128xf32, #tpu.memory_space<vmem_shared>>)
    %dma_wait3A_216 = arith.constant 2 : i32
    %dma_wait3A_217 = arith.constant 2 : i32
    %dma_wait3A_218 = arith.constant 0 : i32
    %dma_wait3A_219 = arith.constant 0 : i32
    %dma_wait3A_220 = tpu.memref_slice %arg10[%dma_wait3A_216, %dma_wait3A_218, %dma_wait3A_219] : memref<5x128x128xf32, #tpu.memory_space<vmem>> -> memref<1x128x128xf32, #tpu.memory_space<vmem>>
    %dma_wait3A_221 = tpu.memref_squeeze %dma_wait3A_220 : memref<1x128x128xf32, #tpu.memory_space<vmem>> -> memref<128x128xf32, #tpu.memory_space<vmem>>
    %dma_wait3A_222 = arith.constant 0 : i32
    %dma_wait3A_223 = tpu.memref_slice %arg9[%dma_wait3A_217, %dma_wait3A_222] : memref<4x128xi32, #tpu.memory_space<vmem>> -> memref<1x128xi32, #tpu.memory_space<vmem>>
    %dma_wait3A_224 = tpu.memref_squeeze %dma_wait3A_223 : memref<1x128xi32, #tpu.memory_space<vmem>> -> memref<128xi32, #tpu.memory_space<vmem>>
    %dma_wait3A_225 = arith.constant 0 : i32
    %dma_wait3A_226 = arith.constant 0 : i32
    %dma_wait3A_227 = tpu.memref_slice %arg8[%dma_wait3A_225, %dma_wait3A_226] : memref<4096x128xf32, #tpu.memory_space<vmem_shared>> -> memref<4096x128xf32, #tpu.memory_space<vmem_shared>>
    tpu.wait_indirect_dma semaphore(%arg13 : memref<!tpu.dma_semaphore, #tpu.memory_space<semaphore_mem>>) src(%dma_wait3A_221 : memref<128x128xf32, #tpu.memory_space<vmem>>) dst(%dma_wait3A_227 : memref<4096x128xf32, #tpu.memory_space<vmem_shared>>)
    %dma_wait3A_228 = arith.constant 3 : i32
    %dma_wait3A_229 = arith.constant 3 : i32
    %dma_wait3A_230 = arith.constant 0 : i32
    %dma_wait3A_231 = arith.constant 0 : i32
    %dma_wait3A_232 = tpu.memref_slice %arg10[%dma_wait3A_228, %dma_wait3A_230, %dma_wait3A_231] : memref<5x128x128xf32, #tpu.memory_space<vmem>> -> memref<1x128x128xf32, #tpu.memory_space<vmem>>
    %dma_wait3A_233 = tpu.memref_squeeze %dma_wait3A_232 : memref<1x128x128xf32, #tpu.memory_space<vmem>> -> memref<128x128xf32, #tpu.memory_space<vmem>>
    %dma_wait3A_234 = arith.constant 0 : i32
    %dma_wait3A_235 = tpu.memref_slice %arg9[%dma_wait3A_229, %dma_wait3A_234] : memref<4x128xi32, #tpu.memory_space<vmem>> -> memref<1x128xi32, #tpu.memory_space<vmem>>
    %dma_wait3A_236 = tpu.memref_squeeze %dma_wait3A_235 : memref<1x128xi32, #tpu.memory_space<vmem>> -> memref<128xi32, #tpu.memory_space<vmem>>
    %dma_wait3A_237 = arith.constant 0 : i32
    %dma_wait3A_238 = arith.constant 0 : i32
    %dma_wait3A_239 = tpu.memref_slice %arg8[%dma_wait3A_237, %dma_wait3A_238] : memref<4096x128xf32, #tpu.memory_space<vmem_shared>> -> memref<4096x128xf32, #tpu.memory_space<vmem_shared>>
    tpu.wait_indirect_dma semaphore(%arg14 : memref<!tpu.dma_semaphore, #tpu.memory_space<semaphore_mem>>) src(%dma_wait3A_233 : memref<128x128xf32, #tpu.memory_space<vmem>>) dst(%dma_wait3A_239 : memref<4096x128xf32, #tpu.memory_space<vmem_shared>>)
    %barrier3A_240 = arith.constant 0 : index
    tpu.barrier barrier_id(%barrier3A_240)
    %eq3A_241 = arith.constant 0 : i32
    %eq3A_242 = arith.cmpi eq, %arg0, %eq3A_241 : i32
    %convert_element_type3A_243 = arith.extui %eq3A_242 : i1 to i32
    %cond3A_244 = arith.constant 0 : i32
    %cond3A_245 = arith.cmpi ne, %convert_element_type3A_243, %cond3A_244 : i32
    scf.if %cond3A_245 {
      %mul3A_251 = arith.constant 256 : i32
      %mul3A_252 = arith.muli %arg1, %mul3A_251 : i32
      %mul3A_253 = arith.constant 256 : i32
      %mul3A_254 = arith.muli %arg1, %mul3A_253 : i32
      "tpu.region"() ({
        %run_scoped3A = tpu.sem_alloc : memref<!tpu.dma_semaphore, #tpu.memory_space<semaphore_mem>>
        %dma_start3A_255 = arith.constant 0 : i32
        %dma_start3A_256 = tpu.memref_slice %arg6[%mul3A_254, %dma_start3A_255] : memref<4096x128xf32, #tpu.memory_space<hbm>> -> memref<256x128xf32, #tpu.memory_space<hbm>>
        %dma_start3A_257 = arith.constant 0 : i32
        %dma_start3A_258 = tpu.memref_slice %arg8[%mul3A_252, %dma_start3A_257] : memref<4096x128xf32, #tpu.memory_space<vmem_shared>> -> memref<256x128xf32, #tpu.memory_space<vmem_shared>>
        tpu.enqueue_dma source(%dma_start3A_258 : memref<256x128xf32, #tpu.memory_space<vmem_shared>>) target(%dma_start3A_256 : memref<256x128xf32, #tpu.memory_space<hbm>>) target_semaphore(%run_scoped3A : memref<!tpu.dma_semaphore, #tpu.memory_space<semaphore_mem>>)
        %dma_wait3A_259 = arith.constant 0 : i32
        %dma_wait3A_260 = tpu.memref_slice %arg6[%mul3A_254, %dma_wait3A_259] : memref<4096x128xf32, #tpu.memory_space<hbm>> -> memref<256x128xf32, #tpu.memory_space<hbm>>
        %dma_wait3A_261 = arith.constant 0 : i32
        %dma_wait3A_262 = tpu.memref_slice %arg8[%mul3A_252, %dma_wait3A_261] : memref<4096x128xf32, #tpu.memory_space<vmem_shared>> -> memref<256x128xf32, #tpu.memory_space<vmem_shared>>
        tpu.wait_dma2 semaphore(%run_scoped3A : memref<!tpu.dma_semaphore, #tpu.memory_space<semaphore_mem>>) src(%dma_wait3A_262 : memref<256x128xf32, #tpu.memory_space<vmem_shared>>) dst(%dma_wait3A_260 : memref<256x128xf32, #tpu.memory_space<hbm>>)
        tpu.yield
      }) : () -> ()
    } else {
    }
    %eq3A_246 = arith.constant 1 : i32
    %eq3A_247 = arith.cmpi eq, %arg0, %eq3A_246 : i32
    %convert_element_type3A_248 = arith.extui %eq3A_247 : i1 to i32
    %cond3A_249 = arith.constant 0 : i32
    %cond3A_250 = arith.cmpi ne, %convert_element_type3A_248, %cond3A_249 : i32
    scf.if %cond3A_250 {
      %mul3A_251 = arith.constant 256 : i32
      %mul3A_252 = arith.muli %arg1, %mul3A_251 : i32
      %mul3A_253 = arith.constant 256 : i32
      %mul3A_254 = arith.muli %arg1, %mul3A_253 : i32
      "tpu.region"() ({
        %run_scoped3A = tpu.sem_alloc : memref<!tpu.dma_semaphore, #tpu.memory_space<semaphore_mem>>
        %dma_start3A_255 = arith.constant 0 : i32
        %dma_start3A_256 = tpu.memref_slice %arg7[%mul3A_254, %dma_start3A_255] : memref<4096x128xf32, #tpu.memory_space<hbm>> -> memref<256x128xf32, #tpu.memory_space<hbm>>
        %dma_start3A_257 = arith.constant 0 : i32
        %dma_start3A_258 = tpu.memref_slice %arg8[%mul3A_252, %dma_start3A_257] : memref<4096x128xf32, #tpu.memory_space<vmem_shared>> -> memref<256x128xf32, #tpu.memory_space<vmem_shared>>
        tpu.enqueue_dma source(%dma_start3A_258 : memref<256x128xf32, #tpu.memory_space<vmem_shared>>) target(%dma_start3A_256 : memref<256x128xf32, #tpu.memory_space<hbm>>) target_semaphore(%run_scoped3A : memref<!tpu.dma_semaphore, #tpu.memory_space<semaphore_mem>>)
        %dma_wait3A_259 = arith.constant 0 : i32
        %dma_wait3A_260 = tpu.memref_slice %arg7[%mul3A_254, %dma_wait3A_259] : memref<4096x128xf32, #tpu.memory_space<hbm>> -> memref<256x128xf32, #tpu.memory_space<hbm>>
        %dma_wait3A_261 = arith.constant 0 : i32
        %dma_wait3A_262 = tpu.memref_slice %arg8[%mul3A_252, %dma_wait3A_261] : memref<4096x128xf32, #tpu.memory_space<vmem_shared>> -> memref<256x128xf32, #tpu.memory_space<vmem_shared>>
        tpu.wait_dma2 semaphore(%run_scoped3A : memref<!tpu.dma_semaphore, #tpu.memory_space<semaphore_mem>>) src(%dma_wait3A_262 : memref<256x128xf32, #tpu.memory_space<vmem_shared>>) dst(%dma_wait3A_260 : memref<256x128xf32, #tpu.memory_space<hbm>>)
        tpu.yield
      }) : () -> ()
    } else {
    }
    return
  }
}

#map = affine_map<(d0, d1) -> (0, 0)>
module attributes {stable_mosaic.version = 14 : i64} {
  func.func @scatter_k(%arg0: i32, %arg1: i32, %arg2: memref<32768x128xf32, #tpu.memory_space<hbm>>, %arg3: memref<256x128xi32, #tpu.memory_space<hbm>>, %arg4: memref<4096x128xf32, #tpu.memory_space<hbm>>, %arg5: memref<4096x128xf32, #tpu.memory_space<hbm>>, %arg6: memref<4096x128xf32, #tpu.memory_space<vmem_shared>>, %arg7: memref<8x128xi32, #tpu.memory_space<vmem>>, %arg8: memref<5x128x128xf32, #tpu.memory_space<vmem>>, %arg9: memref<!tpu.dma_semaphore, #tpu.memory_space<semaphore_mem>>, %arg10: memref<!tpu.dma_semaphore, #tpu.memory_space<semaphore_mem>>, %arg11: memref<!tpu.dma_semaphore, #tpu.memory_space<semaphore_mem>>, %arg12: memref<!tpu.dma_semaphore, #tpu.memory_space<semaphore_mem>>, %arg13: memref<!tpu.dma_semaphore, #tpu.memory_space<semaphore_mem>>) attributes {dimension_semantics = [#tpu.dimension_semantics<core_parallel>, #tpu.dimension_semantics<subcore_parallel>], iteration_bounds = array<i64: 2, 16>, scalar_prefetch = 0 : i64, scratch_operands = 8 : i64, tpu.core_type = #tpu.core_type<sc_vector_subcore>, window_params = [{transform_indices = #map}, {transform_indices = #map}, {transform_indices = #map}, {transform_indices = #map}]} {
    %scan3A = arith.constant 0 : i32
    %scan3A_0 = arith.constant 128 : i32
    %scan3A_1 = arith.addi %scan3A, %scan3A_0 : i32
    %scan3A_2 = arith.constant 1 : i32
    scf.for %scan3A_484 = %scan3A to %scan3A_1 step %scan3A_2  : i32 {
      %mul3A_485 = arith.constant 1 : i32
      %mul3A_486 = arith.muli %scan3A_484, %mul3A_485 : i32
      %add3A_487 = arith.constant 0 : i32
      %add3A_488 = arith.addi %add3A_487, %mul3A_486 : i32
      %broadcast_in_dim3A = arith.constant 0.000000e+00 : f32
      %broadcast_in_dim3A_489 = vector.broadcast %broadcast_in_dim3A : f32 to vector<16xf32>
      %swap3A = arith.constant 0 : i32
      %swap3A_490 = arith.index_cast %swap3A : i32 to index
      %swap3A_491 = arith.index_cast %add3A_488 : i32 to index
      %swap3A_492 = arith.constant 0 : index
      %swap3A_493 = tpu.vector_load %arg8[%swap3A_490, %swap3A_491, %swap3A_492] {strides = array<i32>} : memref<5x128x128xf32, #tpu.memory_space<vmem>>, vector<1x1x16xf32>,
      %swap3A_494 = vector.shape_cast %swap3A_493 : vector<1x1x16xf32> to vector<16xf32>
      %swap3A_495 = vector.shape_cast %broadcast_in_dim3A_489 : vector<16xf32> to vector<1x1x16xf32>
      tpu.vector_store %arg8[%swap3A_490, %swap3A_491, %swap3A_492], %swap3A_495 {strides = array<i32>} : memref<5x128x128xf32, #tpu.memory_space<vmem>>, vector<1x1x16xf32>,
      %broadcast_in_dim3A_496 = arith.constant 0.000000e+00 : f32
      %broadcast_in_dim3A_497 = vector.broadcast %broadcast_in_dim3A_496 : f32 to vector<16xf32>
      %swap3A_498 = arith.constant 0 : i32
      %swap3A_499 = arith.index_cast %swap3A_498 : i32 to index
      %swap3A_500 = arith.index_cast %add3A_488 : i32 to index
      %swap3A_501 = arith.constant 16 : index
      %swap3A_502 = tpu.vector_load %arg8[%swap3A_499, %swap3A_500, %swap3A_501] {strides = array<i32>} : memref<5x128x128xf32, #tpu.memory_space<vmem>>, vector<1x1x16xf32>,
      %swap3A_503 = vector.shape_cast %swap3A_502 : vector<1x1x16xf32> to vector<16xf32>
      %swap3A_504 = vector.shape_cast %broadcast_in_dim3A_497 : vector<16xf32> to vector<1x1x16xf32>
      tpu.vector_store %arg8[%swap3A_499, %swap3A_500, %swap3A_501], %swap3A_504 {strides = array<i32>} : memref<5x128x128xf32, #tpu.memory_space<vmem>>, vector<1x1x16xf32>,
      %broadcast_in_dim3A_505 = arith.constant 0.000000e+00 : f32
      %broadcast_in_dim3A_506 = vector.broadcast %broadcast_in_dim3A_505 : f32 to vector<16xf32>
      %swap3A_507 = arith.constant 0 : i32
      %swap3A_508 = arith.index_cast %swap3A_507 : i32 to index
      %swap3A_509 = arith.index_cast %add3A_488 : i32 to index
      %swap3A_510 = arith.constant 32 : index
      %swap3A_511 = tpu.vector_load %arg8[%swap3A_508, %swap3A_509, %swap3A_510] {strides = array<i32>} : memref<5x128x128xf32, #tpu.memory_space<vmem>>, vector<1x1x16xf32>,
      %swap3A_512 = vector.shape_cast %swap3A_511 : vector<1x1x16xf32> to vector<16xf32>
      %swap3A_513 = vector.shape_cast %broadcast_in_dim3A_506 : vector<16xf32> to vector<1x1x16xf32>
      tpu.vector_store %arg8[%swap3A_508, %swap3A_509, %swap3A_510], %swap3A_513 {strides = array<i32>} : memref<5x128x128xf32, #tpu.memory_space<vmem>>, vector<1x1x16xf32>,
      %broadcast_in_dim3A_514 = arith.constant 0.000000e+00 : f32
      %broadcast_in_dim3A_515 = vector.broadcast %broadcast_in_dim3A_514 : f32 to vector<16xf32>
      %swap3A_516 = arith.constant 0 : i32
      %swap3A_517 = arith.index_cast %swap3A_516 : i32 to index
      %swap3A_518 = arith.index_cast %add3A_488 : i32 to index
      %swap3A_519 = arith.constant 48 : index
      %swap3A_520 = tpu.vector_load %arg8[%swap3A_517, %swap3A_518, %swap3A_519] {strides = array<i32>} : memref<5x128x128xf32, #tpu.memory_space<vmem>>, vector<1x1x16xf32>,
      %swap3A_521 = vector.shape_cast %swap3A_520 : vector<1x1x16xf32> to vector<16xf32>
      %swap3A_522 = vector.shape_cast %broadcast_in_dim3A_515 : vector<16xf32> to vector<1x1x16xf32>
      tpu.vector_store %arg8[%swap3A_517, %swap3A_518, %swap3A_519], %swap3A_522 {strides = array<i32>} : memref<5x128x128xf32, #tpu.memory_space<vmem>>, vector<1x1x16xf32>,
      %broadcast_in_dim3A_523 = arith.constant 0.000000e+00 : f32
      %broadcast_in_dim3A_524 = vector.broadcast %broadcast_in_dim3A_523 : f32 to vector<16xf32>
      %swap3A_525 = arith.constant 0 : i32
      %swap3A_526 = arith.index_cast %swap3A_525 : i32 to index
      %swap3A_527 = arith.index_cast %add3A_488 : i32 to index
      %swap3A_528 = arith.constant 64 : index
      %swap3A_529 = tpu.vector_load %arg8[%swap3A_526, %swap3A_527, %swap3A_528] {strides = array<i32>} : memref<5x128x128xf32, #tpu.memory_space<vmem>>, vector<1x1x16xf32>,
      %swap3A_530 = vector.shape_cast %swap3A_529 : vector<1x1x16xf32> to vector<16xf32>
      %swap3A_531 = vector.shape_cast %broadcast_in_dim3A_524 : vector<16xf32> to vector<1x1x16xf32>
      tpu.vector_store %arg8[%swap3A_526, %swap3A_527, %swap3A_528], %swap3A_531 {strides = array<i32>} : memref<5x128x128xf32, #tpu.memory_space<vmem>>, vector<1x1x16xf32>,
      %broadcast_in_dim3A_532 = arith.constant 0.000000e+00 : f32
      %broadcast_in_dim3A_533 = vector.broadcast %broadcast_in_dim3A_532 : f32 to vector<16xf32>
      %swap3A_534 = arith.constant 0 : i32
      %swap3A_535 = arith.index_cast %swap3A_534 : i32 to index
      %swap3A_536 = arith.index_cast %add3A_488 : i32 to index
      %swap3A_537 = arith.constant 80 : index
      %swap3A_538 = tpu.vector_load %arg8[%swap3A_535, %swap3A_536, %swap3A_537] {strides = array<i32>} : memref<5x128x128xf32, #tpu.memory_space<vmem>>, vector<1x1x16xf32>,
      %swap3A_539 = vector.shape_cast %swap3A_538 : vector<1x1x16xf32> to vector<16xf32>
      %swap3A_540 = vector.shape_cast %broadcast_in_dim3A_533 : vector<16xf32> to vector<1x1x16xf32>
      tpu.vector_store %arg8[%swap3A_535, %swap3A_536, %swap3A_537], %swap3A_540 {strides = array<i32>} : memref<5x128x128xf32, #tpu.memory_space<vmem>>, vector<1x1x16xf32>,
      %broadcast_in_dim3A_541 = arith.constant 0.000000e+00 : f32
      %broadcast_in_dim3A_542 = vector.broadcast %broadcast_in_dim3A_541 : f32 to vector<16xf32>
      %swap3A_543 = arith.constant 0 : i32
      %swap3A_544 = arith.index_cast %swap3A_543 : i32 to index
      %swap3A_545 = arith.index_cast %add3A_488 : i32 to index
      %swap3A_546 = arith.constant 96 : index
      %swap3A_547 = tpu.vector_load %arg8[%swap3A_544, %swap3A_545, %swap3A_546] {strides = array<i32>} : memref<5x128x128xf32, #tpu.memory_space<vmem>>, vector<1x1x16xf32>,
      %swap3A_548 = vector.shape_cast %swap3A_547 : vector<1x1x16xf32> to vector<16xf32>
      %swap3A_549 = vector.shape_cast %broadcast_in_dim3A_542 : vector<16xf32> to vector<1x1x16xf32>
      tpu.vector_store %arg8[%swap3A_544, %swap3A_545, %swap3A_546], %swap3A_549 {strides = array<i32>} : memref<5x128x128xf32, #tpu.memory_space<vmem>>, vector<1x1x16xf32>,
      %broadcast_in_dim3A_550 = arith.constant 0.000000e+00 : f32
      %broadcast_in_dim3A_551 = vector.broadcast %broadcast_in_dim3A_550 : f32 to vector<16xf32>
      %swap3A_552 = arith.constant 0 : i32
      %swap3A_553 = arith.index_cast %swap3A_552 : i32 to index
      %swap3A_554 = arith.index_cast %add3A_488 : i32 to index
      %swap3A_555 = arith.constant 112 : index
      %swap3A_556 = tpu.vector_load %arg8[%swap3A_553, %swap3A_554, %swap3A_555] {strides = array<i32>} : memref<5x128x128xf32, #tpu.memory_space<vmem>>, vector<1x1x16xf32>,
      %swap3A_557 = vector.shape_cast %swap3A_556 : vector<1x1x16xf32> to vector<16xf32>
      %swap3A_558 = vector.shape_cast %broadcast_in_dim3A_551 : vector<16xf32> to vector<1x1x16xf32>
      tpu.vector_store %arg8[%swap3A_553, %swap3A_554, %swap3A_555], %swap3A_558 {strides = array<i32>} : memref<5x128x128xf32, #tpu.memory_space<vmem>>, vector<1x1x16xf32>,
    }
    %scan3A_3 = arith.constant 128 : i32
    %mul3A = arith.constant 256 : i32
    %mul3A_4 = arith.muli %arg1, %mul3A : i32
    %run_scoped3A = arith.constant 0 : i32
    "tpu.region"() ({
      %run_scoped3A_484 = tpu.sem_alloc : memref<!tpu.dma_semaphore, #tpu.memory_space<semaphore_mem>>
      %dma_start3A_485 = arith.constant 0 : i32
      %dma_start3A_486 = arith.constant 0 : i32
      %dma_start3A_487 = tpu.memref_slice %arg8[%run_scoped3A, %dma_start3A_485, %dma_start3A_486] : memref<5x128x128xf32, #tpu.memory_space<vmem>> -> memref<1x128x128xf32, #tpu.memory_space<vmem>>
      %dma_start3A_488 = tpu.memref_squeeze %dma_start3A_487 : memref<1x128x128xf32, #tpu.memory_space<vmem>> -> memref<128x128xf32, #tpu.memory_space<vmem>>
      %dma_start3A_489 = arith.constant 0 : i32
      %dma_start3A_490 = tpu.memref_slice %arg6[%mul3A_4, %dma_start3A_489] : memref<4096x128xf32, #tpu.memory_space<vmem_shared>> -> memref<128x128xf32, #tpu.memory_space<vmem_shared>>
      %dma_start3A_491 = arith.constant 0 : i32
      %dma_start3A_492 = tpu.memref_slice %arg6[%mul3A_4, %dma_start3A_491] : memref<4096x128xf32, #tpu.memory_space<vmem_shared>> -> memref<128x128xf32, #tpu.memory_space<vmem_shared>>
      %dma_start3A_493 = arith.constant 0 : i32
      %dma_start3A_494 = arith.constant 0 : i32
      %dma_start3A_495 = tpu.memref_slice %arg8[%run_scoped3A, %dma_start3A_493, %dma_start3A_494] : memref<5x128x128xf32, #tpu.memory_space<vmem>> -> memref<1x128x128xf32, #tpu.memory_space<vmem>>
      %dma_start3A_496 = tpu.memref_squeeze %dma_start3A_495 : memref<1x128x128xf32, #tpu.memory_space<vmem>> -> memref<128x128xf32, #tpu.memory_space<vmem>>
      tpu.enqueue_dma source(%dma_start3A_496 : memref<128x128xf32, #tpu.memory_space<vmem>>) target(%dma_start3A_492 : memref<128x128xf32, #tpu.memory_space<vmem_shared>>) target_semaphore(%run_scoped3A_484 : memref<!tpu.dma_semaphore, #tpu.memory_space<semaphore_mem>>)
      %dma_wait3A_497 = arith.constant 0 : i32
      %dma_wait3A_498 = arith.constant 0 : i32
      %dma_wait3A_499 = tpu.memref_slice %arg8[%run_scoped3A, %dma_wait3A_497, %dma_wait3A_498] : memref<5x128x128xf32, #tpu.memory_space<vmem>> -> memref<1x128x128xf32, #tpu.memory_space<vmem>>
      %dma_wait3A_500 = tpu.memref_squeeze %dma_wait3A_499 : memref<1x128x128xf32, #tpu.memory_space<vmem>> -> memref<128x128xf32, #tpu.memory_space<vmem>>
      %dma_wait3A_501 = arith.constant 0 : i32
      %dma_wait3A_502 = tpu.memref_slice %arg6[%mul3A_4, %dma_wait3A_501] : memref<4096x128xf32, #tpu.memory_space<vmem_shared>> -> memref<128x128xf32, #tpu.memory_space<vmem_shared>>
      %dma_wait3A_503 = arith.constant 0 : i32
      %dma_wait3A_504 = tpu.memref_slice %arg6[%mul3A_4, %dma_wait3A_503] : memref<4096x128xf32, #tpu.memory_space<vmem_shared>> -> memref<128x128xf32, #tpu.memory_space<vmem_shared>>
      %dma_wait3A_505 = arith.constant 0 : i32
      %dma_wait3A_506 = arith.constant 0 : i32
      %dma_wait3A_507 = tpu.memref_slice %arg8[%run_scoped3A, %dma_wait3A_505, %dma_wait3A_506] : memref<5x128x128xf32, #tpu.memory_space<vmem>> -> memref<1x128x128xf32, #tpu.memory_space<vmem>>
      %dma_wait3A_508 = tpu.memref_squeeze %dma_wait3A_507 : memref<1x128x128xf32, #tpu.memory_space<vmem>> -> memref<128x128xf32, #tpu.memory_space<vmem>>
      tpu.wait_dma2 semaphore(%run_scoped3A_484 : memref<!tpu.dma_semaphore, #tpu.memory_space<semaphore_mem>>) src(%dma_wait3A_508 : memref<128x128xf32, #tpu.memory_space<vmem>>) dst(%dma_wait3A_504 : memref<128x128xf32, #tpu.memory_space<vmem_shared>>)
      tpu.yield
    }) : () -> ()
    %mul3A_5 = arith.constant 256 : i32
    %mul3A_6 = arith.muli %arg1, %mul3A_5 : i32
    %add3A = arith.constant 128 : i32
    %add3A_7 = arith.addi %mul3A_6, %add3A : i32
    %run_scoped3A_8 = arith.constant 0 : i32
    "tpu.region"() ({
      %run_scoped3A_484 = tpu.sem_alloc : memref<!tpu.dma_semaphore, #tpu.memory_space<semaphore_mem>>
      %dma_start3A_485 = arith.constant 0 : i32
      %dma_start3A_486 = arith.constant 0 : i32
      %dma_start3A_487 = tpu.memref_slice %arg8[%run_scoped3A_8, %dma_start3A_485, %dma_start3A_486] : memref<5x128x128xf32, #tpu.memory_space<vmem>> -> memref<1x128x128xf32, #tpu.memory_space<vmem>>
      %dma_start3A_488 = tpu.memref_squeeze %dma_start3A_487 : memref<1x128x128xf32, #tpu.memory_space<vmem>> -> memref<128x128xf32, #tpu.memory_space<vmem>>
      %dma_start3A_489 = arith.constant 0 : i32
      %dma_start3A_490 = tpu.memref_slice %arg6[%add3A_7, %dma_start3A_489] : memref<4096x128xf32, #tpu.memory_space<vmem_shared>> -> memref<128x128xf32, #tpu.memory_space<vmem_shared>>
      %dma_start3A_491 = arith.constant 0 : i32
      %dma_start3A_492 = tpu.memref_slice %arg6[%add3A_7, %dma_start3A_491] : memref<4096x128xf32, #tpu.memory_space<vmem_shared>> -> memref<128x128xf32, #tpu.memory_space<vmem_shared>>
      %dma_start3A_493 = arith.constant 0 : i32
      %dma_start3A_494 = arith.constant 0 : i32
      %dma_start3A_495 = tpu.memref_slice %arg8[%run_scoped3A_8, %dma_start3A_493, %dma_start3A_494] : memref<5x128x128xf32, #tpu.memory_space<vmem>> -> memref<1x128x128xf32, #tpu.memory_space<vmem>>
      %dma_start3A_496 = tpu.memref_squeeze %dma_start3A_495 : memref<1x128x128xf32, #tpu.memory_space<vmem>> -> memref<128x128xf32, #tpu.memory_space<vmem>>
      tpu.enqueue_dma source(%dma_start3A_496 : memref<128x128xf32, #tpu.memory_space<vmem>>) target(%dma_start3A_492 : memref<128x128xf32, #tpu.memory_space<vmem_shared>>) target_semaphore(%run_scoped3A_484 : memref<!tpu.dma_semaphore, #tpu.memory_space<semaphore_mem>>)
      %dma_wait3A_497 = arith.constant 0 : i32
      %dma_wait3A_498 = arith.constant 0 : i32
      %dma_wait3A_499 = tpu.memref_slice %arg8[%run_scoped3A_8, %dma_wait3A_497, %dma_wait3A_498] : memref<5x128x128xf32, #tpu.memory_space<vmem>> -> memref<1x128x128xf32, #tpu.memory_space<vmem>>
      %dma_wait3A_500 = tpu.memref_squeeze %dma_wait3A_499 : memref<1x128x128xf32, #tpu.memory_space<vmem>> -> memref<128x128xf32, #tpu.memory_space<vmem>>
      %dma_wait3A_501 = arith.constant 0 : i32
      %dma_wait3A_502 = tpu.memref_slice %arg6[%add3A_7, %dma_wait3A_501] : memref<4096x128xf32, #tpu.memory_space<vmem_shared>> -> memref<128x128xf32, #tpu.memory_space<vmem_shared>>
      %dma_wait3A_503 = arith.constant 0 : i32
      %dma_wait3A_504 = tpu.memref_slice %arg6[%add3A_7, %dma_wait3A_503] : memref<4096x128xf32, #tpu.memory_space<vmem_shared>> -> memref<128x128xf32, #tpu.memory_space<vmem_shared>>
      %dma_wait3A_505 = arith.constant 0 : i32
      %dma_wait3A_506 = arith.constant 0 : i32
      %dma_wait3A_507 = tpu.memref_slice %arg8[%run_scoped3A_8, %dma_wait3A_505, %dma_wait3A_506] : memref<5x128x128xf32, #tpu.memory_space<vmem>> -> memref<1x128x128xf32, #tpu.memory_space<vmem>>
      %dma_wait3A_508 = tpu.memref_squeeze %dma_wait3A_507 : memref<1x128x128xf32, #tpu.memory_space<vmem>> -> memref<128x128xf32, #tpu.memory_space<vmem>>
      tpu.wait_dma2 semaphore(%run_scoped3A_484 : memref<!tpu.dma_semaphore, #tpu.memory_space<semaphore_mem>>) src(%dma_wait3A_508 : memref<128x128xf32, #tpu.memory_space<vmem>>) dst(%dma_wait3A_504 : memref<128x128xf32, #tpu.memory_space<vmem_shared>>)
      tpu.yield
    }) : () -> ()
    %barrier3A = arith.constant 0 : index
    tpu.barrier barrier_id(%barrier3A)
    %mul3A_9 = arith.constant 128 : i32
    %mul3A_10 = arith.muli %arg0, %mul3A_9 : i32
    %mul3A_11 = arith.constant 8 : i32
    %mul3A_12 = arith.muli %arg1, %mul3A_11 : i32
    %add3A_13 = arith.addi %mul3A_10, %mul3A_12 : i32
    "tpu.region"() ({
      %run_scoped3A_484 = tpu.sem_alloc : memref<!tpu.dma_semaphore, #tpu.memory_space<semaphore_mem>>
      %dma_start3A_485 = arith.constant 0 : i32
      %dma_start3A_486 = tpu.memref_slice %arg3[%add3A_13, %dma_start3A_485] : memref<256x128xi32, #tpu.memory_space<hbm>> -> memref<8x128xi32, #tpu.memory_space<hbm>>
      %dma_start3A_487 = arith.constant 0 : i32
      %dma_start3A_488 = tpu.memref_slice %arg3[%add3A_13, %dma_start3A_487] : memref<256x128xi32, #tpu.memory_space<hbm>> -> memref<8x128xi32, #tpu.memory_space<hbm>>
      tpu.enqueue_dma source(%dma_start3A_488 : memref<8x128xi32, #tpu.memory_space<hbm>>) target(%arg7 : memref<8x128xi32, #tpu.memory_space<vmem>>) target_semaphore(%run_scoped3A_484 : memref<!tpu.dma_semaphore, #tpu.memory_space<semaphore_mem>>)
      %dma_wait3A_489 = arith.constant 0 : i32
      %dma_wait3A_490 = tpu.memref_slice %arg3[%add3A_13, %dma_wait3A_489] : memref<256x128xi32, #tpu.memory_space<hbm>> -> memref<8x128xi32, #tpu.memory_space<hbm>>
      %dma_wait3A_491 = arith.constant 0 : i32
      %dma_wait3A_492 = tpu.memref_slice %arg3[%add3A_13, %dma_wait3A_491] : memref<256x128xi32, #tpu.memory_space<hbm>> -> memref<8x128xi32, #tpu.memory_space<hbm>>
      tpu.wait_dma2 semaphore(%run_scoped3A_484 : memref<!tpu.dma_semaphore, #tpu.memory_space<semaphore_mem>>) src(%dma_wait3A_492 : memref<8x128xi32, #tpu.memory_space<hbm>>) dst(%arg7 : memref<8x128xi32, #tpu.memory_space<vmem>>)
      tpu.yield
    }) : () -> ()
    %add3A_14 = arith.constant 0 : i32
    %add3A_15 = arith.addi %add3A_13, %add3A_14 : i32
    %mul3A_16 = arith.constant 128 : i32
    %mul3A_17 = arith.muli %add3A_15, %mul3A_16 : i32
    %dma_start3A = arith.constant 0 : i32
    %dma_start3A_18 = arith.constant 0 : i32
    %dma_start3A_19 = arith.constant 0 : i32
    %dma_start3A_20 = tpu.memref_slice %arg8[%dma_start3A, %dma_start3A_18, %dma_start3A_19] : memref<5x128x128xf32, #tpu.memory_space<vmem>> -> memref<1x128x128xf32, #tpu.memory_space<vmem>>
    %dma_start3A_21 = tpu.memref_squeeze %dma_start3A_20 : memref<1x128x128xf32, #tpu.memory_space<vmem>> -> memref<128x128xf32, #tpu.memory_space<vmem>>
    %dma_start3A_22 = arith.constant 0 : i32
    %dma_start3A_23 = tpu.memref_slice %arg2[%mul3A_17, %dma_start3A_22] : memref<32768x128xf32, #tpu.memory_space<hbm>> -> memref<128x128xf32, #tpu.memory_space<hbm>>
    %dma_start3A_24 = arith.constant 0 : i32
    %dma_start3A_25 = arith.constant 0 : i32
    %dma_start3A_26 = tpu.memref_slice %arg8[%dma_start3A, %dma_start3A_24, %dma_start3A_25] : memref<5x128x128xf32, #tpu.memory_space<vmem>> -> memref<1x128x128xf32, #tpu.memory_space<vmem>>
    %dma_start3A_27 = tpu.memref_squeeze %dma_start3A_26 : memref<1x128x128xf32, #tpu.memory_space<vmem>> -> memref<128x128xf32, #tpu.memory_space<vmem>>
    %dma_start3A_28 = arith.constant 0 : i32
    %dma_start3A_29 = tpu.memref_slice %arg2[%mul3A_17, %dma_start3A_28] : memref<32768x128xf32, #tpu.memory_space<hbm>> -> memref<128x128xf32, #tpu.memory_space<hbm>>
    tpu.enqueue_dma source(%dma_start3A_29 : memref<128x128xf32, #tpu.memory_space<hbm>>) target(%dma_start3A_27 : memref<128x128xf32, #tpu.memory_space<vmem>>) target_semaphore(%arg9 : memref<!tpu.dma_semaphore, #tpu.memory_space<semaphore_mem>>)
    %add3A_30 = arith.constant 1 : i32
    %add3A_31 = arith.addi %add3A_13, %add3A_30 : i32
    %mul3A_32 = arith.constant 128 : i32
    %mul3A_33 = arith.muli %add3A_31, %mul3A_32 : i32
    %dma_start3A_34 = arith.constant 1 : i32
    %dma_start3A_35 = arith.constant 0 : i32
    %dma_start3A_36 = arith.constant 0 : i32
    %dma_start3A_37 = tpu.memref_slice %arg8[%dma_start3A_34, %dma_start3A_35, %dma_start3A_36] : memref<5x128x128xf32, #tpu.memory_space<vmem>> -> memref<1x128x128xf32, #tpu.memory_space<vmem>>
    %dma_start3A_38 = tpu.memref_squeeze %dma_start3A_37 : memref<1x128x128xf32, #tpu.memory_space<vmem>> -> memref<128x128xf32, #tpu.memory_space<vmem>>
    %dma_start3A_39 = arith.constant 0 : i32
    %dma_start3A_40 = tpu.memref_slice %arg2[%mul3A_33, %dma_start3A_39] : memref<32768x128xf32, #tpu.memory_space<hbm>> -> memref<128x128xf32, #tpu.memory_space<hbm>>
    %dma_start3A_41 = arith.constant 0 : i32
    %dma_start3A_42 = arith.constant 0 : i32
    %dma_start3A_43 = tpu.memref_slice %arg8[%dma_start3A_34, %dma_start3A_41, %dma_start3A_42] : memref<5x128x128xf32, #tpu.memory_space<vmem>> -> memref<1x128x128xf32, #tpu.memory_space<vmem>>
    %dma_start3A_44 = tpu.memref_squeeze %dma_start3A_43 : memref<1x128x128xf32, #tpu.memory_space<vmem>> -> memref<128x128xf32, #tpu.memory_space<vmem>>
    %dma_start3A_45 = arith.constant 0 : i32
    %dma_start3A_46 = tpu.memref_slice %arg2[%mul3A_33, %dma_start3A_45] : memref<32768x128xf32, #tpu.memory_space<hbm>> -> memref<128x128xf32, #tpu.memory_space<hbm>>
    tpu.enqueue_dma source(%dma_start3A_46 : memref<128x128xf32, #tpu.memory_space<hbm>>) target(%dma_start3A_44 : memref<128x128xf32, #tpu.memory_space<vmem>>) target_semaphore(%arg10 : memref<!tpu.dma_semaphore, #tpu.memory_space<semaphore_mem>>)
    %add3A_47 = arith.constant 2 : i32
    %add3A_48 = arith.addi %add3A_13, %add3A_47 : i32
    %mul3A_49 = arith.constant 128 : i32
    %mul3A_50 = arith.muli %add3A_48, %mul3A_49 : i32
    %dma_start3A_51 = arith.constant 2 : i32
    %dma_start3A_52 = arith.constant 0 : i32
    %dma_start3A_53 = arith.constant 0 : i32
    %dma_start3A_54 = tpu.memref_slice %arg8[%dma_start3A_51, %dma_start3A_52, %dma_start3A_53] : memref<5x128x128xf32, #tpu.memory_space<vmem>> -> memref<1x128x128xf32, #tpu.memory_space<vmem>>
    %dma_start3A_55 = tpu.memref_squeeze %dma_start3A_54 : memref<1x128x128xf32, #tpu.memory_space<vmem>> -> memref<128x128xf32, #tpu.memory_space<vmem>>
    %dma_start3A_56 = arith.constant 0 : i32
    %dma_start3A_57 = tpu.memref_slice %arg2[%mul3A_50, %dma_start3A_56] : memref<32768x128xf32, #tpu.memory_space<hbm>> -> memref<128x128xf32, #tpu.memory_space<hbm>>
    %dma_start3A_58 = arith.constant 0 : i32
    %dma_start3A_59 = arith.constant 0 : i32
    %dma_start3A_60 = tpu.memref_slice %arg8[%dma_start3A_51, %dma_start3A_58, %dma_start3A_59] : memref<5x128x128xf32, #tpu.memory_space<vmem>> -> memref<1x128x128xf32, #tpu.memory_space<vmem>>
    %dma_start3A_61 = tpu.memref_squeeze %dma_start3A_60 : memref<1x128x128xf32, #tpu.memory_space<vmem>> -> memref<128x128xf32, #tpu.memory_space<vmem>>
    %dma_start3A_62 = arith.constant 0 : i32
    %dma_start3A_63 = tpu.memref_slice %arg2[%mul3A_50, %dma_start3A_62] : memref<32768x128xf32, #tpu.memory_space<hbm>> -> memref<128x128xf32, #tpu.memory_space<hbm>>
    tpu.enqueue_dma source(%dma_start3A_63 : memref<128x128xf32, #tpu.memory_space<hbm>>) target(%dma_start3A_61 : memref<128x128xf32, #tpu.memory_space<vmem>>) target_semaphore(%arg11 : memref<!tpu.dma_semaphore, #tpu.memory_space<semaphore_mem>>)
    %add3A_64 = arith.constant 3 : i32
    %add3A_65 = arith.addi %add3A_13, %add3A_64 : i32
    %mul3A_66 = arith.constant 128 : i32
    %mul3A_67 = arith.muli %add3A_65, %mul3A_66 : i32
    %dma_start3A_68 = arith.constant 3 : i32
    %dma_start3A_69 = arith.constant 0 : i32
    %dma_start3A_70 = arith.constant 0 : i32
    %dma_start3A_71 = tpu.memref_slice %arg8[%dma_start3A_68, %dma_start3A_69, %dma_start3A_70] : memref<5x128x128xf32, #tpu.memory_space<vmem>> -> memref<1x128x128xf32, #tpu.memory_space<vmem>>
    %dma_start3A_72 = tpu.memref_squeeze %dma_start3A_71 : memref<1x128x128xf32, #tpu.memory_space<vmem>> -> memref<128x128xf32, #tpu.memory_space<vmem>>
    %dma_start3A_73 = arith.constant 0 : i32
    %dma_start3A_74 = tpu.memref_slice %arg2[%mul3A_67, %dma_start3A_73] : memref<32768x128xf32, #tpu.memory_space<hbm>> -> memref<128x128xf32, #tpu.memory_space<hbm>>
    %dma_start3A_75 = arith.constant 0 : i32
    %dma_start3A_76 = arith.constant 0 : i32
    %dma_start3A_77 = tpu.memref_slice %arg8[%dma_start3A_68, %dma_start3A_75, %dma_start3A_76] : memref<5x128x128xf32, #tpu.memory_space<vmem>> -> memref<1x128x128xf32, #tpu.memory_space<vmem>>
    %dma_start3A_78 = tpu.memref_squeeze %dma_start3A_77 : memref<1x128x128xf32, #tpu.memory_space<vmem>> -> memref<128x128xf32, #tpu.memory_space<vmem>>
    %dma_start3A_79 = arith.constant 0 : i32
    %dma_start3A_80 = tpu.memref_slice %arg2[%mul3A_67, %dma_start3A_79] : memref<32768x128xf32, #tpu.memory_space<hbm>> -> memref<128x128xf32, #tpu.memory_space<hbm>>
    tpu.enqueue_dma source(%dma_start3A_80 : memref<128x128xf32, #tpu.memory_space<hbm>>) target(%dma_start3A_78 : memref<128x128xf32, #tpu.memory_space<vmem>>) target_semaphore(%arg12 : memref<!tpu.dma_semaphore, #tpu.memory_space<semaphore_mem>>)
    %add3A_81 = arith.constant 4 : i32
    %add3A_82 = arith.addi %add3A_13, %add3A_81 : i32
    %mul3A_83 = arith.constant 128 : i32
    %mul3A_84 = arith.muli %add3A_82, %mul3A_83 : i32
    %dma_start3A_85 = arith.constant 4 : i32
    %dma_start3A_86 = arith.constant 0 : i32
    %dma_start3A_87 = arith.constant 0 : i32
    %dma_start3A_88 = tpu.memref_slice %arg8[%dma_start3A_85, %dma_start3A_86, %dma_start3A_87] : memref<5x128x128xf32, #tpu.memory_space<vmem>> -> memref<1x128x128xf32, #tpu.memory_space<vmem>>
    %dma_start3A_89 = tpu.memref_squeeze %dma_start3A_88 : memref<1x128x128xf32, #tpu.memory_space<vmem>> -> memref<128x128xf32, #tpu.memory_space<vmem>>
    %dma_start3A_90 = arith.constant 0 : i32
    %dma_start3A_91 = tpu.memref_slice %arg2[%mul3A_84, %dma_start3A_90] : memref<32768x128xf32, #tpu.memory_space<hbm>> -> memref<128x128xf32, #tpu.memory_space<hbm>>
    %dma_start3A_92 = arith.constant 0 : i32
    %dma_start3A_93 = arith.constant 0 : i32
    %dma_start3A_94 = tpu.memref_slice %arg8[%dma_start3A_85, %dma_start3A_92, %dma_start3A_93] : memref<5x128x128xf32, #tpu.memory_space<vmem>> -> memref<1x128x128xf32, #tpu.memory_space<vmem>>
    %dma_start3A_95 = tpu.memref_squeeze %dma_start3A_94 : memref<1x128x128xf32, #tpu.memory_space<vmem>> -> memref<128x128xf32, #tpu.memory_space<vmem>>
    %dma_start3A_96 = arith.constant 0 : i32
    %dma_start3A_97 = tpu.memref_slice %arg2[%mul3A_84, %dma_start3A_96] : memref<32768x128xf32, #tpu.memory_space<hbm>> -> memref<128x128xf32, #tpu.memory_space<hbm>>
    tpu.enqueue_dma source(%dma_start3A_97 : memref<128x128xf32, #tpu.memory_space<hbm>>) target(%dma_start3A_95 : memref<128x128xf32, #tpu.memory_space<vmem>>) target_semaphore(%arg13 : memref<!tpu.dma_semaphore, #tpu.memory_space<semaphore_mem>>)
    %add3A_98 = arith.constant 0 : i32
    %add3A_99 = arith.addi %add3A_13, %add3A_98 : i32
    %mul3A_100 = arith.constant 128 : i32
    %mul3A_101 = arith.muli %add3A_99, %mul3A_100 : i32
    %dma_wait3A = arith.constant 0 : i32
    %dma_wait3A_102 = arith.constant 0 : i32
    %dma_wait3A_103 = arith.constant 0 : i32
    %dma_wait3A_104 = tpu.memref_slice %arg8[%dma_wait3A, %dma_wait3A_102, %dma_wait3A_103] : memref<5x128x128xf32, #tpu.memory_space<vmem>> -> memref<1x128x128xf32, #tpu.memory_space<vmem>>
    %dma_wait3A_105 = tpu.memref_squeeze %dma_wait3A_104 : memref<1x128x128xf32, #tpu.memory_space<vmem>> -> memref<128x128xf32, #tpu.memory_space<vmem>>
    %dma_wait3A_106 = arith.constant 0 : i32
    %dma_wait3A_107 = tpu.memref_slice %arg2[%mul3A_101, %dma_wait3A_106] : memref<32768x128xf32, #tpu.memory_space<hbm>> -> memref<128x128xf32, #tpu.memory_space<hbm>>
    %dma_wait3A_108 = arith.constant 0 : i32
    %dma_wait3A_109 = arith.constant 0 : i32
    %dma_wait3A_110 = tpu.memref_slice %arg8[%dma_wait3A, %dma_wait3A_108, %dma_wait3A_109] : memref<5x128x128xf32, #tpu.memory_space<vmem>> -> memref<1x128x128xf32, #tpu.memory_space<vmem>>
    %dma_wait3A_111 = tpu.memref_squeeze %dma_wait3A_110 : memref<1x128x128xf32, #tpu.memory_space<vmem>> -> memref<128x128xf32, #tpu.memory_space<vmem>>
    %dma_wait3A_112 = arith.constant 0 : i32
    %dma_wait3A_113 = tpu.memref_slice %arg2[%mul3A_101, %dma_wait3A_112] : memref<32768x128xf32, #tpu.memory_space<hbm>> -> memref<128x128xf32, #tpu.memory_space<hbm>>
    tpu.wait_dma2 semaphore(%arg9 : memref<!tpu.dma_semaphore, #tpu.memory_space<semaphore_mem>>) src(%dma_wait3A_113 : memref<128x128xf32, #tpu.memory_space<hbm>>) dst(%dma_wait3A_111 : memref<128x128xf32, #tpu.memory_space<vmem>>)
    %dma_start3A_114 = arith.constant 0 : i32
    %dma_start3A_115 = arith.constant 0 : i32
    %dma_start3A_116 = arith.constant 0 : i32
    %dma_start3A_117 = arith.constant 0 : i32
    %dma_start3A_118 = tpu.memref_slice %arg8[%dma_start3A_114, %dma_start3A_116, %dma_start3A_117] : memref<5x128x128xf32, #tpu.memory_space<vmem>> -> memref<1x128x128xf32, #tpu.memory_space<vmem>>
    %dma_start3A_119 = tpu.memref_squeeze %dma_start3A_118 : memref<1x128x128xf32, #tpu.memory_space<vmem>> -> memref<128x128xf32, #tpu.memory_space<vmem>>
    %dma_start3A_120 = arith.constant 0 : i32
    %dma_start3A_121 = tpu.memref_slice %arg7[%dma_start3A_115, %dma_start3A_120] : memref<8x128xi32, #tpu.memory_space<vmem>> -> memref<1x128xi32, #tpu.memory_space<vmem>>
    %dma_start3A_122 = tpu.memref_squeeze %dma_start3A_121 : memref<1x128xi32, #tpu.memory_space<vmem>> -> memref<128xi32, #tpu.memory_space<vmem>>
    %dma_start3A_123 = arith.constant 0 : i32
    %dma_start3A_124 = arith.constant 0 : i32
    %dma_start3A_125 = tpu.memref_slice %arg6[%dma_start3A_123, %dma_start3A_124] : memref<4096x128xf32, #tpu.memory_space<vmem_shared>> -> memref<4096x128xf32, #tpu.memory_space<vmem_shared>>
    tpu.enqueue_indirect_dma source(%dma_start3A_119 : memref<128x128xf32, #tpu.memory_space<vmem>>) target(%dma_start3A_125 : memref<4096x128xf32, #tpu.memory_space<vmem_shared>>) offsets(%dma_start3A_122 : memref<128xi32, #tpu.memory_space<vmem>>) semaphore(%arg9 : memref<!tpu.dma_semaphore, #tpu.memory_space<semaphore_mem>>) {add = true}
    %dma_wait3A_126 = arith.constant 0 : i32
    %dma_wait3A_127 = arith.constant 0 : i32
    %dma_wait3A_128 = arith.constant 0 : i32
    %dma_wait3A_129 = arith.constant 0 : i32
    %dma_wait3A_130 = tpu.memref_slice %arg8[%dma_wait3A_126, %dma_wait3A_128, %dma_wait3A_129] : memref<5x128x128xf32, #tpu.memory_space<vmem>> -> memref<1x128x128xf32, #tpu.memory_space<vmem>>
    %dma_wait3A_131 = tpu.memref_squeeze %dma_wait3A_130 : memref<1x128x128xf32, #tpu.memory_space<vmem>> -> memref<128x128xf32, #tpu.memory_space<vmem>>
    %dma_wait3A_132 = arith.constant 0 : i32
    %dma_wait3A_133 = tpu.memref_slice %arg7[%dma_wait3A_127, %dma_wait3A_132] : memref<8x128xi32, #tpu.memory_space<vmem>> -> memref<1x128xi32, #tpu.memory_space<vmem>>
    %dma_wait3A_134 = tpu.memref_squeeze %dma_wait3A_133 : memref<1x128xi32, #tpu.memory_space<vmem>> -> memref<128xi32, #tpu.memory_space<vmem>>
    %dma_wait3A_135 = arith.constant 0 : i32
    %dma_wait3A_136 = arith.constant 0 : i32
    %dma_wait3A_137 = tpu.memref_slice %arg6[%dma_wait3A_135, %dma_wait3A_136] : memref<4096x128xf32, #tpu.memory_space<vmem_shared>> -> memref<4096x128xf32, #tpu.memory_space<vmem_shared>>
    tpu.wait_indirect_dma semaphore(%arg9 : memref<!tpu.dma_semaphore, #tpu.memory_space<semaphore_mem>>) src(%dma_wait3A_131 : memref<128x128xf32, #tpu.memory_space<vmem>>) dst(%dma_wait3A_137 : memref<4096x128xf32, #tpu.memory_space<vmem_shared>>)
    %add3A_138 = arith.constant 5 : i32
    %add3A_139 = arith.addi %add3A_13, %add3A_138 : i32
    %mul3A_140 = arith.constant 128 : i32
    %mul3A_141 = arith.muli %add3A_139, %mul3A_140 : i32
    %dma_start3A_142 = arith.constant 0 : i32
    %dma_start3A_143 = arith.constant 0 : i32
    %dma_start3A_144 = arith.constant 0 : i32
    %dma_start3A_145 = tpu.memref_slice %arg8[%dma_start3A_142, %dma_start3A_143, %dma_start3A_144] : memref<5x128x128xf32, #tpu.memory_space<vmem>> -> memref<1x128x128xf32, #tpu.memory_space<vmem>>
    %dma_start3A_146 = tpu.memref_squeeze %dma_start3A_145 : memref<1x128x128xf32, #tpu.memory_space<vmem>> -> memref<128x128xf32, #tpu.memory_space<vmem>>
    %dma_start3A_147 = arith.constant 0 : i32
    %dma_start3A_148 = tpu.memref_slice %arg2[%mul3A_141, %dma_start3A_147] : memref<32768x128xf32, #tpu.memory_space<hbm>> -> memref<128x128xf32, #tpu.memory_space<hbm>>
    %dma_start3A_149 = arith.constant 0 : i32
    %dma_start3A_150 = arith.constant 0 : i32
    %dma_start3A_151 = tpu.memref_slice %arg8[%dma_start3A_142, %dma_start3A_149, %dma_start3A_150] : memref<5x128x128xf32, #tpu.memory_space<vmem>> -> memref<1x128x128xf32, #tpu.memory_space<vmem>>
    %dma_start3A_152 = tpu.memref_squeeze %dma_start3A_151 : memref<1x128x128xf32, #tpu.memory_space<vmem>> -> memref<128x128xf32, #tpu.memory_space<vmem>>
    %dma_start3A_153 = arith.constant 0 : i32
    %dma_start3A_154 = tpu.memref_slice %arg2[%mul3A_141, %dma_start3A_153] : memref<32768x128xf32, #tpu.memory_space<hbm>> -> memref<128x128xf32, #tpu.memory_space<hbm>>
    tpu.enqueue_dma source(%dma_start3A_154 : memref<128x128xf32, #tpu.memory_space<hbm>>) target(%dma_start3A_152 : memref<128x128xf32, #tpu.memory_space<vmem>>) target_semaphore(%arg9 : memref<!tpu.dma_semaphore, #tpu.memory_space<semaphore_mem>>)
    %add3A_155 = arith.constant 1 : i32
    %add3A_156 = arith.addi %add3A_13, %add3A_155 : i32
    %mul3A_157 = arith.constant 128 : i32
    %mul3A_158 = arith.muli %add3A_156, %mul3A_157 : i32
    %dma_wait3A_159 = arith.constant 1 : i32
    %dma_wait3A_160 = arith.constant 0 : i32
    %dma_wait3A_161 = arith.constant 0 : i32
    %dma_wait3A_162 = tpu.memref_slice %arg8[%dma_wait3A_159, %dma_wait3A_160, %dma_wait3A_161] : memref<5x128x128xf32, #tpu.memory_space<vmem>> -> memref<1x128x128xf32, #tpu.memory_space<vmem>>
    %dma_wait3A_163 = tpu.memref_squeeze %dma_wait3A_162 : memref<1x128x128xf32, #tpu.memory_space<vmem>> -> memref<128x128xf32, #tpu.memory_space<vmem>>
    %dma_wait3A_164 = arith.constant 0 : i32
    %dma_wait3A_165 = tpu.memref_slice %arg2[%mul3A_158, %dma_wait3A_164] : memref<32768x128xf32, #tpu.memory_space<hbm>> -> memref<128x128xf32, #tpu.memory_space<hbm>>
    %dma_wait3A_166 = arith.constant 0 : i32
    %dma_wait3A_167 = arith.constant 0 : i32
    %dma_wait3A_168 = tpu.memref_slice %arg8[%dma_wait3A_159, %dma_wait3A_166, %dma_wait3A_167] : memref<5x128x128xf32, #tpu.memory_space<vmem>> -> memref<1x128x128xf32, #tpu.memory_space<vmem>>
    %dma_wait3A_169 = tpu.memref_squeeze %dma_wait3A_168 : memref<1x128x128xf32, #tpu.memory_space<vmem>> -> memref<128x128xf32, #tpu.memory_space<vmem>>
    %dma_wait3A_170 = arith.constant 0 : i32
    %dma_wait3A_171 = tpu.memref_slice %arg2[%mul3A_158, %dma_wait3A_170] : memref<32768x128xf32, #tpu.memory_space<hbm>> -> memref<128x128xf32, #tpu.memory_space<hbm>>
    tpu.wait_dma2 semaphore(%arg10 : memref<!tpu.dma_semaphore, #tpu.memory_space<semaphore_mem>>) src(%dma_wait3A_171 : memref<128x128xf32, #tpu.memory_space<hbm>>) dst(%dma_wait3A_169 : memref<128x128xf32, #tpu.memory_space<vmem>>)
    %dma_start3A_172 = arith.constant 1 : i32
    %dma_start3A_173 = arith.constant 1 : i32
    %dma_start3A_174 = arith.constant 0 : i32
    %dma_start3A_175 = arith.constant 0 : i32
    %dma_start3A_176 = tpu.memref_slice %arg8[%dma_start3A_172, %dma_start3A_174, %dma_start3A_175] : memref<5x128x128xf32, #tpu.memory_space<vmem>> -> memref<1x128x128xf32, #tpu.memory_space<vmem>>
    %dma_start3A_177 = tpu.memref_squeeze %dma_start3A_176 : memref<1x128x128xf32, #tpu.memory_space<vmem>> -> memref<128x128xf32, #tpu.memory_space<vmem>>
    %dma_start3A_178 = arith.constant 0 : i32
    %dma_start3A_179 = tpu.memref_slice %arg7[%dma_start3A_173, %dma_start3A_178] : memref<8x128xi32, #tpu.memory_space<vmem>> -> memref<1x128xi32, #tpu.memory_space<vmem>>
    %dma_start3A_180 = tpu.memref_squeeze %dma_start3A_179 : memref<1x128xi32, #tpu.memory_space<vmem>> -> memref<128xi32, #tpu.memory_space<vmem>>
    %dma_start3A_181 = arith.constant 0 : i32
    %dma_start3A_182 = arith.constant 0 : i32
    %dma_start3A_183 = tpu.memref_slice %arg6[%dma_start3A_181, %dma_start3A_182] : memref<4096x128xf32, #tpu.memory_space<vmem_shared>> -> memref<4096x128xf32, #tpu.memory_space<vmem_shared>>
    tpu.enqueue_indirect_dma source(%dma_start3A_177 : memref<128x128xf32, #tpu.memory_space<vmem>>) target(%dma_start3A_183 : memref<4096x128xf32, #tpu.memory_space<vmem_shared>>) offsets(%dma_start3A_180 : memref<128xi32, #tpu.memory_space<vmem>>) semaphore(%arg10 : memref<!tpu.dma_semaphore, #tpu.memory_space<semaphore_mem>>) {add = true}
    %dma_wait3A_184 = arith.constant 1 : i32
    %dma_wait3A_185 = arith.constant 1 : i32
    %dma_wait3A_186 = arith.constant 0 : i32
    %dma_wait3A_187 = arith.constant 0 : i32
    %dma_wait3A_188 = tpu.memref_slice %arg8[%dma_wait3A_184, %dma_wait3A_186, %dma_wait3A_187] : memref<5x128x128xf32, #tpu.memory_space<vmem>> -> memref<1x128x128xf32, #tpu.memory_space<vmem>>
    %dma_wait3A_189 = tpu.memref_squeeze %dma_wait3A_188 : memref<1x128x128xf32, #tpu.memory_space<vmem>> -> memref<128x128xf32, #tpu.memory_space<vmem>>
    %dma_wait3A_190 = arith.constant 0 : i32
    %dma_wait3A_191 = tpu.memref_slice %arg7[%dma_wait3A_185, %dma_wait3A_190] : memref<8x128xi32, #tpu.memory_space<vmem>> -> memref<1x128xi32, #tpu.memory_space<vmem>>
    %dma_wait3A_192 = tpu.memref_squeeze %dma_wait3A_191 : memref<1x128xi32, #tpu.memory_space<vmem>> -> memref<128xi32, #tpu.memory_space<vmem>>
    %dma_wait3A_193 = arith.constant 0 : i32
    %dma_wait3A_194 = arith.constant 0 : i32
    %dma_wait3A_195 = tpu.memref_slice %arg6[%dma_wait3A_193, %dma_wait3A_194] : memref<4096x128xf32, #tpu.memory_space<vmem_shared>> -> memref<4096x128xf32, #tpu.memory_space<vmem_shared>>
    tpu.wait_indirect_dma semaphore(%arg10 : memref<!tpu.dma_semaphore, #tpu.memory_space<semaphore_mem>>) src(%dma_wait3A_189 : memref<128x128xf32, #tpu.memory_space<vmem>>) dst(%dma_wait3A_195 : memref<4096x128xf32, #tpu.memory_space<vmem_shared>>)
    %add3A_196 = arith.constant 6 : i32
    %add3A_197 = arith.addi %add3A_13, %add3A_196 : i32
    %mul3A_198 = arith.constant 128 : i32
    %mul3A_199 = arith.muli %add3A_197, %mul3A_198 : i32
    %dma_start3A_200 = arith.constant 1 : i32
    %dma_start3A_201 = arith.constant 0 : i32
    %dma_start3A_202 = arith.constant 0 : i32
    %dma_start3A_203 = tpu.memref_slice %arg8[%dma_start3A_200, %dma_start3A_201, %dma_start3A_202] : memref<5x128x128xf32, #tpu.memory_space<vmem>> -> memref<1x128x128xf32, #tpu.memory_space<vmem>>
    %dma_start3A_204 = tpu.memref_squeeze %dma_start3A_203 : memref<1x128x128xf32, #tpu.memory_space<vmem>> -> memref<128x128xf32, #tpu.memory_space<vmem>>
    %dma_start3A_205 = arith.constant 0 : i32
    %dma_start3A_206 = tpu.memref_slice %arg2[%mul3A_199, %dma_start3A_205] : memref<32768x128xf32, #tpu.memory_space<hbm>> -> memref<128x128xf32, #tpu.memory_space<hbm>>
    %dma_start3A_207 = arith.constant 0 : i32
    %dma_start3A_208 = arith.constant 0 : i32
    %dma_start3A_209 = tpu.memref_slice %arg8[%dma_start3A_200, %dma_start3A_207, %dma_start3A_208] : memref<5x128x128xf32, #tpu.memory_space<vmem>> -> memref<1x128x128xf32, #tpu.memory_space<vmem>>
    %dma_start3A_210 = tpu.memref_squeeze %dma_start3A_209 : memref<1x128x128xf32, #tpu.memory_space<vmem>> -> memref<128x128xf32, #tpu.memory_space<vmem>>
    %dma_start3A_211 = arith.constant 0 : i32
    %dma_start3A_212 = tpu.memref_slice %arg2[%mul3A_199, %dma_start3A_211] : memref<32768x128xf32, #tpu.memory_space<hbm>> -> memref<128x128xf32, #tpu.memory_space<hbm>>
    tpu.enqueue_dma source(%dma_start3A_212 : memref<128x128xf32, #tpu.memory_space<hbm>>) target(%dma_start3A_210 : memref<128x128xf32, #tpu.memory_space<vmem>>) target_semaphore(%arg10 : memref<!tpu.dma_semaphore, #tpu.memory_space<semaphore_mem>>)
    %add3A_213 = arith.constant 2 : i32
    %add3A_214 = arith.addi %add3A_13, %add3A_213 : i32
    %mul3A_215 = arith.constant 128 : i32
    %mul3A_216 = arith.muli %add3A_214, %mul3A_215 : i32
    %dma_wait3A_217 = arith.constant 2 : i32
    %dma_wait3A_218 = arith.constant 0 : i32
    %dma_wait3A_219 = arith.constant 0 : i32
    %dma_wait3A_220 = tpu.memref_slice %arg8[%dma_wait3A_217, %dma_wait3A_218, %dma_wait3A_219] : memref<5x128x128xf32, #tpu.memory_space<vmem>> -> memref<1x128x128xf32, #tpu.memory_space<vmem>>
    %dma_wait3A_221 = tpu.memref_squeeze %dma_wait3A_220 : memref<1x128x128xf32, #tpu.memory_space<vmem>> -> memref<128x128xf32, #tpu.memory_space<vmem>>
    %dma_wait3A_222 = arith.constant 0 : i32
    %dma_wait3A_223 = tpu.memref_slice %arg2[%mul3A_216, %dma_wait3A_222] : memref<32768x128xf32, #tpu.memory_space<hbm>> -> memref<128x128xf32, #tpu.memory_space<hbm>>
    %dma_wait3A_224 = arith.constant 0 : i32
    %dma_wait3A_225 = arith.constant 0 : i32
    %dma_wait3A_226 = tpu.memref_slice %arg8[%dma_wait3A_217, %dma_wait3A_224, %dma_wait3A_225] : memref<5x128x128xf32, #tpu.memory_space<vmem>> -> memref<1x128x128xf32, #tpu.memory_space<vmem>>
    %dma_wait3A_227 = tpu.memref_squeeze %dma_wait3A_226 : memref<1x128x128xf32, #tpu.memory_space<vmem>> -> memref<128x128xf32, #tpu.memory_space<vmem>>
    %dma_wait3A_228 = arith.constant 0 : i32
    %dma_wait3A_229 = tpu.memref_slice %arg2[%mul3A_216, %dma_wait3A_228] : memref<32768x128xf32, #tpu.memory_space<hbm>> -> memref<128x128xf32, #tpu.memory_space<hbm>>
    tpu.wait_dma2 semaphore(%arg11 : memref<!tpu.dma_semaphore, #tpu.memory_space<semaphore_mem>>) src(%dma_wait3A_229 : memref<128x128xf32, #tpu.memory_space<hbm>>) dst(%dma_wait3A_227 : memref<128x128xf32, #tpu.memory_space<vmem>>)
    %dma_start3A_230 = arith.constant 2 : i32
    %dma_start3A_231 = arith.constant 2 : i32
    %dma_start3A_232 = arith.constant 0 : i32
    %dma_start3A_233 = arith.constant 0 : i32
    %dma_start3A_234 = tpu.memref_slice %arg8[%dma_start3A_230, %dma_start3A_232, %dma_start3A_233] : memref<5x128x128xf32, #tpu.memory_space<vmem>> -> memref<1x128x128xf32, #tpu.memory_space<vmem>>
    %dma_start3A_235 = tpu.memref_squeeze %dma_start3A_234 : memref<1x128x128xf32, #tpu.memory_space<vmem>> -> memref<128x128xf32, #tpu.memory_space<vmem>>
    %dma_start3A_236 = arith.constant 0 : i32
    %dma_start3A_237 = tpu.memref_slice %arg7[%dma_start3A_231, %dma_start3A_236] : memref<8x128xi32, #tpu.memory_space<vmem>> -> memref<1x128xi32, #tpu.memory_space<vmem>>
    %dma_start3A_238 = tpu.memref_squeeze %dma_start3A_237 : memref<1x128xi32, #tpu.memory_space<vmem>> -> memref<128xi32, #tpu.memory_space<vmem>>
    %dma_start3A_239 = arith.constant 0 : i32
    %dma_start3A_240 = arith.constant 0 : i32
    %dma_start3A_241 = tpu.memref_slice %arg6[%dma_start3A_239, %dma_start3A_240] : memref<4096x128xf32, #tpu.memory_space<vmem_shared>> -> memref<4096x128xf32, #tpu.memory_space<vmem_shared>>
    tpu.enqueue_indirect_dma source(%dma_start3A_235 : memref<128x128xf32, #tpu.memory_space<vmem>>) target(%dma_start3A_241 : memref<4096x128xf32, #tpu.memory_space<vmem_shared>>) offsets(%dma_start3A_238 : memref<128xi32, #tpu.memory_space<vmem>>) semaphore(%arg11 : memref<!tpu.dma_semaphore, #tpu.memory_space<semaphore_mem>>) {add = true}
    %dma_wait3A_242 = arith.constant 2 : i32
    %dma_wait3A_243 = arith.constant 2 : i32
    %dma_wait3A_244 = arith.constant 0 : i32
    %dma_wait3A_245 = arith.constant 0 : i32
    %dma_wait3A_246 = tpu.memref_slice %arg8[%dma_wait3A_242, %dma_wait3A_244, %dma_wait3A_245] : memref<5x128x128xf32, #tpu.memory_space<vmem>> -> memref<1x128x128xf32, #tpu.memory_space<vmem>>
    %dma_wait3A_247 = tpu.memref_squeeze %dma_wait3A_246 : memref<1x128x128xf32, #tpu.memory_space<vmem>> -> memref<128x128xf32, #tpu.memory_space<vmem>>
    %dma_wait3A_248 = arith.constant 0 : i32
    %dma_wait3A_249 = tpu.memref_slice %arg7[%dma_wait3A_243, %dma_wait3A_248] : memref<8x128xi32, #tpu.memory_space<vmem>> -> memref<1x128xi32, #tpu.memory_space<vmem>>
    %dma_wait3A_250 = tpu.memref_squeeze %dma_wait3A_249 : memref<1x128xi32, #tpu.memory_space<vmem>> -> memref<128xi32, #tpu.memory_space<vmem>>
    %dma_wait3A_251 = arith.constant 0 : i32
    %dma_wait3A_252 = arith.constant 0 : i32
    %dma_wait3A_253 = tpu.memref_slice %arg6[%dma_wait3A_251, %dma_wait3A_252] : memref<4096x128xf32, #tpu.memory_space<vmem_shared>> -> memref<4096x128xf32, #tpu.memory_space<vmem_shared>>
    tpu.wait_indirect_dma semaphore(%arg11 : memref<!tpu.dma_semaphore, #tpu.memory_space<semaphore_mem>>) src(%dma_wait3A_247 : memref<128x128xf32, #tpu.memory_space<vmem>>) dst(%dma_wait3A_253 : memref<4096x128xf32, #tpu.memory_space<vmem_shared>>)
    %add3A_254 = arith.constant 7 : i32
    %add3A_255 = arith.addi %add3A_13, %add3A_254 : i32
    %mul3A_256 = arith.constant 128 : i32
    %mul3A_257 = arith.muli %add3A_255, %mul3A_256 : i32
    %dma_start3A_258 = arith.constant 2 : i32
    %dma_start3A_259 = arith.constant 0 : i32
    %dma_start3A_260 = arith.constant 0 : i32
    %dma_start3A_261 = tpu.memref_slice %arg8[%dma_start3A_258, %dma_start3A_259, %dma_start3A_260] : memref<5x128x128xf32, #tpu.memory_space<vmem>> -> memref<1x128x128xf32, #tpu.memory_space<vmem>>
    %dma_start3A_262 = tpu.memref_squeeze %dma_start3A_261 : memref<1x128x128xf32, #tpu.memory_space<vmem>> -> memref<128x128xf32, #tpu.memory_space<vmem>>
    %dma_start3A_263 = arith.constant 0 : i32
    %dma_start3A_264 = tpu.memref_slice %arg2[%mul3A_257, %dma_start3A_263] : memref<32768x128xf32, #tpu.memory_space<hbm>> -> memref<128x128xf32, #tpu.memory_space<hbm>>
    %dma_start3A_265 = arith.constant 0 : i32
    %dma_start3A_266 = arith.constant 0 : i32
    %dma_start3A_267 = tpu.memref_slice %arg8[%dma_start3A_258, %dma_start3A_265, %dma_start3A_266] : memref<5x128x128xf32, #tpu.memory_space<vmem>> -> memref<1x128x128xf32, #tpu.memory_space<vmem>>
    %dma_start3A_268 = tpu.memref_squeeze %dma_start3A_267 : memref<1x128x128xf32, #tpu.memory_space<vmem>> -> memref<128x128xf32, #tpu.memory_space<vmem>>
    %dma_start3A_269 = arith.constant 0 : i32
    %dma_start3A_270 = tpu.memref_slice %arg2[%mul3A_257, %dma_start3A_269] : memref<32768x128xf32, #tpu.memory_space<hbm>> -> memref<128x128xf32, #tpu.memory_space<hbm>>
    tpu.enqueue_dma source(%dma_start3A_270 : memref<128x128xf32, #tpu.memory_space<hbm>>) target(%dma_start3A_268 : memref<128x128xf32, #tpu.memory_space<vmem>>) target_semaphore(%arg11 : memref<!tpu.dma_semaphore, #tpu.memory_space<semaphore_mem>>)
    %add3A_271 = arith.constant 3 : i32
    %add3A_272 = arith.addi %add3A_13, %add3A_271 : i32
    %mul3A_273 = arith.constant 128 : i32
    %mul3A_274 = arith.muli %add3A_272, %mul3A_273 : i32
    %dma_wait3A_275 = arith.constant 3 : i32
    %dma_wait3A_276 = arith.constant 0 : i32
    %dma_wait3A_277 = arith.constant 0 : i32
    %dma_wait3A_278 = tpu.memref_slice %arg8[%dma_wait3A_275, %dma_wait3A_276, %dma_wait3A_277] : memref<5x128x128xf32, #tpu.memory_space<vmem>> -> memref<1x128x128xf32, #tpu.memory_space<vmem>>
    %dma_wait3A_279 = tpu.memref_squeeze %dma_wait3A_278 : memref<1x128x128xf32, #tpu.memory_space<vmem>> -> memref<128x128xf32, #tpu.memory_space<vmem>>
    %dma_wait3A_280 = arith.constant 0 : i32
    %dma_wait3A_281 = tpu.memref_slice %arg2[%mul3A_274, %dma_wait3A_280] : memref<32768x128xf32, #tpu.memory_space<hbm>> -> memref<128x128xf32, #tpu.memory_space<hbm>>
    %dma_wait3A_282 = arith.constant 0 : i32
    %dma_wait3A_283 = arith.constant 0 : i32
    %dma_wait3A_284 = tpu.memref_slice %arg8[%dma_wait3A_275, %dma_wait3A_282, %dma_wait3A_283] : memref<5x128x128xf32, #tpu.memory_space<vmem>> -> memref<1x128x128xf32, #tpu.memory_space<vmem>>
    %dma_wait3A_285 = tpu.memref_squeeze %dma_wait3A_284 : memref<1x128x128xf32, #tpu.memory_space<vmem>> -> memref<128x128xf32, #tpu.memory_space<vmem>>
    %dma_wait3A_286 = arith.constant 0 : i32
    %dma_wait3A_287 = tpu.memref_slice %arg2[%mul3A_274, %dma_wait3A_286] : memref<32768x128xf32, #tpu.memory_space<hbm>> -> memref<128x128xf32, #tpu.memory_space<hbm>>
    tpu.wait_dma2 semaphore(%arg12 : memref<!tpu.dma_semaphore, #tpu.memory_space<semaphore_mem>>) src(%dma_wait3A_287 : memref<128x128xf32, #tpu.memory_space<hbm>>) dst(%dma_wait3A_285 : memref<128x128xf32, #tpu.memory_space<vmem>>)
    %dma_start3A_288 = arith.constant 3 : i32
    %dma_start3A_289 = arith.constant 3 : i32
    %dma_start3A_290 = arith.constant 0 : i32
    %dma_start3A_291 = arith.constant 0 : i32
    %dma_start3A_292 = tpu.memref_slice %arg8[%dma_start3A_288, %dma_start3A_290, %dma_start3A_291] : memref<5x128x128xf32, #tpu.memory_space<vmem>> -> memref<1x128x128xf32, #tpu.memory_space<vmem>>
    %dma_start3A_293 = tpu.memref_squeeze %dma_start3A_292 : memref<1x128x128xf32, #tpu.memory_space<vmem>> -> memref<128x128xf32, #tpu.memory_space<vmem>>
    %dma_start3A_294 = arith.constant 0 : i32
    %dma_start3A_295 = tpu.memref_slice %arg7[%dma_start3A_289, %dma_start3A_294] : memref<8x128xi32, #tpu.memory_space<vmem>> -> memref<1x128xi32, #tpu.memory_space<vmem>>
    %dma_start3A_296 = tpu.memref_squeeze %dma_start3A_295 : memref<1x128xi32, #tpu.memory_space<vmem>> -> memref<128xi32, #tpu.memory_space<vmem>>
    %dma_start3A_297 = arith.constant 0 : i32
    %dma_start3A_298 = arith.constant 0 : i32
    %dma_start3A_299 = tpu.memref_slice %arg6[%dma_start3A_297, %dma_start3A_298] : memref<4096x128xf32, #tpu.memory_space<vmem_shared>> -> memref<4096x128xf32, #tpu.memory_space<vmem_shared>>
    tpu.enqueue_indirect_dma source(%dma_start3A_293 : memref<128x128xf32, #tpu.memory_space<vmem>>) target(%dma_start3A_299 : memref<4096x128xf32, #tpu.memory_space<vmem_shared>>) offsets(%dma_start3A_296 : memref<128xi32, #tpu.memory_space<vmem>>) semaphore(%arg12 : memref<!tpu.dma_semaphore, #tpu.memory_space<semaphore_mem>>) {add = true}
    %add3A_300 = arith.constant 4 : i32
    %add3A_301 = arith.addi %add3A_13, %add3A_300 : i32
    %mul3A_302 = arith.constant 128 : i32
    %mul3A_303 = arith.muli %add3A_301, %mul3A_302 : i32
    %dma_wait3A_304 = arith.constant 4 : i32
    %dma_wait3A_305 = arith.constant 0 : i32
    %dma_wait3A_306 = arith.constant 0 : i32
    %dma_wait3A_307 = tpu.memref_slice %arg8[%dma_wait3A_304, %dma_wait3A_305, %dma_wait3A_306] : memref<5x128x128xf32, #tpu.memory_space<vmem>> -> memref<1x128x128xf32, #tpu.memory_space<vmem>>
    %dma_wait3A_308 = tpu.memref_squeeze %dma_wait3A_307 : memref<1x128x128xf32, #tpu.memory_space<vmem>> -> memref<128x128xf32, #tpu.memory_space<vmem>>
    %dma_wait3A_309 = arith.constant 0 : i32
    %dma_wait3A_310 = tpu.memref_slice %arg2[%mul3A_303, %dma_wait3A_309] : memref<32768x128xf32, #tpu.memory_space<hbm>> -> memref<128x128xf32, #tpu.memory_space<hbm>>
    %dma_wait3A_311 = arith.constant 0 : i32
    %dma_wait3A_312 = arith.constant 0 : i32
    %dma_wait3A_313 = tpu.memref_slice %arg8[%dma_wait3A_304, %dma_wait3A_311, %dma_wait3A_312] : memref<5x128x128xf32, #tpu.memory_space<vmem>> -> memref<1x128x128xf32, #tpu.memory_space<vmem>>
    %dma_wait3A_314 = tpu.memref_squeeze %dma_wait3A_313 : memref<1x128x128xf32, #tpu.memory_space<vmem>> -> memref<128x128xf32, #tpu.memory_space<vmem>>
    %dma_wait3A_315 = arith.constant 0 : i32
    %dma_wait3A_316 = tpu.memref_slice %arg2[%mul3A_303, %dma_wait3A_315] : memref<32768x128xf32, #tpu.memory_space<hbm>> -> memref<128x128xf32, #tpu.memory_space<hbm>>
    tpu.wait_dma2 semaphore(%arg13 : memref<!tpu.dma_semaphore, #tpu.memory_space<semaphore_mem>>) src(%dma_wait3A_316 : memref<128x128xf32, #tpu.memory_space<hbm>>) dst(%dma_wait3A_314 : memref<128x128xf32, #tpu.memory_space<vmem>>)
    %dma_start3A_317 = arith.constant 4 : i32
    %dma_start3A_318 = arith.constant 4 : i32
    %dma_start3A_319 = arith.constant 0 : i32
    %dma_start3A_320 = arith.constant 0 : i32
    %dma_start3A_321 = tpu.memref_slice %arg8[%dma_start3A_317, %dma_start3A_319, %dma_start3A_320] : memref<5x128x128xf32, #tpu.memory_space<vmem>> -> memref<1x128x128xf32, #tpu.memory_space<vmem>>
    %dma_start3A_322 = tpu.memref_squeeze %dma_start3A_321 : memref<1x128x128xf32, #tpu.memory_space<vmem>> -> memref<128x128xf32, #tpu.memory_space<vmem>>
    %dma_start3A_323 = arith.constant 0 : i32
    %dma_start3A_324 = tpu.memref_slice %arg7[%dma_start3A_318, %dma_start3A_323] : memref<8x128xi32, #tpu.memory_space<vmem>> -> memref<1x128xi32, #tpu.memory_space<vmem>>
    %dma_start3A_325 = tpu.memref_squeeze %dma_start3A_324 : memref<1x128xi32, #tpu.memory_space<vmem>> -> memref<128xi32, #tpu.memory_space<vmem>>
    %dma_start3A_326 = arith.constant 0 : i32
    %dma_start3A_327 = arith.constant 0 : i32
    %dma_start3A_328 = tpu.memref_slice %arg6[%dma_start3A_326, %dma_start3A_327] : memref<4096x128xf32, #tpu.memory_space<vmem_shared>> -> memref<4096x128xf32, #tpu.memory_space<vmem_shared>>
    tpu.enqueue_indirect_dma source(%dma_start3A_322 : memref<128x128xf32, #tpu.memory_space<vmem>>) target(%dma_start3A_328 : memref<4096x128xf32, #tpu.memory_space<vmem_shared>>) offsets(%dma_start3A_325 : memref<128xi32, #tpu.memory_space<vmem>>) semaphore(%arg13 : memref<!tpu.dma_semaphore, #tpu.memory_space<semaphore_mem>>) {add = true}
    %add3A_329 = arith.constant 5 : i32
    %add3A_330 = arith.addi %add3A_13, %add3A_329 : i32
    %mul3A_331 = arith.constant 128 : i32
    %mul3A_332 = arith.muli %add3A_330, %mul3A_331 : i32
    %dma_wait3A_333 = arith.constant 0 : i32
    %dma_wait3A_334 = arith.constant 0 : i32
    %dma_wait3A_335 = arith.constant 0 : i32
    %dma_wait3A_336 = tpu.memref_slice %arg8[%dma_wait3A_333, %dma_wait3A_334, %dma_wait3A_335] : memref<5x128x128xf32, #tpu.memory_space<vmem>> -> memref<1x128x128xf32, #tpu.memory_space<vmem>>
    %dma_wait3A_337 = tpu.memref_squeeze %dma_wait3A_336 : memref<1x128x128xf32, #tpu.memory_space<vmem>> -> memref<128x128xf32, #tpu.memory_space<vmem>>
    %dma_wait3A_338 = arith.constant 0 : i32
    %dma_wait3A_339 = tpu.memref_slice %arg2[%mul3A_332, %dma_wait3A_338] : memref<32768x128xf32, #tpu.memory_space<hbm>> -> memref<128x128xf32, #tpu.memory_space<hbm>>
    %dma_wait3A_340 = arith.constant 0 : i32
    %dma_wait3A_341 = arith.constant 0 : i32
    %dma_wait3A_342 = tpu.memref_slice %arg8[%dma_wait3A_333, %dma_wait3A_340, %dma_wait3A_341] : memref<5x128x128xf32, #tpu.memory_space<vmem>> -> memref<1x128x128xf32, #tpu.memory_space<vmem>>
    %dma_wait3A_343 = tpu.memref_squeeze %dma_wait3A_342 : memref<1x128x128xf32, #tpu.memory_space<vmem>> -> memref<128x128xf32, #tpu.memory_space<vmem>>
    %dma_wait3A_344 = arith.constant 0 : i32
    %dma_wait3A_345 = tpu.memref_slice %arg2[%mul3A_332, %dma_wait3A_344] : memref<32768x128xf32, #tpu.memory_space<hbm>> -> memref<128x128xf32, #tpu.memory_space<hbm>>
    tpu.wait_dma2 semaphore(%arg9 : memref<!tpu.dma_semaphore, #tpu.memory_space<semaphore_mem>>) src(%dma_wait3A_345 : memref<128x128xf32, #tpu.memory_space<hbm>>) dst(%dma_wait3A_343 : memref<128x128xf32, #tpu.memory_space<vmem>>)
    %dma_start3A_346 = arith.constant 0 : i32
    %dma_start3A_347 = arith.constant 5 : i32
    %dma_start3A_348 = arith.constant 0 : i32
    %dma_start3A_349 = arith.constant 0 : i32
    %dma_start3A_350 = tpu.memref_slice %arg8[%dma_start3A_346, %dma_start3A_348, %dma_start3A_349] : memref<5x128x128xf32, #tpu.memory_space<vmem>> -> memref<1x128x128xf32, #tpu.memory_space<vmem>>
    %dma_start3A_351 = tpu.memref_squeeze %dma_start3A_350 : memref<1x128x128xf32, #tpu.memory_space<vmem>> -> memref<128x128xf32, #tpu.memory_space<vmem>>
    %dma_start3A_352 = arith.constant 0 : i32
    %dma_start3A_353 = tpu.memref_slice %arg7[%dma_start3A_347, %dma_start3A_352] : memref<8x128xi32, #tpu.memory_space<vmem>> -> memref<1x128xi32, #tpu.memory_space<vmem>>
    %dma_start3A_354 = tpu.memref_squeeze %dma_start3A_353 : memref<1x128xi32, #tpu.memory_space<vmem>> -> memref<128xi32, #tpu.memory_space<vmem>>
    %dma_start3A_355 = arith.constant 0 : i32
    %dma_start3A_356 = arith.constant 0 : i32
    %dma_start3A_357 = tpu.memref_slice %arg6[%dma_start3A_355, %dma_start3A_356] : memref<4096x128xf32, #tpu.memory_space<vmem_shared>> -> memref<4096x128xf32, #tpu.memory_space<vmem_shared>>
    tpu.enqueue_indirect_dma source(%dma_start3A_351 : memref<128x128xf32, #tpu.memory_space<vmem>>) target(%dma_start3A_357 : memref<4096x128xf32, #tpu.memory_space<vmem_shared>>) offsets(%dma_start3A_354 : memref<128xi32, #tpu.memory_space<vmem>>) semaphore(%arg9 : memref<!tpu.dma_semaphore, #tpu.memory_space<semaphore_mem>>) {add = true}
    %add3A_358 = arith.constant 6 : i32
    %add3A_359 = arith.addi %add3A_13, %add3A_358 : i32
    %mul3A_360 = arith.constant 128 : i32
    %mul3A_361 = arith.muli %add3A_359, %mul3A_360 : i32
    %dma_wait3A_362 = arith.constant 1 : i32
    %dma_wait3A_363 = arith.constant 0 : i32
    %dma_wait3A_364 = arith.constant 0 : i32
    %dma_wait3A_365 = tpu.memref_slice %arg8[%dma_wait3A_362, %dma_wait3A_363, %dma_wait3A_364] : memref<5x128x128xf32, #tpu.memory_space<vmem>> -> memref<1x128x128xf32, #tpu.memory_space<vmem>>
    %dma_wait3A_366 = tpu.memref_squeeze %dma_wait3A_365 : memref<1x128x128xf32, #tpu.memory_space<vmem>> -> memref<128x128xf32, #tpu.memory_space<vmem>>
    %dma_wait3A_367 = arith.constant 0 : i32
    %dma_wait3A_368 = tpu.memref_slice %arg2[%mul3A_361, %dma_wait3A_367] : memref<32768x128xf32, #tpu.memory_space<hbm>> -> memref<128x128xf32, #tpu.memory_space<hbm>>
    %dma_wait3A_369 = arith.constant 0 : i32
    %dma_wait3A_370 = arith.constant 0 : i32
    %dma_wait3A_371 = tpu.memref_slice %arg8[%dma_wait3A_362, %dma_wait3A_369, %dma_wait3A_370] : memref<5x128x128xf32, #tpu.memory_space<vmem>> -> memref<1x128x128xf32, #tpu.memory_space<vmem>>
    %dma_wait3A_372 = tpu.memref_squeeze %dma_wait3A_371 : memref<1x128x128xf32, #tpu.memory_space<vmem>> -> memref<128x128xf32, #tpu.memory_space<vmem>>
    %dma_wait3A_373 = arith.constant 0 : i32
    %dma_wait3A_374 = tpu.memref_slice %arg2[%mul3A_361, %dma_wait3A_373] : memref<32768x128xf32, #tpu.memory_space<hbm>> -> memref<128x128xf32, #tpu.memory_space<hbm>>
    tpu.wait_dma2 semaphore(%arg10 : memref<!tpu.dma_semaphore, #tpu.memory_space<semaphore_mem>>) src(%dma_wait3A_374 : memref<128x128xf32, #tpu.memory_space<hbm>>) dst(%dma_wait3A_372 : memref<128x128xf32, #tpu.memory_space<vmem>>)
    %dma_start3A_375 = arith.constant 1 : i32
    %dma_start3A_376 = arith.constant 6 : i32
    %dma_start3A_377 = arith.constant 0 : i32
    %dma_start3A_378 = arith.constant 0 : i32
    %dma_start3A_379 = tpu.memref_slice %arg8[%dma_start3A_375, %dma_start3A_377, %dma_start3A_378] : memref<5x128x128xf32, #tpu.memory_space<vmem>> -> memref<1x128x128xf32, #tpu.memory_space<vmem>>
    %dma_start3A_380 = tpu.memref_squeeze %dma_start3A_379 : memref<1x128x128xf32, #tpu.memory_space<vmem>> -> memref<128x128xf32, #tpu.memory_space<vmem>>
    %dma_start3A_381 = arith.constant 0 : i32
    %dma_start3A_382 = tpu.memref_slice %arg7[%dma_start3A_376, %dma_start3A_381] : memref<8x128xi32, #tpu.memory_space<vmem>> -> memref<1x128xi32, #tpu.memory_space<vmem>>
    %dma_start3A_383 = tpu.memref_squeeze %dma_start3A_382 : memref<1x128xi32, #tpu.memory_space<vmem>> -> memref<128xi32, #tpu.memory_space<vmem>>
    %dma_start3A_384 = arith.constant 0 : i32
    %dma_start3A_385 = arith.constant 0 : i32
    %dma_start3A_386 = tpu.memref_slice %arg6[%dma_start3A_384, %dma_start3A_385] : memref<4096x128xf32, #tpu.memory_space<vmem_shared>> -> memref<4096x128xf32, #tpu.memory_space<vmem_shared>>
    tpu.enqueue_indirect_dma source(%dma_start3A_380 : memref<128x128xf32, #tpu.memory_space<vmem>>) target(%dma_start3A_386 : memref<4096x128xf32, #tpu.memory_space<vmem_shared>>) offsets(%dma_start3A_383 : memref<128xi32, #tpu.memory_space<vmem>>) semaphore(%arg10 : memref<!tpu.dma_semaphore, #tpu.memory_space<semaphore_mem>>) {add = true}
    %add3A_387 = arith.constant 7 : i32
    %add3A_388 = arith.addi %add3A_13, %add3A_387 : i32
    %mul3A_389 = arith.constant 128 : i32
    %mul3A_390 = arith.muli %add3A_388, %mul3A_389 : i32
    %dma_wait3A_391 = arith.constant 2 : i32
    %dma_wait3A_392 = arith.constant 0 : i32
    %dma_wait3A_393 = arith.constant 0 : i32
    %dma_wait3A_394 = tpu.memref_slice %arg8[%dma_wait3A_391, %dma_wait3A_392, %dma_wait3A_393] : memref<5x128x128xf32, #tpu.memory_space<vmem>> -> memref<1x128x128xf32, #tpu.memory_space<vmem>>
    %dma_wait3A_395 = tpu.memref_squeeze %dma_wait3A_394 : memref<1x128x128xf32, #tpu.memory_space<vmem>> -> memref<128x128xf32, #tpu.memory_space<vmem>>
    %dma_wait3A_396 = arith.constant 0 : i32
    %dma_wait3A_397 = tpu.memref_slice %arg2[%mul3A_390, %dma_wait3A_396] : memref<32768x128xf32, #tpu.memory_space<hbm>> -> memref<128x128xf32, #tpu.memory_space<hbm>>
    %dma_wait3A_398 = arith.constant 0 : i32
    %dma_wait3A_399 = arith.constant 0 : i32
    %dma_wait3A_400 = tpu.memref_slice %arg8[%dma_wait3A_391, %dma_wait3A_398, %dma_wait3A_399] : memref<5x128x128xf32, #tpu.memory_space<vmem>> -> memref<1x128x128xf32, #tpu.memory_space<vmem>>
    %dma_wait3A_401 = tpu.memref_squeeze %dma_wait3A_400 : memref<1x128x128xf32, #tpu.memory_space<vmem>> -> memref<128x128xf32, #tpu.memory_space<vmem>>
    %dma_wait3A_402 = arith.constant 0 : i32
    %dma_wait3A_403 = tpu.memref_slice %arg2[%mul3A_390, %dma_wait3A_402] : memref<32768x128xf32, #tpu.memory_space<hbm>> -> memref<128x128xf32, #tpu.memory_space<hbm>>
    tpu.wait_dma2 semaphore(%arg11 : memref<!tpu.dma_semaphore, #tpu.memory_space<semaphore_mem>>) src(%dma_wait3A_403 : memref<128x128xf32, #tpu.memory_space<hbm>>) dst(%dma_wait3A_401 : memref<128x128xf32, #tpu.memory_space<vmem>>)
    %dma_start3A_404 = arith.constant 2 : i32
    %dma_start3A_405 = arith.constant 7 : i32
    %dma_start3A_406 = arith.constant 0 : i32
    %dma_start3A_407 = arith.constant 0 : i32
    %dma_start3A_408 = tpu.memref_slice %arg8[%dma_start3A_404, %dma_start3A_406, %dma_start3A_407] : memref<5x128x128xf32, #tpu.memory_space<vmem>> -> memref<1x128x128xf32, #tpu.memory_space<vmem>>
    %dma_start3A_409 = tpu.memref_squeeze %dma_start3A_408 : memref<1x128x128xf32, #tpu.memory_space<vmem>> -> memref<128x128xf32, #tpu.memory_space<vmem>>
    %dma_start3A_410 = arith.constant 0 : i32
    %dma_start3A_411 = tpu.memref_slice %arg7[%dma_start3A_405, %dma_start3A_410] : memref<8x128xi32, #tpu.memory_space<vmem>> -> memref<1x128xi32, #tpu.memory_space<vmem>>
    %dma_start3A_412 = tpu.memref_squeeze %dma_start3A_411 : memref<1x128xi32, #tpu.memory_space<vmem>> -> memref<128xi32, #tpu.memory_space<vmem>>
    %dma_start3A_413 = arith.constant 0 : i32
    %dma_start3A_414 = arith.constant 0 : i32
    %dma_start3A_415 = tpu.memref_slice %arg6[%dma_start3A_413, %dma_start3A_414] : memref<4096x128xf32, #tpu.memory_space<vmem_shared>> -> memref<4096x128xf32, #tpu.memory_space<vmem_shared>>
    tpu.enqueue_indirect_dma source(%dma_start3A_409 : memref<128x128xf32, #tpu.memory_space<vmem>>) target(%dma_start3A_415 : memref<4096x128xf32, #tpu.memory_space<vmem_shared>>) offsets(%dma_start3A_412 : memref<128xi32, #tpu.memory_space<vmem>>) semaphore(%arg11 : memref<!tpu.dma_semaphore, #tpu.memory_space<semaphore_mem>>) {add = true}
    %dma_wait3A_416 = arith.constant 3 : i32
    %dma_wait3A_417 = arith.constant 3 : i32
    %dma_wait3A_418 = arith.constant 0 : i32
    %dma_wait3A_419 = arith.constant 0 : i32
    %dma_wait3A_420 = tpu.memref_slice %arg8[%dma_wait3A_416, %dma_wait3A_418, %dma_wait3A_419] : memref<5x128x128xf32, #tpu.memory_space<vmem>> -> memref<1x128x128xf32, #tpu.memory_space<vmem>>
    %dma_wait3A_421 = tpu.memref_squeeze %dma_wait3A_420 : memref<1x128x128xf32, #tpu.memory_space<vmem>> -> memref<128x128xf32, #tpu.memory_space<vmem>>
    %dma_wait3A_422 = arith.constant 0 : i32
    %dma_wait3A_423 = tpu.memref_slice %arg7[%dma_wait3A_417, %dma_wait3A_422] : memref<8x128xi32, #tpu.memory_space<vmem>> -> memref<1x128xi32, #tpu.memory_space<vmem>>
    %dma_wait3A_424 = tpu.memref_squeeze %dma_wait3A_423 : memref<1x128xi32, #tpu.memory_space<vmem>> -> memref<128xi32, #tpu.memory_space<vmem>>
    %dma_wait3A_425 = arith.constant 0 : i32
    %dma_wait3A_426 = arith.constant 0 : i32
    %dma_wait3A_427 = tpu.memref_slice %arg6[%dma_wait3A_425, %dma_wait3A_426] : memref<4096x128xf32, #tpu.memory_space<vmem_shared>> -> memref<4096x128xf32, #tpu.memory_space<vmem_shared>>
    tpu.wait_indirect_dma semaphore(%arg12 : memref<!tpu.dma_semaphore, #tpu.memory_space<semaphore_mem>>) src(%dma_wait3A_421 : memref<128x128xf32, #tpu.memory_space<vmem>>) dst(%dma_wait3A_427 : memref<4096x128xf32, #tpu.memory_space<vmem_shared>>)
    %dma_wait3A_428 = arith.constant 4 : i32
    %dma_wait3A_429 = arith.constant 4 : i32
    %dma_wait3A_430 = arith.constant 0 : i32
    %dma_wait3A_431 = arith.constant 0 : i32
    %dma_wait3A_432 = tpu.memref_slice %arg8[%dma_wait3A_428, %dma_wait3A_430, %dma_wait3A_431] : memref<5x128x128xf32, #tpu.memory_space<vmem>> -> memref<1x128x128xf32, #tpu.memory_space<vmem>>
    %dma_wait3A_433 = tpu.memref_squeeze %dma_wait3A_432 : memref<1x128x128xf32, #tpu.memory_space<vmem>> -> memref<128x128xf32, #tpu.memory_space<vmem>>
    %dma_wait3A_434 = arith.constant 0 : i32
    %dma_wait3A_435 = tpu.memref_slice %arg7[%dma_wait3A_429, %dma_wait3A_434] : memref<8x128xi32, #tpu.memory_space<vmem>> -> memref<1x128xi32, #tpu.memory_space<vmem>>
    %dma_wait3A_436 = tpu.memref_squeeze %dma_wait3A_435 : memref<1x128xi32, #tpu.memory_space<vmem>> -> memref<128xi32, #tpu.memory_space<vmem>>
    %dma_wait3A_437 = arith.constant 0 : i32
    %dma_wait3A_438 = arith.constant 0 : i32
    %dma_wait3A_439 = tpu.memref_slice %arg6[%dma_wait3A_437, %dma_wait3A_438] : memref<4096x128xf32, #tpu.memory_space<vmem_shared>> -> memref<4096x128xf32, #tpu.memory_space<vmem_shared>>
    tpu.wait_indirect_dma semaphore(%arg13 : memref<!tpu.dma_semaphore, #tpu.memory_space<semaphore_mem>>) src(%dma_wait3A_433 : memref<128x128xf32, #tpu.memory_space<vmem>>) dst(%dma_wait3A_439 : memref<4096x128xf32, #tpu.memory_space<vmem_shared>>)
    %dma_wait3A_440 = arith.constant 0 : i32
    %dma_wait3A_441 = arith.constant 5 : i32
    %dma_wait3A_442 = arith.constant 0 : i32
    %dma_wait3A_443 = arith.constant 0 : i32
    %dma_wait3A_444 = tpu.memref_slice %arg8[%dma_wait3A_440, %dma_wait3A_442, %dma_wait3A_443] : memref<5x128x128xf32, #tpu.memory_space<vmem>> -> memref<1x128x128xf32, #tpu.memory_space<vmem>>
    %dma_wait3A_445 = tpu.memref_squeeze %dma_wait3A_444 : memref<1x128x128xf32, #tpu.memory_space<vmem>> -> memref<128x128xf32, #tpu.memory_space<vmem>>
    %dma_wait3A_446 = arith.constant 0 : i32
    %dma_wait3A_447 = tpu.memref_slice %arg7[%dma_wait3A_441, %dma_wait3A_446] : memref<8x128xi32, #tpu.memory_space<vmem>> -> memref<1x128xi32, #tpu.memory_space<vmem>>
    %dma_wait3A_448 = tpu.memref_squeeze %dma_wait3A_447 : memref<1x128xi32, #tpu.memory_space<vmem>> -> memref<128xi32, #tpu.memory_space<vmem>>
    %dma_wait3A_449 = arith.constant 0 : i32
    %dma_wait3A_450 = arith.constant 0 : i32
    %dma_wait3A_451 = tpu.memref_slice %arg6[%dma_wait3A_449, %dma_wait3A_450] : memref<4096x128xf32, #tpu.memory_space<vmem_shared>> -> memref<4096x128xf32, #tpu.memory_space<vmem_shared>>
    tpu.wait_indirect_dma semaphore(%arg9 : memref<!tpu.dma_semaphore, #tpu.memory_space<semaphore_mem>>) src(%dma_wait3A_445 : memref<128x128xf32, #tpu.memory_space<vmem>>) dst(%dma_wait3A_451 : memref<4096x128xf32, #tpu.memory_space<vmem_shared>>)
    %dma_wait3A_452 = arith.constant 1 : i32
    %dma_wait3A_453 = arith.constant 6 : i32
    %dma_wait3A_454 = arith.constant 0 : i32
    %dma_wait3A_455 = arith.constant 0 : i32
    %dma_wait3A_456 = tpu.memref_slice %arg8[%dma_wait3A_452, %dma_wait3A_454, %dma_wait3A_455] : memref<5x128x128xf32, #tpu.memory_space<vmem>> -> memref<1x128x128xf32, #tpu.memory_space<vmem>>
    %dma_wait3A_457 = tpu.memref_squeeze %dma_wait3A_456 : memref<1x128x128xf32, #tpu.memory_space<vmem>> -> memref<128x128xf32, #tpu.memory_space<vmem>>
    %dma_wait3A_458 = arith.constant 0 : i32
    %dma_wait3A_459 = tpu.memref_slice %arg7[%dma_wait3A_453, %dma_wait3A_458] : memref<8x128xi32, #tpu.memory_space<vmem>> -> memref<1x128xi32, #tpu.memory_space<vmem>>
    %dma_wait3A_460 = tpu.memref_squeeze %dma_wait3A_459 : memref<1x128xi32, #tpu.memory_space<vmem>> -> memref<128xi32, #tpu.memory_space<vmem>>
    %dma_wait3A_461 = arith.constant 0 : i32
    %dma_wait3A_462 = arith.constant 0 : i32
    %dma_wait3A_463 = tpu.memref_slice %arg6[%dma_wait3A_461, %dma_wait3A_462] : memref<4096x128xf32, #tpu.memory_space<vmem_shared>> -> memref<4096x128xf32, #tpu.memory_space<vmem_shared>>
    tpu.wait_indirect_dma semaphore(%arg10 : memref<!tpu.dma_semaphore, #tpu.memory_space<semaphore_mem>>) src(%dma_wait3A_457 : memref<128x128xf32, #tpu.memory_space<vmem>>) dst(%dma_wait3A_463 : memref<4096x128xf32, #tpu.memory_space<vmem_shared>>)
    %dma_wait3A_464 = arith.constant 2 : i32
    %dma_wait3A_465 = arith.constant 7 : i32
    %dma_wait3A_466 = arith.constant 0 : i32
    %dma_wait3A_467 = arith.constant 0 : i32
    %dma_wait3A_468 = tpu.memref_slice %arg8[%dma_wait3A_464, %dma_wait3A_466, %dma_wait3A_467] : memref<5x128x128xf32, #tpu.memory_space<vmem>> -> memref<1x128x128xf32, #tpu.memory_space<vmem>>
    %dma_wait3A_469 = tpu.memref_squeeze %dma_wait3A_468 : memref<1x128x128xf32, #tpu.memory_space<vmem>> -> memref<128x128xf32, #tpu.memory_space<vmem>>
    %dma_wait3A_470 = arith.constant 0 : i32
    %dma_wait3A_471 = tpu.memref_slice %arg7[%dma_wait3A_465, %dma_wait3A_470] : memref<8x128xi32, #tpu.memory_space<vmem>> -> memref<1x128xi32, #tpu.memory_space<vmem>>
    %dma_wait3A_472 = tpu.memref_squeeze %dma_wait3A_471 : memref<1x128xi32, #tpu.memory_space<vmem>> -> memref<128xi32, #tpu.memory_space<vmem>>
    %dma_wait3A_473 = arith.constant 0 : i32
    %dma_wait3A_474 = arith.constant 0 : i32
    %dma_wait3A_475 = tpu.memref_slice %arg6[%dma_wait3A_473, %dma_wait3A_474] : memref<4096x128xf32, #tpu.memory_space<vmem_shared>> -> memref<4096x128xf32, #tpu.memory_space<vmem_shared>>
    tpu.wait_indirect_dma semaphore(%arg11 : memref<!tpu.dma_semaphore, #tpu.memory_space<semaphore_mem>>) src(%dma_wait3A_469 : memref<128x128xf32, #tpu.memory_space<vmem>>) dst(%dma_wait3A_475 : memref<4096x128xf32, #tpu.memory_space<vmem_shared>>)
    %barrier3A_476 = arith.constant 0 : index
    tpu.barrier barrier_id(%barrier3A_476)
    %eq3A = arith.constant 0 : i32
    %eq3A_477 = arith.cmpi eq, %arg0, %eq3A : i32
    %convert_element_type3A = arith.extui %eq3A_477 : i1 to i32
    %cond3A = arith.constant 0 : i32
    %cond3A_478 = arith.cmpi ne, %convert_element_type3A, %cond3A : i32
    scf.if %cond3A_478 {
      %mul3A_484 = arith.constant 256 : i32
      %mul3A_485 = arith.muli %arg1, %mul3A_484 : i32
      %mul3A_486 = arith.constant 256 : i32
      %mul3A_487 = arith.muli %arg1, %mul3A_486 : i32
      "tpu.region"() ({
        %run_scoped3A_488 = tpu.sem_alloc : memref<!tpu.dma_semaphore, #tpu.memory_space<semaphore_mem>>
        %dma_start3A_489 = arith.constant 0 : i32
        %dma_start3A_490 = tpu.memref_slice %arg4[%mul3A_487, %dma_start3A_489] : memref<4096x128xf32, #tpu.memory_space<hbm>> -> memref<256x128xf32, #tpu.memory_space<hbm>>
        %dma_start3A_491 = arith.constant 0 : i32
        %dma_start3A_492 = tpu.memref_slice %arg6[%mul3A_485, %dma_start3A_491] : memref<4096x128xf32, #tpu.memory_space<vmem_shared>> -> memref<256x128xf32, #tpu.memory_space<vmem_shared>>
        tpu.enqueue_dma source(%dma_start3A_492 : memref<256x128xf32, #tpu.memory_space<vmem_shared>>) target(%dma_start3A_490 : memref<256x128xf32, #tpu.memory_space<hbm>>) target_semaphore(%run_scoped3A_488 : memref<!tpu.dma_semaphore, #tpu.memory_space<semaphore_mem>>)
        %dma_wait3A_493 = arith.constant 0 : i32
        %dma_wait3A_494 = tpu.memref_slice %arg4[%mul3A_487, %dma_wait3A_493] : memref<4096x128xf32, #tpu.memory_space<hbm>> -> memref<256x128xf32, #tpu.memory_space<hbm>>
        %dma_wait3A_495 = arith.constant 0 : i32
        %dma_wait3A_496 = tpu.memref_slice %arg6[%mul3A_485, %dma_wait3A_495] : memref<4096x128xf32, #tpu.memory_space<vmem_shared>> -> memref<256x128xf32, #tpu.memory_space<vmem_shared>>
        tpu.wait_dma2 semaphore(%run_scoped3A_488 : memref<!tpu.dma_semaphore, #tpu.memory_space<semaphore_mem>>) src(%dma_wait3A_496 : memref<256x128xf32, #tpu.memory_space<vmem_shared>>) dst(%dma_wait3A_494 : memref<256x128xf32, #tpu.memory_space<hbm>>)
        tpu.yield
      }) : () -> ()
    } else {
    }
    %eq3A_479 = arith.constant 1 : i32
    %eq3A_480 = arith.cmpi eq, %arg0, %eq3A_479 : i32
    %convert_element_type3A_481 = arith.extui %eq3A_480 : i1 to i32
    %cond3A_482 = arith.constant 0 : i32
    %cond3A_483 = arith.cmpi ne, %convert_element_type3A_481, %cond3A_482 : i32
    scf.if %cond3A_483 {
      %mul3A_484 = arith.constant 256 : i32
      %mul3A_485 = arith.muli %arg1, %mul3A_484 : i32
      %mul3A_486 = arith.constant 256 : i32
      %mul3A_487 = arith.muli %arg1, %mul3A_486 : i32
      "tpu.region"() ({
        %run_scoped3A_488 = tpu.sem_alloc : memref<!tpu.dma_semaphore, #tpu.memory_space<semaphore_mem>>
        %dma_start3A_489 = arith.constant 0 : i32
        %dma_start3A_490 = tpu.memref_slice %arg5[%mul3A_487, %dma_start3A_489] : memref<4096x128xf32, #tpu.memory_space<hbm>> -> memref<256x128xf32, #tpu.memory_space<hbm>>
        %dma_start3A_491 = arith.constant 0 : i32
        %dma_start3A_492 = tpu.memref_slice %arg6[%mul3A_485, %dma_start3A_491] : memref<4096x128xf32, #tpu.memory_space<vmem_shared>> -> memref<256x128xf32, #tpu.memory_space<vmem_shared>>
        tpu.enqueue_dma source(%dma_start3A_492 : memref<256x128xf32, #tpu.memory_space<vmem_shared>>) target(%dma_start3A_490 : memref<256x128xf32, #tpu.memory_space<hbm>>) target_semaphore(%run_scoped3A_488 : memref<!tpu.dma_semaphore, #tpu.memory_space<semaphore_mem>>)
        %dma_wait3A_493 = arith.constant 0 : i32
        %dma_wait3A_494 = tpu.memref_slice %arg5[%mul3A_487, %dma_wait3A_493] : memref<4096x128xf32, #tpu.memory_space<hbm>> -> memref<256x128xf32, #tpu.memory_space<hbm>>
        %dma_wait3A_495 = arith.constant 0 : i32
        %dma_wait3A_496 = tpu.memref_slice %arg6[%mul3A_485, %dma_wait3A_495] : memref<4096x128xf32, #tpu.memory_space<vmem_shared>> -> memref<256x128xf32, #tpu.memory_space<vmem_shared>>
        tpu.wait_dma2 semaphore(%run_scoped3A_488 : memref<!tpu.dma_semaphore, #tpu.memory_space<semaphore_mem>>) src(%dma_wait3A_496 : memref<256x128xf32, #tpu.memory_space<vmem_shared>>) dst(%dma_wait3A_494 : memref<256x128xf32, #tpu.memory_space<hbm>>)
        tpu.yield
      }) : () -> ()
    } else {
    }
    return
  }
}

#map = affine_map<(d0, d1) -> (0, 0)>
module attributes {stable_mosaic.version = 14 : i64} {
  func.func @gather_k(%arg0: i32, %arg1: i32, %arg2: memref<4096x128xf32, #tpu.memory_space<hbm>>, %arg3: memref<4096x128xf32, #tpu.memory_space<hbm>>, %arg4: memref<256x128xi32, #tpu.memory_space<hbm>>, %arg5: memref<128x128xi32, #tpu.memory_space<hbm>>, %arg6: memref<128x128xi32, #tpu.memory_space<hbm>>, %arg7: memref<32x128xi32, #tpu.memory_space<hbm>>, %arg8: memref<65536x128xf32, #tpu.memory_space<hbm>>, %arg9: memref<4096x128xf32, #tpu.memory_space<vmem_shared>>, %arg10: memref<2x128xi32, #tpu.memory_space<vmem>>, %arg11: memref<16x128xi32, #tpu.memory_space<vmem>>, %arg12: memref<5x128x128xf32, #tpu.memory_space<vmem>>, %arg13: memref<!tpu.dma_semaphore, #tpu.memory_space<semaphore_mem>>, %arg14: memref<!tpu.dma_semaphore, #tpu.memory_space<semaphore_mem>>, %arg15: memref<!tpu.dma_semaphore, #tpu.memory_space<semaphore_mem>>, %arg16: memref<!tpu.dma_semaphore, #tpu.memory_space<semaphore_mem>>, %arg17: memref<!tpu.dma_semaphore, #tpu.memory_space<semaphore_mem>>) attributes {dimension_semantics = [#tpu.dimension_semantics<core_parallel>, #tpu.dimension_semantics<subcore_parallel>], iteration_bounds = array<i64: 2, 16>, scalar_prefetch = 0 : i64, scratch_operands = 9 : i64, tpu.core_type = #tpu.core_type<sc_vector_subcore>, window_params = [{transform_indices = #map}, {transform_indices = #map}, {transform_indices = #map}, {transform_indices = #map}, {transform_indices = #map}, {transform_indices = #map}, {transform_indices = #map}]} {
    %mul3A = arith.constant 2 : i32
    %mul3A_0 = arith.muli %mul3A, %arg1 : i32
    "tpu.region"() ({
      %run_scoped3A = tpu.sem_alloc : memref<!tpu.dma_semaphore, #tpu.memory_space<semaphore_mem>>
      %dma_start3A_956 = arith.constant 0 : i32
      %dma_start3A_957 = tpu.memref_slice %arg7[%mul3A_0, %dma_start3A_956] : memref<32x128xi32, #tpu.memory_space<hbm>> -> memref<2x128xi32, #tpu.memory_space<hbm>>
      %dma_start3A_958 = arith.constant 0 : i32
      %dma_start3A_959 = tpu.memref_slice %arg7[%mul3A_0, %dma_start3A_958] : memref<32x128xi32, #tpu.memory_space<hbm>> -> memref<2x128xi32, #tpu.memory_space<hbm>>
      tpu.enqueue_dma source(%dma_start3A_959 : memref<2x128xi32, #tpu.memory_space<hbm>>) target(%arg10 : memref<2x128xi32, #tpu.memory_space<vmem>>) target_semaphore(%run_scoped3A : memref<!tpu.dma_semaphore, #tpu.memory_space<semaphore_mem>>)
      %dma_wait3A_960 = arith.constant 0 : i32
      %dma_wait3A_961 = tpu.memref_slice %arg7[%mul3A_0, %dma_wait3A_960] : memref<32x128xi32, #tpu.memory_space<hbm>> -> memref<2x128xi32, #tpu.memory_space<hbm>>
      %dma_wait3A_962 = arith.constant 0 : i32
      %dma_wait3A_963 = tpu.memref_slice %arg7[%mul3A_0, %dma_wait3A_962] : memref<32x128xi32, #tpu.memory_space<hbm>> -> memref<2x128xi32, #tpu.memory_space<hbm>>
      tpu.wait_dma2 semaphore(%run_scoped3A : memref<!tpu.dma_semaphore, #tpu.memory_space<semaphore_mem>>) src(%dma_wait3A_963 : memref<2x128xi32, #tpu.memory_space<hbm>>) dst(%arg10 : memref<2x128xi32, #tpu.memory_space<vmem>>)
      tpu.yield
    }) : () -> ()
    %eq3A = arith.constant 0 : i32
    %eq3A_1 = arith.cmpi eq, %arg0, %eq3A : i32
    %convert_element_type3A = arith.extui %eq3A_1 : i1 to i32
    %cond3A = arith.constant 0 : i32
    %cond3A_2 = arith.cmpi ne, %convert_element_type3A, %cond3A : i32
    scf.if %cond3A_2 {
      %mul3A_956 = arith.constant 256 : i32
      %mul3A_957 = arith.muli %arg1, %mul3A_956 : i32
      %add3A_958 = arith.constant 0 : i32
      %add3A_959 = arith.addi %mul3A_957, %add3A_958 : i32
      %dma_start3A_960 = arith.constant 0 : i32
      %dma_start3A_961 = arith.constant 0 : i32
      %dma_start3A_962 = arith.constant 0 : i32
      %dma_start3A_963 = tpu.memref_slice %arg12[%dma_start3A_960, %dma_start3A_961, %dma_start3A_962] : memref<5x128x128xf32, #tpu.memory_space<vmem>> -> memref<1x128x128xf32, #tpu.memory_space<vmem>>
      %dma_start3A_964 = tpu.memref_squeeze %dma_start3A_963 : memref<1x128x128xf32, #tpu.memory_space<vmem>> -> memref<128x128xf32, #tpu.memory_space<vmem>>
      %dma_start3A_965 = arith.constant 0 : i32
      %dma_start3A_966 = tpu.memref_slice %arg3[%add3A_959, %dma_start3A_965] : memref<4096x128xf32, #tpu.memory_space<hbm>> -> memref<128x128xf32, #tpu.memory_space<hbm>>
      %dma_start3A_967 = arith.constant 0 : i32
      %dma_start3A_968 = arith.constant 0 : i32
      %dma_start3A_969 = tpu.memref_slice %arg12[%dma_start3A_960, %dma_start3A_967, %dma_start3A_968] : memref<5x128x128xf32, #tpu.memory_space<vmem>> -> memref<1x128x128xf32, #tpu.memory_space<vmem>>
      %dma_start3A_970 = tpu.memref_squeeze %dma_start3A_969 : memref<1x128x128xf32, #tpu.memory_space<vmem>> -> memref<128x128xf32, #tpu.memory_space<vmem>>
      %dma_start3A_971 = arith.constant 0 : i32
      %dma_start3A_972 = tpu.memref_slice %arg3[%add3A_959, %dma_start3A_971] : memref<4096x128xf32, #tpu.memory_space<hbm>> -> memref<128x128xf32, #tpu.memory_space<hbm>>
      tpu.enqueue_dma source(%dma_start3A_972 : memref<128x128xf32, #tpu.memory_space<hbm>>) target(%dma_start3A_970 : memref<128x128xf32, #tpu.memory_space<vmem>>) target_semaphore(%arg13 : memref<!tpu.dma_semaphore, #tpu.memory_space<semaphore_mem>>)
      %mul3A_973 = arith.constant 256 : i32
      %mul3A_974 = arith.muli %arg1, %mul3A_973 : i32
      %add3A_975 = arith.constant 128 : i32
      %add3A_976 = arith.addi %mul3A_974, %add3A_975 : i32
      %dma_start3A_977 = arith.constant 1 : i32
      %dma_start3A_978 = arith.constant 0 : i32
      %dma_start3A_979 = arith.constant 0 : i32
      %dma_start3A_980 = tpu.memref_slice %arg12[%dma_start3A_977, %dma_start3A_978, %dma_start3A_979] : memref<5x128x128xf32, #tpu.memory_space<vmem>> -> memref<1x128x128xf32, #tpu.memory_space<vmem>>
      %dma_start3A_981 = tpu.memref_squeeze %dma_start3A_980 : memref<1x128x128xf32, #tpu.memory_space<vmem>> -> memref<128x128xf32, #tpu.memory_space<vmem>>
      %dma_start3A_982 = arith.constant 0 : i32
      %dma_start3A_983 = tpu.memref_slice %arg3[%add3A_976, %dma_start3A_982] : memref<4096x128xf32, #tpu.memory_space<hbm>> -> memref<128x128xf32, #tpu.memory_space<hbm>>
      %dma_start3A_984 = arith.constant 0 : i32
      %dma_start3A_985 = arith.constant 0 : i32
      %dma_start3A_986 = tpu.memref_slice %arg12[%dma_start3A_977, %dma_start3A_984, %dma_start3A_985] : memref<5x128x128xf32, #tpu.memory_space<vmem>> -> memref<1x128x128xf32, #tpu.memory_space<vmem>>
      %dma_start3A_987 = tpu.memref_squeeze %dma_start3A_986 : memref<1x128x128xf32, #tpu.memory_space<vmem>> -> memref<128x128xf32, #tpu.memory_space<vmem>>
      %dma_start3A_988 = arith.constant 0 : i32
      %dma_start3A_989 = tpu.memref_slice %arg3[%add3A_976, %dma_start3A_988] : memref<4096x128xf32, #tpu.memory_space<hbm>> -> memref<128x128xf32, #tpu.memory_space<hbm>>
      tpu.enqueue_dma source(%dma_start3A_989 : memref<128x128xf32, #tpu.memory_space<hbm>>) target(%dma_start3A_987 : memref<128x128xf32, #tpu.memory_space<vmem>>) target_semaphore(%arg14 : memref<!tpu.dma_semaphore, #tpu.memory_space<semaphore_mem>>)
      %mul3A_990 = arith.constant 256 : i32
      %mul3A_991 = arith.muli %arg1, %mul3A_990 : i32
      %mul3A_992 = arith.constant 256 : i32
      %mul3A_993 = arith.muli %arg1, %mul3A_992 : i32
      "tpu.region"() ({
        %run_scoped3A = tpu.sem_alloc : memref<!tpu.dma_semaphore, #tpu.memory_space<semaphore_mem>>
        %dma_start3A_1076 = arith.constant 0 : i32
        %dma_start3A_1077 = tpu.memref_slice %arg9[%mul3A_993, %dma_start3A_1076] : memref<4096x128xf32, #tpu.memory_space<vmem_shared>> -> memref<256x128xf32, #tpu.memory_space<vmem_shared>>
        %dma_start3A_1078 = arith.constant 0 : i32
        %dma_start3A_1079 = tpu.memref_slice %arg2[%mul3A_991, %dma_start3A_1078] : memref<4096x128xf32, #tpu.memory_space<hbm>> -> memref<256x128xf32, #tpu.memory_space<hbm>>
        tpu.enqueue_dma source(%dma_start3A_1079 : memref<256x128xf32, #tpu.memory_space<hbm>>) target(%dma_start3A_1077 : memref<256x128xf32, #tpu.memory_space<vmem_shared>>) target_semaphore(%run_scoped3A : memref<!tpu.dma_semaphore, #tpu.memory_space<semaphore_mem>>)
        %dma_wait3A_1080 = arith.constant 0 : i32
        %dma_wait3A_1081 = tpu.memref_slice %arg9[%mul3A_993, %dma_wait3A_1080] : memref<4096x128xf32, #tpu.memory_space<vmem_shared>> -> memref<256x128xf32, #tpu.memory_space<vmem_shared>>
        %dma_wait3A_1082 = arith.constant 0 : i32
        %dma_wait3A_1083 = tpu.memref_slice %arg2[%mul3A_991, %dma_wait3A_1082] : memref<4096x128xf32, #tpu.memory_space<hbm>> -> memref<256x128xf32, #tpu.memory_space<hbm>>
        tpu.wait_dma2 semaphore(%run_scoped3A : memref<!tpu.dma_semaphore, #tpu.memory_space<semaphore_mem>>) src(%dma_wait3A_1083 : memref<256x128xf32, #tpu.memory_space<hbm>>) dst(%dma_wait3A_1081 : memref<256x128xf32, #tpu.memory_space<vmem_shared>>)
        tpu.yield
      }) : () -> ()
      %mul3A_994 = arith.constant 256 : i32
      %mul3A_995 = arith.muli %arg1, %mul3A_994 : i32
      %add3A_996 = arith.constant 0 : i32
      %add3A_997 = arith.addi %mul3A_995, %add3A_996 : i32
      %dma_wait3A_998 = arith.constant 0 : i32
      %dma_wait3A_999 = arith.constant 0 : i32
      %dma_wait3A_1000 = arith.constant 0 : i32
      %dma_wait3A_1001 = tpu.memref_slice %arg12[%dma_wait3A_998, %dma_wait3A_999, %dma_wait3A_1000] : memref<5x128x128xf32, #tpu.memory_space<vmem>> -> memref<1x128x128xf32, #tpu.memory_space<vmem>>
      %dma_wait3A_1002 = tpu.memref_squeeze %dma_wait3A_1001 : memref<1x128x128xf32, #tpu.memory_space<vmem>> -> memref<128x128xf32, #tpu.memory_space<vmem>>
      %dma_wait3A_1003 = arith.constant 0 : i32
      %dma_wait3A_1004 = tpu.memref_slice %arg3[%add3A_997, %dma_wait3A_1003] : memref<4096x128xf32, #tpu.memory_space<hbm>> -> memref<128x128xf32, #tpu.memory_space<hbm>>
      %dma_wait3A_1005 = arith.constant 0 : i32
      %dma_wait3A_1006 = arith.constant 0 : i32
      %dma_wait3A_1007 = tpu.memref_slice %arg12[%dma_wait3A_998, %dma_wait3A_1005, %dma_wait3A_1006] : memref<5x128x128xf32, #tpu.memory_space<vmem>> -> memref<1x128x128xf32, #tpu.memory_space<vmem>>
      %dma_wait3A_1008 = tpu.memref_squeeze %dma_wait3A_1007 : memref<1x128x128xf32, #tpu.memory_space<vmem>> -> memref<128x128xf32, #tpu.memory_space<vmem>>
      %dma_wait3A_1009 = arith.constant 0 : i32
      %dma_wait3A_1010 = tpu.memref_slice %arg3[%add3A_997, %dma_wait3A_1009] : memref<4096x128xf32, #tpu.memory_space<hbm>> -> memref<128x128xf32, #tpu.memory_space<hbm>>
      tpu.wait_dma2 semaphore(%arg13 : memref<!tpu.dma_semaphore, #tpu.memory_space<semaphore_mem>>) src(%dma_wait3A_1010 : memref<128x128xf32, #tpu.memory_space<hbm>>) dst(%dma_wait3A_1008 : memref<128x128xf32, #tpu.memory_space<vmem>>)
      %dma_start3A_1011 = arith.constant 0 : i32
      %dma_start3A_1012 = arith.constant 0 : i32
      %dma_start3A_1013 = arith.constant 0 : i32
      %dma_start3A_1014 = arith.constant 0 : i32
      %dma_start3A_1015 = tpu.memref_slice %arg12[%dma_start3A_1011, %dma_start3A_1013, %dma_start3A_1014] : memref<5x128x128xf32, #tpu.memory_space<vmem>> -> memref<1x128x128xf32, #tpu.memory_space<vmem>>
      %dma_start3A_1016 = tpu.memref_squeeze %dma_start3A_1015 : memref<1x128x128xf32, #tpu.memory_space<vmem>> -> memref<128x128xf32, #tpu.memory_space<vmem>>
      %dma_start3A_1017 = arith.constant 0 : i32
      %dma_start3A_1018 = tpu.memref_slice %arg10[%dma_start3A_1012, %dma_start3A_1017] : memref<2x128xi32, #tpu.memory_space<vmem>> -> memref<1x128xi32, #tpu.memory_space<vmem>>
      %dma_start3A_1019 = tpu.memref_squeeze %dma_start3A_1018 : memref<1x128xi32, #tpu.memory_space<vmem>> -> memref<128xi32, #tpu.memory_space<vmem>>
      %dma_start3A_1020 = arith.constant 0 : i32
      %dma_start3A_1021 = arith.constant 0 : i32
      %dma_start3A_1022 = tpu.memref_slice %arg9[%dma_start3A_1020, %dma_start3A_1021] : memref<4096x128xf32, #tpu.memory_space<vmem_shared>> -> memref<4096x128xf32, #tpu.memory_space<vmem_shared>>
      tpu.enqueue_indirect_dma source(%dma_start3A_1016 : memref<128x128xf32, #tpu.memory_space<vmem>>) target(%dma_start3A_1022 : memref<4096x128xf32, #tpu.memory_space<vmem_shared>>) offsets(%dma_start3A_1019 : memref<128xi32, #tpu.memory_space<vmem>>) semaphore(%arg13 : memref<!tpu.dma_semaphore, #tpu.memory_space<semaphore_mem>>) {add = true}
      %mul3A_1023 = arith.constant 256 : i32
      %mul3A_1024 = arith.muli %arg1, %mul3A_1023 : i32
      %add3A_1025 = arith.constant 128 : i32
      %add3A_1026 = arith.addi %mul3A_1024, %add3A_1025 : i32
      %dma_wait3A_1027 = arith.constant 1 : i32
      %dma_wait3A_1028 = arith.constant 0 : i32
      %dma_wait3A_1029 = arith.constant 0 : i32
      %dma_wait3A_1030 = tpu.memref_slice %arg12[%dma_wait3A_1027, %dma_wait3A_1028, %dma_wait3A_1029] : memref<5x128x128xf32, #tpu.memory_space<vmem>> -> memref<1x128x128xf32, #tpu.memory_space<vmem>>
      %dma_wait3A_1031 = tpu.memref_squeeze %dma_wait3A_1030 : memref<1x128x128xf32, #tpu.memory_space<vmem>> -> memref<128x128xf32, #tpu.memory_space<vmem>>
      %dma_wait3A_1032 = arith.constant 0 : i32
      %dma_wait3A_1033 = tpu.memref_slice %arg3[%add3A_1026, %dma_wait3A_1032] : memref<4096x128xf32, #tpu.memory_space<hbm>> -> memref<128x128xf32, #tpu.memory_space<hbm>>
      %dma_wait3A_1034 = arith.constant 0 : i32
      %dma_wait3A_1035 = arith.constant 0 : i32
      %dma_wait3A_1036 = tpu.memref_slice %arg12[%dma_wait3A_1027, %dma_wait3A_1034, %dma_wait3A_1035] : memref<5x128x128xf32, #tpu.memory_space<vmem>> -> memref<1x128x128xf32, #tpu.memory_space<vmem>>
      %dma_wait3A_1037 = tpu.memref_squeeze %dma_wait3A_1036 : memref<1x128x128xf32, #tpu.memory_space<vmem>> -> memref<128x128xf32, #tpu.memory_space<vmem>>
      %dma_wait3A_1038 = arith.constant 0 : i32
      %dma_wait3A_1039 = tpu.memref_slice %arg3[%add3A_1026, %dma_wait3A_1038] : memref<4096x128xf32, #tpu.memory_space<hbm>> -> memref<128x128xf32, #tpu.memory_space<hbm>>
      tpu.wait_dma2 semaphore(%arg14 : memref<!tpu.dma_semaphore, #tpu.memory_space<semaphore_mem>>) src(%dma_wait3A_1039 : memref<128x128xf32, #tpu.memory_space<hbm>>) dst(%dma_wait3A_1037 : memref<128x128xf32, #tpu.memory_space<vmem>>)
      %dma_start3A_1040 = arith.constant 1 : i32
      %dma_start3A_1041 = arith.constant 1 : i32
      %dma_start3A_1042 = arith.constant 0 : i32
      %dma_start3A_1043 = arith.constant 0 : i32
      %dma_start3A_1044 = tpu.memref_slice %arg12[%dma_start3A_1040, %dma_start3A_1042, %dma_start3A_1043] : memref<5x128x128xf32, #tpu.memory_space<vmem>> -> memref<1x128x128xf32, #tpu.memory_space<vmem>>
      %dma_start3A_1045 = tpu.memref_squeeze %dma_start3A_1044 : memref<1x128x128xf32, #tpu.memory_space<vmem>> -> memref<128x128xf32, #tpu.memory_space<vmem>>
      %dma_start3A_1046 = arith.constant 0 : i32
      %dma_start3A_1047 = tpu.memref_slice %arg10[%dma_start3A_1041, %dma_start3A_1046] : memref<2x128xi32, #tpu.memory_space<vmem>> -> memref<1x128xi32, #tpu.memory_space<vmem>>
      %dma_start3A_1048 = tpu.memref_squeeze %dma_start3A_1047 : memref<1x128xi32, #tpu.memory_space<vmem>> -> memref<128xi32, #tpu.memory_space<vmem>>
      %dma_start3A_1049 = arith.constant 0 : i32
      %dma_start3A_1050 = arith.constant 0 : i32
      %dma_start3A_1051 = tpu.memref_slice %arg9[%dma_start3A_1049, %dma_start3A_1050] : memref<4096x128xf32, #tpu.memory_space<vmem_shared>> -> memref<4096x128xf32, #tpu.memory_space<vmem_shared>>
      tpu.enqueue_indirect_dma source(%dma_start3A_1045 : memref<128x128xf32, #tpu.memory_space<vmem>>) target(%dma_start3A_1051 : memref<4096x128xf32, #tpu.memory_space<vmem_shared>>) offsets(%dma_start3A_1048 : memref<128xi32, #tpu.memory_space<vmem>>) semaphore(%arg14 : memref<!tpu.dma_semaphore, #tpu.memory_space<semaphore_mem>>) {add = true}
      %dma_wait3A_1052 = arith.constant 0 : i32
      %dma_wait3A_1053 = arith.constant 0 : i32
      %dma_wait3A_1054 = arith.constant 0 : i32
      %dma_wait3A_1055 = arith.constant 0 : i32
      %dma_wait3A_1056 = tpu.memref_slice %arg12[%dma_wait3A_1052, %dma_wait3A_1054, %dma_wait3A_1055] : memref<5x128x128xf32, #tpu.memory_space<vmem>> -> memref<1x128x128xf32, #tpu.memory_space<vmem>>
      %dma_wait3A_1057 = tpu.memref_squeeze %dma_wait3A_1056 : memref<1x128x128xf32, #tpu.memory_space<vmem>> -> memref<128x128xf32, #tpu.memory_space<vmem>>
      %dma_wait3A_1058 = arith.constant 0 : i32
      %dma_wait3A_1059 = tpu.memref_slice %arg10[%dma_wait3A_1053, %dma_wait3A_1058] : memref<2x128xi32, #tpu.memory_space<vmem>> -> memref<1x128xi32, #tpu.memory_space<vmem>>
      %dma_wait3A_1060 = tpu.memref_squeeze %dma_wait3A_1059 : memref<1x128xi32, #tpu.memory_space<vmem>> -> memref<128xi32, #tpu.memory_space<vmem>>
      %dma_wait3A_1061 = arith.constant 0 : i32
      %dma_wait3A_1062 = arith.constant 0 : i32
      %dma_wait3A_1063 = tpu.memref_slice %arg9[%dma_wait3A_1061, %dma_wait3A_1062] : memref<4096x128xf32, #tpu.memory_space<vmem_shared>> -> memref<4096x128xf32, #tpu.memory_space<vmem_shared>>
      tpu.wait_indirect_dma semaphore(%arg13 : memref<!tpu.dma_semaphore, #tpu.memory_space<semaphore_mem>>) src(%dma_wait3A_1057 : memref<128x128xf32, #tpu.memory_space<vmem>>) dst(%dma_wait3A_1063 : memref<4096x128xf32, #tpu.memory_space<vmem_shared>>)
      %dma_wait3A_1064 = arith.constant 1 : i32
      %dma_wait3A_1065 = arith.constant 1 : i32
      %dma_wait3A_1066 = arith.constant 0 : i32
      %dma_wait3A_1067 = arith.constant 0 : i32
      %dma_wait3A_1068 = tpu.memref_slice %arg12[%dma_wait3A_1064, %dma_wait3A_1066, %dma_wait3A_1067] : memref<5x128x128xf32, #tpu.memory_space<vmem>> -> memref<1x128x128xf32, #tpu.memory_space<vmem>>
      %dma_wait3A_1069 = tpu.memref_squeeze %dma_wait3A_1068 : memref<1x128x128xf32, #tpu.memory_space<vmem>> -> memref<128x128xf32, #tpu.memory_space<vmem>>
      %dma_wait3A_1070 = arith.constant 0 : i32
      %dma_wait3A_1071 = tpu.memref_slice %arg10[%dma_wait3A_1065, %dma_wait3A_1070] : memref<2x128xi32, #tpu.memory_space<vmem>> -> memref<1x128xi32, #tpu.memory_space<vmem>>
      %dma_wait3A_1072 = tpu.memref_squeeze %dma_wait3A_1071 : memref<1x128xi32, #tpu.memory_space<vmem>> -> memref<128xi32, #tpu.memory_space<vmem>>
      %dma_wait3A_1073 = arith.constant 0 : i32
      %dma_wait3A_1074 = arith.constant 0 : i32
      %dma_wait3A_1075 = tpu.memref_slice %arg9[%dma_wait3A_1073, %dma_wait3A_1074] : memref<4096x128xf32, #tpu.memory_space<vmem_shared>> -> memref<4096x128xf32, #tpu.memory_space<vmem_shared>>
      tpu.wait_indirect_dma semaphore(%arg14 : memref<!tpu.dma_semaphore, #tpu.memory_space<semaphore_mem>>) src(%dma_wait3A_1069 : memref<128x128xf32, #tpu.memory_space<vmem>>) dst(%dma_wait3A_1075 : memref<4096x128xf32, #tpu.memory_space<vmem_shared>>)
    } else {
    }
    %eq3A_3 = arith.constant 1 : i32
    %eq3A_4 = arith.cmpi eq, %arg0, %eq3A_3 : i32
    %convert_element_type3A_5 = arith.extui %eq3A_4 : i1 to i32
    %cond3A_6 = arith.constant 0 : i32
    %cond3A_7 = arith.cmpi ne, %convert_element_type3A_5, %cond3A_6 : i32
    scf.if %cond3A_7 {
      %mul3A_956 = arith.constant 256 : i32
      %mul3A_957 = arith.muli %arg1, %mul3A_956 : i32
      %add3A_958 = arith.constant 0 : i32
      %add3A_959 = arith.addi %mul3A_957, %add3A_958 : i32
      %dma_start3A_960 = arith.constant 0 : i32
      %dma_start3A_961 = arith.constant 0 : i32
      %dma_start3A_962 = arith.constant 0 : i32
      %dma_start3A_963 = tpu.memref_slice %arg12[%dma_start3A_960, %dma_start3A_961, %dma_start3A_962] : memref<5x128x128xf32, #tpu.memory_space<vmem>> -> memref<1x128x128xf32, #tpu.memory_space<vmem>>
      %dma_start3A_964 = tpu.memref_squeeze %dma_start3A_963 : memref<1x128x128xf32, #tpu.memory_space<vmem>> -> memref<128x128xf32, #tpu.memory_space<vmem>>
      %dma_start3A_965 = arith.constant 0 : i32
      %dma_start3A_966 = tpu.memref_slice %arg2[%add3A_959, %dma_start3A_965] : memref<4096x128xf32, #tpu.memory_space<hbm>> -> memref<128x128xf32, #tpu.memory_space<hbm>>
      %dma_start3A_967 = arith.constant 0 : i32
      %dma_start3A_968 = arith.constant 0 : i32
      %dma_start3A_969 = tpu.memref_slice %arg12[%dma_start3A_960, %dma_start3A_967, %dma_start3A_968] : memref<5x128x128xf32, #tpu.memory_space<vmem>> -> memref<1x128x128xf32, #tpu.memory_space<vmem>>
      %dma_start3A_970 = tpu.memref_squeeze %dma_start3A_969 : memref<1x128x128xf32, #tpu.memory_space<vmem>> -> memref<128x128xf32, #tpu.memory_space<vmem>>
      %dma_start3A_971 = arith.constant 0 : i32
      %dma_start3A_972 = tpu.memref_slice %arg2[%add3A_959, %dma_start3A_971] : memref<4096x128xf32, #tpu.memory_space<hbm>> -> memref<128x128xf32, #tpu.memory_space<hbm>>
      tpu.enqueue_dma source(%dma_start3A_972 : memref<128x128xf32, #tpu.memory_space<hbm>>) target(%dma_start3A_970 : memref<128x128xf32, #tpu.memory_space<vmem>>) target_semaphore(%arg13 : memref<!tpu.dma_semaphore, #tpu.memory_space<semaphore_mem>>)
      %mul3A_973 = arith.constant 256 : i32
      %mul3A_974 = arith.muli %arg1, %mul3A_973 : i32
      %add3A_975 = arith.constant 128 : i32
      %add3A_976 = arith.addi %mul3A_974, %add3A_975 : i32
      %dma_start3A_977 = arith.constant 1 : i32
      %dma_start3A_978 = arith.constant 0 : i32
      %dma_start3A_979 = arith.constant 0 : i32
      %dma_start3A_980 = tpu.memref_slice %arg12[%dma_start3A_977, %dma_start3A_978, %dma_start3A_979] : memref<5x128x128xf32, #tpu.memory_space<vmem>> -> memref<1x128x128xf32, #tpu.memory_space<vmem>>
      %dma_start3A_981 = tpu.memref_squeeze %dma_start3A_980 : memref<1x128x128xf32, #tpu.memory_space<vmem>> -> memref<128x128xf32, #tpu.memory_space<vmem>>
      %dma_start3A_982 = arith.constant 0 : i32
      %dma_start3A_983 = tpu.memref_slice %arg2[%add3A_976, %dma_start3A_982] : memref<4096x128xf32, #tpu.memory_space<hbm>> -> memref<128x128xf32, #tpu.memory_space<hbm>>
      %dma_start3A_984 = arith.constant 0 : i32
      %dma_start3A_985 = arith.constant 0 : i32
      %dma_start3A_986 = tpu.memref_slice %arg12[%dma_start3A_977, %dma_start3A_984, %dma_start3A_985] : memref<5x128x128xf32, #tpu.memory_space<vmem>> -> memref<1x128x128xf32, #tpu.memory_space<vmem>>
      %dma_start3A_987 = tpu.memref_squeeze %dma_start3A_986 : memref<1x128x128xf32, #tpu.memory_space<vmem>> -> memref<128x128xf32, #tpu.memory_space<vmem>>
      %dma_start3A_988 = arith.constant 0 : i32
      %dma_start3A_989 = tpu.memref_slice %arg2[%add3A_976, %dma_start3A_988] : memref<4096x128xf32, #tpu.memory_space<hbm>> -> memref<128x128xf32, #tpu.memory_space<hbm>>
      tpu.enqueue_dma source(%dma_start3A_989 : memref<128x128xf32, #tpu.memory_space<hbm>>) target(%dma_start3A_987 : memref<128x128xf32, #tpu.memory_space<vmem>>) target_semaphore(%arg14 : memref<!tpu.dma_semaphore, #tpu.memory_space<semaphore_mem>>)
      %mul3A_990 = arith.constant 256 : i32
      %mul3A_991 = arith.muli %arg1, %mul3A_990 : i32
      %mul3A_992 = arith.constant 256 : i32
      %mul3A_993 = arith.muli %arg1, %mul3A_992 : i32
      "tpu.region"() ({
        %run_scoped3A = tpu.sem_alloc : memref<!tpu.dma_semaphore, #tpu.memory_space<semaphore_mem>>
        %dma_start3A_1076 = arith.constant 0 : i32
        %dma_start3A_1077 = tpu.memref_slice %arg9[%mul3A_993, %dma_start3A_1076] : memref<4096x128xf32, #tpu.memory_space<vmem_shared>> -> memref<256x128xf32, #tpu.memory_space<vmem_shared>>
        %dma_start3A_1078 = arith.constant 0 : i32
        %dma_start3A_1079 = tpu.memref_slice %arg3[%mul3A_991, %dma_start3A_1078] : memref<4096x128xf32, #tpu.memory_space<hbm>> -> memref<256x128xf32, #tpu.memory_space<hbm>>
        tpu.enqueue_dma source(%dma_start3A_1079 : memref<256x128xf32, #tpu.memory_space<hbm>>) target(%dma_start3A_1077 : memref<256x128xf32, #tpu.memory_space<vmem_shared>>) target_semaphore(%run_scoped3A : memref<!tpu.dma_semaphore, #tpu.memory_space<semaphore_mem>>)
        %dma_wait3A_1080 = arith.constant 0 : i32
        %dma_wait3A_1081 = tpu.memref_slice %arg9[%mul3A_993, %dma_wait3A_1080] : memref<4096x128xf32, #tpu.memory_space<vmem_shared>> -> memref<256x128xf32, #tpu.memory_space<vmem_shared>>
        %dma_wait3A_1082 = arith.constant 0 : i32
        %dma_wait3A_1083 = tpu.memref_slice %arg3[%mul3A_991, %dma_wait3A_1082] : memref<4096x128xf32, #tpu.memory_space<hbm>> -> memref<256x128xf32, #tpu.memory_space<hbm>>
        tpu.wait_dma2 semaphore(%run_scoped3A : memref<!tpu.dma_semaphore, #tpu.memory_space<semaphore_mem>>) src(%dma_wait3A_1083 : memref<256x128xf32, #tpu.memory_space<hbm>>) dst(%dma_wait3A_1081 : memref<256x128xf32, #tpu.memory_space<vmem_shared>>)
        tpu.yield
      }) : () -> ()
      %mul3A_994 = arith.constant 256 : i32
      %mul3A_995 = arith.muli %arg1, %mul3A_994 : i32
      %add3A_996 = arith.constant 0 : i32
      %add3A_997 = arith.addi %mul3A_995, %add3A_996 : i32
      %dma_wait3A_998 = arith.constant 0 : i32
      %dma_wait3A_999 = arith.constant 0 : i32
      %dma_wait3A_1000 = arith.constant 0 : i32
      %dma_wait3A_1001 = tpu.memref_slice %arg12[%dma_wait3A_998, %dma_wait3A_999, %dma_wait3A_1000] : memref<5x128x128xf32, #tpu.memory_space<vmem>> -> memref<1x128x128xf32, #tpu.memory_space<vmem>>
      %dma_wait3A_1002 = tpu.memref_squeeze %dma_wait3A_1001 : memref<1x128x128xf32, #tpu.memory_space<vmem>> -> memref<128x128xf32, #tpu.memory_space<vmem>>
      %dma_wait3A_1003 = arith.constant 0 : i32
      %dma_wait3A_1004 = tpu.memref_slice %arg2[%add3A_997, %dma_wait3A_1003] : memref<4096x128xf32, #tpu.memory_space<hbm>> -> memref<128x128xf32, #tpu.memory_space<hbm>>
      %dma_wait3A_1005 = arith.constant 0 : i32
      %dma_wait3A_1006 = arith.constant 0 : i32
      %dma_wait3A_1007 = tpu.memref_slice %arg12[%dma_wait3A_998, %dma_wait3A_1005, %dma_wait3A_1006] : memref<5x128x128xf32, #tpu.memory_space<vmem>> -> memref<1x128x128xf32, #tpu.memory_space<vmem>>
      %dma_wait3A_1008 = tpu.memref_squeeze %dma_wait3A_1007 : memref<1x128x128xf32, #tpu.memory_space<vmem>> -> memref<128x128xf32, #tpu.memory_space<vmem>>
      %dma_wait3A_1009 = arith.constant 0 : i32
      %dma_wait3A_1010 = tpu.memref_slice %arg2[%add3A_997, %dma_wait3A_1009] : memref<4096x128xf32, #tpu.memory_space<hbm>> -> memref<128x128xf32, #tpu.memory_space<hbm>>
      tpu.wait_dma2 semaphore(%arg13 : memref<!tpu.dma_semaphore, #tpu.memory_space<semaphore_mem>>) src(%dma_wait3A_1010 : memref<128x128xf32, #tpu.memory_space<hbm>>) dst(%dma_wait3A_1008 : memref<128x128xf32, #tpu.memory_space<vmem>>)
      %dma_start3A_1011 = arith.constant 0 : i32
      %dma_start3A_1012 = arith.constant 0 : i32
      %dma_start3A_1013 = arith.constant 0 : i32
      %dma_start3A_1014 = arith.constant 0 : i32
      %dma_start3A_1015 = tpu.memref_slice %arg12[%dma_start3A_1011, %dma_start3A_1013, %dma_start3A_1014] : memref<5x128x128xf32, #tpu.memory_space<vmem>> -> memref<1x128x128xf32, #tpu.memory_space<vmem>>
      %dma_start3A_1016 = tpu.memref_squeeze %dma_start3A_1015 : memref<1x128x128xf32, #tpu.memory_space<vmem>> -> memref<128x128xf32, #tpu.memory_space<vmem>>
      %dma_start3A_1017 = arith.constant 0 : i32
      %dma_start3A_1018 = tpu.memref_slice %arg10[%dma_start3A_1012, %dma_start3A_1017] : memref<2x128xi32, #tpu.memory_space<vmem>> -> memref<1x128xi32, #tpu.memory_space<vmem>>
      %dma_start3A_1019 = tpu.memref_squeeze %dma_start3A_1018 : memref<1x128xi32, #tpu.memory_space<vmem>> -> memref<128xi32, #tpu.memory_space<vmem>>
      %dma_start3A_1020 = arith.constant 0 : i32
      %dma_start3A_1021 = arith.constant 0 : i32
      %dma_start3A_1022 = tpu.memref_slice %arg9[%dma_start3A_1020, %dma_start3A_1021] : memref<4096x128xf32, #tpu.memory_space<vmem_shared>> -> memref<4096x128xf32, #tpu.memory_space<vmem_shared>>
      tpu.enqueue_indirect_dma source(%dma_start3A_1016 : memref<128x128xf32, #tpu.memory_space<vmem>>) target(%dma_start3A_1022 : memref<4096x128xf32, #tpu.memory_space<vmem_shared>>) offsets(%dma_start3A_1019 : memref<128xi32, #tpu.memory_space<vmem>>) semaphore(%arg13 : memref<!tpu.dma_semaphore, #tpu.memory_space<semaphore_mem>>) {add = true}
      %mul3A_1023 = arith.constant 256 : i32
      %mul3A_1024 = arith.muli %arg1, %mul3A_1023 : i32
      %add3A_1025 = arith.constant 128 : i32
      %add3A_1026 = arith.addi %mul3A_1024, %add3A_1025 : i32
      %dma_wait3A_1027 = arith.constant 1 : i32
      %dma_wait3A_1028 = arith.constant 0 : i32
      %dma_wait3A_1029 = arith.constant 0 : i32
      %dma_wait3A_1030 = tpu.memref_slice %arg12[%dma_wait3A_1027, %dma_wait3A_1028, %dma_wait3A_1029] : memref<5x128x128xf32, #tpu.memory_space<vmem>> -> memref<1x128x128xf32, #tpu.memory_space<vmem>>
      %dma_wait3A_1031 = tpu.memref_squeeze %dma_wait3A_1030 : memref<1x128x128xf32, #tpu.memory_space<vmem>> -> memref<128x128xf32, #tpu.memory_space<vmem>>
      %dma_wait3A_1032 = arith.constant 0 : i32
      %dma_wait3A_1033 = tpu.memref_slice %arg2[%add3A_1026, %dma_wait3A_1032] : memref<4096x128xf32, #tpu.memory_space<hbm>> -> memref<128x128xf32, #tpu.memory_space<hbm>>
      %dma_wait3A_1034 = arith.constant 0 : i32
      %dma_wait3A_1035 = arith.constant 0 : i32
      %dma_wait3A_1036 = tpu.memref_slice %arg12[%dma_wait3A_1027, %dma_wait3A_1034, %dma_wait3A_1035] : memref<5x128x128xf32, #tpu.memory_space<vmem>> -> memref<1x128x128xf32, #tpu.memory_space<vmem>>
      %dma_wait3A_1037 = tpu.memref_squeeze %dma_wait3A_1036 : memref<1x128x128xf32, #tpu.memory_space<vmem>> -> memref<128x128xf32, #tpu.memory_space<vmem>>
      %dma_wait3A_1038 = arith.constant 0 : i32
      %dma_wait3A_1039 = tpu.memref_slice %arg2[%add3A_1026, %dma_wait3A_1038] : memref<4096x128xf32, #tpu.memory_space<hbm>> -> memref<128x128xf32, #tpu.memory_space<hbm>>
      tpu.wait_dma2 semaphore(%arg14 : memref<!tpu.dma_semaphore, #tpu.memory_space<semaphore_mem>>) src(%dma_wait3A_1039 : memref<128x128xf32, #tpu.memory_space<hbm>>) dst(%dma_wait3A_1037 : memref<128x128xf32, #tpu.memory_space<vmem>>)
      %dma_start3A_1040 = arith.constant 1 : i32
      %dma_start3A_1041 = arith.constant 1 : i32
      %dma_start3A_1042 = arith.constant 0 : i32
      %dma_start3A_1043 = arith.constant 0 : i32
      %dma_start3A_1044 = tpu.memref_slice %arg12[%dma_start3A_1040, %dma_start3A_1042, %dma_start3A_1043] : memref<5x128x128xf32, #tpu.memory_space<vmem>> -> memref<1x128x128xf32, #tpu.memory_space<vmem>>
      %dma_start3A_1045 = tpu.memref_squeeze %dma_start3A_1044 : memref<1x128x128xf32, #tpu.memory_space<vmem>> -> memref<128x128xf32, #tpu.memory_space<vmem>>
      %dma_start3A_1046 = arith.constant 0 : i32
      %dma_start3A_1047 = tpu.memref_slice %arg10[%dma_start3A_1041, %dma_start3A_1046] : memref<2x128xi32, #tpu.memory_space<vmem>> -> memref<1x128xi32, #tpu.memory_space<vmem>>
      %dma_start3A_1048 = tpu.memref_squeeze %dma_start3A_1047 : memref<1x128xi32, #tpu.memory_space<vmem>> -> memref<128xi32, #tpu.memory_space<vmem>>
      %dma_start3A_1049 = arith.constant 0 : i32
      %dma_start3A_1050 = arith.constant 0 : i32
      %dma_start3A_1051 = tpu.memref_slice %arg9[%dma_start3A_1049, %dma_start3A_1050] : memref<4096x128xf32, #tpu.memory_space<vmem_shared>> -> memref<4096x128xf32, #tpu.memory_space<vmem_shared>>
      tpu.enqueue_indirect_dma source(%dma_start3A_1045 : memref<128x128xf32, #tpu.memory_space<vmem>>) target(%dma_start3A_1051 : memref<4096x128xf32, #tpu.memory_space<vmem_shared>>) offsets(%dma_start3A_1048 : memref<128xi32, #tpu.memory_space<vmem>>) semaphore(%arg14 : memref<!tpu.dma_semaphore, #tpu.memory_space<semaphore_mem>>) {add = true}
      %dma_wait3A_1052 = arith.constant 0 : i32
      %dma_wait3A_1053 = arith.constant 0 : i32
      %dma_wait3A_1054 = arith.constant 0 : i32
      %dma_wait3A_1055 = arith.constant 0 : i32
      %dma_wait3A_1056 = tpu.memref_slice %arg12[%dma_wait3A_1052, %dma_wait3A_1054, %dma_wait3A_1055] : memref<5x128x128xf32, #tpu.memory_space<vmem>> -> memref<1x128x128xf32, #tpu.memory_space<vmem>>
      %dma_wait3A_1057 = tpu.memref_squeeze %dma_wait3A_1056 : memref<1x128x128xf32, #tpu.memory_space<vmem>> -> memref<128x128xf32, #tpu.memory_space<vmem>>
      %dma_wait3A_1058 = arith.constant 0 : i32
      %dma_wait3A_1059 = tpu.memref_slice %arg10[%dma_wait3A_1053, %dma_wait3A_1058] : memref<2x128xi32, #tpu.memory_space<vmem>> -> memref<1x128xi32, #tpu.memory_space<vmem>>
      %dma_wait3A_1060 = tpu.memref_squeeze %dma_wait3A_1059 : memref<1x128xi32, #tpu.memory_space<vmem>> -> memref<128xi32, #tpu.memory_space<vmem>>
      %dma_wait3A_1061 = arith.constant 0 : i32
      %dma_wait3A_1062 = arith.constant 0 : i32
      %dma_wait3A_1063 = tpu.memref_slice %arg9[%dma_wait3A_1061, %dma_wait3A_1062] : memref<4096x128xf32, #tpu.memory_space<vmem_shared>> -> memref<4096x128xf32, #tpu.memory_space<vmem_shared>>
      tpu.wait_indirect_dma semaphore(%arg13 : memref<!tpu.dma_semaphore, #tpu.memory_space<semaphore_mem>>) src(%dma_wait3A_1057 : memref<128x128xf32, #tpu.memory_space<vmem>>) dst(%dma_wait3A_1063 : memref<4096x128xf32, #tpu.memory_space<vmem_shared>>)
      %dma_wait3A_1064 = arith.constant 1 : i32
      %dma_wait3A_1065 = arith.constant 1 : i32
      %dma_wait3A_1066 = arith.constant 0 : i32
      %dma_wait3A_1067 = arith.constant 0 : i32
      %dma_wait3A_1068 = tpu.memref_slice %arg12[%dma_wait3A_1064, %dma_wait3A_1066, %dma_wait3A_1067] : memref<5x128x128xf32, #tpu.memory_space<vmem>> -> memref<1x128x128xf32, #tpu.memory_space<vmem>>
      %dma_wait3A_1069 = tpu.memref_squeeze %dma_wait3A_1068 : memref<1x128x128xf32, #tpu.memory_space<vmem>> -> memref<128x128xf32, #tpu.memory_space<vmem>>
      %dma_wait3A_1070 = arith.constant 0 : i32
      %dma_wait3A_1071 = tpu.memref_slice %arg10[%dma_wait3A_1065, %dma_wait3A_1070] : memref<2x128xi32, #tpu.memory_space<vmem>> -> memref<1x128xi32, #tpu.memory_space<vmem>>
      %dma_wait3A_1072 = tpu.memref_squeeze %dma_wait3A_1071 : memref<1x128xi32, #tpu.memory_space<vmem>> -> memref<128xi32, #tpu.memory_space<vmem>>
      %dma_wait3A_1073 = arith.constant 0 : i32
      %dma_wait3A_1074 = arith.constant 0 : i32
      %dma_wait3A_1075 = tpu.memref_slice %arg9[%dma_wait3A_1073, %dma_wait3A_1074] : memref<4096x128xf32, #tpu.memory_space<vmem_shared>> -> memref<4096x128xf32, #tpu.memory_space<vmem_shared>>
      tpu.wait_indirect_dma semaphore(%arg14 : memref<!tpu.dma_semaphore, #tpu.memory_space<semaphore_mem>>) src(%dma_wait3A_1069 : memref<128x128xf32, #tpu.memory_space<vmem>>) dst(%dma_wait3A_1075 : memref<4096x128xf32, #tpu.memory_space<vmem_shared>>)
    } else {
    }
    %barrier3A = arith.constant 0 : index
    tpu.barrier barrier_id(%barrier3A)
    %mul3A_8 = arith.constant 16 : i32
    %mul3A_9 = arith.muli %arg0, %mul3A_8 : i32
    %add3A = arith.addi %mul3A_9, %arg1 : i32
    %mul3A_10 = arith.constant 16 : i32
    %mul3A_11 = arith.muli %add3A, %mul3A_10 : i32
    %eq3A_12 = arith.constant 0 : i32
    %eq3A_13 = arith.cmpi eq, %arg0, %eq3A_12 : i32
    %convert_element_type3A_14 = arith.extui %eq3A_13 : i1 to i32
    %cond3A_15 = arith.constant 0 : i32
    %cond3A_16 = arith.cmpi ne, %convert_element_type3A_14, %cond3A_15 : i32
    scf.if %cond3A_16 {
      %mul3A_956 = arith.constant 16 : i32
      %mul3A_957 = arith.muli %arg1, %mul3A_956 : i32
      "tpu.region"() ({
        %run_scoped3A = tpu.sem_alloc : memref<!tpu.dma_semaphore, #tpu.memory_space<semaphore_mem>>
        %dma_start3A_958 = arith.constant 0 : i32
        %dma_start3A_959 = tpu.memref_slice %arg4[%mul3A_957, %dma_start3A_958] : memref<256x128xi32, #tpu.memory_space<hbm>> -> memref<16x128xi32, #tpu.memory_space<hbm>>
        %dma_start3A_960 = arith.constant 0 : i32
        %dma_start3A_961 = tpu.memref_slice %arg4[%mul3A_957, %dma_start3A_960] : memref<256x128xi32, #tpu.memory_space<hbm>> -> memref<16x128xi32, #tpu.memory_space<hbm>>
        tpu.enqueue_dma source(%dma_start3A_961 : memref<16x128xi32, #tpu.memory_space<hbm>>) target(%arg11 : memref<16x128xi32, #tpu.memory_space<vmem>>) target_semaphore(%run_scoped3A : memref<!tpu.dma_semaphore, #tpu.memory_space<semaphore_mem>>)
        %dma_wait3A_962 = arith.constant 0 : i32
        %dma_wait3A_963 = tpu.memref_slice %arg4[%mul3A_957, %dma_wait3A_962] : memref<256x128xi32, #tpu.memory_space<hbm>> -> memref<16x128xi32, #tpu.memory_space<hbm>>
        %dma_wait3A_964 = arith.constant 0 : i32
        %dma_wait3A_965 = tpu.memref_slice %arg4[%mul3A_957, %dma_wait3A_964] : memref<256x128xi32, #tpu.memory_space<hbm>> -> memref<16x128xi32, #tpu.memory_space<hbm>>
        tpu.wait_dma2 semaphore(%run_scoped3A : memref<!tpu.dma_semaphore, #tpu.memory_space<semaphore_mem>>) src(%dma_wait3A_965 : memref<16x128xi32, #tpu.memory_space<hbm>>) dst(%arg11 : memref<16x128xi32, #tpu.memory_space<vmem>>)
        tpu.yield
      }) : () -> ()
    } else {
    }
    %eq3A_17 = arith.constant 1 : i32
    %eq3A_18 = arith.cmpi eq, %arg0, %eq3A_17 : i32
    %lt3A = arith.constant 8 : i32
    %lt3A_19 = arith.cmpi slt, %arg1, %lt3A : i32
    %and3A = arith.andi %eq3A_18, %lt3A_19 : i1
    %convert_element_type3A_20 = arith.extui %and3A : i1 to i32
    %cond3A_21 = arith.constant 0 : i32
    %cond3A_22 = arith.cmpi ne, %convert_element_type3A_20, %cond3A_21 : i32
    scf.if %cond3A_22 {
      %mul3A_956 = arith.constant 16 : i32
      %mul3A_957 = arith.muli %arg1, %mul3A_956 : i32
      "tpu.region"() ({
        %run_scoped3A = tpu.sem_alloc : memref<!tpu.dma_semaphore, #tpu.memory_space<semaphore_mem>>
        %dma_start3A_958 = arith.constant 0 : i32
        %dma_start3A_959 = tpu.memref_slice %arg5[%mul3A_957, %dma_start3A_958] : memref<128x128xi32, #tpu.memory_space<hbm>> -> memref<16x128xi32, #tpu.memory_space<hbm>>
        %dma_start3A_960 = arith.constant 0 : i32
        %dma_start3A_961 = tpu.memref_slice %arg5[%mul3A_957, %dma_start3A_960] : memref<128x128xi32, #tpu.memory_space<hbm>> -> memref<16x128xi32, #tpu.memory_space<hbm>>
        tpu.enqueue_dma source(%dma_start3A_961 : memref<16x128xi32, #tpu.memory_space<hbm>>) target(%arg11 : memref<16x128xi32, #tpu.memory_space<vmem>>) target_semaphore(%run_scoped3A : memref<!tpu.dma_semaphore, #tpu.memory_space<semaphore_mem>>)
        %dma_wait3A_962 = arith.constant 0 : i32
        %dma_wait3A_963 = tpu.memref_slice %arg5[%mul3A_957, %dma_wait3A_962] : memref<128x128xi32, #tpu.memory_space<hbm>> -> memref<16x128xi32, #tpu.memory_space<hbm>>
        %dma_wait3A_964 = arith.constant 0 : i32
        %dma_wait3A_965 = tpu.memref_slice %arg5[%mul3A_957, %dma_wait3A_964] : memref<128x128xi32, #tpu.memory_space<hbm>> -> memref<16x128xi32, #tpu.memory_space<hbm>>
        tpu.wait_dma2 semaphore(%run_scoped3A : memref<!tpu.dma_semaphore, #tpu.memory_space<semaphore_mem>>) src(%dma_wait3A_965 : memref<16x128xi32, #tpu.memory_space<hbm>>) dst(%arg11 : memref<16x128xi32, #tpu.memory_space<vmem>>)
        tpu.yield
      }) : () -> ()
    } else {
    }
    %eq3A_23 = arith.constant 1 : i32
    %eq3A_24 = arith.cmpi eq, %arg0, %eq3A_23 : i32
    %ge3A = arith.constant 8 : i32
    %ge3A_25 = arith.cmpi sge, %arg1, %ge3A : i32
    %and3A_26 = arith.andi %eq3A_24, %ge3A_25 : i1
    %convert_element_type3A_27 = arith.extui %and3A_26 : i1 to i32
    %cond3A_28 = arith.constant 0 : i32
    %cond3A_29 = arith.cmpi ne, %convert_element_type3A_27, %cond3A_28 : i32
    scf.if %cond3A_29 {
      %sub3A = arith.constant 8 : i32
      %sub3A_956 = arith.subi %arg1, %sub3A : i32
      %mul3A_957 = arith.constant 16 : i32
      %mul3A_958 = arith.muli %sub3A_956, %mul3A_957 : i32
      "tpu.region"() ({
        %run_scoped3A = tpu.sem_alloc : memref<!tpu.dma_semaphore, #tpu.memory_space<semaphore_mem>>
        %dma_start3A_959 = arith.constant 0 : i32
        %dma_start3A_960 = tpu.memref_slice %arg6[%mul3A_958, %dma_start3A_959] : memref<128x128xi32, #tpu.memory_space<hbm>> -> memref<16x128xi32, #tpu.memory_space<hbm>>
        %dma_start3A_961 = arith.constant 0 : i32
        %dma_start3A_962 = tpu.memref_slice %arg6[%mul3A_958, %dma_start3A_961] : memref<128x128xi32, #tpu.memory_space<hbm>> -> memref<16x128xi32, #tpu.memory_space<hbm>>
        tpu.enqueue_dma source(%dma_start3A_962 : memref<16x128xi32, #tpu.memory_space<hbm>>) target(%arg11 : memref<16x128xi32, #tpu.memory_space<vmem>>) target_semaphore(%run_scoped3A : memref<!tpu.dma_semaphore, #tpu.memory_space<semaphore_mem>>)
        %dma_wait3A_963 = arith.constant 0 : i32
        %dma_wait3A_964 = tpu.memref_slice %arg6[%mul3A_958, %dma_wait3A_963] : memref<128x128xi32, #tpu.memory_space<hbm>> -> memref<16x128xi32, #tpu.memory_space<hbm>>
        %dma_wait3A_965 = arith.constant 0 : i32
        %dma_wait3A_966 = tpu.memref_slice %arg6[%mul3A_958, %dma_wait3A_965] : memref<128x128xi32, #tpu.memory_space<hbm>> -> memref<16x128xi32, #tpu.memory_space<hbm>>
        tpu.wait_dma2 semaphore(%run_scoped3A : memref<!tpu.dma_semaphore, #tpu.memory_space<semaphore_mem>>) src(%dma_wait3A_966 : memref<16x128xi32, #tpu.memory_space<hbm>>) dst(%arg11 : memref<16x128xi32, #tpu.memory_space<vmem>>)
        tpu.yield
      }) : () -> ()
    } else {
    }
    %dma_start3A = arith.constant 0 : i32
    %dma_start3A_30 = arith.constant 0 : i32
    %dma_start3A_31 = arith.constant 0 : i32
    %dma_start3A_32 = arith.constant 0 : i32
    %dma_start3A_33 = tpu.memref_slice %arg12[%dma_start3A_30, %dma_start3A_31, %dma_start3A_32] : memref<5x128x128xf32, #tpu.memory_space<vmem>> -> memref<1x128x128xf32, #tpu.memory_space<vmem>>
    %dma_start3A_34 = tpu.memref_squeeze %dma_start3A_33 : memref<1x128x128xf32, #tpu.memory_space<vmem>> -> memref<128x128xf32, #tpu.memory_space<vmem>>
    %dma_start3A_35 = arith.constant 0 : i32
    %dma_start3A_36 = tpu.memref_slice %arg11[%dma_start3A, %dma_start3A_35] : memref<16x128xi32, #tpu.memory_space<vmem>> -> memref<1x128xi32, #tpu.memory_space<vmem>>
    %dma_start3A_37 = tpu.memref_squeeze %dma_start3A_36 : memref<1x128xi32, #tpu.memory_space<vmem>> -> memref<128xi32, #tpu.memory_space<vmem>>
    %dma_start3A_38 = arith.constant 0 : i32
    %dma_start3A_39 = arith.constant 0 : i32
    %dma_start3A_40 = tpu.memref_slice %arg9[%dma_start3A_38, %dma_start3A_39] : memref<4096x128xf32, #tpu.memory_space<vmem_shared>> -> memref<4096x128xf32, #tpu.memory_space<vmem_shared>>
    tpu.enqueue_indirect_dma source(%dma_start3A_40 : memref<4096x128xf32, #tpu.memory_space<vmem_shared>>) target(%dma_start3A_34 : memref<128x128xf32, #tpu.memory_space<vmem>>) offsets(%dma_start3A_37 : memref<128xi32, #tpu.memory_space<vmem>>) semaphore(%arg13 : memref<!tpu.dma_semaphore, #tpu.memory_space<semaphore_mem>>)
    %dma_start3A_41 = arith.constant 1 : i32
    %dma_start3A_42 = arith.constant 1 : i32
    %dma_start3A_43 = arith.constant 0 : i32
    %dma_start3A_44 = arith.constant 0 : i32
    %dma_start3A_45 = tpu.memref_slice %arg12[%dma_start3A_42, %dma_start3A_43, %dma_start3A_44] : memref<5x128x128xf32, #tpu.memory_space<vmem>> -> memref<1x128x128xf32, #tpu.memory_space<vmem>>
    %dma_start3A_46 = tpu.memref_squeeze %dma_start3A_45 : memref<1x128x128xf32, #tpu.memory_space<vmem>> -> memref<128x128xf32, #tpu.memory_space<vmem>>
    %dma_start3A_47 = arith.constant 0 : i32
    %dma_start3A_48 = tpu.memref_slice %arg11[%dma_start3A_41, %dma_start3A_47] : memref<16x128xi32, #tpu.memory_space<vmem>> -> memref<1x128xi32, #tpu.memory_space<vmem>>
    %dma_start3A_49 = tpu.memref_squeeze %dma_start3A_48 : memref<1x128xi32, #tpu.memory_space<vmem>> -> memref<128xi32, #tpu.memory_space<vmem>>
    %dma_start3A_50 = arith.constant 0 : i32
    %dma_start3A_51 = arith.constant 0 : i32
    %dma_start3A_52 = tpu.memref_slice %arg9[%dma_start3A_50, %dma_start3A_51] : memref<4096x128xf32, #tpu.memory_space<vmem_shared>> -> memref<4096x128xf32, #tpu.memory_space<vmem_shared>>
    tpu.enqueue_indirect_dma source(%dma_start3A_52 : memref<4096x128xf32, #tpu.memory_space<vmem_shared>>) target(%dma_start3A_46 : memref<128x128xf32, #tpu.memory_space<vmem>>) offsets(%dma_start3A_49 : memref<128xi32, #tpu.memory_space<vmem>>) semaphore(%arg14 : memref<!tpu.dma_semaphore, #tpu.memory_space<semaphore_mem>>)
    %dma_start3A_53 = arith.constant 2 : i32
    %dma_start3A_54 = arith.constant 2 : i32
    %dma_start3A_55 = arith.constant 0 : i32
    %dma_start3A_56 = arith.constant 0 : i32
    %dma_start3A_57 = tpu.memref_slice %arg12[%dma_start3A_54, %dma_start3A_55, %dma_start3A_56] : memref<5x128x128xf32, #tpu.memory_space<vmem>> -> memref<1x128x128xf32, #tpu.memory_space<vmem>>
    %dma_start3A_58 = tpu.memref_squeeze %dma_start3A_57 : memref<1x128x128xf32, #tpu.memory_space<vmem>> -> memref<128x128xf32, #tpu.memory_space<vmem>>
    %dma_start3A_59 = arith.constant 0 : i32
    %dma_start3A_60 = tpu.memref_slice %arg11[%dma_start3A_53, %dma_start3A_59] : memref<16x128xi32, #tpu.memory_space<vmem>> -> memref<1x128xi32, #tpu.memory_space<vmem>>
    %dma_start3A_61 = tpu.memref_squeeze %dma_start3A_60 : memref<1x128xi32, #tpu.memory_space<vmem>> -> memref<128xi32, #tpu.memory_space<vmem>>
    %dma_start3A_62 = arith.constant 0 : i32
    %dma_start3A_63 = arith.constant 0 : i32
    %dma_start3A_64 = tpu.memref_slice %arg9[%dma_start3A_62, %dma_start3A_63] : memref<4096x128xf32, #tpu.memory_space<vmem_shared>> -> memref<4096x128xf32, #tpu.memory_space<vmem_shared>>
    tpu.enqueue_indirect_dma source(%dma_start3A_64 : memref<4096x128xf32, #tpu.memory_space<vmem_shared>>) target(%dma_start3A_58 : memref<128x128xf32, #tpu.memory_space<vmem>>) offsets(%dma_start3A_61 : memref<128xi32, #tpu.memory_space<vmem>>) semaphore(%arg15 : memref<!tpu.dma_semaphore, #tpu.memory_space<semaphore_mem>>)
    %dma_start3A_65 = arith.constant 3 : i32
    %dma_start3A_66 = arith.constant 3 : i32
    %dma_start3A_67 = arith.constant 0 : i32
    %dma_start3A_68 = arith.constant 0 : i32
    %dma_start3A_69 = tpu.memref_slice %arg12[%dma_start3A_66, %dma_start3A_67, %dma_start3A_68] : memref<5x128x128xf32, #tpu.memory_space<vmem>> -> memref<1x128x128xf32, #tpu.memory_space<vmem>>
    %dma_start3A_70 = tpu.memref_squeeze %dma_start3A_69 : memref<1x128x128xf32, #tpu.memory_space<vmem>> -> memref<128x128xf32, #tpu.memory_space<vmem>>
    %dma_start3A_71 = arith.constant 0 : i32
    %dma_start3A_72 = tpu.memref_slice %arg11[%dma_start3A_65, %dma_start3A_71] : memref<16x128xi32, #tpu.memory_space<vmem>> -> memref<1x128xi32, #tpu.memory_space<vmem>>
    %dma_start3A_73 = tpu.memref_squeeze %dma_start3A_72 : memref<1x128xi32, #tpu.memory_space<vmem>> -> memref<128xi32, #tpu.memory_space<vmem>>
    %dma_start3A_74 = arith.constant 0 : i32
    %dma_start3A_75 = arith.constant 0 : i32
    %dma_start3A_76 = tpu.memref_slice %arg9[%dma_start3A_74, %dma_start3A_75] : memref<4096x128xf32, #tpu.memory_space<vmem_shared>> -> memref<4096x128xf32, #tpu.memory_space<vmem_shared>>
    tpu.enqueue_indirect_dma source(%dma_start3A_76 : memref<4096x128xf32, #tpu.memory_space<vmem_shared>>) target(%dma_start3A_70 : memref<128x128xf32, #tpu.memory_space<vmem>>) offsets(%dma_start3A_73 : memref<128xi32, #tpu.memory_space<vmem>>) semaphore(%arg16 : memref<!tpu.dma_semaphore, #tpu.memory_space<semaphore_mem>>)
    %dma_start3A_77 = arith.constant 4 : i32
    %dma_start3A_78 = arith.constant 4 : i32
    %dma_start3A_79 = arith.constant 0 : i32
    %dma_start3A_80 = arith.constant 0 : i32
    %dma_start3A_81 = tpu.memref_slice %arg12[%dma_start3A_78, %dma_start3A_79, %dma_start3A_80] : memref<5x128x128xf32, #tpu.memory_space<vmem>> -> memref<1x128x128xf32, #tpu.memory_space<vmem>>
    %dma_start3A_82 = tpu.memref_squeeze %dma_start3A_81 : memref<1x128x128xf32, #tpu.memory_space<vmem>> -> memref<128x128xf32, #tpu.memory_space<vmem>>
    %dma_start3A_83 = arith.constant 0 : i32
    %dma_start3A_84 = tpu.memref_slice %arg11[%dma_start3A_77, %dma_start3A_83] : memref<16x128xi32, #tpu.memory_space<vmem>> -> memref<1x128xi32, #tpu.memory_space<vmem>>
    %dma_start3A_85 = tpu.memref_squeeze %dma_start3A_84 : memref<1x128xi32, #tpu.memory_space<vmem>> -> memref<128xi32, #tpu.memory_space<vmem>>
    %dma_start3A_86 = arith.constant 0 : i32
    %dma_start3A_87 = arith.constant 0 : i32
    %dma_start3A_88 = tpu.memref_slice %arg9[%dma_start3A_86, %dma_start3A_87] : memref<4096x128xf32, #tpu.memory_space<vmem_shared>> -> memref<4096x128xf32, #tpu.memory_space<vmem_shared>>
    tpu.enqueue_indirect_dma source(%dma_start3A_88 : memref<4096x128xf32, #tpu.memory_space<vmem_shared>>) target(%dma_start3A_82 : memref<128x128xf32, #tpu.memory_space<vmem>>) offsets(%dma_start3A_85 : memref<128xi32, #tpu.memory_space<vmem>>) semaphore(%arg17 : memref<!tpu.dma_semaphore, #tpu.memory_space<semaphore_mem>>)
    %dma_wait3A = arith.constant 0 : i32
    %dma_wait3A_89 = arith.constant 0 : i32
    %dma_wait3A_90 = arith.constant 0 : i32
    %dma_wait3A_91 = arith.constant 0 : i32
    %dma_wait3A_92 = tpu.memref_slice %arg12[%dma_wait3A_89, %dma_wait3A_90, %dma_wait3A_91] : memref<5x128x128xf32, #tpu.memory_space<vmem>> -> memref<1x128x128xf32, #tpu.memory_space<vmem>>
    %dma_wait3A_93 = tpu.memref_squeeze %dma_wait3A_92 : memref<1x128x128xf32, #tpu.memory_space<vmem>> -> memref<128x128xf32, #tpu.memory_space<vmem>>
    %dma_wait3A_94 = arith.constant 0 : i32
    %dma_wait3A_95 = tpu.memref_slice %arg11[%dma_wait3A, %dma_wait3A_94] : memref<16x128xi32, #tpu.memory_space<vmem>> -> memref<1x128xi32, #tpu.memory_space<vmem>>
    %dma_wait3A_96 = tpu.memref_squeeze %dma_wait3A_95 : memref<1x128xi32, #tpu.memory_space<vmem>> -> memref<128xi32, #tpu.memory_space<vmem>>
    %dma_wait3A_97 = arith.constant 0 : i32
    %dma_wait3A_98 = arith.constant 0 : i32
    %dma_wait3A_99 = tpu.memref_slice %arg9[%dma_wait3A_97, %dma_wait3A_98] : memref<4096x128xf32, #tpu.memory_space<vmem_shared>> -> memref<4096x128xf32, #tpu.memory_space<vmem_shared>>
    tpu.wait_indirect_dma semaphore(%arg13 : memref<!tpu.dma_semaphore, #tpu.memory_space<semaphore_mem>>) src(%dma_wait3A_99 : memref<4096x128xf32, #tpu.memory_space<vmem_shared>>) dst(%dma_wait3A_93 : memref<128x128xf32, #tpu.memory_space<vmem>>)
    %add3A_100 = arith.constant 0 : i32
    %add3A_101 = arith.addi %mul3A_11, %add3A_100 : i32
    %mul3A_102 = arith.constant 128 : i32
    %mul3A_103 = arith.muli %add3A_101, %mul3A_102 : i32
    %dma_start3A_104 = arith.constant 0 : i32
    %dma_start3A_105 = arith.constant 0 : i32
    %dma_start3A_106 = arith.constant 0 : i32
    %dma_start3A_107 = tpu.memref_slice %arg12[%dma_start3A_104, %dma_start3A_105, %dma_start3A_106] : memref<5x128x128xf32, #tpu.memory_space<vmem>> -> memref<1x128x128xf32, #tpu.memory_space<vmem>>
    %dma_start3A_108 = tpu.memref_squeeze %dma_start3A_107 : memref<1x128x128xf32, #tpu.memory_space<vmem>> -> memref<128x128xf32, #tpu.memory_space<vmem>>
    %dma_start3A_109 = arith.constant 0 : i32
    %dma_start3A_110 = tpu.memref_slice %arg8[%mul3A_103, %dma_start3A_109] : memref<65536x128xf32, #tpu.memory_space<hbm>> -> memref<128x128xf32, #tpu.memory_space<hbm>>
    %dma_start3A_111 = arith.constant 0 : i32
    %dma_start3A_112 = tpu.memref_slice %arg8[%mul3A_103, %dma_start3A_111] : memref<65536x128xf32, #tpu.memory_space<hbm>> -> memref<128x128xf32, #tpu.memory_space<hbm>>
    %dma_start3A_113 = arith.constant 0 : i32
    %dma_start3A_114 = arith.constant 0 : i32
    %dma_start3A_115 = tpu.memref_slice %arg12[%dma_start3A_104, %dma_start3A_113, %dma_start3A_114] : memref<5x128x128xf32, #tpu.memory_space<vmem>> -> memref<1x128x128xf32, #tpu.memory_space<vmem>>
    %dma_start3A_116 = tpu.memref_squeeze %dma_start3A_115 : memref<1x128x128xf32, #tpu.memory_space<vmem>> -> memref<128x128xf32, #tpu.memory_space<vmem>>
    tpu.enqueue_dma source(%dma_start3A_116 : memref<128x128xf32, #tpu.memory_space<vmem>>) target(%dma_start3A_112 : memref<128x128xf32, #tpu.memory_space<hbm>>) target_semaphore(%arg13 : memref<!tpu.dma_semaphore, #tpu.memory_space<semaphore_mem>>)
    %add3A_117 = arith.constant 0 : i32
    %add3A_118 = arith.addi %mul3A_11, %add3A_117 : i32
    %mul3A_119 = arith.constant 128 : i32
    %mul3A_120 = arith.muli %add3A_118, %mul3A_119 : i32
    %dma_wait3A_121 = arith.constant 0 : i32
    %dma_wait3A_122 = arith.constant 0 : i32
    %dma_wait3A_123 = arith.constant 0 : i32
    %dma_wait3A_124 = tpu.memref_slice %arg12[%dma_wait3A_121, %dma_wait3A_122, %dma_wait3A_123] : memref<5x128x128xf32, #tpu.memory_space<vmem>> -> memref<1x128x128xf32, #tpu.memory_space<vmem>>
    %dma_wait3A_125 = tpu.memref_squeeze %dma_wait3A_124 : memref<1x128x128xf32, #tpu.memory_space<vmem>> -> memref<128x128xf32, #tpu.memory_space<vmem>>
    %dma_wait3A_126 = arith.constant 0 : i32
    %dma_wait3A_127 = tpu.memref_slice %arg8[%mul3A_120, %dma_wait3A_126] : memref<65536x128xf32, #tpu.memory_space<hbm>> -> memref<128x128xf32, #tpu.memory_space<hbm>>
    %dma_wait3A_128 = arith.constant 0 : i32
    %dma_wait3A_129 = tpu.memref_slice %arg8[%mul3A_120, %dma_wait3A_128] : memref<65536x128xf32, #tpu.memory_space<hbm>> -> memref<128x128xf32, #tpu.memory_space<hbm>>
    %dma_wait3A_130 = arith.constant 0 : i32
    %dma_wait3A_131 = arith.constant 0 : i32
    %dma_wait3A_132 = tpu.memref_slice %arg12[%dma_wait3A_121, %dma_wait3A_130, %dma_wait3A_131] : memref<5x128x128xf32, #tpu.memory_space<vmem>> -> memref<1x128x128xf32, #tpu.memory_space<vmem>>
    %dma_wait3A_133 = tpu.memref_squeeze %dma_wait3A_132 : memref<1x128x128xf32, #tpu.memory_space<vmem>> -> memref<128x128xf32, #tpu.memory_space<vmem>>
    tpu.wait_dma2 semaphore(%arg13 : memref<!tpu.dma_semaphore, #tpu.memory_space<semaphore_mem>>) src(%dma_wait3A_133 : memref<128x128xf32, #tpu.memory_space<vmem>>) dst(%dma_wait3A_129 : memref<128x128xf32, #tpu.memory_space<hbm>>)
    %dma_start3A_134 = arith.constant 5 : i32
    %dma_start3A_135 = arith.constant 0 : i32
    %dma_start3A_136 = arith.constant 0 : i32
    %dma_start3A_137 = arith.constant 0 : i32
    %dma_start3A_138 = tpu.memref_slice %arg12[%dma_start3A_135, %dma_start3A_136, %dma_start3A_137] : memref<5x128x128xf32, #tpu.memory_space<vmem>> -> memref<1x128x128xf32, #tpu.memory_space<vmem>>
    %dma_start3A_139 = tpu.memref_squeeze %dma_start3A_138 : memref<1x128x128xf32, #tpu.memory_space<vmem>> -> memref<128x128xf32, #tpu.memory_space<vmem>>
    %dma_start3A_140 = arith.constant 0 : i32
    %dma_start3A_141 = tpu.memref_slice %arg11[%dma_start3A_134, %dma_start3A_140] : memref<16x128xi32, #tpu.memory_space<vmem>> -> memref<1x128xi32, #tpu.memory_space<vmem>>
    %dma_start3A_142 = tpu.memref_squeeze %dma_start3A_141 : memref<1x128xi32, #tpu.memory_space<vmem>> -> memref<128xi32, #tpu.memory_space<vmem>>
    %dma_start3A_143 = arith.constant 0 : i32
    %dma_start3A_144 = arith.constant 0 : i32
    %dma_start3A_145 = tpu.memref_slice %arg9[%dma_start3A_143, %dma_start3A_144] : memref<4096x128xf32, #tpu.memory_space<vmem_shared>> -> memref<4096x128xf32, #tpu.memory_space<vmem_shared>>
    tpu.enqueue_indirect_dma source(%dma_start3A_145 : memref<4096x128xf32, #tpu.memory_space<vmem_shared>>) target(%dma_start3A_139 : memref<128x128xf32, #tpu.memory_space<vmem>>) offsets(%dma_start3A_142 : memref<128xi32, #tpu.memory_space<vmem>>) semaphore(%arg13 : memref<!tpu.dma_semaphore, #tpu.memory_space<semaphore_mem>>)
    %dma_wait3A_146 = arith.constant 1 : i32
    %dma_wait3A_147 = arith.constant 1 : i32
    %dma_wait3A_148 = arith.constant 0 : i32
    %dma_wait3A_149 = arith.constant 0 : i32
    %dma_wait3A_150 = tpu.memref_slice %arg12[%dma_wait3A_147, %dma_wait3A_148, %dma_wait3A_149] : memref<5x128x128xf32, #tpu.memory_space<vmem>> -> memref<1x128x128xf32, #tpu.memory_space<vmem>>
    %dma_wait3A_151 = tpu.memref_squeeze %dma_wait3A_150 : memref<1x128x128xf32, #tpu.memory_space<vmem>> -> memref<128x128xf32, #tpu.memory_space<vmem>>
    %dma_wait3A_152 = arith.constant 0 : i32
    %dma_wait3A_153 = tpu.memref_slice %arg11[%dma_wait3A_146, %dma_wait3A_152] : memref<16x128xi32, #tpu.memory_space<vmem>> -> memref<1x128xi32, #tpu.memory_space<vmem>>
    %dma_wait3A_154 = tpu.memref_squeeze %dma_wait3A_153 : memref<1x128xi32, #tpu.memory_space<vmem>> -> memref<128xi32, #tpu.memory_space<vmem>>
    %dma_wait3A_155 = arith.constant 0 : i32
    %dma_wait3A_156 = arith.constant 0 : i32
    %dma_wait3A_157 = tpu.memref_slice %arg9[%dma_wait3A_155, %dma_wait3A_156] : memref<4096x128xf32, #tpu.memory_space<vmem_shared>> -> memref<4096x128xf32, #tpu.memory_space<vmem_shared>>
    tpu.wait_indirect_dma semaphore(%arg14 : memref<!tpu.dma_semaphore, #tpu.memory_space<semaphore_mem>>) src(%dma_wait3A_157 : memref<4096x128xf32, #tpu.memory_space<vmem_shared>>) dst(%dma_wait3A_151 : memref<128x128xf32, #tpu.memory_space<vmem>>)
    %add3A_158 = arith.constant 1 : i32
    %add3A_159 = arith.addi %mul3A_11, %add3A_158 : i32
    %mul3A_160 = arith.constant 128 : i32
    %mul3A_161 = arith.muli %add3A_159, %mul3A_160 : i32
    %dma_start3A_162 = arith.constant 1 : i32
    %dma_start3A_163 = arith.constant 0 : i32
    %dma_start3A_164 = arith.constant 0 : i32
    %dma_start3A_165 = tpu.memref_slice %arg12[%dma_start3A_162, %dma_start3A_163, %dma_start3A_164] : memref<5x128x128xf32, #tpu.memory_space<vmem>> -> memref<1x128x128xf32, #tpu.memory_space<vmem>>
    %dma_start3A_166 = tpu.memref_squeeze %dma_start3A_165 : memref<1x128x128xf32, #tpu.memory_space<vmem>> -> memref<128x128xf32, #tpu.memory_space<vmem>>
    %dma_start3A_167 = arith.constant 0 : i32
    %dma_start3A_168 = tpu.memref_slice %arg8[%mul3A_161, %dma_start3A_167] : memref<65536x128xf32, #tpu.memory_space<hbm>> -> memref<128x128xf32, #tpu.memory_space<hbm>>
    %dma_start3A_169 = arith.constant 0 : i32
    %dma_start3A_170 = tpu.memref_slice %arg8[%mul3A_161, %dma_start3A_169] : memref<65536x128xf32, #tpu.memory_space<hbm>> -> memref<128x128xf32, #tpu.memory_space<hbm>>
    %dma_start3A_171 = arith.constant 0 : i32
    %dma_start3A_172 = arith.constant 0 : i32
    %dma_start3A_173 = tpu.memref_slice %arg12[%dma_start3A_162, %dma_start3A_171, %dma_start3A_172] : memref<5x128x128xf32, #tpu.memory_space<vmem>> -> memref<1x128x128xf32, #tpu.memory_space<vmem>>
    %dma_start3A_174 = tpu.memref_squeeze %dma_start3A_173 : memref<1x128x128xf32, #tpu.memory_space<vmem>> -> memref<128x128xf32, #tpu.memory_space<vmem>>
    tpu.enqueue_dma source(%dma_start3A_174 : memref<128x128xf32, #tpu.memory_space<vmem>>) target(%dma_start3A_170 : memref<128x128xf32, #tpu.memory_space<hbm>>) target_semaphore(%arg14 : memref<!tpu.dma_semaphore, #tpu.memory_space<semaphore_mem>>)
    %add3A_175 = arith.constant 1 : i32
    %add3A_176 = arith.addi %mul3A_11, %add3A_175 : i32
    %mul3A_177 = arith.constant 128 : i32
    %mul3A_178 = arith.muli %add3A_176, %mul3A_177 : i32
    %dma_wait3A_179 = arith.constant 1 : i32
    %dma_wait3A_180 = arith.constant 0 : i32
    %dma_wait3A_181 = arith.constant 0 : i32
    %dma_wait3A_182 = tpu.memref_slice %arg12[%dma_wait3A_179, %dma_wait3A_180, %dma_wait3A_181] : memref<5x128x128xf32, #tpu.memory_space<vmem>> -> memref<1x128x128xf32, #tpu.memory_space<vmem>>
    %dma_wait3A_183 = tpu.memref_squeeze %dma_wait3A_182 : memref<1x128x128xf32, #tpu.memory_space<vmem>> -> memref<128x128xf32, #tpu.memory_space<vmem>>
    %dma_wait3A_184 = arith.constant 0 : i32
    %dma_wait3A_185 = tpu.memref_slice %arg8[%mul3A_178, %dma_wait3A_184] : memref<65536x128xf32, #tpu.memory_space<hbm>> -> memref<128x128xf32, #tpu.memory_space<hbm>>
    %dma_wait3A_186 = arith.constant 0 : i32
    %dma_wait3A_187 = tpu.memref_slice %arg8[%mul3A_178, %dma_wait3A_186] : memref<65536x128xf32, #tpu.memory_space<hbm>> -> memref<128x128xf32, #tpu.memory_space<hbm>>
    %dma_wait3A_188 = arith.constant 0 : i32
    %dma_wait3A_189 = arith.constant 0 : i32
    %dma_wait3A_190 = tpu.memref_slice %arg12[%dma_wait3A_179, %dma_wait3A_188, %dma_wait3A_189] : memref<5x128x128xf32, #tpu.memory_space<vmem>> -> memref<1x128x128xf32, #tpu.memory_space<vmem>>
    %dma_wait3A_191 = tpu.memref_squeeze %dma_wait3A_190 : memref<1x128x128xf32, #tpu.memory_space<vmem>> -> memref<128x128xf32, #tpu.memory_space<vmem>>
    tpu.wait_dma2 semaphore(%arg14 : memref<!tpu.dma_semaphore, #tpu.memory_space<semaphore_mem>>) src(%dma_wait3A_191 : memref<128x128xf32, #tpu.memory_space<vmem>>) dst(%dma_wait3A_187 : memref<128x128xf32, #tpu.memory_space<hbm>>)
    %dma_start3A_192 = arith.constant 6 : i32
    %dma_start3A_193 = arith.constant 1 : i32
    %dma_start3A_194 = arith.constant 0 : i32
    %dma_start3A_195 = arith.constant 0 : i32
    %dma_start3A_196 = tpu.memref_slice %arg12[%dma_start3A_193, %dma_start3A_194, %dma_start3A_195] : memref<5x128x128xf32, #tpu.memory_space<vmem>> -> memref<1x128x128xf32, #tpu.memory_space<vmem>>
    %dma_start3A_197 = tpu.memref_squeeze %dma_start3A_196 : memref<1x128x128xf32, #tpu.memory_space<vmem>> -> memref<128x128xf32, #tpu.memory_space<vmem>>
    %dma_start3A_198 = arith.constant 0 : i32
    %dma_start3A_199 = tpu.memref_slice %arg11[%dma_start3A_192, %dma_start3A_198] : memref<16x128xi32, #tpu.memory_space<vmem>> -> memref<1x128xi32, #tpu.memory_space<vmem>>
    %dma_start3A_200 = tpu.memref_squeeze %dma_start3A_199 : memref<1x128xi32, #tpu.memory_space<vmem>> -> memref<128xi32, #tpu.memory_space<vmem>>
    %dma_start3A_201 = arith.constant 0 : i32
    %dma_start3A_202 = arith.constant 0 : i32
    %dma_start3A_203 = tpu.memref_slice %arg9[%dma_start3A_201, %dma_start3A_202] : memref<4096x128xf32, #tpu.memory_space<vmem_shared>> -> memref<4096x128xf32, #tpu.memory_space<vmem_shared>>
    tpu.enqueue_indirect_dma source(%dma_start3A_203 : memref<4096x128xf32, #tpu.memory_space<vmem_shared>>) target(%dma_start3A_197 : memref<128x128xf32, #tpu.memory_space<vmem>>) offsets(%dma_start3A_200 : memref<128xi32, #tpu.memory_space<vmem>>) semaphore(%arg14 : memref<!tpu.dma_semaphore, #tpu.memory_space<semaphore_mem>>)
    %dma_wait3A_204 = arith.constant 2 : i32
    %dma_wait3A_205 = arith.constant 2 : i32
    %dma_wait3A_206 = arith.constant 0 : i32
    %dma_wait3A_207 = arith.constant 0 : i32
    %dma_wait3A_208 = tpu.memref_slice %arg12[%dma_wait3A_205, %dma_wait3A_206, %dma_wait3A_207] : memref<5x128x128xf32, #tpu.memory_space<vmem>> -> memref<1x128x128xf32, #tpu.memory_space<vmem>>
    %dma_wait3A_209 = tpu.memref_squeeze %dma_wait3A_208 : memref<1x128x128xf32, #tpu.memory_space<vmem>> -> memref<128x128xf32, #tpu.memory_space<vmem>>
    %dma_wait3A_210 = arith.constant 0 : i32
    %dma_wait3A_211 = tpu.memref_slice %arg11[%dma_wait3A_204, %dma_wait3A_210] : memref<16x128xi32, #tpu.memory_space<vmem>> -> memref<1x128xi32, #tpu.memory_space<vmem>>
    %dma_wait3A_212 = tpu.memref_squeeze %dma_wait3A_211 : memref<1x128xi32, #tpu.memory_space<vmem>> -> memref<128xi32, #tpu.memory_space<vmem>>
    %dma_wait3A_213 = arith.constant 0 : i32
    %dma_wait3A_214 = arith.constant 0 : i32
    %dma_wait3A_215 = tpu.memref_slice %arg9[%dma_wait3A_213, %dma_wait3A_214] : memref<4096x128xf32, #tpu.memory_space<vmem_shared>> -> memref<4096x128xf32, #tpu.memory_space<vmem_shared>>
    tpu.wait_indirect_dma semaphore(%arg15 : memref<!tpu.dma_semaphore, #tpu.memory_space<semaphore_mem>>) src(%dma_wait3A_215 : memref<4096x128xf32, #tpu.memory_space<vmem_shared>>) dst(%dma_wait3A_209 : memref<128x128xf32, #tpu.memory_space<vmem>>)
    %add3A_216 = arith.constant 2 : i32
    %add3A_217 = arith.addi %mul3A_11, %add3A_216 : i32
    %mul3A_218 = arith.constant 128 : i32
    %mul3A_219 = arith.muli %add3A_217, %mul3A_218 : i32
    %dma_start3A_220 = arith.constant 2 : i32
    %dma_start3A_221 = arith.constant 0 : i32
    %dma_start3A_222 = arith.constant 0 : i32
    %dma_start3A_223 = tpu.memref_slice %arg12[%dma_start3A_220, %dma_start3A_221, %dma_start3A_222] : memref<5x128x128xf32, #tpu.memory_space<vmem>> -> memref<1x128x128xf32, #tpu.memory_space<vmem>>
    %dma_start3A_224 = tpu.memref_squeeze %dma_start3A_223 : memref<1x128x128xf32, #tpu.memory_space<vmem>> -> memref<128x128xf32, #tpu.memory_space<vmem>>
    %dma_start3A_225 = arith.constant 0 : i32
    %dma_start3A_226 = tpu.memref_slice %arg8[%mul3A_219, %dma_start3A_225] : memref<65536x128xf32, #tpu.memory_space<hbm>> -> memref<128x128xf32, #tpu.memory_space<hbm>>
    %dma_start3A_227 = arith.constant 0 : i32
    %dma_start3A_228 = tpu.memref_slice %arg8[%mul3A_219, %dma_start3A_227] : memref<65536x128xf32, #tpu.memory_space<hbm>> -> memref<128x128xf32, #tpu.memory_space<hbm>>
    %dma_start3A_229 = arith.constant 0 : i32
    %dma_start3A_230 = arith.constant 0 : i32
    %dma_start3A_231 = tpu.memref_slice %arg12[%dma_start3A_220, %dma_start3A_229, %dma_start3A_230] : memref<5x128x128xf32, #tpu.memory_space<vmem>> -> memref<1x128x128xf32, #tpu.memory_space<vmem>>
    %dma_start3A_232 = tpu.memref_squeeze %dma_start3A_231 : memref<1x128x128xf32, #tpu.memory_space<vmem>> -> memref<128x128xf32, #tpu.memory_space<vmem>>
    tpu.enqueue_dma source(%dma_start3A_232 : memref<128x128xf32, #tpu.memory_space<vmem>>) target(%dma_start3A_228 : memref<128x128xf32, #tpu.memory_space<hbm>>) target_semaphore(%arg15 : memref<!tpu.dma_semaphore, #tpu.memory_space<semaphore_mem>>)
    %add3A_233 = arith.constant 2 : i32
    %add3A_234 = arith.addi %mul3A_11, %add3A_233 : i32
    %mul3A_235 = arith.constant 128 : i32
    %mul3A_236 = arith.muli %add3A_234, %mul3A_235 : i32
    %dma_wait3A_237 = arith.constant 2 : i32
    %dma_wait3A_238 = arith.constant 0 : i32
    %dma_wait3A_239 = arith.constant 0 : i32
    %dma_wait3A_240 = tpu.memref_slice %arg12[%dma_wait3A_237, %dma_wait3A_238, %dma_wait3A_239] : memref<5x128x128xf32, #tpu.memory_space<vmem>> -> memref<1x128x128xf32, #tpu.memory_space<vmem>>
    %dma_wait3A_241 = tpu.memref_squeeze %dma_wait3A_240 : memref<1x128x128xf32, #tpu.memory_space<vmem>> -> memref<128x128xf32, #tpu.memory_space<vmem>>
    %dma_wait3A_242 = arith.constant 0 : i32
    %dma_wait3A_243 = tpu.memref_slice %arg8[%mul3A_236, %dma_wait3A_242] : memref<65536x128xf32, #tpu.memory_space<hbm>> -> memref<128x128xf32, #tpu.memory_space<hbm>>
    %dma_wait3A_244 = arith.constant 0 : i32
    %dma_wait3A_245 = tpu.memref_slice %arg8[%mul3A_236, %dma_wait3A_244] : memref<65536x128xf32, #tpu.memory_space<hbm>> -> memref<128x128xf32, #tpu.memory_space<hbm>>
    %dma_wait3A_246 = arith.constant 0 : i32
    %dma_wait3A_247 = arith.constant 0 : i32
    %dma_wait3A_248 = tpu.memref_slice %arg12[%dma_wait3A_237, %dma_wait3A_246, %dma_wait3A_247] : memref<5x128x128xf32, #tpu.memory_space<vmem>> -> memref<1x128x128xf32, #tpu.memory_space<vmem>>
    %dma_wait3A_249 = tpu.memref_squeeze %dma_wait3A_248 : memref<1x128x128xf32, #tpu.memory_space<vmem>> -> memref<128x128xf32, #tpu.memory_space<vmem>>
    tpu.wait_dma2 semaphore(%arg15 : memref<!tpu.dma_semaphore, #tpu.memory_space<semaphore_mem>>) src(%dma_wait3A_249 : memref<128x128xf32, #tpu.memory_space<vmem>>) dst(%dma_wait3A_245 : memref<128x128xf32, #tpu.memory_space<hbm>>)
    %dma_start3A_250 = arith.constant 7 : i32
    %dma_start3A_251 = arith.constant 2 : i32
    %dma_start3A_252 = arith.constant 0 : i32
    %dma_start3A_253 = arith.constant 0 : i32
    %dma_start3A_254 = tpu.memref_slice %arg12[%dma_start3A_251, %dma_start3A_252, %dma_start3A_253] : memref<5x128x128xf32, #tpu.memory_space<vmem>> -> memref<1x128x128xf32, #tpu.memory_space<vmem>>
    %dma_start3A_255 = tpu.memref_squeeze %dma_start3A_254 : memref<1x128x128xf32, #tpu.memory_space<vmem>> -> memref<128x128xf32, #tpu.memory_space<vmem>>
    %dma_start3A_256 = arith.constant 0 : i32
    %dma_start3A_257 = tpu.memref_slice %arg11[%dma_start3A_250, %dma_start3A_256] : memref<16x128xi32, #tpu.memory_space<vmem>> -> memref<1x128xi32, #tpu.memory_space<vmem>>
    %dma_start3A_258 = tpu.memref_squeeze %dma_start3A_257 : memref<1x128xi32, #tpu.memory_space<vmem>> -> memref<128xi32, #tpu.memory_space<vmem>>
    %dma_start3A_259 = arith.constant 0 : i32
    %dma_start3A_260 = arith.constant 0 : i32
    %dma_start3A_261 = tpu.memref_slice %arg9[%dma_start3A_259, %dma_start3A_260] : memref<4096x128xf32, #tpu.memory_space<vmem_shared>> -> memref<4096x128xf32, #tpu.memory_space<vmem_shared>>
    tpu.enqueue_indirect_dma source(%dma_start3A_261 : memref<4096x128xf32, #tpu.memory_space<vmem_shared>>) target(%dma_start3A_255 : memref<128x128xf32, #tpu.memory_space<vmem>>) offsets(%dma_start3A_258 : memref<128xi32, #tpu.memory_space<vmem>>) semaphore(%arg15 : memref<!tpu.dma_semaphore, #tpu.memory_space<semaphore_mem>>)
    %dma_wait3A_262 = arith.constant 3 : i32
    %dma_wait3A_263 = arith.constant 3 : i32
    %dma_wait3A_264 = arith.constant 0 : i32
    %dma_wait3A_265 = arith.constant 0 : i32
    %dma_wait3A_266 = tpu.memref_slice %arg12[%dma_wait3A_263, %dma_wait3A_264, %dma_wait3A_265] : memref<5x128x128xf32, #tpu.memory_space<vmem>> -> memref<1x128x128xf32, #tpu.memory_space<vmem>>
    %dma_wait3A_267 = tpu.memref_squeeze %dma_wait3A_266 : memref<1x128x128xf32, #tpu.memory_space<vmem>> -> memref<128x128xf32, #tpu.memory_space<vmem>>
    %dma_wait3A_268 = arith.constant 0 : i32
    %dma_wait3A_269 = tpu.memref_slice %arg11[%dma_wait3A_262, %dma_wait3A_268] : memref<16x128xi32, #tpu.memory_space<vmem>> -> memref<1x128xi32, #tpu.memory_space<vmem>>
    %dma_wait3A_270 = tpu.memref_squeeze %dma_wait3A_269 : memref<1x128xi32, #tpu.memory_space<vmem>> -> memref<128xi32, #tpu.memory_space<vmem>>
    %dma_wait3A_271 = arith.constant 0 : i32
    %dma_wait3A_272 = arith.constant 0 : i32
    %dma_wait3A_273 = tpu.memref_slice %arg9[%dma_wait3A_271, %dma_wait3A_272] : memref<4096x128xf32, #tpu.memory_space<vmem_shared>> -> memref<4096x128xf32, #tpu.memory_space<vmem_shared>>
    tpu.wait_indirect_dma semaphore(%arg16 : memref<!tpu.dma_semaphore, #tpu.memory_space<semaphore_mem>>) src(%dma_wait3A_273 : memref<4096x128xf32, #tpu.memory_space<vmem_shared>>) dst(%dma_wait3A_267 : memref<128x128xf32, #tpu.memory_space<vmem>>)
    %add3A_274 = arith.constant 3 : i32
    %add3A_275 = arith.addi %mul3A_11, %add3A_274 : i32
    %mul3A_276 = arith.constant 128 : i32
    %mul3A_277 = arith.muli %add3A_275, %mul3A_276 : i32
    %dma_start3A_278 = arith.constant 3 : i32
    %dma_start3A_279 = arith.constant 0 : i32
    %dma_start3A_280 = arith.constant 0 : i32
    %dma_start3A_281 = tpu.memref_slice %arg12[%dma_start3A_278, %dma_start3A_279, %dma_start3A_280] : memref<5x128x128xf32, #tpu.memory_space<vmem>> -> memref<1x128x128xf32, #tpu.memory_space<vmem>>
    %dma_start3A_282 = tpu.memref_squeeze %dma_start3A_281 : memref<1x128x128xf32, #tpu.memory_space<vmem>> -> memref<128x128xf32, #tpu.memory_space<vmem>>
    %dma_start3A_283 = arith.constant 0 : i32
    %dma_start3A_284 = tpu.memref_slice %arg8[%mul3A_277, %dma_start3A_283] : memref<65536x128xf32, #tpu.memory_space<hbm>> -> memref<128x128xf32, #tpu.memory_space<hbm>>
    %dma_start3A_285 = arith.constant 0 : i32
    %dma_start3A_286 = tpu.memref_slice %arg8[%mul3A_277, %dma_start3A_285] : memref<65536x128xf32, #tpu.memory_space<hbm>> -> memref<128x128xf32, #tpu.memory_space<hbm>>
    %dma_start3A_287 = arith.constant 0 : i32
    %dma_start3A_288 = arith.constant 0 : i32
    %dma_start3A_289 = tpu.memref_slice %arg12[%dma_start3A_278, %dma_start3A_287, %dma_start3A_288] : memref<5x128x128xf32, #tpu.memory_space<vmem>> -> memref<1x128x128xf32, #tpu.memory_space<vmem>>
    %dma_start3A_290 = tpu.memref_squeeze %dma_start3A_289 : memref<1x128x128xf32, #tpu.memory_space<vmem>> -> memref<128x128xf32, #tpu.memory_space<vmem>>
    tpu.enqueue_dma source(%dma_start3A_290 : memref<128x128xf32, #tpu.memory_space<vmem>>) target(%dma_start3A_286 : memref<128x128xf32, #tpu.memory_space<hbm>>) target_semaphore(%arg16 : memref<!tpu.dma_semaphore, #tpu.memory_space<semaphore_mem>>)
    %add3A_291 = arith.constant 3 : i32
    %add3A_292 = arith.addi %mul3A_11, %add3A_291 : i32
    %mul3A_293 = arith.constant 128 : i32
    %mul3A_294 = arith.muli %add3A_292, %mul3A_293 : i32
    %dma_wait3A_295 = arith.constant 3 : i32
    %dma_wait3A_296 = arith.constant 0 : i32
    %dma_wait3A_297 = arith.constant 0 : i32
    %dma_wait3A_298 = tpu.memref_slice %arg12[%dma_wait3A_295, %dma_wait3A_296, %dma_wait3A_297] : memref<5x128x128xf32, #tpu.memory_space<vmem>> -> memref<1x128x128xf32, #tpu.memory_space<vmem>>
    %dma_wait3A_299 = tpu.memref_squeeze %dma_wait3A_298 : memref<1x128x128xf32, #tpu.memory_space<vmem>> -> memref<128x128xf32, #tpu.memory_space<vmem>>
    %dma_wait3A_300 = arith.constant 0 : i32
    %dma_wait3A_301 = tpu.memref_slice %arg8[%mul3A_294, %dma_wait3A_300] : memref<65536x128xf32, #tpu.memory_space<hbm>> -> memref<128x128xf32, #tpu.memory_space<hbm>>
    %dma_wait3A_302 = arith.constant 0 : i32
    %dma_wait3A_303 = tpu.memref_slice %arg8[%mul3A_294, %dma_wait3A_302] : memref<65536x128xf32, #tpu.memory_space<hbm>> -> memref<128x128xf32, #tpu.memory_space<hbm>>
    %dma_wait3A_304 = arith.constant 0 : i32
    %dma_wait3A_305 = arith.constant 0 : i32
    %dma_wait3A_306 = tpu.memref_slice %arg12[%dma_wait3A_295, %dma_wait3A_304, %dma_wait3A_305] : memref<5x128x128xf32, #tpu.memory_space<vmem>> -> memref<1x128x128xf32, #tpu.memory_space<vmem>>
    %dma_wait3A_307 = tpu.memref_squeeze %dma_wait3A_306 : memref<1x128x128xf32, #tpu.memory_space<vmem>> -> memref<128x128xf32, #tpu.memory_space<vmem>>
    tpu.wait_dma2 semaphore(%arg16 : memref<!tpu.dma_semaphore, #tpu.memory_space<semaphore_mem>>) src(%dma_wait3A_307 : memref<128x128xf32, #tpu.memory_space<vmem>>) dst(%dma_wait3A_303 : memref<128x128xf32, #tpu.memory_space<hbm>>)
    %dma_start3A_308 = arith.constant 8 : i32
    %dma_start3A_309 = arith.constant 3 : i32
    %dma_start3A_310 = arith.constant 0 : i32
    %dma_start3A_311 = arith.constant 0 : i32
    %dma_start3A_312 = tpu.memref_slice %arg12[%dma_start3A_309, %dma_start3A_310, %dma_start3A_311] : memref<5x128x128xf32, #tpu.memory_space<vmem>> -> memref<1x128x128xf32, #tpu.memory_space<vmem>>
    %dma_start3A_313 = tpu.memref_squeeze %dma_start3A_312 : memref<1x128x128xf32, #tpu.memory_space<vmem>> -> memref<128x128xf32, #tpu.memory_space<vmem>>
    %dma_start3A_314 = arith.constant 0 : i32
    %dma_start3A_315 = tpu.memref_slice %arg11[%dma_start3A_308, %dma_start3A_314] : memref<16x128xi32, #tpu.memory_space<vmem>> -> memref<1x128xi32, #tpu.memory_space<vmem>>
    %dma_start3A_316 = tpu.memref_squeeze %dma_start3A_315 : memref<1x128xi32, #tpu.memory_space<vmem>> -> memref<128xi32, #tpu.memory_space<vmem>>
    %dma_start3A_317 = arith.constant 0 : i32
    %dma_start3A_318 = arith.constant 0 : i32
    %dma_start3A_319 = tpu.memref_slice %arg9[%dma_start3A_317, %dma_start3A_318] : memref<4096x128xf32, #tpu.memory_space<vmem_shared>> -> memref<4096x128xf32, #tpu.memory_space<vmem_shared>>
    tpu.enqueue_indirect_dma source(%dma_start3A_319 : memref<4096x128xf32, #tpu.memory_space<vmem_shared>>) target(%dma_start3A_313 : memref<128x128xf32, #tpu.memory_space<vmem>>) offsets(%dma_start3A_316 : memref<128xi32, #tpu.memory_space<vmem>>) semaphore(%arg16 : memref<!tpu.dma_semaphore, #tpu.memory_space<semaphore_mem>>)
    %dma_wait3A_320 = arith.constant 4 : i32
    %dma_wait3A_321 = arith.constant 4 : i32
    %dma_wait3A_322 = arith.constant 0 : i32
    %dma_wait3A_323 = arith.constant 0 : i32
    %dma_wait3A_324 = tpu.memref_slice %arg12[%dma_wait3A_321, %dma_wait3A_322, %dma_wait3A_323] : memref<5x128x128xf32, #tpu.memory_space<vmem>> -> memref<1x128x128xf32, #tpu.memory_space<vmem>>
    %dma_wait3A_325 = tpu.memref_squeeze %dma_wait3A_324 : memref<1x128x128xf32, #tpu.memory_space<vmem>> -> memref<128x128xf32, #tpu.memory_space<vmem>>
    %dma_wait3A_326 = arith.constant 0 : i32
    %dma_wait3A_327 = tpu.memref_slice %arg11[%dma_wait3A_320, %dma_wait3A_326] : memref<16x128xi32, #tpu.memory_space<vmem>> -> memref<1x128xi32, #tpu.memory_space<vmem>>
    %dma_wait3A_328 = tpu.memref_squeeze %dma_wait3A_327 : memref<1x128xi32, #tpu.memory_space<vmem>> -> memref<128xi32, #tpu.memory_space<vmem>>
    %dma_wait3A_329 = arith.constant 0 : i32
    %dma_wait3A_330 = arith.constant 0 : i32
    %dma_wait3A_331 = tpu.memref_slice %arg9[%dma_wait3A_329, %dma_wait3A_330] : memref<4096x128xf32, #tpu.memory_space<vmem_shared>> -> memref<4096x128xf32, #tpu.memory_space<vmem_shared>>
    tpu.wait_indirect_dma semaphore(%arg17 : memref<!tpu.dma_semaphore, #tpu.memory_space<semaphore_mem>>) src(%dma_wait3A_331 : memref<4096x128xf32, #tpu.memory_space<vmem_shared>>) dst(%dma_wait3A_325 : memref<128x128xf32, #tpu.memory_space<vmem>>)
    %add3A_332 = arith.constant 4 : i32
    %add3A_333 = arith.addi %mul3A_11, %add3A_332 : i32
    %mul3A_334 = arith.constant 128 : i32
    %mul3A_335 = arith.muli %add3A_333, %mul3A_334 : i32
    %dma_start3A_336 = arith.constant 4 : i32
    %dma_start3A_337 = arith.constant 0 : i32
    %dma_start3A_338 = arith.constant 0 : i32
    %dma_start3A_339 = tpu.memref_slice %arg12[%dma_start3A_336, %dma_start3A_337, %dma_start3A_338] : memref<5x128x128xf32, #tpu.memory_space<vmem>> -> memref<1x128x128xf32, #tpu.memory_space<vmem>>
    %dma_start3A_340 = tpu.memref_squeeze %dma_start3A_339 : memref<1x128x128xf32, #tpu.memory_space<vmem>> -> memref<128x128xf32, #tpu.memory_space<vmem>>
    %dma_start3A_341 = arith.constant 0 : i32
    %dma_start3A_342 = tpu.memref_slice %arg8[%mul3A_335, %dma_start3A_341] : memref<65536x128xf32, #tpu.memory_space<hbm>> -> memref<128x128xf32, #tpu.memory_space<hbm>>
    %dma_start3A_343 = arith.constant 0 : i32
    %dma_start3A_344 = tpu.memref_slice %arg8[%mul3A_335, %dma_start3A_343] : memref<65536x128xf32, #tpu.memory_space<hbm>> -> memref<128x128xf32, #tpu.memory_space<hbm>>
    %dma_start3A_345 = arith.constant 0 : i32
    %dma_start3A_346 = arith.constant 0 : i32
    %dma_start3A_347 = tpu.memref_slice %arg12[%dma_start3A_336, %dma_start3A_345, %dma_start3A_346] : memref<5x128x128xf32, #tpu.memory_space<vmem>> -> memref<1x128x128xf32, #tpu.memory_space<vmem>>
    %dma_start3A_348 = tpu.memref_squeeze %dma_start3A_347 : memref<1x128x128xf32, #tpu.memory_space<vmem>> -> memref<128x128xf32, #tpu.memory_space<vmem>>
    tpu.enqueue_dma source(%dma_start3A_348 : memref<128x128xf32, #tpu.memory_space<vmem>>) target(%dma_start3A_344 : memref<128x128xf32, #tpu.memory_space<hbm>>) target_semaphore(%arg17 : memref<!tpu.dma_semaphore, #tpu.memory_space<semaphore_mem>>)
    %add3A_349 = arith.constant 4 : i32
    %add3A_350 = arith.addi %mul3A_11, %add3A_349 : i32
    %mul3A_351 = arith.constant 128 : i32
    %mul3A_352 = arith.muli %add3A_350, %mul3A_351 : i32
    %dma_wait3A_353 = arith.constant 4 : i32
    %dma_wait3A_354 = arith.constant 0 : i32
    %dma_wait3A_355 = arith.constant 0 : i32
    %dma_wait3A_356 = tpu.memref_slice %arg12[%dma_wait3A_353, %dma_wait3A_354, %dma_wait3A_355] : memref<5x128x128xf32, #tpu.memory_space<vmem>> -> memref<1x128x128xf32, #tpu.memory_space<vmem>>
    %dma_wait3A_357 = tpu.memref_squeeze %dma_wait3A_356 : memref<1x128x128xf32, #tpu.memory_space<vmem>> -> memref<128x128xf32, #tpu.memory_space<vmem>>
    %dma_wait3A_358 = arith.constant 0 : i32
    %dma_wait3A_359 = tpu.memref_slice %arg8[%mul3A_352, %dma_wait3A_358] : memref<65536x128xf32, #tpu.memory_space<hbm>> -> memref<128x128xf32, #tpu.memory_space<hbm>>
    %dma_wait3A_360 = arith.constant 0 : i32
    %dma_wait3A_361 = tpu.memref_slice %arg8[%mul3A_352, %dma_wait3A_360] : memref<65536x128xf32, #tpu.memory_space<hbm>> -> memref<128x128xf32, #tpu.memory_space<hbm>>
    %dma_wait3A_362 = arith.constant 0 : i32
    %dma_wait3A_363 = arith.constant 0 : i32
    %dma_wait3A_364 = tpu.memref_slice %arg12[%dma_wait3A_353, %dma_wait3A_362, %dma_wait3A_363] : memref<5x128x128xf32, #tpu.memory_space<vmem>> -> memref<1x128x128xf32, #tpu.memory_space<vmem>>
    %dma_wait3A_365 = tpu.memref_squeeze %dma_wait3A_364 : memref<1x128x128xf32, #tpu.memory_space<vmem>> -> memref<128x128xf32, #tpu.memory_space<vmem>>
    tpu.wait_dma2 semaphore(%arg17 : memref<!tpu.dma_semaphore, #tpu.memory_space<semaphore_mem>>) src(%dma_wait3A_365 : memref<128x128xf32, #tpu.memory_space<vmem>>) dst(%dma_wait3A_361 : memref<128x128xf32, #tpu.memory_space<hbm>>)
    %dma_start3A_366 = arith.constant 9 : i32
    %dma_start3A_367 = arith.constant 4 : i32
    %dma_start3A_368 = arith.constant 0 : i32
    %dma_start3A_369 = arith.constant 0 : i32
    %dma_start3A_370 = tpu.memref_slice %arg12[%dma_start3A_367, %dma_start3A_368, %dma_start3A_369] : memref<5x128x128xf32, #tpu.memory_space<vmem>> -> memref<1x128x128xf32, #tpu.memory_space<vmem>>
    %dma_start3A_371 = tpu.memref_squeeze %dma_start3A_370 : memref<1x128x128xf32, #tpu.memory_space<vmem>> -> memref<128x128xf32, #tpu.memory_space<vmem>>
    %dma_start3A_372 = arith.constant 0 : i32
    %dma_start3A_373 = tpu.memref_slice %arg11[%dma_start3A_366, %dma_start3A_372] : memref<16x128xi32, #tpu.memory_space<vmem>> -> memref<1x128xi32, #tpu.memory_space<vmem>>
    %dma_start3A_374 = tpu.memref_squeeze %dma_start3A_373 : memref<1x128xi32, #tpu.memory_space<vmem>> -> memref<128xi32, #tpu.memory_space<vmem>>
    %dma_start3A_375 = arith.constant 0 : i32
    %dma_start3A_376 = arith.constant 0 : i32
    %dma_start3A_377 = tpu.memref_slice %arg9[%dma_start3A_375, %dma_start3A_376] : memref<4096x128xf32, #tpu.memory_space<vmem_shared>> -> memref<4096x128xf32, #tpu.memory_space<vmem_shared>>
    tpu.enqueue_indirect_dma source(%dma_start3A_377 : memref<4096x128xf32, #tpu.memory_space<vmem_shared>>) target(%dma_start3A_371 : memref<128x128xf32, #tpu.memory_space<vmem>>) offsets(%dma_start3A_374 : memref<128xi32, #tpu.memory_space<vmem>>) semaphore(%arg17 : memref<!tpu.dma_semaphore, #tpu.memory_space<semaphore_mem>>)
    %dma_wait3A_378 = arith.constant 5 : i32
    %dma_wait3A_379 = arith.constant 0 : i32
    %dma_wait3A_380 = arith.constant 0 : i32
    %dma_wait3A_381 = arith.constant 0 : i32
    %dma_wait3A_382 = tpu.memref_slice %arg12[%dma_wait3A_379, %dma_wait3A_380, %dma_wait3A_381] : memref<5x128x128xf32, #tpu.memory_space<vmem>> -> memref<1x128x128xf32, #tpu.memory_space<vmem>>
    %dma_wait3A_383 = tpu.memref_squeeze %dma_wait3A_382 : memref<1x128x128xf32, #tpu.memory_space<vmem>> -> memref<128x128xf32, #tpu.memory_space<vmem>>
    %dma_wait3A_384 = arith.constant 0 : i32
    %dma_wait3A_385 = tpu.memref_slice %arg11[%dma_wait3A_378, %dma_wait3A_384] : memref<16x128xi32, #tpu.memory_space<vmem>> -> memref<1x128xi32, #tpu.memory_space<vmem>>
    %dma_wait3A_386 = tpu.memref_squeeze %dma_wait3A_385 : memref<1x128xi32, #tpu.memory_space<vmem>> -> memref<128xi32, #tpu.memory_space<vmem>>
    %dma_wait3A_387 = arith.constant 0 : i32
    %dma_wait3A_388 = arith.constant 0 : i32
    %dma_wait3A_389 = tpu.memref_slice %arg9[%dma_wait3A_387, %dma_wait3A_388] : memref<4096x128xf32, #tpu.memory_space<vmem_shared>> -> memref<4096x128xf32, #tpu.memory_space<vmem_shared>>
    tpu.wait_indirect_dma semaphore(%arg13 : memref<!tpu.dma_semaphore, #tpu.memory_space<semaphore_mem>>) src(%dma_wait3A_389 : memref<4096x128xf32, #tpu.memory_space<vmem_shared>>) dst(%dma_wait3A_383 : memref<128x128xf32, #tpu.memory_space<vmem>>)
    %add3A_390 = arith.constant 5 : i32
    %add3A_391 = arith.addi %mul3A_11, %add3A_390 : i32
    %mul3A_392 = arith.constant 128 : i32
    %mul3A_393 = arith.muli %add3A_391, %mul3A_392 : i32
    %dma_start3A_394 = arith.constant 0 : i32
    %dma_start3A_395 = arith.constant 0 : i32
    %dma_start3A_396 = arith.constant 0 : i32
    %dma_start3A_397 = tpu.memref_slice %arg12[%dma_start3A_394, %dma_start3A_395, %dma_start3A_396] : memref<5x128x128xf32, #tpu.memory_space<vmem>> -> memref<1x128x128xf32, #tpu.memory_space<vmem>>
    %dma_start3A_398 = tpu.memref_squeeze %dma_start3A_397 : memref<1x128x128xf32, #tpu.memory_space<vmem>> -> memref<128x128xf32, #tpu.memory_space<vmem>>
    %dma_start3A_399 = arith.constant 0 : i32
    %dma_start3A_400 = tpu.memref_slice %arg8[%mul3A_393, %dma_start3A_399] : memref<65536x128xf32, #tpu.memory_space<hbm>> -> memref<128x128xf32, #tpu.memory_space<hbm>>
    %dma_start3A_401 = arith.constant 0 : i32
    %dma_start3A_402 = tpu.memref_slice %arg8[%mul3A_393, %dma_start3A_401] : memref<65536x128xf32, #tpu.memory_space<hbm>> -> memref<128x128xf32, #tpu.memory_space<hbm>>
    %dma_start3A_403 = arith.constant 0 : i32
    %dma_start3A_404 = arith.constant 0 : i32
    %dma_start3A_405 = tpu.memref_slice %arg12[%dma_start3A_394, %dma_start3A_403, %dma_start3A_404] : memref<5x128x128xf32, #tpu.memory_space<vmem>> -> memref<1x128x128xf32, #tpu.memory_space<vmem>>
    %dma_start3A_406 = tpu.memref_squeeze %dma_start3A_405 : memref<1x128x128xf32, #tpu.memory_space<vmem>> -> memref<128x128xf32, #tpu.memory_space<vmem>>
    tpu.enqueue_dma source(%dma_start3A_406 : memref<128x128xf32, #tpu.memory_space<vmem>>) target(%dma_start3A_402 : memref<128x128xf32, #tpu.memory_space<hbm>>) target_semaphore(%arg13 : memref<!tpu.dma_semaphore, #tpu.memory_space<semaphore_mem>>)
    %add3A_407 = arith.constant 5 : i32
    %add3A_408 = arith.addi %mul3A_11, %add3A_407 : i32
    %mul3A_409 = arith.constant 128 : i32
    %mul3A_410 = arith.muli %add3A_408, %mul3A_409 : i32
    %dma_wait3A_411 = arith.constant 0 : i32
    %dma_wait3A_412 = arith.constant 0 : i32
    %dma_wait3A_413 = arith.constant 0 : i32
    %dma_wait3A_414 = tpu.memref_slice %arg12[%dma_wait3A_411, %dma_wait3A_412, %dma_wait3A_413] : memref<5x128x128xf32, #tpu.memory_space<vmem>> -> memref<1x128x128xf32, #tpu.memory_space<vmem>>
    %dma_wait3A_415 = tpu.memref_squeeze %dma_wait3A_414 : memref<1x128x128xf32, #tpu.memory_space<vmem>> -> memref<128x128xf32, #tpu.memory_space<vmem>>
    %dma_wait3A_416 = arith.constant 0 : i32
    %dma_wait3A_417 = tpu.memref_slice %arg8[%mul3A_410, %dma_wait3A_416] : memref<65536x128xf32, #tpu.memory_space<hbm>> -> memref<128x128xf32, #tpu.memory_space<hbm>>
    %dma_wait3A_418 = arith.constant 0 : i32
    %dma_wait3A_419 = tpu.memref_slice %arg8[%mul3A_410, %dma_wait3A_418] : memref<65536x128xf32, #tpu.memory_space<hbm>> -> memref<128x128xf32, #tpu.memory_space<hbm>>
    %dma_wait3A_420 = arith.constant 0 : i32
    %dma_wait3A_421 = arith.constant 0 : i32
    %dma_wait3A_422 = tpu.memref_slice %arg12[%dma_wait3A_411, %dma_wait3A_420, %dma_wait3A_421] : memref<5x128x128xf32, #tpu.memory_space<vmem>> -> memref<1x128x128xf32, #tpu.memory_space<vmem>>
    %dma_wait3A_423 = tpu.memref_squeeze %dma_wait3A_422 : memref<1x128x128xf32, #tpu.memory_space<vmem>> -> memref<128x128xf32, #tpu.memory_space<vmem>>
    tpu.wait_dma2 semaphore(%arg13 : memref<!tpu.dma_semaphore, #tpu.memory_space<semaphore_mem>>) src(%dma_wait3A_423 : memref<128x128xf32, #tpu.memory_space<vmem>>) dst(%dma_wait3A_419 : memref<128x128xf32, #tpu.memory_space<hbm>>)
    %dma_start3A_424 = arith.constant 10 : i32
    %dma_start3A_425 = arith.constant 0 : i32
    %dma_start3A_426 = arith.constant 0 : i32
    %dma_start3A_427 = arith.constant 0 : i32
    %dma_start3A_428 = tpu.memref_slice %arg12[%dma_start3A_425, %dma_start3A_426, %dma_start3A_427] : memref<5x128x128xf32, #tpu.memory_space<vmem>> -> memref<1x128x128xf32, #tpu.memory_space<vmem>>
    %dma_start3A_429 = tpu.memref_squeeze %dma_start3A_428 : memref<1x128x128xf32, #tpu.memory_space<vmem>> -> memref<128x128xf32, #tpu.memory_space<vmem>>
    %dma_start3A_430 = arith.constant 0 : i32
    %dma_start3A_431 = tpu.memref_slice %arg11[%dma_start3A_424, %dma_start3A_430] : memref<16x128xi32, #tpu.memory_space<vmem>> -> memref<1x128xi32, #tpu.memory_space<vmem>>
    %dma_start3A_432 = tpu.memref_squeeze %dma_start3A_431 : memref<1x128xi32, #tpu.memory_space<vmem>> -> memref<128xi32, #tpu.memory_space<vmem>>
    %dma_start3A_433 = arith.constant 0 : i32
    %dma_start3A_434 = arith.constant 0 : i32
    %dma_start3A_435 = tpu.memref_slice %arg9[%dma_start3A_433, %dma_start3A_434] : memref<4096x128xf32, #tpu.memory_space<vmem_shared>> -> memref<4096x128xf32, #tpu.memory_space<vmem_shared>>
    tpu.enqueue_indirect_dma source(%dma_start3A_435 : memref<4096x128xf32, #tpu.memory_space<vmem_shared>>) target(%dma_start3A_429 : memref<128x128xf32, #tpu.memory_space<vmem>>) offsets(%dma_start3A_432 : memref<128xi32, #tpu.memory_space<vmem>>) semaphore(%arg13 : memref<!tpu.dma_semaphore, #tpu.memory_space<semaphore_mem>>)
    %dma_wait3A_436 = arith.constant 6 : i32
    %dma_wait3A_437 = arith.constant 1 : i32
    %dma_wait3A_438 = arith.constant 0 : i32
    %dma_wait3A_439 = arith.constant 0 : i32
    %dma_wait3A_440 = tpu.memref_slice %arg12[%dma_wait3A_437, %dma_wait3A_438, %dma_wait3A_439] : memref<5x128x128xf32, #tpu.memory_space<vmem>> -> memref<1x128x128xf32, #tpu.memory_space<vmem>>
    %dma_wait3A_441 = tpu.memref_squeeze %dma_wait3A_440 : memref<1x128x128xf32, #tpu.memory_space<vmem>> -> memref<128x128xf32, #tpu.memory_space<vmem>>
    %dma_wait3A_442 = arith.constant 0 : i32
    %dma_wait3A_443 = tpu.memref_slice %arg11[%dma_wait3A_436, %dma_wait3A_442] : memref<16x128xi32, #tpu.memory_space<vmem>> -> memref<1x128xi32, #tpu.memory_space<vmem>>
    %dma_wait3A_444 = tpu.memref_squeeze %dma_wait3A_443 : memref<1x128xi32, #tpu.memory_space<vmem>> -> memref<128xi32, #tpu.memory_space<vmem>>
    %dma_wait3A_445 = arith.constant 0 : i32
    %dma_wait3A_446 = arith.constant 0 : i32
    %dma_wait3A_447 = tpu.memref_slice %arg9[%dma_wait3A_445, %dma_wait3A_446] : memref<4096x128xf32, #tpu.memory_space<vmem_shared>> -> memref<4096x128xf32, #tpu.memory_space<vmem_shared>>
    tpu.wait_indirect_dma semaphore(%arg14 : memref<!tpu.dma_semaphore, #tpu.memory_space<semaphore_mem>>) src(%dma_wait3A_447 : memref<4096x128xf32, #tpu.memory_space<vmem_shared>>) dst(%dma_wait3A_441 : memref<128x128xf32, #tpu.memory_space<vmem>>)
    %add3A_448 = arith.constant 6 : i32
    %add3A_449 = arith.addi %mul3A_11, %add3A_448 : i32
    %mul3A_450 = arith.constant 128 : i32
    %mul3A_451 = arith.muli %add3A_449, %mul3A_450 : i32
    %dma_start3A_452 = arith.constant 1 : i32
    %dma_start3A_453 = arith.constant 0 : i32
    %dma_start3A_454 = arith.constant 0 : i32
    %dma_start3A_455 = tpu.memref_slice %arg12[%dma_start3A_452, %dma_start3A_453, %dma_start3A_454] : memref<5x128x128xf32, #tpu.memory_space<vmem>> -> memref<1x128x128xf32, #tpu.memory_space<vmem>>
    %dma_start3A_456 = tpu.memref_squeeze %dma_start3A_455 : memref<1x128x128xf32, #tpu.memory_space<vmem>> -> memref<128x128xf32, #tpu.memory_space<vmem>>
    %dma_start3A_457 = arith.constant 0 : i32
    %dma_start3A_458 = tpu.memref_slice %arg8[%mul3A_451, %dma_start3A_457] : memref<65536x128xf32, #tpu.memory_space<hbm>> -> memref<128x128xf32, #tpu.memory_space<hbm>>
    %dma_start3A_459 = arith.constant 0 : i32
    %dma_start3A_460 = tpu.memref_slice %arg8[%mul3A_451, %dma_start3A_459] : memref<65536x128xf32, #tpu.memory_space<hbm>> -> memref<128x128xf32, #tpu.memory_space<hbm>>
    %dma_start3A_461 = arith.constant 0 : i32
    %dma_start3A_462 = arith.constant 0 : i32
    %dma_start3A_463 = tpu.memref_slice %arg12[%dma_start3A_452, %dma_start3A_461, %dma_start3A_462] : memref<5x128x128xf32, #tpu.memory_space<vmem>> -> memref<1x128x128xf32, #tpu.memory_space<vmem>>
    %dma_start3A_464 = tpu.memref_squeeze %dma_start3A_463 : memref<1x128x128xf32, #tpu.memory_space<vmem>> -> memref<128x128xf32, #tpu.memory_space<vmem>>
    tpu.enqueue_dma source(%dma_start3A_464 : memref<128x128xf32, #tpu.memory_space<vmem>>) target(%dma_start3A_460 : memref<128x128xf32, #tpu.memory_space<hbm>>) target_semaphore(%arg14 : memref<!tpu.dma_semaphore, #tpu.memory_space<semaphore_mem>>)
    %add3A_465 = arith.constant 6 : i32
    %add3A_466 = arith.addi %mul3A_11, %add3A_465 : i32
    %mul3A_467 = arith.constant 128 : i32
    %mul3A_468 = arith.muli %add3A_466, %mul3A_467 : i32
    %dma_wait3A_469 = arith.constant 1 : i32
    %dma_wait3A_470 = arith.constant 0 : i32
    %dma_wait3A_471 = arith.constant 0 : i32
    %dma_wait3A_472 = tpu.memref_slice %arg12[%dma_wait3A_469, %dma_wait3A_470, %dma_wait3A_471] : memref<5x128x128xf32, #tpu.memory_space<vmem>> -> memref<1x128x128xf32, #tpu.memory_space<vmem>>
    %dma_wait3A_473 = tpu.memref_squeeze %dma_wait3A_472 : memref<1x128x128xf32, #tpu.memory_space<vmem>> -> memref<128x128xf32, #tpu.memory_space<vmem>>
    %dma_wait3A_474 = arith.constant 0 : i32
    %dma_wait3A_475 = tpu.memref_slice %arg8[%mul3A_468, %dma_wait3A_474] : memref<65536x128xf32, #tpu.memory_space<hbm>> -> memref<128x128xf32, #tpu.memory_space<hbm>>
    %dma_wait3A_476 = arith.constant 0 : i32
    %dma_wait3A_477 = tpu.memref_slice %arg8[%mul3A_468, %dma_wait3A_476] : memref<65536x128xf32, #tpu.memory_space<hbm>> -> memref<128x128xf32, #tpu.memory_space<hbm>>
    %dma_wait3A_478 = arith.constant 0 : i32
    %dma_wait3A_479 = arith.constant 0 : i32
    %dma_wait3A_480 = tpu.memref_slice %arg12[%dma_wait3A_469, %dma_wait3A_478, %dma_wait3A_479] : memref<5x128x128xf32, #tpu.memory_space<vmem>> -> memref<1x128x128xf32, #tpu.memory_space<vmem>>
    %dma_wait3A_481 = tpu.memref_squeeze %dma_wait3A_480 : memref<1x128x128xf32, #tpu.memory_space<vmem>> -> memref<128x128xf32, #tpu.memory_space<vmem>>
    tpu.wait_dma2 semaphore(%arg14 : memref<!tpu.dma_semaphore, #tpu.memory_space<semaphore_mem>>) src(%dma_wait3A_481 : memref<128x128xf32, #tpu.memory_space<vmem>>) dst(%dma_wait3A_477 : memref<128x128xf32, #tpu.memory_space<hbm>>)
    %dma_start3A_482 = arith.constant 11 : i32
    %dma_start3A_483 = arith.constant 1 : i32
    %dma_start3A_484 = arith.constant 0 : i32
    %dma_start3A_485 = arith.constant 0 : i32
    %dma_start3A_486 = tpu.memref_slice %arg12[%dma_start3A_483, %dma_start3A_484, %dma_start3A_485] : memref<5x128x128xf32, #tpu.memory_space<vmem>> -> memref<1x128x128xf32, #tpu.memory_space<vmem>>
    %dma_start3A_487 = tpu.memref_squeeze %dma_start3A_486 : memref<1x128x128xf32, #tpu.memory_space<vmem>> -> memref<128x128xf32, #tpu.memory_space<vmem>>
    %dma_start3A_488 = arith.constant 0 : i32
    %dma_start3A_489 = tpu.memref_slice %arg11[%dma_start3A_482, %dma_start3A_488] : memref<16x128xi32, #tpu.memory_space<vmem>> -> memref<1x128xi32, #tpu.memory_space<vmem>>
    %dma_start3A_490 = tpu.memref_squeeze %dma_start3A_489 : memref<1x128xi32, #tpu.memory_space<vmem>> -> memref<128xi32, #tpu.memory_space<vmem>>
    %dma_start3A_491 = arith.constant 0 : i32
    %dma_start3A_492 = arith.constant 0 : i32
    %dma_start3A_493 = tpu.memref_slice %arg9[%dma_start3A_491, %dma_start3A_492] : memref<4096x128xf32, #tpu.memory_space<vmem_shared>> -> memref<4096x128xf32, #tpu.memory_space<vmem_shared>>
    tpu.enqueue_indirect_dma source(%dma_start3A_493 : memref<4096x128xf32, #tpu.memory_space<vmem_shared>>) target(%dma_start3A_487 : memref<128x128xf32, #tpu.memory_space<vmem>>) offsets(%dma_start3A_490 : memref<128xi32, #tpu.memory_space<vmem>>) semaphore(%arg14 : memref<!tpu.dma_semaphore, #tpu.memory_space<semaphore_mem>>)
    %dma_wait3A_494 = arith.constant 7 : i32
    %dma_wait3A_495 = arith.constant 2 : i32
    %dma_wait3A_496 = arith.constant 0 : i32
    %dma_wait3A_497 = arith.constant 0 : i32
    %dma_wait3A_498 = tpu.memref_slice %arg12[%dma_wait3A_495, %dma_wait3A_496, %dma_wait3A_497] : memref<5x128x128xf32, #tpu.memory_space<vmem>> -> memref<1x128x128xf32, #tpu.memory_space<vmem>>
    %dma_wait3A_499 = tpu.memref_squeeze %dma_wait3A_498 : memref<1x128x128xf32, #tpu.memory_space<vmem>> -> memref<128x128xf32, #tpu.memory_space<vmem>>
    %dma_wait3A_500 = arith.constant 0 : i32
    %dma_wait3A_501 = tpu.memref_slice %arg11[%dma_wait3A_494, %dma_wait3A_500] : memref<16x128xi32, #tpu.memory_space<vmem>> -> memref<1x128xi32, #tpu.memory_space<vmem>>
    %dma_wait3A_502 = tpu.memref_squeeze %dma_wait3A_501 : memref<1x128xi32, #tpu.memory_space<vmem>> -> memref<128xi32, #tpu.memory_space<vmem>>
    %dma_wait3A_503 = arith.constant 0 : i32
    %dma_wait3A_504 = arith.constant 0 : i32
    %dma_wait3A_505 = tpu.memref_slice %arg9[%dma_wait3A_503, %dma_wait3A_504] : memref<4096x128xf32, #tpu.memory_space<vmem_shared>> -> memref<4096x128xf32, #tpu.memory_space<vmem_shared>>
    tpu.wait_indirect_dma semaphore(%arg15 : memref<!tpu.dma_semaphore, #tpu.memory_space<semaphore_mem>>) src(%dma_wait3A_505 : memref<4096x128xf32, #tpu.memory_space<vmem_shared>>) dst(%dma_wait3A_499 : memref<128x128xf32, #tpu.memory_space<vmem>>)
    %add3A_506 = arith.constant 7 : i32
    %add3A_507 = arith.addi %mul3A_11, %add3A_506 : i32
    %mul3A_508 = arith.constant 128 : i32
    %mul3A_509 = arith.muli %add3A_507, %mul3A_508 : i32
    %dma_start3A_510 = arith.constant 2 : i32
    %dma_start3A_511 = arith.constant 0 : i32
    %dma_start3A_512 = arith.constant 0 : i32
    %dma_start3A_513 = tpu.memref_slice %arg12[%dma_start3A_510, %dma_start3A_511, %dma_start3A_512] : memref<5x128x128xf32, #tpu.memory_space<vmem>> -> memref<1x128x128xf32, #tpu.memory_space<vmem>>
    %dma_start3A_514 = tpu.memref_squeeze %dma_start3A_513 : memref<1x128x128xf32, #tpu.memory_space<vmem>> -> memref<128x128xf32, #tpu.memory_space<vmem>>
    %dma_start3A_515 = arith.constant 0 : i32
    %dma_start3A_516 = tpu.memref_slice %arg8[%mul3A_509, %dma_start3A_515] : memref<65536x128xf32, #tpu.memory_space<hbm>> -> memref<128x128xf32, #tpu.memory_space<hbm>>
    %dma_start3A_517 = arith.constant 0 : i32
    %dma_start3A_518 = tpu.memref_slice %arg8[%mul3A_509, %dma_start3A_517] : memref<65536x128xf32, #tpu.memory_space<hbm>> -> memref<128x128xf32, #tpu.memory_space<hbm>>
    %dma_start3A_519 = arith.constant 0 : i32
    %dma_start3A_520 = arith.constant 0 : i32
    %dma_start3A_521 = tpu.memref_slice %arg12[%dma_start3A_510, %dma_start3A_519, %dma_start3A_520] : memref<5x128x128xf32, #tpu.memory_space<vmem>> -> memref<1x128x128xf32, #tpu.memory_space<vmem>>
    %dma_start3A_522 = tpu.memref_squeeze %dma_start3A_521 : memref<1x128x128xf32, #tpu.memory_space<vmem>> -> memref<128x128xf32, #tpu.memory_space<vmem>>
    tpu.enqueue_dma source(%dma_start3A_522 : memref<128x128xf32, #tpu.memory_space<vmem>>) target(%dma_start3A_518 : memref<128x128xf32, #tpu.memory_space<hbm>>) target_semaphore(%arg15 : memref<!tpu.dma_semaphore, #tpu.memory_space<semaphore_mem>>)
    %add3A_523 = arith.constant 7 : i32
    %add3A_524 = arith.addi %mul3A_11, %add3A_523 : i32
    %mul3A_525 = arith.constant 128 : i32
    %mul3A_526 = arith.muli %add3A_524, %mul3A_525 : i32
    %dma_wait3A_527 = arith.constant 2 : i32
    %dma_wait3A_528 = arith.constant 0 : i32
    %dma_wait3A_529 = arith.constant 0 : i32
    %dma_wait3A_530 = tpu.memref_slice %arg12[%dma_wait3A_527, %dma_wait3A_528, %dma_wait3A_529] : memref<5x128x128xf32, #tpu.memory_space<vmem>> -> memref<1x128x128xf32, #tpu.memory_space<vmem>>
    %dma_wait3A_531 = tpu.memref_squeeze %dma_wait3A_530 : memref<1x128x128xf32, #tpu.memory_space<vmem>> -> memref<128x128xf32, #tpu.memory_space<vmem>>
    %dma_wait3A_532 = arith.constant 0 : i32
    %dma_wait3A_533 = tpu.memref_slice %arg8[%mul3A_526, %dma_wait3A_532] : memref<65536x128xf32, #tpu.memory_space<hbm>> -> memref<128x128xf32, #tpu.memory_space<hbm>>
    %dma_wait3A_534 = arith.constant 0 : i32
    %dma_wait3A_535 = tpu.memref_slice %arg8[%mul3A_526, %dma_wait3A_534] : memref<65536x128xf32, #tpu.memory_space<hbm>> -> memref<128x128xf32, #tpu.memory_space<hbm>>
    %dma_wait3A_536 = arith.constant 0 : i32
    %dma_wait3A_537 = arith.constant 0 : i32
    %dma_wait3A_538 = tpu.memref_slice %arg12[%dma_wait3A_527, %dma_wait3A_536, %dma_wait3A_537] : memref<5x128x128xf32, #tpu.memory_space<vmem>> -> memref<1x128x128xf32, #tpu.memory_space<vmem>>
    %dma_wait3A_539 = tpu.memref_squeeze %dma_wait3A_538 : memref<1x128x128xf32, #tpu.memory_space<vmem>> -> memref<128x128xf32, #tpu.memory_space<vmem>>
    tpu.wait_dma2 semaphore(%arg15 : memref<!tpu.dma_semaphore, #tpu.memory_space<semaphore_mem>>) src(%dma_wait3A_539 : memref<128x128xf32, #tpu.memory_space<vmem>>) dst(%dma_wait3A_535 : memref<128x128xf32, #tpu.memory_space<hbm>>)
    %dma_start3A_540 = arith.constant 12 : i32
    %dma_start3A_541 = arith.constant 2 : i32
    %dma_start3A_542 = arith.constant 0 : i32
    %dma_start3A_543 = arith.constant 0 : i32
    %dma_start3A_544 = tpu.memref_slice %arg12[%dma_start3A_541, %dma_start3A_542, %dma_start3A_543] : memref<5x128x128xf32, #tpu.memory_space<vmem>> -> memref<1x128x128xf32, #tpu.memory_space<vmem>>
    %dma_start3A_545 = tpu.memref_squeeze %dma_start3A_544 : memref<1x128x128xf32, #tpu.memory_space<vmem>> -> memref<128x128xf32, #tpu.memory_space<vmem>>
    %dma_start3A_546 = arith.constant 0 : i32
    %dma_start3A_547 = tpu.memref_slice %arg11[%dma_start3A_540, %dma_start3A_546] : memref<16x128xi32, #tpu.memory_space<vmem>> -> memref<1x128xi32, #tpu.memory_space<vmem>>
    %dma_start3A_548 = tpu.memref_squeeze %dma_start3A_547 : memref<1x128xi32, #tpu.memory_space<vmem>> -> memref<128xi32, #tpu.memory_space<vmem>>
    %dma_start3A_549 = arith.constant 0 : i32
    %dma_start3A_550 = arith.constant 0 : i32
    %dma_start3A_551 = tpu.memref_slice %arg9[%dma_start3A_549, %dma_start3A_550] : memref<4096x128xf32, #tpu.memory_space<vmem_shared>> -> memref<4096x128xf32, #tpu.memory_space<vmem_shared>>
    tpu.enqueue_indirect_dma source(%dma_start3A_551 : memref<4096x128xf32, #tpu.memory_space<vmem_shared>>) target(%dma_start3A_545 : memref<128x128xf32, #tpu.memory_space<vmem>>) offsets(%dma_start3A_548 : memref<128xi32, #tpu.memory_space<vmem>>) semaphore(%arg15 : memref<!tpu.dma_semaphore, #tpu.memory_space<semaphore_mem>>)
    %dma_wait3A_552 = arith.constant 8 : i32
    %dma_wait3A_553 = arith.constant 3 : i32
    %dma_wait3A_554 = arith.constant 0 : i32
    %dma_wait3A_555 = arith.constant 0 : i32
    %dma_wait3A_556 = tpu.memref_slice %arg12[%dma_wait3A_553, %dma_wait3A_554, %dma_wait3A_555] : memref<5x128x128xf32, #tpu.memory_space<vmem>> -> memref<1x128x128xf32, #tpu.memory_space<vmem>>
    %dma_wait3A_557 = tpu.memref_squeeze %dma_wait3A_556 : memref<1x128x128xf32, #tpu.memory_space<vmem>> -> memref<128x128xf32, #tpu.memory_space<vmem>>
    %dma_wait3A_558 = arith.constant 0 : i32
    %dma_wait3A_559 = tpu.memref_slice %arg11[%dma_wait3A_552, %dma_wait3A_558] : memref<16x128xi32, #tpu.memory_space<vmem>> -> memref<1x128xi32, #tpu.memory_space<vmem>>
    %dma_wait3A_560 = tpu.memref_squeeze %dma_wait3A_559 : memref<1x128xi32, #tpu.memory_space<vmem>> -> memref<128xi32, #tpu.memory_space<vmem>>
    %dma_wait3A_561 = arith.constant 0 : i32
    %dma_wait3A_562 = arith.constant 0 : i32
    %dma_wait3A_563 = tpu.memref_slice %arg9[%dma_wait3A_561, %dma_wait3A_562] : memref<4096x128xf32, #tpu.memory_space<vmem_shared>> -> memref<4096x128xf32, #tpu.memory_space<vmem_shared>>
    tpu.wait_indirect_dma semaphore(%arg16 : memref<!tpu.dma_semaphore, #tpu.memory_space<semaphore_mem>>) src(%dma_wait3A_563 : memref<4096x128xf32, #tpu.memory_space<vmem_shared>>) dst(%dma_wait3A_557 : memref<128x128xf32, #tpu.memory_space<vmem>>)
    %add3A_564 = arith.constant 8 : i32
    %add3A_565 = arith.addi %mul3A_11, %add3A_564 : i32
    %mul3A_566 = arith.constant 128 : i32
    %mul3A_567 = arith.muli %add3A_565, %mul3A_566 : i32
    %dma_start3A_568 = arith.constant 3 : i32
    %dma_start3A_569 = arith.constant 0 : i32
    %dma_start3A_570 = arith.constant 0 : i32
    %dma_start3A_571 = tpu.memref_slice %arg12[%dma_start3A_568, %dma_start3A_569, %dma_start3A_570] : memref<5x128x128xf32, #tpu.memory_space<vmem>> -> memref<1x128x128xf32, #tpu.memory_space<vmem>>
    %dma_start3A_572 = tpu.memref_squeeze %dma_start3A_571 : memref<1x128x128xf32, #tpu.memory_space<vmem>> -> memref<128x128xf32, #tpu.memory_space<vmem>>
    %dma_start3A_573 = arith.constant 0 : i32
    %dma_start3A_574 = tpu.memref_slice %arg8[%mul3A_567, %dma_start3A_573] : memref<65536x128xf32, #tpu.memory_space<hbm>> -> memref<128x128xf32, #tpu.memory_space<hbm>>
    %dma_start3A_575 = arith.constant 0 : i32
    %dma_start3A_576 = tpu.memref_slice %arg8[%mul3A_567, %dma_start3A_575] : memref<65536x128xf32, #tpu.memory_space<hbm>> -> memref<128x128xf32, #tpu.memory_space<hbm>>
    %dma_start3A_577 = arith.constant 0 : i32
    %dma_start3A_578 = arith.constant 0 : i32
    %dma_start3A_579 = tpu.memref_slice %arg12[%dma_start3A_568, %dma_start3A_577, %dma_start3A_578] : memref<5x128x128xf32, #tpu.memory_space<vmem>> -> memref<1x128x128xf32, #tpu.memory_space<vmem>>
    %dma_start3A_580 = tpu.memref_squeeze %dma_start3A_579 : memref<1x128x128xf32, #tpu.memory_space<vmem>> -> memref<128x128xf32, #tpu.memory_space<vmem>>
    tpu.enqueue_dma source(%dma_start3A_580 : memref<128x128xf32, #tpu.memory_space<vmem>>) target(%dma_start3A_576 : memref<128x128xf32, #tpu.memory_space<hbm>>) target_semaphore(%arg16 : memref<!tpu.dma_semaphore, #tpu.memory_space<semaphore_mem>>)
    %add3A_581 = arith.constant 8 : i32
    %add3A_582 = arith.addi %mul3A_11, %add3A_581 : i32
    %mul3A_583 = arith.constant 128 : i32
    %mul3A_584 = arith.muli %add3A_582, %mul3A_583 : i32
    %dma_wait3A_585 = arith.constant 3 : i32
    %dma_wait3A_586 = arith.constant 0 : i32
    %dma_wait3A_587 = arith.constant 0 : i32
    %dma_wait3A_588 = tpu.memref_slice %arg12[%dma_wait3A_585, %dma_wait3A_586, %dma_wait3A_587] : memref<5x128x128xf32, #tpu.memory_space<vmem>> -> memref<1x128x128xf32, #tpu.memory_space<vmem>>
    %dma_wait3A_589 = tpu.memref_squeeze %dma_wait3A_588 : memref<1x128x128xf32, #tpu.memory_space<vmem>> -> memref<128x128xf32, #tpu.memory_space<vmem>>
    %dma_wait3A_590 = arith.constant 0 : i32
    %dma_wait3A_591 = tpu.memref_slice %arg8[%mul3A_584, %dma_wait3A_590] : memref<65536x128xf32, #tpu.memory_space<hbm>> -> memref<128x128xf32, #tpu.memory_space<hbm>>
    %dma_wait3A_592 = arith.constant 0 : i32
    %dma_wait3A_593 = tpu.memref_slice %arg8[%mul3A_584, %dma_wait3A_592] : memref<65536x128xf32, #tpu.memory_space<hbm>> -> memref<128x128xf32, #tpu.memory_space<hbm>>
    %dma_wait3A_594 = arith.constant 0 : i32
    %dma_wait3A_595 = arith.constant 0 : i32
    %dma_wait3A_596 = tpu.memref_slice %arg12[%dma_wait3A_585, %dma_wait3A_594, %dma_wait3A_595] : memref<5x128x128xf32, #tpu.memory_space<vmem>> -> memref<1x128x128xf32, #tpu.memory_space<vmem>>
    %dma_wait3A_597 = tpu.memref_squeeze %dma_wait3A_596 : memref<1x128x128xf32, #tpu.memory_space<vmem>> -> memref<128x128xf32, #tpu.memory_space<vmem>>
    tpu.wait_dma2 semaphore(%arg16 : memref<!tpu.dma_semaphore, #tpu.memory_space<semaphore_mem>>) src(%dma_wait3A_597 : memref<128x128xf32, #tpu.memory_space<vmem>>) dst(%dma_wait3A_593 : memref<128x128xf32, #tpu.memory_space<hbm>>)
    %dma_start3A_598 = arith.constant 13 : i32
    %dma_start3A_599 = arith.constant 3 : i32
    %dma_start3A_600 = arith.constant 0 : i32
    %dma_start3A_601 = arith.constant 0 : i32
    %dma_start3A_602 = tpu.memref_slice %arg12[%dma_start3A_599, %dma_start3A_600, %dma_start3A_601] : memref<5x128x128xf32, #tpu.memory_space<vmem>> -> memref<1x128x128xf32, #tpu.memory_space<vmem>>
    %dma_start3A_603 = tpu.memref_squeeze %dma_start3A_602 : memref<1x128x128xf32, #tpu.memory_space<vmem>> -> memref<128x128xf32, #tpu.memory_space<vmem>>
    %dma_start3A_604 = arith.constant 0 : i32
    %dma_start3A_605 = tpu.memref_slice %arg11[%dma_start3A_598, %dma_start3A_604] : memref<16x128xi32, #tpu.memory_space<vmem>> -> memref<1x128xi32, #tpu.memory_space<vmem>>
    %dma_start3A_606 = tpu.memref_squeeze %dma_start3A_605 : memref<1x128xi32, #tpu.memory_space<vmem>> -> memref<128xi32, #tpu.memory_space<vmem>>
    %dma_start3A_607 = arith.constant 0 : i32
    %dma_start3A_608 = arith.constant 0 : i32
    %dma_start3A_609 = tpu.memref_slice %arg9[%dma_start3A_607, %dma_start3A_608] : memref<4096x128xf32, #tpu.memory_space<vmem_shared>> -> memref<4096x128xf32, #tpu.memory_space<vmem_shared>>
    tpu.enqueue_indirect_dma source(%dma_start3A_609 : memref<4096x128xf32, #tpu.memory_space<vmem_shared>>) target(%dma_start3A_603 : memref<128x128xf32, #tpu.memory_space<vmem>>) offsets(%dma_start3A_606 : memref<128xi32, #tpu.memory_space<vmem>>) semaphore(%arg16 : memref<!tpu.dma_semaphore, #tpu.memory_space<semaphore_mem>>)
    %dma_wait3A_610 = arith.constant 9 : i32
    %dma_wait3A_611 = arith.constant 4 : i32
    %dma_wait3A_612 = arith.constant 0 : i32
    %dma_wait3A_613 = arith.constant 0 : i32
    %dma_wait3A_614 = tpu.memref_slice %arg12[%dma_wait3A_611, %dma_wait3A_612, %dma_wait3A_613] : memref<5x128x128xf32, #tpu.memory_space<vmem>> -> memref<1x128x128xf32, #tpu.memory_space<vmem>>
    %dma_wait3A_615 = tpu.memref_squeeze %dma_wait3A_614 : memref<1x128x128xf32, #tpu.memory_space<vmem>> -> memref<128x128xf32, #tpu.memory_space<vmem>>
    %dma_wait3A_616 = arith.constant 0 : i32
    %dma_wait3A_617 = tpu.memref_slice %arg11[%dma_wait3A_610, %dma_wait3A_616] : memref<16x128xi32, #tpu.memory_space<vmem>> -> memref<1x128xi32, #tpu.memory_space<vmem>>
    %dma_wait3A_618 = tpu.memref_squeeze %dma_wait3A_617 : memref<1x128xi32, #tpu.memory_space<vmem>> -> memref<128xi32, #tpu.memory_space<vmem>>
    %dma_wait3A_619 = arith.constant 0 : i32
    %dma_wait3A_620 = arith.constant 0 : i32
    %dma_wait3A_621 = tpu.memref_slice %arg9[%dma_wait3A_619, %dma_wait3A_620] : memref<4096x128xf32, #tpu.memory_space<vmem_shared>> -> memref<4096x128xf32, #tpu.memory_space<vmem_shared>>
    tpu.wait_indirect_dma semaphore(%arg17 : memref<!tpu.dma_semaphore, #tpu.memory_space<semaphore_mem>>) src(%dma_wait3A_621 : memref<4096x128xf32, #tpu.memory_space<vmem_shared>>) dst(%dma_wait3A_615 : memref<128x128xf32, #tpu.memory_space<vmem>>)
    %add3A_622 = arith.constant 9 : i32
    %add3A_623 = arith.addi %mul3A_11, %add3A_622 : i32
    %mul3A_624 = arith.constant 128 : i32
    %mul3A_625 = arith.muli %add3A_623, %mul3A_624 : i32
    %dma_start3A_626 = arith.constant 4 : i32
    %dma_start3A_627 = arith.constant 0 : i32
    %dma_start3A_628 = arith.constant 0 : i32
    %dma_start3A_629 = tpu.memref_slice %arg12[%dma_start3A_626, %dma_start3A_627, %dma_start3A_628] : memref<5x128x128xf32, #tpu.memory_space<vmem>> -> memref<1x128x128xf32, #tpu.memory_space<vmem>>
    %dma_start3A_630 = tpu.memref_squeeze %dma_start3A_629 : memref<1x128x128xf32, #tpu.memory_space<vmem>> -> memref<128x128xf32, #tpu.memory_space<vmem>>
    %dma_start3A_631 = arith.constant 0 : i32
    %dma_start3A_632 = tpu.memref_slice %arg8[%mul3A_625, %dma_start3A_631] : memref<65536x128xf32, #tpu.memory_space<hbm>> -> memref<128x128xf32, #tpu.memory_space<hbm>>
    %dma_start3A_633 = arith.constant 0 : i32
    %dma_start3A_634 = tpu.memref_slice %arg8[%mul3A_625, %dma_start3A_633] : memref<65536x128xf32, #tpu.memory_space<hbm>> -> memref<128x128xf32, #tpu.memory_space<hbm>>
    %dma_start3A_635 = arith.constant 0 : i32
    %dma_start3A_636 = arith.constant 0 : i32
    %dma_start3A_637 = tpu.memref_slice %arg12[%dma_start3A_626, %dma_start3A_635, %dma_start3A_636] : memref<5x128x128xf32, #tpu.memory_space<vmem>> -> memref<1x128x128xf32, #tpu.memory_space<vmem>>
    %dma_start3A_638 = tpu.memref_squeeze %dma_start3A_637 : memref<1x128x128xf32, #tpu.memory_space<vmem>> -> memref<128x128xf32, #tpu.memory_space<vmem>>
    tpu.enqueue_dma source(%dma_start3A_638 : memref<128x128xf32, #tpu.memory_space<vmem>>) target(%dma_start3A_634 : memref<128x128xf32, #tpu.memory_space<hbm>>) target_semaphore(%arg17 : memref<!tpu.dma_semaphore, #tpu.memory_space<semaphore_mem>>)
    %add3A_639 = arith.constant 9 : i32
    %add3A_640 = arith.addi %mul3A_11, %add3A_639 : i32
    %mul3A_641 = arith.constant 128 : i32
    %mul3A_642 = arith.muli %add3A_640, %mul3A_641 : i32
    %dma_wait3A_643 = arith.constant 4 : i32
    %dma_wait3A_644 = arith.constant 0 : i32
    %dma_wait3A_645 = arith.constant 0 : i32
    %dma_wait3A_646 = tpu.memref_slice %arg12[%dma_wait3A_643, %dma_wait3A_644, %dma_wait3A_645] : memref<5x128x128xf32, #tpu.memory_space<vmem>> -> memref<1x128x128xf32, #tpu.memory_space<vmem>>
    %dma_wait3A_647 = tpu.memref_squeeze %dma_wait3A_646 : memref<1x128x128xf32, #tpu.memory_space<vmem>> -> memref<128x128xf32, #tpu.memory_space<vmem>>
    %dma_wait3A_648 = arith.constant 0 : i32
    %dma_wait3A_649 = tpu.memref_slice %arg8[%mul3A_642, %dma_wait3A_648] : memref<65536x128xf32, #tpu.memory_space<hbm>> -> memref<128x128xf32, #tpu.memory_space<hbm>>
    %dma_wait3A_650 = arith.constant 0 : i32
    %dma_wait3A_651 = tpu.memref_slice %arg8[%mul3A_642, %dma_wait3A_650] : memref<65536x128xf32, #tpu.memory_space<hbm>> -> memref<128x128xf32, #tpu.memory_space<hbm>>
    %dma_wait3A_652 = arith.constant 0 : i32
    %dma_wait3A_653 = arith.constant 0 : i32
    %dma_wait3A_654 = tpu.memref_slice %arg12[%dma_wait3A_643, %dma_wait3A_652, %dma_wait3A_653] : memref<5x128x128xf32, #tpu.memory_space<vmem>> -> memref<1x128x128xf32, #tpu.memory_space<vmem>>
    %dma_wait3A_655 = tpu.memref_squeeze %dma_wait3A_654 : memref<1x128x128xf32, #tpu.memory_space<vmem>> -> memref<128x128xf32, #tpu.memory_space<vmem>>
    tpu.wait_dma2 semaphore(%arg17 : memref<!tpu.dma_semaphore, #tpu.memory_space<semaphore_mem>>) src(%dma_wait3A_655 : memref<128x128xf32, #tpu.memory_space<vmem>>) dst(%dma_wait3A_651 : memref<128x128xf32, #tpu.memory_space<hbm>>)
    %dma_start3A_656 = arith.constant 14 : i32
    %dma_start3A_657 = arith.constant 4 : i32
    %dma_start3A_658 = arith.constant 0 : i32
    %dma_start3A_659 = arith.constant 0 : i32
    %dma_start3A_660 = tpu.memref_slice %arg12[%dma_start3A_657, %dma_start3A_658, %dma_start3A_659] : memref<5x128x128xf32, #tpu.memory_space<vmem>> -> memref<1x128x128xf32, #tpu.memory_space<vmem>>
    %dma_start3A_661 = tpu.memref_squeeze %dma_start3A_660 : memref<1x128x128xf32, #tpu.memory_space<vmem>> -> memref<128x128xf32, #tpu.memory_space<vmem>>
    %dma_start3A_662 = arith.constant 0 : i32
    %dma_start3A_663 = tpu.memref_slice %arg11[%dma_start3A_656, %dma_start3A_662] : memref<16x128xi32, #tpu.memory_space<vmem>> -> memref<1x128xi32, #tpu.memory_space<vmem>>
    %dma_start3A_664 = tpu.memref_squeeze %dma_start3A_663 : memref<1x128xi32, #tpu.memory_space<vmem>> -> memref<128xi32, #tpu.memory_space<vmem>>
    %dma_start3A_665 = arith.constant 0 : i32
    %dma_start3A_666 = arith.constant 0 : i32
    %dma_start3A_667 = tpu.memref_slice %arg9[%dma_start3A_665, %dma_start3A_666] : memref<4096x128xf32, #tpu.memory_space<vmem_shared>> -> memref<4096x128xf32, #tpu.memory_space<vmem_shared>>
    tpu.enqueue_indirect_dma source(%dma_start3A_667 : memref<4096x128xf32, #tpu.memory_space<vmem_shared>>) target(%dma_start3A_661 : memref<128x128xf32, #tpu.memory_space<vmem>>) offsets(%dma_start3A_664 : memref<128xi32, #tpu.memory_space<vmem>>) semaphore(%arg17 : memref<!tpu.dma_semaphore, #tpu.memory_space<semaphore_mem>>)
    %dma_wait3A_668 = arith.constant 10 : i32
    %dma_wait3A_669 = arith.constant 0 : i32
    %dma_wait3A_670 = arith.constant 0 : i32
    %dma_wait3A_671 = arith.constant 0 : i32
    %dma_wait3A_672 = tpu.memref_slice %arg12[%dma_wait3A_669, %dma_wait3A_670, %dma_wait3A_671] : memref<5x128x128xf32, #tpu.memory_space<vmem>> -> memref<1x128x128xf32, #tpu.memory_space<vmem>>
    %dma_wait3A_673 = tpu.memref_squeeze %dma_wait3A_672 : memref<1x128x128xf32, #tpu.memory_space<vmem>> -> memref<128x128xf32, #tpu.memory_space<vmem>>
    %dma_wait3A_674 = arith.constant 0 : i32
    %dma_wait3A_675 = tpu.memref_slice %arg11[%dma_wait3A_668, %dma_wait3A_674] : memref<16x128xi32, #tpu.memory_space<vmem>> -> memref<1x128xi32, #tpu.memory_space<vmem>>
    %dma_wait3A_676 = tpu.memref_squeeze %dma_wait3A_675 : memref<1x128xi32, #tpu.memory_space<vmem>> -> memref<128xi32, #tpu.memory_space<vmem>>
    %dma_wait3A_677 = arith.constant 0 : i32
    %dma_wait3A_678 = arith.constant 0 : i32
    %dma_wait3A_679 = tpu.memref_slice %arg9[%dma_wait3A_677, %dma_wait3A_678] : memref<4096x128xf32, #tpu.memory_space<vmem_shared>> -> memref<4096x128xf32, #tpu.memory_space<vmem_shared>>
    tpu.wait_indirect_dma semaphore(%arg13 : memref<!tpu.dma_semaphore, #tpu.memory_space<semaphore_mem>>) src(%dma_wait3A_679 : memref<4096x128xf32, #tpu.memory_space<vmem_shared>>) dst(%dma_wait3A_673 : memref<128x128xf32, #tpu.memory_space<vmem>>)
    %add3A_680 = arith.constant 10 : i32
    %add3A_681 = arith.addi %mul3A_11, %add3A_680 : i32
    %mul3A_682 = arith.constant 128 : i32
    %mul3A_683 = arith.muli %add3A_681, %mul3A_682 : i32
    %dma_start3A_684 = arith.constant 0 : i32
    %dma_start3A_685 = arith.constant 0 : i32
    %dma_start3A_686 = arith.constant 0 : i32
    %dma_start3A_687 = tpu.memref_slice %arg12[%dma_start3A_684, %dma_start3A_685, %dma_start3A_686] : memref<5x128x128xf32, #tpu.memory_space<vmem>> -> memref<1x128x128xf32, #tpu.memory_space<vmem>>
    %dma_start3A_688 = tpu.memref_squeeze %dma_start3A_687 : memref<1x128x128xf32, #tpu.memory_space<vmem>> -> memref<128x128xf32, #tpu.memory_space<vmem>>
    %dma_start3A_689 = arith.constant 0 : i32
    %dma_start3A_690 = tpu.memref_slice %arg8[%mul3A_683, %dma_start3A_689] : memref<65536x128xf32, #tpu.memory_space<hbm>> -> memref<128x128xf32, #tpu.memory_space<hbm>>
    %dma_start3A_691 = arith.constant 0 : i32
    %dma_start3A_692 = tpu.memref_slice %arg8[%mul3A_683, %dma_start3A_691] : memref<65536x128xf32, #tpu.memory_space<hbm>> -> memref<128x128xf32, #tpu.memory_space<hbm>>
    %dma_start3A_693 = arith.constant 0 : i32
    %dma_start3A_694 = arith.constant 0 : i32
    %dma_start3A_695 = tpu.memref_slice %arg12[%dma_start3A_684, %dma_start3A_693, %dma_start3A_694] : memref<5x128x128xf32, #tpu.memory_space<vmem>> -> memref<1x128x128xf32, #tpu.memory_space<vmem>>
    %dma_start3A_696 = tpu.memref_squeeze %dma_start3A_695 : memref<1x128x128xf32, #tpu.memory_space<vmem>> -> memref<128x128xf32, #tpu.memory_space<vmem>>
    tpu.enqueue_dma source(%dma_start3A_696 : memref<128x128xf32, #tpu.memory_space<vmem>>) target(%dma_start3A_692 : memref<128x128xf32, #tpu.memory_space<hbm>>) target_semaphore(%arg13 : memref<!tpu.dma_semaphore, #tpu.memory_space<semaphore_mem>>)
    %add3A_697 = arith.constant 10 : i32
    %add3A_698 = arith.addi %mul3A_11, %add3A_697 : i32
    %mul3A_699 = arith.constant 128 : i32
    %mul3A_700 = arith.muli %add3A_698, %mul3A_699 : i32
    %dma_wait3A_701 = arith.constant 0 : i32
    %dma_wait3A_702 = arith.constant 0 : i32
    %dma_wait3A_703 = arith.constant 0 : i32
    %dma_wait3A_704 = tpu.memref_slice %arg12[%dma_wait3A_701, %dma_wait3A_702, %dma_wait3A_703] : memref<5x128x128xf32, #tpu.memory_space<vmem>> -> memref<1x128x128xf32, #tpu.memory_space<vmem>>
    %dma_wait3A_705 = tpu.memref_squeeze %dma_wait3A_704 : memref<1x128x128xf32, #tpu.memory_space<vmem>> -> memref<128x128xf32, #tpu.memory_space<vmem>>
    %dma_wait3A_706 = arith.constant 0 : i32
    %dma_wait3A_707 = tpu.memref_slice %arg8[%mul3A_700, %dma_wait3A_706] : memref<65536x128xf32, #tpu.memory_space<hbm>> -> memref<128x128xf32, #tpu.memory_space<hbm>>
    %dma_wait3A_708 = arith.constant 0 : i32
    %dma_wait3A_709 = tpu.memref_slice %arg8[%mul3A_700, %dma_wait3A_708] : memref<65536x128xf32, #tpu.memory_space<hbm>> -> memref<128x128xf32, #tpu.memory_space<hbm>>
    %dma_wait3A_710 = arith.constant 0 : i32
    %dma_wait3A_711 = arith.constant 0 : i32
    %dma_wait3A_712 = tpu.memref_slice %arg12[%dma_wait3A_701, %dma_wait3A_710, %dma_wait3A_711] : memref<5x128x128xf32, #tpu.memory_space<vmem>> -> memref<1x128x128xf32, #tpu.memory_space<vmem>>
    %dma_wait3A_713 = tpu.memref_squeeze %dma_wait3A_712 : memref<1x128x128xf32, #tpu.memory_space<vmem>> -> memref<128x128xf32, #tpu.memory_space<vmem>>
    tpu.wait_dma2 semaphore(%arg13 : memref<!tpu.dma_semaphore, #tpu.memory_space<semaphore_mem>>) src(%dma_wait3A_713 : memref<128x128xf32, #tpu.memory_space<vmem>>) dst(%dma_wait3A_709 : memref<128x128xf32, #tpu.memory_space<hbm>>)
    %dma_start3A_714 = arith.constant 15 : i32
    %dma_start3A_715 = arith.constant 0 : i32
    %dma_start3A_716 = arith.constant 0 : i32
    %dma_start3A_717 = arith.constant 0 : i32
    %dma_start3A_718 = tpu.memref_slice %arg12[%dma_start3A_715, %dma_start3A_716, %dma_start3A_717] : memref<5x128x128xf32, #tpu.memory_space<vmem>> -> memref<1x128x128xf32, #tpu.memory_space<vmem>>
    %dma_start3A_719 = tpu.memref_squeeze %dma_start3A_718 : memref<1x128x128xf32, #tpu.memory_space<vmem>> -> memref<128x128xf32, #tpu.memory_space<vmem>>
    %dma_start3A_720 = arith.constant 0 : i32
    %dma_start3A_721 = tpu.memref_slice %arg11[%dma_start3A_714, %dma_start3A_720] : memref<16x128xi32, #tpu.memory_space<vmem>> -> memref<1x128xi32, #tpu.memory_space<vmem>>
    %dma_start3A_722 = tpu.memref_squeeze %dma_start3A_721 : memref<1x128xi32, #tpu.memory_space<vmem>> -> memref<128xi32, #tpu.memory_space<vmem>>
    %dma_start3A_723 = arith.constant 0 : i32
    %dma_start3A_724 = arith.constant 0 : i32
    %dma_start3A_725 = tpu.memref_slice %arg9[%dma_start3A_723, %dma_start3A_724] : memref<4096x128xf32, #tpu.memory_space<vmem_shared>> -> memref<4096x128xf32, #tpu.memory_space<vmem_shared>>
    tpu.enqueue_indirect_dma source(%dma_start3A_725 : memref<4096x128xf32, #tpu.memory_space<vmem_shared>>) target(%dma_start3A_719 : memref<128x128xf32, #tpu.memory_space<vmem>>) offsets(%dma_start3A_722 : memref<128xi32, #tpu.memory_space<vmem>>) semaphore(%arg13 : memref<!tpu.dma_semaphore, #tpu.memory_space<semaphore_mem>>)
    %dma_wait3A_726 = arith.constant 11 : i32
    %dma_wait3A_727 = arith.constant 1 : i32
    %dma_wait3A_728 = arith.constant 0 : i32
    %dma_wait3A_729 = arith.constant 0 : i32
    %dma_wait3A_730 = tpu.memref_slice %arg12[%dma_wait3A_727, %dma_wait3A_728, %dma_wait3A_729] : memref<5x128x128xf32, #tpu.memory_space<vmem>> -> memref<1x128x128xf32, #tpu.memory_space<vmem>>
    %dma_wait3A_731 = tpu.memref_squeeze %dma_wait3A_730 : memref<1x128x128xf32, #tpu.memory_space<vmem>> -> memref<128x128xf32, #tpu.memory_space<vmem>>
    %dma_wait3A_732 = arith.constant 0 : i32
    %dma_wait3A_733 = tpu.memref_slice %arg11[%dma_wait3A_726, %dma_wait3A_732] : memref<16x128xi32, #tpu.memory_space<vmem>> -> memref<1x128xi32, #tpu.memory_space<vmem>>
    %dma_wait3A_734 = tpu.memref_squeeze %dma_wait3A_733 : memref<1x128xi32, #tpu.memory_space<vmem>> -> memref<128xi32, #tpu.memory_space<vmem>>
    %dma_wait3A_735 = arith.constant 0 : i32
    %dma_wait3A_736 = arith.constant 0 : i32
    %dma_wait3A_737 = tpu.memref_slice %arg9[%dma_wait3A_735, %dma_wait3A_736] : memref<4096x128xf32, #tpu.memory_space<vmem_shared>> -> memref<4096x128xf32, #tpu.memory_space<vmem_shared>>
    tpu.wait_indirect_dma semaphore(%arg14 : memref<!tpu.dma_semaphore, #tpu.memory_space<semaphore_mem>>) src(%dma_wait3A_737 : memref<4096x128xf32, #tpu.memory_space<vmem_shared>>) dst(%dma_wait3A_731 : memref<128x128xf32, #tpu.memory_space<vmem>>)
    %add3A_738 = arith.constant 11 : i32
    %add3A_739 = arith.addi %mul3A_11, %add3A_738 : i32
    %mul3A_740 = arith.constant 128 : i32
    %mul3A_741 = arith.muli %add3A_739, %mul3A_740 : i32
    %dma_start3A_742 = arith.constant 1 : i32
    %dma_start3A_743 = arith.constant 0 : i32
    %dma_start3A_744 = arith.constant 0 : i32
    %dma_start3A_745 = tpu.memref_slice %arg12[%dma_start3A_742, %dma_start3A_743, %dma_start3A_744] : memref<5x128x128xf32, #tpu.memory_space<vmem>> -> memref<1x128x128xf32, #tpu.memory_space<vmem>>
    %dma_start3A_746 = tpu.memref_squeeze %dma_start3A_745 : memref<1x128x128xf32, #tpu.memory_space<vmem>> -> memref<128x128xf32, #tpu.memory_space<vmem>>
    %dma_start3A_747 = arith.constant 0 : i32
    %dma_start3A_748 = tpu.memref_slice %arg8[%mul3A_741, %dma_start3A_747] : memref<65536x128xf32, #tpu.memory_space<hbm>> -> memref<128x128xf32, #tpu.memory_space<hbm>>
    %dma_start3A_749 = arith.constant 0 : i32
    %dma_start3A_750 = tpu.memref_slice %arg8[%mul3A_741, %dma_start3A_749] : memref<65536x128xf32, #tpu.memory_space<hbm>> -> memref<128x128xf32, #tpu.memory_space<hbm>>
    %dma_start3A_751 = arith.constant 0 : i32
    %dma_start3A_752 = arith.constant 0 : i32
    %dma_start3A_753 = tpu.memref_slice %arg12[%dma_start3A_742, %dma_start3A_751, %dma_start3A_752] : memref<5x128x128xf32, #tpu.memory_space<vmem>> -> memref<1x128x128xf32, #tpu.memory_space<vmem>>
    %dma_start3A_754 = tpu.memref_squeeze %dma_start3A_753 : memref<1x128x128xf32, #tpu.memory_space<vmem>> -> memref<128x128xf32, #tpu.memory_space<vmem>>
    tpu.enqueue_dma source(%dma_start3A_754 : memref<128x128xf32, #tpu.memory_space<vmem>>) target(%dma_start3A_750 : memref<128x128xf32, #tpu.memory_space<hbm>>) target_semaphore(%arg14 : memref<!tpu.dma_semaphore, #tpu.memory_space<semaphore_mem>>)
    %dma_wait3A_755 = arith.constant 12 : i32
    %dma_wait3A_756 = arith.constant 2 : i32
    %dma_wait3A_757 = arith.constant 0 : i32
    %dma_wait3A_758 = arith.constant 0 : i32
    %dma_wait3A_759 = tpu.memref_slice %arg12[%dma_wait3A_756, %dma_wait3A_757, %dma_wait3A_758] : memref<5x128x128xf32, #tpu.memory_space<vmem>> -> memref<1x128x128xf32, #tpu.memory_space<vmem>>
    %dma_wait3A_760 = tpu.memref_squeeze %dma_wait3A_759 : memref<1x128x128xf32, #tpu.memory_space<vmem>> -> memref<128x128xf32, #tpu.memory_space<vmem>>
    %dma_wait3A_761 = arith.constant 0 : i32
    %dma_wait3A_762 = tpu.memref_slice %arg11[%dma_wait3A_755, %dma_wait3A_761] : memref<16x128xi32, #tpu.memory_space<vmem>> -> memref<1x128xi32, #tpu.memory_space<vmem>>
    %dma_wait3A_763 = tpu.memref_squeeze %dma_wait3A_762 : memref<1x128xi32, #tpu.memory_space<vmem>> -> memref<128xi32, #tpu.memory_space<vmem>>
    %dma_wait3A_764 = arith.constant 0 : i32
    %dma_wait3A_765 = arith.constant 0 : i32
    %dma_wait3A_766 = tpu.memref_slice %arg9[%dma_wait3A_764, %dma_wait3A_765] : memref<4096x128xf32, #tpu.memory_space<vmem_shared>> -> memref<4096x128xf32, #tpu.memory_space<vmem_shared>>
    tpu.wait_indirect_dma semaphore(%arg15 : memref<!tpu.dma_semaphore, #tpu.memory_space<semaphore_mem>>) src(%dma_wait3A_766 : memref<4096x128xf32, #tpu.memory_space<vmem_shared>>) dst(%dma_wait3A_760 : memref<128x128xf32, #tpu.memory_space<vmem>>)
    %add3A_767 = arith.constant 12 : i32
    %add3A_768 = arith.addi %mul3A_11, %add3A_767 : i32
    %mul3A_769 = arith.constant 128 : i32
    %mul3A_770 = arith.muli %add3A_768, %mul3A_769 : i32
    %dma_start3A_771 = arith.constant 2 : i32
    %dma_start3A_772 = arith.constant 0 : i32
    %dma_start3A_773 = arith.constant 0 : i32
    %dma_start3A_774 = tpu.memref_slice %arg12[%dma_start3A_771, %dma_start3A_772, %dma_start3A_773] : memref<5x128x128xf32, #tpu.memory_space<vmem>> -> memref<1x128x128xf32, #tpu.memory_space<vmem>>
    %dma_start3A_775 = tpu.memref_squeeze %dma_start3A_774 : memref<1x128x128xf32, #tpu.memory_space<vmem>> -> memref<128x128xf32, #tpu.memory_space<vmem>>
    %dma_start3A_776 = arith.constant 0 : i32
    %dma_start3A_777 = tpu.memref_slice %arg8[%mul3A_770, %dma_start3A_776] : memref<65536x128xf32, #tpu.memory_space<hbm>> -> memref<128x128xf32, #tpu.memory_space<hbm>>
    %dma_start3A_778 = arith.constant 0 : i32
    %dma_start3A_779 = tpu.memref_slice %arg8[%mul3A_770, %dma_start3A_778] : memref<65536x128xf32, #tpu.memory_space<hbm>> -> memref<128x128xf32, #tpu.memory_space<hbm>>
    %dma_start3A_780 = arith.constant 0 : i32
    %dma_start3A_781 = arith.constant 0 : i32
    %dma_start3A_782 = tpu.memref_slice %arg12[%dma_start3A_771, %dma_start3A_780, %dma_start3A_781] : memref<5x128x128xf32, #tpu.memory_space<vmem>> -> memref<1x128x128xf32, #tpu.memory_space<vmem>>
    %dma_start3A_783 = tpu.memref_squeeze %dma_start3A_782 : memref<1x128x128xf32, #tpu.memory_space<vmem>> -> memref<128x128xf32, #tpu.memory_space<vmem>>
    tpu.enqueue_dma source(%dma_start3A_783 : memref<128x128xf32, #tpu.memory_space<vmem>>) target(%dma_start3A_779 : memref<128x128xf32, #tpu.memory_space<hbm>>) target_semaphore(%arg15 : memref<!tpu.dma_semaphore, #tpu.memory_space<semaphore_mem>>)
    %dma_wait3A_784 = arith.constant 13 : i32
    %dma_wait3A_785 = arith.constant 3 : i32
    %dma_wait3A_786 = arith.constant 0 : i32
    %dma_wait3A_787 = arith.constant 0 : i32
    %dma_wait3A_788 = tpu.memref_slice %arg12[%dma_wait3A_785, %dma_wait3A_786, %dma_wait3A_787] : memref<5x128x128xf32, #tpu.memory_space<vmem>> -> memref<1x128x128xf32, #tpu.memory_space<vmem>>
    %dma_wait3A_789 = tpu.memref_squeeze %dma_wait3A_788 : memref<1x128x128xf32, #tpu.memory_space<vmem>> -> memref<128x128xf32, #tpu.memory_space<vmem>>
    %dma_wait3A_790 = arith.constant 0 : i32
    %dma_wait3A_791 = tpu.memref_slice %arg11[%dma_wait3A_784, %dma_wait3A_790] : memref<16x128xi32, #tpu.memory_space<vmem>> -> memref<1x128xi32, #tpu.memory_space<vmem>>
    %dma_wait3A_792 = tpu.memref_squeeze %dma_wait3A_791 : memref<1x128xi32, #tpu.memory_space<vmem>> -> memref<128xi32, #tpu.memory_space<vmem>>
    %dma_wait3A_793 = arith.constant 0 : i32
    %dma_wait3A_794 = arith.constant 0 : i32
    %dma_wait3A_795 = tpu.memref_slice %arg9[%dma_wait3A_793, %dma_wait3A_794] : memref<4096x128xf32, #tpu.memory_space<vmem_shared>> -> memref<4096x128xf32, #tpu.memory_space<vmem_shared>>
    tpu.wait_indirect_dma semaphore(%arg16 : memref<!tpu.dma_semaphore, #tpu.memory_space<semaphore_mem>>) src(%dma_wait3A_795 : memref<4096x128xf32, #tpu.memory_space<vmem_shared>>) dst(%dma_wait3A_789 : memref<128x128xf32, #tpu.memory_space<vmem>>)
    %add3A_796 = arith.constant 13 : i32
    %add3A_797 = arith.addi %mul3A_11, %add3A_796 : i32
    %mul3A_798 = arith.constant 128 : i32
    %mul3A_799 = arith.muli %add3A_797, %mul3A_798 : i32
    %dma_start3A_800 = arith.constant 3 : i32
    %dma_start3A_801 = arith.constant 0 : i32
    %dma_start3A_802 = arith.constant 0 : i32
    %dma_start3A_803 = tpu.memref_slice %arg12[%dma_start3A_800, %dma_start3A_801, %dma_start3A_802] : memref<5x128x128xf32, #tpu.memory_space<vmem>> -> memref<1x128x128xf32, #tpu.memory_space<vmem>>
    %dma_start3A_804 = tpu.memref_squeeze %dma_start3A_803 : memref<1x128x128xf32, #tpu.memory_space<vmem>> -> memref<128x128xf32, #tpu.memory_space<vmem>>
    %dma_start3A_805 = arith.constant 0 : i32
    %dma_start3A_806 = tpu.memref_slice %arg8[%mul3A_799, %dma_start3A_805] : memref<65536x128xf32, #tpu.memory_space<hbm>> -> memref<128x128xf32, #tpu.memory_space<hbm>>
    %dma_start3A_807 = arith.constant 0 : i32
    %dma_start3A_808 = tpu.memref_slice %arg8[%mul3A_799, %dma_start3A_807] : memref<65536x128xf32, #tpu.memory_space<hbm>> -> memref<128x128xf32, #tpu.memory_space<hbm>>
    %dma_start3A_809 = arith.constant 0 : i32
    %dma_start3A_810 = arith.constant 0 : i32
    %dma_start3A_811 = tpu.memref_slice %arg12[%dma_start3A_800, %dma_start3A_809, %dma_start3A_810] : memref<5x128x128xf32, #tpu.memory_space<vmem>> -> memref<1x128x128xf32, #tpu.memory_space<vmem>>
    %dma_start3A_812 = tpu.memref_squeeze %dma_start3A_811 : memref<1x128x128xf32, #tpu.memory_space<vmem>> -> memref<128x128xf32, #tpu.memory_space<vmem>>
    tpu.enqueue_dma source(%dma_start3A_812 : memref<128x128xf32, #tpu.memory_space<vmem>>) target(%dma_start3A_808 : memref<128x128xf32, #tpu.memory_space<hbm>>) target_semaphore(%arg16 : memref<!tpu.dma_semaphore, #tpu.memory_space<semaphore_mem>>)
    %dma_wait3A_813 = arith.constant 14 : i32
    %dma_wait3A_814 = arith.constant 4 : i32
    %dma_wait3A_815 = arith.constant 0 : i32
    %dma_wait3A_816 = arith.constant 0 : i32
    %dma_wait3A_817 = tpu.memref_slice %arg12[%dma_wait3A_814, %dma_wait3A_815, %dma_wait3A_816] : memref<5x128x128xf32, #tpu.memory_space<vmem>> -> memref<1x128x128xf32, #tpu.memory_space<vmem>>
    %dma_wait3A_818 = tpu.memref_squeeze %dma_wait3A_817 : memref<1x128x128xf32, #tpu.memory_space<vmem>> -> memref<128x128xf32, #tpu.memory_space<vmem>>
    %dma_wait3A_819 = arith.constant 0 : i32
    %dma_wait3A_820 = tpu.memref_slice %arg11[%dma_wait3A_813, %dma_wait3A_819] : memref<16x128xi32, #tpu.memory_space<vmem>> -> memref<1x128xi32, #tpu.memory_space<vmem>>
    %dma_wait3A_821 = tpu.memref_squeeze %dma_wait3A_820 : memref<1x128xi32, #tpu.memory_space<vmem>> -> memref<128xi32, #tpu.memory_space<vmem>>
    %dma_wait3A_822 = arith.constant 0 : i32
    %dma_wait3A_823 = arith.constant 0 : i32
    %dma_wait3A_824 = tpu.memref_slice %arg9[%dma_wait3A_822, %dma_wait3A_823] : memref<4096x128xf32, #tpu.memory_space<vmem_shared>> -> memref<4096x128xf32, #tpu.memory_space<vmem_shared>>
    tpu.wait_indirect_dma semaphore(%arg17 : memref<!tpu.dma_semaphore, #tpu.memory_space<semaphore_mem>>) src(%dma_wait3A_824 : memref<4096x128xf32, #tpu.memory_space<vmem_shared>>) dst(%dma_wait3A_818 : memref<128x128xf32, #tpu.memory_space<vmem>>)
    %add3A_825 = arith.constant 14 : i32
    %add3A_826 = arith.addi %mul3A_11, %add3A_825 : i32
    %mul3A_827 = arith.constant 128 : i32
    %mul3A_828 = arith.muli %add3A_826, %mul3A_827 : i32
    %dma_start3A_829 = arith.constant 4 : i32
    %dma_start3A_830 = arith.constant 0 : i32
    %dma_start3A_831 = arith.constant 0 : i32
    %dma_start3A_832 = tpu.memref_slice %arg12[%dma_start3A_829, %dma_start3A_830, %dma_start3A_831] : memref<5x128x128xf32, #tpu.memory_space<vmem>> -> memref<1x128x128xf32, #tpu.memory_space<vmem>>
    %dma_start3A_833 = tpu.memref_squeeze %dma_start3A_832 : memref<1x128x128xf32, #tpu.memory_space<vmem>> -> memref<128x128xf32, #tpu.memory_space<vmem>>
    %dma_start3A_834 = arith.constant 0 : i32
    %dma_start3A_835 = tpu.memref_slice %arg8[%mul3A_828, %dma_start3A_834] : memref<65536x128xf32, #tpu.memory_space<hbm>> -> memref<128x128xf32, #tpu.memory_space<hbm>>
    %dma_start3A_836 = arith.constant 0 : i32
    %dma_start3A_837 = tpu.memref_slice %arg8[%mul3A_828, %dma_start3A_836] : memref<65536x128xf32, #tpu.memory_space<hbm>> -> memref<128x128xf32, #tpu.memory_space<hbm>>
    %dma_start3A_838 = arith.constant 0 : i32
    %dma_start3A_839 = arith.constant 0 : i32
    %dma_start3A_840 = tpu.memref_slice %arg12[%dma_start3A_829, %dma_start3A_838, %dma_start3A_839] : memref<5x128x128xf32, #tpu.memory_space<vmem>> -> memref<1x128x128xf32, #tpu.memory_space<vmem>>
    %dma_start3A_841 = tpu.memref_squeeze %dma_start3A_840 : memref<1x128x128xf32, #tpu.memory_space<vmem>> -> memref<128x128xf32, #tpu.memory_space<vmem>>
    tpu.enqueue_dma source(%dma_start3A_841 : memref<128x128xf32, #tpu.memory_space<vmem>>) target(%dma_start3A_837 : memref<128x128xf32, #tpu.memory_space<hbm>>) target_semaphore(%arg17 : memref<!tpu.dma_semaphore, #tpu.memory_space<semaphore_mem>>)
    %dma_wait3A_842 = arith.constant 15 : i32
    %dma_wait3A_843 = arith.constant 0 : i32
    %dma_wait3A_844 = arith.constant 0 : i32
    %dma_wait3A_845 = arith.constant 0 : i32
    %dma_wait3A_846 = tpu.memref_slice %arg12[%dma_wait3A_843, %dma_wait3A_844, %dma_wait3A_845] : memref<5x128x128xf32, #tpu.memory_space<vmem>> -> memref<1x128x128xf32, #tpu.memory_space<vmem>>
    %dma_wait3A_847 = tpu.memref_squeeze %dma_wait3A_846 : memref<1x128x128xf32, #tpu.memory_space<vmem>> -> memref<128x128xf32, #tpu.memory_space<vmem>>
    %dma_wait3A_848 = arith.constant 0 : i32
    %dma_wait3A_849 = tpu.memref_slice %arg11[%dma_wait3A_842, %dma_wait3A_848] : memref<16x128xi32, #tpu.memory_space<vmem>> -> memref<1x128xi32, #tpu.memory_space<vmem>>
    %dma_wait3A_850 = tpu.memref_squeeze %dma_wait3A_849 : memref<1x128xi32, #tpu.memory_space<vmem>> -> memref<128xi32, #tpu.memory_space<vmem>>
    %dma_wait3A_851 = arith.constant 0 : i32
    %dma_wait3A_852 = arith.constant 0 : i32
    %dma_wait3A_853 = tpu.memref_slice %arg9[%dma_wait3A_851, %dma_wait3A_852] : memref<4096x128xf32, #tpu.memory_space<vmem_shared>> -> memref<4096x128xf32, #tpu.memory_space<vmem_shared>>
    tpu.wait_indirect_dma semaphore(%arg13 : memref<!tpu.dma_semaphore, #tpu.memory_space<semaphore_mem>>) src(%dma_wait3A_853 : memref<4096x128xf32, #tpu.memory_space<vmem_shared>>) dst(%dma_wait3A_847 : memref<128x128xf32, #tpu.memory_space<vmem>>)
    %add3A_854 = arith.constant 15 : i32
    %add3A_855 = arith.addi %mul3A_11, %add3A_854 : i32
    %mul3A_856 = arith.constant 128 : i32
    %mul3A_857 = arith.muli %add3A_855, %mul3A_856 : i32
    %dma_start3A_858 = arith.constant 0 : i32
    %dma_start3A_859 = arith.constant 0 : i32
    %dma_start3A_860 = arith.constant 0 : i32
    %dma_start3A_861 = tpu.memref_slice %arg12[%dma_start3A_858, %dma_start3A_859, %dma_start3A_860] : memref<5x128x128xf32, #tpu.memory_space<vmem>> -> memref<1x128x128xf32, #tpu.memory_space<vmem>>
    %dma_start3A_862 = tpu.memref_squeeze %dma_start3A_861 : memref<1x128x128xf32, #tpu.memory_space<vmem>> -> memref<128x128xf32, #tpu.memory_space<vmem>>
    %dma_start3A_863 = arith.constant 0 : i32
    %dma_start3A_864 = tpu.memref_slice %arg8[%mul3A_857, %dma_start3A_863] : memref<65536x128xf32, #tpu.memory_space<hbm>> -> memref<128x128xf32, #tpu.memory_space<hbm>>
    %dma_start3A_865 = arith.constant 0 : i32
    %dma_start3A_866 = tpu.memref_slice %arg8[%mul3A_857, %dma_start3A_865] : memref<65536x128xf32, #tpu.memory_space<hbm>> -> memref<128x128xf32, #tpu.memory_space<hbm>>
    %dma_start3A_867 = arith.constant 0 : i32
    %dma_start3A_868 = arith.constant 0 : i32
    %dma_start3A_869 = tpu.memref_slice %arg12[%dma_start3A_858, %dma_start3A_867, %dma_start3A_868] : memref<5x128x128xf32, #tpu.memory_space<vmem>> -> memref<1x128x128xf32, #tpu.memory_space<vmem>>
    %dma_start3A_870 = tpu.memref_squeeze %dma_start3A_869 : memref<1x128x128xf32, #tpu.memory_space<vmem>> -> memref<128x128xf32, #tpu.memory_space<vmem>>
    tpu.enqueue_dma source(%dma_start3A_870 : memref<128x128xf32, #tpu.memory_space<vmem>>) target(%dma_start3A_866 : memref<128x128xf32, #tpu.memory_space<hbm>>) target_semaphore(%arg13 : memref<!tpu.dma_semaphore, #tpu.memory_space<semaphore_mem>>)
    %add3A_871 = arith.constant 11 : i32
    %add3A_872 = arith.addi %mul3A_11, %add3A_871 : i32
    %mul3A_873 = arith.constant 128 : i32
    %mul3A_874 = arith.muli %add3A_872, %mul3A_873 : i32
    %dma_wait3A_875 = arith.constant 1 : i32
    %dma_wait3A_876 = arith.constant 0 : i32
    %dma_wait3A_877 = arith.constant 0 : i32
    %dma_wait3A_878 = tpu.memref_slice %arg12[%dma_wait3A_875, %dma_wait3A_876, %dma_wait3A_877] : memref<5x128x128xf32, #tpu.memory_space<vmem>> -> memref<1x128x128xf32, #tpu.memory_space<vmem>>
    %dma_wait3A_879 = tpu.memref_squeeze %dma_wait3A_878 : memref<1x128x128xf32, #tpu.memory_space<vmem>> -> memref<128x128xf32, #tpu.memory_space<vmem>>
    %dma_wait3A_880 = arith.constant 0 : i32
    %dma_wait3A_881 = tpu.memref_slice %arg8[%mul3A_874, %dma_wait3A_880] : memref<65536x128xf32, #tpu.memory_space<hbm>> -> memref<128x128xf32, #tpu.memory_space<hbm>>
    %dma_wait3A_882 = arith.constant 0 : i32
    %dma_wait3A_883 = tpu.memref_slice %arg8[%mul3A_874, %dma_wait3A_882] : memref<65536x128xf32, #tpu.memory_space<hbm>> -> memref<128x128xf32, #tpu.memory_space<hbm>>
    %dma_wait3A_884 = arith.constant 0 : i32
    %dma_wait3A_885 = arith.constant 0 : i32
    %dma_wait3A_886 = tpu.memref_slice %arg12[%dma_wait3A_875, %dma_wait3A_884, %dma_wait3A_885] : memref<5x128x128xf32, #tpu.memory_space<vmem>> -> memref<1x128x128xf32, #tpu.memory_space<vmem>>
    %dma_wait3A_887 = tpu.memref_squeeze %dma_wait3A_886 : memref<1x128x128xf32, #tpu.memory_space<vmem>> -> memref<128x128xf32, #tpu.memory_space<vmem>>
    tpu.wait_dma2 semaphore(%arg14 : memref<!tpu.dma_semaphore, #tpu.memory_space<semaphore_mem>>) src(%dma_wait3A_887 : memref<128x128xf32, #tpu.memory_space<vmem>>) dst(%dma_wait3A_883 : memref<128x128xf32, #tpu.memory_space<hbm>>)
    %add3A_888 = arith.constant 12 : i32
    %add3A_889 = arith.addi %mul3A_11, %add3A_888 : i32
    %mul3A_890 = arith.constant 128 : i32
    %mul3A_891 = arith.muli %add3A_889, %mul3A_890 : i32
    %dma_wait3A_892 = arith.constant 2 : i32
    %dma_wait3A_893 = arith.constant 0 : i32
    %dma_wait3A_894 = arith.constant 0 : i32
    %dma_wait3A_895 = tpu.memref_slice %arg12[%dma_wait3A_892, %dma_wait3A_893, %dma_wait3A_894] : memref<5x128x128xf32, #tpu.memory_space<vmem>> -> memref<1x128x128xf32, #tpu.memory_space<vmem>>
    %dma_wait3A_896 = tpu.memref_squeeze %dma_wait3A_895 : memref<1x128x128xf32, #tpu.memory_space<vmem>> -> memref<128x128xf32, #tpu.memory_space<vmem>>
    %dma_wait3A_897 = arith.constant 0 : i32
    %dma_wait3A_898 = tpu.memref_slice %arg8[%mul3A_891, %dma_wait3A_897] : memref<65536x128xf32, #tpu.memory_space<hbm>> -> memref<128x128xf32, #tpu.memory_space<hbm>>
    %dma_wait3A_899 = arith.constant 0 : i32
    %dma_wait3A_900 = tpu.memref_slice %arg8[%mul3A_891, %dma_wait3A_899] : memref<65536x128xf32, #tpu.memory_space<hbm>> -> memref<128x128xf32, #tpu.memory_space<hbm>>
    %dma_wait3A_901 = arith.constant 0 : i32
    %dma_wait3A_902 = arith.constant 0 : i32
    %dma_wait3A_903 = tpu.memref_slice %arg12[%dma_wait3A_892, %dma_wait3A_901, %dma_wait3A_902] : memref<5x128x128xf32, #tpu.memory_space<vmem>> -> memref<1x128x128xf32, #tpu.memory_space<vmem>>
    %dma_wait3A_904 = tpu.memref_squeeze %dma_wait3A_903 : memref<1x128x128xf32, #tpu.memory_space<vmem>> -> memref<128x128xf32, #tpu.memory_space<vmem>>
    tpu.wait_dma2 semaphore(%arg15 : memref<!tpu.dma_semaphore, #tpu.memory_space<semaphore_mem>>) src(%dma_wait3A_904 : memref<128x128xf32, #tpu.memory_space<vmem>>) dst(%dma_wait3A_900 : memref<128x128xf32, #tpu.memory_space<hbm>>)
    %add3A_905 = arith.constant 13 : i32
    %add3A_906 = arith.addi %mul3A_11, %add3A_905 : i32
    %mul3A_907 = arith.constant 128 : i32
    %mul3A_908 = arith.muli %add3A_906, %mul3A_907 : i32
    %dma_wait3A_909 = arith.constant 3 : i32
    %dma_wait3A_910 = arith.constant 0 : i32
    %dma_wait3A_911 = arith.constant 0 : i32
    %dma_wait3A_912 = tpu.memref_slice %arg12[%dma_wait3A_909, %dma_wait3A_910, %dma_wait3A_911] : memref<5x128x128xf32, #tpu.memory_space<vmem>> -> memref<1x128x128xf32, #tpu.memory_space<vmem>>
    %dma_wait3A_913 = tpu.memref_squeeze %dma_wait3A_912 : memref<1x128x128xf32, #tpu.memory_space<vmem>> -> memref<128x128xf32, #tpu.memory_space<vmem>>
    %dma_wait3A_914 = arith.constant 0 : i32
    %dma_wait3A_915 = tpu.memref_slice %arg8[%mul3A_908, %dma_wait3A_914] : memref<65536x128xf32, #tpu.memory_space<hbm>> -> memref<128x128xf32, #tpu.memory_space<hbm>>
    %dma_wait3A_916 = arith.constant 0 : i32
    %dma_wait3A_917 = tpu.memref_slice %arg8[%mul3A_908, %dma_wait3A_916] : memref<65536x128xf32, #tpu.memory_space<hbm>> -> memref<128x128xf32, #tpu.memory_space<hbm>>
    %dma_wait3A_918 = arith.constant 0 : i32
    %dma_wait3A_919 = arith.constant 0 : i32
    %dma_wait3A_920 = tpu.memref_slice %arg12[%dma_wait3A_909, %dma_wait3A_918, %dma_wait3A_919] : memref<5x128x128xf32, #tpu.memory_space<vmem>> -> memref<1x128x128xf32, #tpu.memory_space<vmem>>
    %dma_wait3A_921 = tpu.memref_squeeze %dma_wait3A_920 : memref<1x128x128xf32, #tpu.memory_space<vmem>> -> memref<128x128xf32, #tpu.memory_space<vmem>>
    tpu.wait_dma2 semaphore(%arg16 : memref<!tpu.dma_semaphore, #tpu.memory_space<semaphore_mem>>) src(%dma_wait3A_921 : memref<128x128xf32, #tpu.memory_space<vmem>>) dst(%dma_wait3A_917 : memref<128x128xf32, #tpu.memory_space<hbm>>)
    %add3A_922 = arith.constant 14 : i32
    %add3A_923 = arith.addi %mul3A_11, %add3A_922 : i32
    %mul3A_924 = arith.constant 128 : i32
    %mul3A_925 = arith.muli %add3A_923, %mul3A_924 : i32
    %dma_wait3A_926 = arith.constant 4 : i32
    %dma_wait3A_927 = arith.constant 0 : i32
    %dma_wait3A_928 = arith.constant 0 : i32
    %dma_wait3A_929 = tpu.memref_slice %arg12[%dma_wait3A_926, %dma_wait3A_927, %dma_wait3A_928] : memref<5x128x128xf32, #tpu.memory_space<vmem>> -> memref<1x128x128xf32, #tpu.memory_space<vmem>>
    %dma_wait3A_930 = tpu.memref_squeeze %dma_wait3A_929 : memref<1x128x128xf32, #tpu.memory_space<vmem>> -> memref<128x128xf32, #tpu.memory_space<vmem>>
    %dma_wait3A_931 = arith.constant 0 : i32
    %dma_wait3A_932 = tpu.memref_slice %arg8[%mul3A_925, %dma_wait3A_931] : memref<65536x128xf32, #tpu.memory_space<hbm>> -> memref<128x128xf32, #tpu.memory_space<hbm>>
    %dma_wait3A_933 = arith.constant 0 : i32
    %dma_wait3A_934 = tpu.memref_slice %arg8[%mul3A_925, %dma_wait3A_933] : memref<65536x128xf32, #tpu.memory_space<hbm>> -> memref<128x128xf32, #tpu.memory_space<hbm>>
    %dma_wait3A_935 = arith.constant 0 : i32
    %dma_wait3A_936 = arith.constant 0 : i32
    %dma_wait3A_937 = tpu.memref_slice %arg12[%dma_wait3A_926, %dma_wait3A_935, %dma_wait3A_936] : memref<5x128x128xf32, #tpu.memory_space<vmem>> -> memref<1x128x128xf32, #tpu.memory_space<vmem>>
    %dma_wait3A_938 = tpu.memref_squeeze %dma_wait3A_937 : memref<1x128x128xf32, #tpu.memory_space<vmem>> -> memref<128x128xf32, #tpu.memory_space<vmem>>
    tpu.wait_dma2 semaphore(%arg17 : memref<!tpu.dma_semaphore, #tpu.memory_space<semaphore_mem>>) src(%dma_wait3A_938 : memref<128x128xf32, #tpu.memory_space<vmem>>) dst(%dma_wait3A_934 : memref<128x128xf32, #tpu.memory_space<hbm>>)
    %add3A_939 = arith.constant 15 : i32
    %add3A_940 = arith.addi %mul3A_11, %add3A_939 : i32
    %mul3A_941 = arith.constant 128 : i32
    %mul3A_942 = arith.muli %add3A_940, %mul3A_941 : i32
    %dma_wait3A_943 = arith.constant 0 : i32
    %dma_wait3A_944 = arith.constant 0 : i32
    %dma_wait3A_945 = arith.constant 0 : i32
    %dma_wait3A_946 = tpu.memref_slice %arg12[%dma_wait3A_943, %dma_wait3A_944, %dma_wait3A_945] : memref<5x128x128xf32, #tpu.memory_space<vmem>> -> memref<1x128x128xf32, #tpu.memory_space<vmem>>
    %dma_wait3A_947 = tpu.memref_squeeze %dma_wait3A_946 : memref<1x128x128xf32, #tpu.memory_space<vmem>> -> memref<128x128xf32, #tpu.memory_space<vmem>>
    %dma_wait3A_948 = arith.constant 0 : i32
    %dma_wait3A_949 = tpu.memref_slice %arg8[%mul3A_942, %dma_wait3A_948] : memref<65536x128xf32, #tpu.memory_space<hbm>> -> memref<128x128xf32, #tpu.memory_space<hbm>>
    %dma_wait3A_950 = arith.constant 0 : i32
    %dma_wait3A_951 = tpu.memref_slice %arg8[%mul3A_942, %dma_wait3A_950] : memref<65536x128xf32, #tpu.memory_space<hbm>> -> memref<128x128xf32, #tpu.memory_space<hbm>>
    %dma_wait3A_952 = arith.constant 0 : i32
    %dma_wait3A_953 = arith.constant 0 : i32
    %dma_wait3A_954 = tpu.memref_slice %arg12[%dma_wait3A_943, %dma_wait3A_952, %dma_wait3A_953] : memref<5x128x128xf32, #tpu.memory_space<vmem>> -> memref<1x128x128xf32, #tpu.memory_space<vmem>>
    %dma_wait3A_955 = tpu.memref_squeeze %dma_wait3A_954 : memref<1x128x128xf32, #tpu.memory_space<vmem>> -> memref<128x128xf32, #tpu.memory_space<vmem>>
    tpu.wait_dma2 semaphore(%arg13 : memref<!tpu.dma_semaphore, #tpu.memory_space<semaphore_mem>>) src(%dma_wait3A_955 : memref<128x128xf32, #tpu.memory_space<vmem>>) dst(%dma_wait3A_951 : memref<128x128xf32, #tpu.memory_space<hbm>>)
    return
  }
}

module attributes {stable_mosaic.version = 14 : i64} {
  func.func @_lstm_tc_body(%arg0: i32, %arg1: memref<3x2048xbf16, #tpu.memory_space<vmem>>, %arg2: memref<2048x128xf32, #tpu.memory_space<vmem>>, %arg3: memref<2048x128xf32, #tpu.memory_space<vmem>>, %arg4: memref<16x128xf32, #tpu.memory_space<vmem>>, %arg5: memref<16x128xf32, #tpu.memory_space<vmem>>, %arg6: memref<3x512xbf16, #tpu.memory_space<vmem>>, %arg7: memref<128x512xbf16, #tpu.memory_space<vmem>>, %arg8: memref<1x512xf32, #tpu.memory_space<vmem>>, %arg9: memref<1x512xf32, #tpu.memory_space<vmem>>, %arg10: memref<2048x128xf32, #tpu.memory_space<vmem>>, %arg11: memref<2048x128xf32, #tpu.memory_space<vmem>>, %arg12: memref<16x128xi32, #tpu.memory_space<vmem>>) attributes {dimension_semantics = [#tpu.dimension_semantics<arbitrary>], iteration_bounds = array<i64: 16>, scalar_prefetch = 0 : i64, scratch_operands = 0 : i64, tpu.core_type = #tpu.core_type<tc>, window_params = [{transform_indices = @transform_0, window_bounds = array<i64: 3, 2048>}, {transform_indices = @transform_1, window_bounds = array<i64: 2048, 128>}, {transform_indices = @transform_2, window_bounds = array<i64: 2048, 128>}, {transform_indices = @transform_3, window_bounds = array<i64: 16, 128>}, {transform_indices = @transform_4, window_bounds = array<i64: 16, 128>}, {pipeline_mode = #tpu.pipeline_mode<synchronous>, transform_indices = @transform_5, window_bounds = array<i64: 3, 512>}, {pipeline_mode = #tpu.pipeline_mode<synchronous>, transform_indices = @transform_6, window_bounds = array<i64: 128, 512>}, {pipeline_mode = #tpu.pipeline_mode<synchronous>, transform_indices = @transform_7, window_bounds = array<i64: 1, 512>}, {pipeline_mode = #tpu.pipeline_mode<synchronous>, transform_indices = @transform_8, window_bounds = array<i64: 1, 512>}, {transform_indices = @transform_9, window_bounds = array<i64: 2048, 128>}, {transform_indices = @transform_10, window_bounds = array<i64: 2048, 128>}, {transform_indices = @transform_11, window_bounds = array<i64: 16, 128>}]} {
    %get3A = arith.constant 0 : index
    %get3A_0 = arith.constant 0 : index
    %get3A_1 = vector.load %arg1[%get3A, %get3A_0] : memref<3x2048xbf16, #tpu.memory_space<vmem>>, vector<3x2048xbf16>
    %get3A_2 = arith.constant 0 : index
    %get3A_3 = arith.constant 0 : index
    %get3A_4 = vector.load %arg2[%get3A_2, %get3A_3] : memref<2048x128xf32, #tpu.memory_space<vmem>>, vector<2048x128xf32>
    %convert_element_type3A = arith.truncf %get3A_4 : vector<2048x128xf32> to vector<2048x128xbf16>
    %get3A_5 = arith.constant 0 : index
    %get3A_6 = arith.constant 0 : index
    %get3A_7 = vector.load %arg3[%get3A_5, %get3A_6] : memref<2048x128xf32, #tpu.memory_space<vmem>>, vector<2048x128xf32>
    %get3A_8 = arith.constant 0 : index
    %get3A_9 = arith.constant 0 : index
    %get3A_10 = vector.load %arg6[%get3A_8, %get3A_9] : memref<3x512xbf16, #tpu.memory_space<vmem>>, vector<3x512xbf16>
    %dot_general3A = arith.constant dense<0.000000e+00> : vector<2048x512xf32>
    %dot_general3A_11 = tpu.matmul %get3A_1, %get3A_10, %dot_general3A {dimension_numbers = #tpu.dot_dimension_numbers<[0], [0], [1], [1], [0, 1, 1, 1], [], []>, transpose_lhs_hint = false} : vector<3x2048xbf16>, vector<3x512xbf16>, vector<2048x512xf32> -> vector<2048x512xf32>
    %get3A_12 = arith.constant 0 : index
    %get3A_13 = arith.constant 0 : index
    %get3A_14 = vector.load %arg7[%get3A_12, %get3A_13] : memref<128x512xbf16, #tpu.memory_space<vmem>>, vector<128x512xbf16>
    %dot_general3A_15 = arith.constant dense<0.000000e+00> : vector<2048x512xf32>
    %dot_general3A_16 = tpu.matmul %convert_element_type3A, %get3A_14, %dot_general3A_15 {dimension_numbers = #tpu.dot_dimension_numbers<[1], [0], [0], [1], [0, 0, 1, 1], [], []>, transpose_lhs_hint = false} : vector<2048x128xbf16>, vector<128x512xbf16>, vector<2048x512xf32> -> vector<2048x512xf32>
    %add3A = arith.addf %dot_general3A_11, %dot_general3A_16 : vector<2048x512xf32>
    %get3A_17 = arith.constant 0 : index
    %get3A_18 = arith.constant 0 : index
    %get3A_19 = vector.load %arg8[%get3A_17, %get3A_18] : memref<1x512xf32, #tpu.memory_space<vmem>>, vector<1x512xf32>
    %get3A_20 = arith.constant 0 : index
    %get3A_21 = arith.constant 0 : index
    %get3A_22 = vector.load %arg9[%get3A_20, %get3A_21] : memref<1x512xf32, #tpu.memory_space<vmem>>, vector<1x512xf32>
    %add3A_23 = arith.addf %get3A_19, %get3A_22 : vector<1x512xf32>
    %add3A_24 = vector.broadcast %add3A_23 : vector<1x512xf32> to vector<2048x512xf32>
    %add3A_25 = arith.addf %add3A, %add3A_24 : vector<2048x512xf32>
    %slice3A = vector.extract_strided_slice %add3A_25 {offsets = [0, 0], sizes = [2048, 128], strides = [1, 1]} : vector<2048x512xf32> to vector<2048x128xf32>
    %mul3A = arith.constant 5.000000e-01 : f32
    %mul3A_26 = vector.broadcast %mul3A : f32 to vector<2048x128xf32>
    %mul3A_27 = arith.mulf %mul3A_26, %slice3A : vector<2048x128xf32>
    %tanh3A = math.tanh %mul3A_27 : vector<2048x128xf32>
    %mul3A_28 = arith.constant 5.000000e-01 : f32
    %mul3A_29 = vector.broadcast %mul3A_28 : f32 to vector<2048x128xf32>
    %mul3A_30 = arith.mulf %mul3A_29, %tanh3A : vector<2048x128xf32>
    %add3A_31 = arith.constant 5.000000e-01 : f32
    %add3A_32 = vector.broadcast %add3A_31 : f32 to vector<2048x128xf32>
    %add3A_33 = arith.addf %mul3A_30, %add3A_32 : vector<2048x128xf32>
    %slice3A_34 = vector.extract_strided_slice %add3A_25 {offsets = [0, 128], sizes = [2048, 128], strides = [1, 1]} : vector<2048x512xf32> to vector<2048x128xf32>
    %mul3A_35 = arith.constant 5.000000e-01 : f32
    %mul3A_36 = vector.broadcast %mul3A_35 : f32 to vector<2048x128xf32>
    %mul3A_37 = arith.mulf %mul3A_36, %slice3A_34 : vector<2048x128xf32>
    %tanh3A_38 = math.tanh %mul3A_37 : vector<2048x128xf32>
    %mul3A_39 = arith.constant 5.000000e-01 : f32
    %mul3A_40 = vector.broadcast %mul3A_39 : f32 to vector<2048x128xf32>
    %mul3A_41 = arith.mulf %mul3A_40, %tanh3A_38 : vector<2048x128xf32>
    %add3A_42 = arith.constant 5.000000e-01 : f32
    %add3A_43 = vector.broadcast %add3A_42 : f32 to vector<2048x128xf32>
    %add3A_44 = arith.addf %mul3A_41, %add3A_43 : vector<2048x128xf32>
    %slice3A_45 = vector.extract_strided_slice %add3A_25 {offsets = [0, 256], sizes = [2048, 128], strides = [1, 1]} : vector<2048x512xf32> to vector<2048x128xf32>
    %tanh3A_46 = math.tanh %slice3A_45 : vector<2048x128xf32>
    %slice3A_47 = vector.extract_strided_slice %add3A_25 {offsets = [0, 384], sizes = [2048, 128], strides = [1, 1]} : vector<2048x512xf32> to vector<2048x128xf32>
    %mul3A_48 = arith.constant 5.000000e-01 : f32
    %mul3A_49 = vector.broadcast %mul3A_48 : f32 to vector<2048x128xf32>
    %mul3A_50 = arith.mulf %mul3A_49, %slice3A_47 : vector<2048x128xf32>
    %tanh3A_51 = math.tanh %mul3A_50 : vector<2048x128xf32>
    %mul3A_52 = arith.constant 5.000000e-01 : f32
    %mul3A_53 = vector.broadcast %mul3A_52 : f32 to vector<2048x128xf32>
    %mul3A_54 = arith.mulf %mul3A_53, %tanh3A_51 : vector<2048x128xf32>
    %add3A_55 = arith.constant 5.000000e-01 : f32
    %add3A_56 = vector.broadcast %add3A_55 : f32 to vector<2048x128xf32>
    %add3A_57 = arith.addf %mul3A_54, %add3A_56 : vector<2048x128xf32>
    %mul3A_58 = arith.mulf %add3A_44, %get3A_7 : vector<2048x128xf32>
    %mul3A_59 = arith.mulf %add3A_33, %tanh3A_46 : vector<2048x128xf32>
    %add3A_60 = arith.addf %mul3A_58, %mul3A_59 : vector<2048x128xf32>
    %tanh3A_61 = math.tanh %add3A_60 : vector<2048x128xf32>
    %mul3A_62 = arith.mulf %add3A_57, %tanh3A_61 : vector<2048x128xf32>
    %swap3A = arith.constant 0 : index
    %swap3A_63 = arith.constant 0 : index
    %swap3A_64 = vector.load %arg10[%swap3A, %swap3A_63] : memref<2048x128xf32, #tpu.memory_space<vmem>>, vector<2048x128xf32>
    tpu.vector_store %arg10[%swap3A, %swap3A_63], %mul3A_62 {strides = array<i32>} : memref<2048x128xf32, #tpu.memory_space<vmem>>, vector<2048x128xf32>,
    %swap3A_65 = arith.constant 0 : index
    %swap3A_66 = arith.constant 0 : index
    %swap3A_67 = vector.load %arg11[%swap3A_65, %swap3A_66] : memref<2048x128xf32, #tpu.memory_space<vmem>>, vector<2048x128xf32>
    tpu.vector_store %arg11[%swap3A_65, %swap3A_66], %add3A_60 {strides = array<i32>} : memref<2048x128xf32, #tpu.memory_space<vmem>>, vector<2048x128xf32>,
    %get3A_68 = arith.constant 0 : index
    %get3A_69 = arith.constant 0 : index
    %get3A_70 = vector.load %arg4[%get3A_68, %get3A_69] : memref<16x128xf32, #tpu.memory_space<vmem>>, vector<16x128xf32>
    %jit3A = arith.constant -3.000000e+00 : f32
    %jit3A_71 = arith.constant 3.000000e+00 : f32
    %max3A = vector.broadcast %jit3A : f32 to vector<16x128xf32>
    %max3A_72 = arith.maximumf %max3A, %get3A_70 : vector<16x128xf32>
    %min3A = vector.broadcast %jit3A_71 : f32 to vector<16x128xf32>
    %min3A_73 = arith.minimumf %min3A, %max3A_72 : vector<16x128xf32>
    %get3A_74 = arith.constant 0 : index
    %get3A_75 = arith.constant 0 : index
    %get3A_76 = vector.load %arg5[%get3A_74, %get3A_75] : memref<16x128xf32, #tpu.memory_space<vmem>>, vector<16x128xf32>
    %jit3A_77 = arith.constant -3.000000e+00 : f32
    %jit3A_78 = arith.constant 3.000000e+00 : f32
    %max3A_79 = vector.broadcast %jit3A_77 : f32 to vector<16x128xf32>
    %max3A_80 = arith.maximumf %max3A_79, %get3A_76 : vector<16x128xf32>
    %min3A_81 = vector.broadcast %jit3A_78 : f32 to vector<16x128xf32>
    %min3A_82 = arith.minimumf %min3A_81, %max3A_80 : vector<16x128xf32>
    %sub3A = arith.constant -3.000000e+00 : f32
    %sub3A_83 = vector.broadcast %sub3A : f32 to vector<16x128xf32>
    %sub3A_84 = arith.subf %min3A_73, %sub3A_83 : vector<16x128xf32>
    %div3A = arith.constant 9.375000e-02 : f32
    %div3A_85 = vector.broadcast %div3A : f32 to vector<16x128xf32>
    %div3A_86 = arith.divf %sub3A_84, %div3A_85 : vector<16x128xf32>
    %floor3A = math.floor %div3A_86 : vector<16x128xf32>
    %convert_element_type3A_87 = arith.fptosi %floor3A : vector<16x128xf32> to vector<16x128xi32>
    %jit3A_88 = arith.constant 0 : i32
    %jit3A_89 = arith.constant 63 : i32
    %max3A_90 = vector.broadcast %jit3A_88 : i32 to vector<16x128xi32>
    %max3A_91 = arith.maxsi %max3A_90, %convert_element_type3A_87 : vector<16x128xi32>
    %min3A_92 = vector.broadcast %jit3A_89 : i32 to vector<16x128xi32>
    %min3A_93 = arith.minsi %min3A_92, %max3A_91 : vector<16x128xi32>
    %sub3A_94 = arith.constant -3.000000e+00 : f32
    %sub3A_95 = vector.broadcast %sub3A_94 : f32 to vector<16x128xf32>
    %sub3A_96 = arith.subf %min3A_82, %sub3A_95 : vector<16x128xf32>
    %div3A_97 = arith.constant 9.375000e-02 : f32
    %div3A_98 = vector.broadcast %div3A_97 : f32 to vector<16x128xf32>
    %div3A_99 = arith.divf %sub3A_96, %div3A_98 : vector<16x128xf32>
    %floor3A_100 = math.floor %div3A_99 : vector<16x128xf32>
    %convert_element_type3A_101 = arith.fptosi %floor3A_100 : vector<16x128xf32> to vector<16x128xi32>
    %jit3A_102 = arith.constant 0 : i32
    %jit3A_103 = arith.constant 63 : i32
    %max3A_104 = vector.broadcast %jit3A_102 : i32 to vector<16x128xi32>
    %max3A_105 = arith.maxsi %max3A_104, %convert_element_type3A_101 : vector<16x128xi32>
    %min3A_106 = vector.broadcast %jit3A_103 : i32 to vector<16x128xi32>
    %min3A_107 = arith.minsi %min3A_106, %max3A_105 : vector<16x128xi32>
    %mul3A_108 = arith.constant 64 : i32
    %mul3A_109 = vector.broadcast %mul3A_108 : i32 to vector<16x128xi32>
    %mul3A_110 = arith.muli %min3A_93, %mul3A_109 : vector<16x128xi32>
    %add3A_111 = arith.addi %mul3A_110, %min3A_107 : vector<16x128xi32>
    %swap3A_112 = arith.constant 0 : index
    %swap3A_113 = arith.constant 0 : index
    %swap3A_114 = vector.load %arg12[%swap3A_112, %swap3A_113] : memref<16x128xi32, #tpu.memory_space<vmem>>, vector<16x128xi32>
    tpu.vector_store %arg12[%swap3A_112, %swap3A_113], %add3A_111 {strides = array<i32>} : memref<16x128xi32, #tpu.memory_space<vmem>>, vector<16x128xi32>,
    return
  }
  func.func @transform_0(%arg0: i32) -> (i32, i32) {
    %add3A = arith.constant 0 : i32
    %add3A_0 = arith.addi %arg0, %add3A : i32
    %c0_i32 = arith.constant 0 : i32
    %c0_i32_1 = arith.constant 0 : i32
    return %c0_i32, %add3A_0 : i32, i32
  }
  func.func @transform_1(%arg0: i32) -> (i32, i32) {
    %add3A = arith.constant 0 : i32
    %add3A_0 = arith.addi %arg0, %add3A : i32
    %c0_i32 = arith.constant 0 : i32
    %c0_i32_1 = arith.constant 0 : i32
    return %add3A_0, %c0_i32 : i32, i32
  }
  func.func @transform_2(%arg0: i32) -> (i32, i32) {
    %add3A = arith.constant 0 : i32
    %add3A_0 = arith.addi %arg0, %add3A : i32
    %c0_i32 = arith.constant 0 : i32
    %c0_i32_1 = arith.constant 0 : i32
    return %add3A_0, %c0_i32 : i32, i32
  }
  func.func @transform_3(%arg0: i32) -> (i32, i32) {
    %add3A = arith.constant 0 : i32
    %add3A_0 = arith.addi %arg0, %add3A : i32
    %c0_i32 = arith.constant 0 : i32
    %c0_i32_1 = arith.constant 0 : i32
    return %add3A_0, %c0_i32 : i32, i32
  }
  func.func @transform_4(%arg0: i32) -> (i32, i32) {
    %add3A = arith.constant 0 : i32
    %add3A_0 = arith.addi %arg0, %add3A : i32
    %c0_i32 = arith.constant 0 : i32
    %c0_i32_1 = arith.constant 0 : i32
    return %add3A_0, %c0_i32 : i32, i32
  }
  func.func @transform_5(%arg0: i32) -> (i32, i32) {
    %c0_i32 = arith.constant 0 : i32
    %c0_i32_0 = arith.constant 0 : i32
    %c0_i32_1 = arith.constant 0 : i32
    return %c0_i32, %c0_i32_0 : i32, i32
  }
  func.func @transform_6(%arg0: i32) -> (i32, i32) {
    %c0_i32 = arith.constant 0 : i32
    %c0_i32_0 = arith.constant 0 : i32
    %c0_i32_1 = arith.constant 0 : i32
    return %c0_i32, %c0_i32_0 : i32, i32
  }
  func.func @transform_7(%arg0: i32) -> (i32, i32) {
    %c0_i32 = arith.constant 0 : i32
    %c0_i32_0 = arith.constant 0 : i32
    %c0_i32_1 = arith.constant 0 : i32
    return %c0_i32, %c0_i32_0 : i32, i32
  }
  func.func @transform_8(%arg0: i32) -> (i32, i32) {
    %c0_i32 = arith.constant 0 : i32
    %c0_i32_0 = arith.constant 0 : i32
    %c0_i32_1 = arith.constant 0 : i32
    return %c0_i32, %c0_i32_0 : i32, i32
  }
  func.func @transform_9(%arg0: i32) -> (i32, i32) {
    %c0_i32 = arith.constant 0 : i32
    %c0_i32_0 = arith.constant 0 : i32
    return %arg0, %c0_i32 : i32, i32
  }
  func.func @transform_10(%arg0: i32) -> (i32, i32) {
    %add3A = arith.constant 0 : i32
    %add3A_0 = arith.addi %arg0, %add3A : i32
    %c0_i32 = arith.constant 0 : i32
    %c0_i32_1 = arith.constant 0 : i32
    return %add3A_0, %c0_i32 : i32, i32
  }
  func.func @transform_11(%arg0: i32) -> (i32, i32) {
    %c0_i32 = arith.constant 0 : i32
    %c0_i32_0 = arith.constant 0 : i32
    return %arg0, %c0_i32 : i32, i32
  }
}

module attributes {stable_mosaic.version = 14 : i64} {
  func.func @_lstm_tc_body2(%arg0: i32, %arg1: memref<3x2048xbf16, #tpu.memory_space<vmem>>, %arg2: memref<2048x128xf32, #tpu.memory_space<vmem>>, %arg3: memref<2048x128xf32, #tpu.memory_space<vmem>>, %arg4: memref<16x128xf32, #tpu.memory_space<vmem>>, %arg5: memref<16x128xf32, #tpu.memory_space<vmem>>, %arg6: memref<3x512xbf16, #tpu.memory_space<vmem>>, %arg7: memref<128x512xbf16, #tpu.memory_space<vmem>>, %arg8: memref<1x512xf32, #tpu.memory_space<vmem>>, %arg9: memref<1x512xf32, #tpu.memory_space<vmem>>, %arg10: memref<8x128xf32, #tpu.memory_space<vmem>>, %arg11: memref<2048x128xf32, #tpu.memory_space<vmem>>, %arg12: memref<2048x128xf32, #tpu.memory_space<vmem>>, %arg13: memref<16x128xi32, #tpu.memory_space<vmem>>) attributes {dimension_semantics = [#tpu.dimension_semantics<arbitrary>], iteration_bounds = array<i64: 8>, scalar_prefetch = 0 : i64, scratch_operands = 0 : i64, tpu.core_type = #tpu.core_type<tc>, window_params = [{transform_indices = @transform_0, window_bounds = array<i64: 3, 2048>}, {transform_indices = @transform_1, window_bounds = array<i64: 2048, 128>}, {transform_indices = @transform_2, window_bounds = array<i64: 2048, 128>}, {transform_indices = @transform_3, window_bounds = array<i64: 16, 128>}, {transform_indices = @transform_4, window_bounds = array<i64: 16, 128>}, {pipeline_mode = #tpu.pipeline_mode<synchronous>, transform_indices = @transform_5, window_bounds = array<i64: 3, 512>}, {pipeline_mode = #tpu.pipeline_mode<synchronous>, transform_indices = @transform_6, window_bounds = array<i64: 128, 512>}, {pipeline_mode = #tpu.pipeline_mode<synchronous>, transform_indices = @transform_7, window_bounds = array<i64: 1, 512>}, {pipeline_mode = #tpu.pipeline_mode<synchronous>, transform_indices = @transform_8, window_bounds = array<i64: 1, 512>}, {transform_indices = @transform_9, window_bounds = array<i64: 8, 128>}, {transform_indices = @transform_10, window_bounds = array<i64: 2048, 128>}, {transform_indices = @transform_11, window_bounds = array<i64: 2048, 128>}, {transform_indices = @transform_12, window_bounds = array<i64: 16, 128>}]} {
    %get3A = arith.constant 0 : index
    %get3A_0 = arith.constant 0 : index
    %get3A_1 = vector.load %arg1[%get3A, %get3A_0] : memref<3x2048xbf16, #tpu.memory_space<vmem>>, vector<3x2048xbf16>
    %get3A_2 = arith.constant 0 : index
    %get3A_3 = arith.constant 0 : index
    %get3A_4 = vector.load %arg2[%get3A_2, %get3A_3] : memref<2048x128xf32, #tpu.memory_space<vmem>>, vector<2048x128xf32>
    %convert_element_type3A = arith.truncf %get3A_4 : vector<2048x128xf32> to vector<2048x128xbf16>
    %get3A_5 = arith.constant 0 : index
    %get3A_6 = arith.constant 0 : index
    %get3A_7 = vector.load %arg3[%get3A_5, %get3A_6] : memref<2048x128xf32, #tpu.memory_space<vmem>>, vector<2048x128xf32>
    %get3A_8 = arith.constant 0 : index
    %get3A_9 = arith.constant 0 : index
    %get3A_10 = vector.load %arg6[%get3A_8, %get3A_9] : memref<3x512xbf16, #tpu.memory_space<vmem>>, vector<3x512xbf16>
    %dot_general3A = arith.constant dense<0.000000e+00> : vector<2048x512xf32>
    %dot_general3A_11 = tpu.matmul %get3A_1, %get3A_10, %dot_general3A {dimension_numbers = #tpu.dot_dimension_numbers<[0], [0], [1], [1], [0, 1, 1, 1], [], []>, transpose_lhs_hint = false} : vector<3x2048xbf16>, vector<3x512xbf16>, vector<2048x512xf32> -> vector<2048x512xf32>
    %get3A_12 = arith.constant 0 : index
    %get3A_13 = arith.constant 0 : index
    %get3A_14 = vector.load %arg7[%get3A_12, %get3A_13] : memref<128x512xbf16, #tpu.memory_space<vmem>>, vector<128x512xbf16>
    %dot_general3A_15 = arith.constant dense<0.000000e+00> : vector<2048x512xf32>
    %dot_general3A_16 = tpu.matmul %convert_element_type3A, %get3A_14, %dot_general3A_15 {dimension_numbers = #tpu.dot_dimension_numbers<[1], [0], [0], [1], [0, 0, 1, 1], [], []>, transpose_lhs_hint = false} : vector<2048x128xbf16>, vector<128x512xbf16>, vector<2048x512xf32> -> vector<2048x512xf32>
    %add3A = arith.addf %dot_general3A_11, %dot_general3A_16 : vector<2048x512xf32>
    %get3A_17 = arith.constant 0 : index
    %get3A_18 = arith.constant 0 : index
    %get3A_19 = vector.load %arg8[%get3A_17, %get3A_18] : memref<1x512xf32, #tpu.memory_space<vmem>>, vector<1x512xf32>
    %get3A_20 = arith.constant 0 : index
    %get3A_21 = arith.constant 0 : index
    %get3A_22 = vector.load %arg9[%get3A_20, %get3A_21] : memref<1x512xf32, #tpu.memory_space<vmem>>, vector<1x512xf32>
    %add3A_23 = arith.addf %get3A_19, %get3A_22 : vector<1x512xf32>
    %add3A_24 = vector.broadcast %add3A_23 : vector<1x512xf32> to vector<2048x512xf32>
    %add3A_25 = arith.addf %add3A, %add3A_24 : vector<2048x512xf32>
    %slice3A = vector.extract_strided_slice %add3A_25 {offsets = [0, 0], sizes = [2048, 128], strides = [1, 1]} : vector<2048x512xf32> to vector<2048x128xf32>
    %mul3A = arith.constant 5.000000e-01 : f32
    %mul3A_26 = vector.broadcast %mul3A : f32 to vector<2048x128xf32>
    %mul3A_27 = arith.mulf %mul3A_26, %slice3A : vector<2048x128xf32>
    %tanh3A = math.tanh %mul3A_27 : vector<2048x128xf32>
    %mul3A_28 = arith.constant 5.000000e-01 : f32
    %mul3A_29 = vector.broadcast %mul3A_28 : f32 to vector<2048x128xf32>
    %mul3A_30 = arith.mulf %mul3A_29, %tanh3A : vector<2048x128xf32>
    %add3A_31 = arith.constant 5.000000e-01 : f32
    %add3A_32 = vector.broadcast %add3A_31 : f32 to vector<2048x128xf32>
    %add3A_33 = arith.addf %mul3A_30, %add3A_32 : vector<2048x128xf32>
    %slice3A_34 = vector.extract_strided_slice %add3A_25 {offsets = [0, 128], sizes = [2048, 128], strides = [1, 1]} : vector<2048x512xf32> to vector<2048x128xf32>
    %mul3A_35 = arith.constant 5.000000e-01 : f32
    %mul3A_36 = vector.broadcast %mul3A_35 : f32 to vector<2048x128xf32>
    %mul3A_37 = arith.mulf %mul3A_36, %slice3A_34 : vector<2048x128xf32>
    %tanh3A_38 = math.tanh %mul3A_37 : vector<2048x128xf32>
    %mul3A_39 = arith.constant 5.000000e-01 : f32
    %mul3A_40 = vector.broadcast %mul3A_39 : f32 to vector<2048x128xf32>
    %mul3A_41 = arith.mulf %mul3A_40, %tanh3A_38 : vector<2048x128xf32>
    %add3A_42 = arith.constant 5.000000e-01 : f32
    %add3A_43 = vector.broadcast %add3A_42 : f32 to vector<2048x128xf32>
    %add3A_44 = arith.addf %mul3A_41, %add3A_43 : vector<2048x128xf32>
    %slice3A_45 = vector.extract_strided_slice %add3A_25 {offsets = [0, 256], sizes = [2048, 128], strides = [1, 1]} : vector<2048x512xf32> to vector<2048x128xf32>
    %tanh3A_46 = math.tanh %slice3A_45 : vector<2048x128xf32>
    %slice3A_47 = vector.extract_strided_slice %add3A_25 {offsets = [0, 384], sizes = [2048, 128], strides = [1, 1]} : vector<2048x512xf32> to vector<2048x128xf32>
    %mul3A_48 = arith.constant 5.000000e-01 : f32
    %mul3A_49 = vector.broadcast %mul3A_48 : f32 to vector<2048x128xf32>
    %mul3A_50 = arith.mulf %mul3A_49, %slice3A_47 : vector<2048x128xf32>
    %tanh3A_51 = math.tanh %mul3A_50 : vector<2048x128xf32>
    %mul3A_52 = arith.constant 5.000000e-01 : f32
    %mul3A_53 = vector.broadcast %mul3A_52 : f32 to vector<2048x128xf32>
    %mul3A_54 = arith.mulf %mul3A_53, %tanh3A_51 : vector<2048x128xf32>
    %add3A_55 = arith.constant 5.000000e-01 : f32
    %add3A_56 = vector.broadcast %add3A_55 : f32 to vector<2048x128xf32>
    %add3A_57 = arith.addf %mul3A_54, %add3A_56 : vector<2048x128xf32>
    %mul3A_58 = arith.mulf %add3A_44, %get3A_7 : vector<2048x128xf32>
    %mul3A_59 = arith.mulf %add3A_33, %tanh3A_46 : vector<2048x128xf32>
    %add3A_60 = arith.addf %mul3A_58, %mul3A_59 : vector<2048x128xf32>
    %tanh3A_61 = math.tanh %add3A_60 : vector<2048x128xf32>
    %mul3A_62 = arith.mulf %add3A_57, %tanh3A_61 : vector<2048x128xf32>
    %swap3A = arith.constant 0 : index
    %swap3A_63 = arith.constant 0 : index
    %swap3A_64 = vector.load %arg11[%swap3A, %swap3A_63] : memref<2048x128xf32, #tpu.memory_space<vmem>>, vector<2048x128xf32>
    tpu.vector_store %arg11[%swap3A, %swap3A_63], %mul3A_62 {strides = array<i32>} : memref<2048x128xf32, #tpu.memory_space<vmem>>, vector<2048x128xf32>,
    %swap3A_65 = arith.constant 0 : index
    %swap3A_66 = arith.constant 0 : index
    %swap3A_67 = vector.load %arg12[%swap3A_65, %swap3A_66] : memref<2048x128xf32, #tpu.memory_space<vmem>>, vector<2048x128xf32>
    tpu.vector_store %arg12[%swap3A_65, %swap3A_66], %add3A_60 {strides = array<i32>} : memref<2048x128xf32, #tpu.memory_space<vmem>>, vector<2048x128xf32>,
    %get3A_68 = arith.constant 0 : index
    %get3A_69 = arith.constant 0 : index
    %get3A_70 = vector.load %arg4[%get3A_68, %get3A_69] : memref<16x128xf32, #tpu.memory_space<vmem>>, vector<16x128xf32>
    %jit3A = arith.constant -3.000000e+00 : f32
    %jit3A_71 = arith.constant 3.000000e+00 : f32
    %max3A = vector.broadcast %jit3A : f32 to vector<16x128xf32>
    %max3A_72 = arith.maximumf %max3A, %get3A_70 : vector<16x128xf32>
    %min3A = vector.broadcast %jit3A_71 : f32 to vector<16x128xf32>
    %min3A_73 = arith.minimumf %min3A, %max3A_72 : vector<16x128xf32>
    %get3A_74 = arith.constant 0 : index
    %get3A_75 = arith.constant 0 : index
    %get3A_76 = vector.load %arg5[%get3A_74, %get3A_75] : memref<16x128xf32, #tpu.memory_space<vmem>>, vector<16x128xf32>
    %jit3A_77 = arith.constant -3.000000e+00 : f32
    %jit3A_78 = arith.constant 3.000000e+00 : f32
    %max3A_79 = vector.broadcast %jit3A_77 : f32 to vector<16x128xf32>
    %max3A_80 = arith.maximumf %max3A_79, %get3A_76 : vector<16x128xf32>
    %min3A_81 = vector.broadcast %jit3A_78 : f32 to vector<16x128xf32>
    %min3A_82 = arith.minimumf %min3A_81, %max3A_80 : vector<16x128xf32>
    %sub3A = arith.constant -3.000000e+00 : f32
    %sub3A_83 = vector.broadcast %sub3A : f32 to vector<16x128xf32>
    %sub3A_84 = arith.subf %min3A_73, %sub3A_83 : vector<16x128xf32>
    %div3A = arith.constant 9.375000e-02 : f32
    %div3A_85 = vector.broadcast %div3A : f32 to vector<16x128xf32>
    %div3A_86 = arith.divf %sub3A_84, %div3A_85 : vector<16x128xf32>
    %floor3A = math.floor %div3A_86 : vector<16x128xf32>
    %convert_element_type3A_87 = arith.fptosi %floor3A : vector<16x128xf32> to vector<16x128xi32>
    %jit3A_88 = arith.constant 0 : i32
    %jit3A_89 = arith.constant 63 : i32
    %max3A_90 = vector.broadcast %jit3A_88 : i32 to vector<16x128xi32>
    %max3A_91 = arith.maxsi %max3A_90, %convert_element_type3A_87 : vector<16x128xi32>
    %min3A_92 = vector.broadcast %jit3A_89 : i32 to vector<16x128xi32>
    %min3A_93 = arith.minsi %min3A_92, %max3A_91 : vector<16x128xi32>
    %sub3A_94 = arith.constant -3.000000e+00 : f32
    %sub3A_95 = vector.broadcast %sub3A_94 : f32 to vector<16x128xf32>
    %sub3A_96 = arith.subf %min3A_82, %sub3A_95 : vector<16x128xf32>
    %div3A_97 = arith.constant 9.375000e-02 : f32
    %div3A_98 = vector.broadcast %div3A_97 : f32 to vector<16x128xf32>
    %div3A_99 = arith.divf %sub3A_96, %div3A_98 : vector<16x128xf32>
    %floor3A_100 = math.floor %div3A_99 : vector<16x128xf32>
    %convert_element_type3A_101 = arith.fptosi %floor3A_100 : vector<16x128xf32> to vector<16x128xi32>
    %jit3A_102 = arith.constant 0 : i32
    %jit3A_103 = arith.constant 63 : i32
    %max3A_104 = vector.broadcast %jit3A_102 : i32 to vector<16x128xi32>
    %max3A_105 = arith.maxsi %max3A_104, %convert_element_type3A_101 : vector<16x128xi32>
    %min3A_106 = vector.broadcast %jit3A_103 : i32 to vector<16x128xi32>
    %min3A_107 = arith.minsi %min3A_106, %max3A_105 : vector<16x128xi32>
    %mul3A_108 = arith.constant 64 : i32
    %mul3A_109 = vector.broadcast %mul3A_108 : i32 to vector<16x128xi32>
    %mul3A_110 = arith.muli %min3A_93, %mul3A_109 : vector<16x128xi32>
    %add3A_111 = arith.addi %mul3A_110, %min3A_107 : vector<16x128xi32>
    %swap3A_112 = arith.constant 0 : index
    %swap3A_113 = arith.constant 0 : index
    %swap3A_114 = vector.load %arg13[%swap3A_112, %swap3A_113] : memref<16x128xi32, #tpu.memory_space<vmem>>, vector<16x128xi32>
    tpu.vector_store %arg13[%swap3A_112, %swap3A_113], %add3A_111 {strides = array<i32>} : memref<16x128xi32, #tpu.memory_space<vmem>>, vector<16x128xi32>,
    return
  }
  func.func @transform_0(%arg0: i32) -> (i32, i32) {
    %add3A = arith.constant 16 : i32
    %add3A_0 = arith.addi %arg0, %add3A : i32
    %c0_i32 = arith.constant 0 : i32
    %c0_i32_1 = arith.constant 0 : i32
    return %c0_i32, %add3A_0 : i32, i32
  }
  func.func @transform_1(%arg0: i32) -> (i32, i32) {
    %add3A = arith.constant 16 : i32
    %add3A_0 = arith.addi %arg0, %add3A : i32
    %c0_i32 = arith.constant 0 : i32
    %c0_i32_1 = arith.constant 0 : i32
    return %add3A_0, %c0_i32 : i32, i32
  }
  func.func @transform_2(%arg0: i32) -> (i32, i32) {
    %add3A = arith.constant 16 : i32
    %add3A_0 = arith.addi %arg0, %add3A : i32
    %c0_i32 = arith.constant 0 : i32
    %c0_i32_1 = arith.constant 0 : i32
    return %add3A_0, %c0_i32 : i32, i32
  }
  func.func @transform_3(%arg0: i32) -> (i32, i32) {
    %add3A = arith.constant 16 : i32
    %add3A_0 = arith.addi %arg0, %add3A : i32
    %c0_i32 = arith.constant 0 : i32
    %c0_i32_1 = arith.constant 0 : i32
    return %add3A_0, %c0_i32 : i32, i32
  }
  func.func @transform_4(%arg0: i32) -> (i32, i32) {
    %add3A = arith.constant 16 : i32
    %add3A_0 = arith.addi %arg0, %add3A : i32
    %c0_i32 = arith.constant 0 : i32
    %c0_i32_1 = arith.constant 0 : i32
    return %add3A_0, %c0_i32 : i32, i32
  }
  func.func @transform_5(%arg0: i32) -> (i32, i32) {
    %c0_i32 = arith.constant 0 : i32
    %c0_i32_0 = arith.constant 0 : i32
    %c0_i32_1 = arith.constant 0 : i32
    return %c0_i32, %c0_i32_0 : i32, i32
  }
  func.func @transform_6(%arg0: i32) -> (i32, i32) {
    %c0_i32 = arith.constant 0 : i32
    %c0_i32_0 = arith.constant 0 : i32
    %c0_i32_1 = arith.constant 0 : i32
    return %c0_i32, %c0_i32_0 : i32, i32
  }
  func.func @transform_7(%arg0: i32) -> (i32, i32) {
    %c0_i32 = arith.constant 0 : i32
    %c0_i32_0 = arith.constant 0 : i32
    %c0_i32_1 = arith.constant 0 : i32
    return %c0_i32, %c0_i32_0 : i32, i32
  }
  func.func @transform_8(%arg0: i32) -> (i32, i32) {
    %c0_i32 = arith.constant 0 : i32
    %c0_i32_0 = arith.constant 0 : i32
    %c0_i32_1 = arith.constant 0 : i32
    return %c0_i32, %c0_i32_0 : i32, i32
  }
  func.func @transform_9(%arg0: i32) -> (i32, i32) {
    %c0_i32 = arith.constant 0 : i32
    %c0_i32_0 = arith.constant 0 : i32
    %c0_i32_1 = arith.constant 0 : i32
    return %c0_i32, %c0_i32_0 : i32, i32
  }
  func.func @transform_10(%arg0: i32) -> (i32, i32) {
    %c0_i32 = arith.constant 0 : i32
    %c0_i32_0 = arith.constant 0 : i32
    return %arg0, %c0_i32 : i32, i32
  }
  func.func @transform_11(%arg0: i32) -> (i32, i32) {
    %add3A = arith.constant 16 : i32
    %add3A_0 = arith.addi %arg0, %add3A : i32
    %c0_i32 = arith.constant 0 : i32
    %c0_i32_1 = arith.constant 0 : i32
    return %add3A_0, %c0_i32 : i32, i32
  }
  func.func @transform_12(%arg0: i32) -> (i32, i32) {
    %c0_i32 = arith.constant 0 : i32
    %c0_i32_0 = arith.constant 0 : i32
    return %arg0, %c0_i32 : i32, i32
  }
}

module attributes {stable_mosaic.version = 14 : i64} {
  func.func @_lstm_tc_body2(%arg0: i32, %arg1: memref<3x2048xbf16, #tpu.memory_space<vmem>>, %arg2: memref<2048x128xf32, #tpu.memory_space<vmem>>, %arg3: memref<2048x128xf32, #tpu.memory_space<vmem>>, %arg4: memref<16x128xf32, #tpu.memory_space<vmem>>, %arg5: memref<16x128xf32, #tpu.memory_space<vmem>>, %arg6: memref<3x512xbf16, #tpu.memory_space<vmem>>, %arg7: memref<128x512xbf16, #tpu.memory_space<vmem>>, %arg8: memref<1x512xf32, #tpu.memory_space<vmem>>, %arg9: memref<1x512xf32, #tpu.memory_space<vmem>>, %arg10: memref<8x128xf32, #tpu.memory_space<vmem>>, %arg11: memref<2048x128xf32, #tpu.memory_space<vmem>>, %arg12: memref<2048x128xf32, #tpu.memory_space<vmem>>, %arg13: memref<16x128xi32, #tpu.memory_space<vmem>>) attributes {dimension_semantics = [#tpu.dimension_semantics<arbitrary>], iteration_bounds = array<i64: 8>, scalar_prefetch = 0 : i64, scratch_operands = 0 : i64, tpu.core_type = #tpu.core_type<tc>, window_params = [{transform_indices = @transform_0, window_bounds = array<i64: 3, 2048>}, {transform_indices = @transform_1, window_bounds = array<i64: 2048, 128>}, {transform_indices = @transform_2, window_bounds = array<i64: 2048, 128>}, {transform_indices = @transform_3, window_bounds = array<i64: 16, 128>}, {transform_indices = @transform_4, window_bounds = array<i64: 16, 128>}, {pipeline_mode = #tpu.pipeline_mode<synchronous>, transform_indices = @transform_5, window_bounds = array<i64: 3, 512>}, {pipeline_mode = #tpu.pipeline_mode<synchronous>, transform_indices = @transform_6, window_bounds = array<i64: 128, 512>}, {pipeline_mode = #tpu.pipeline_mode<synchronous>, transform_indices = @transform_7, window_bounds = array<i64: 1, 512>}, {pipeline_mode = #tpu.pipeline_mode<synchronous>, transform_indices = @transform_8, window_bounds = array<i64: 1, 512>}, {transform_indices = @transform_9, window_bounds = array<i64: 8, 128>}, {transform_indices = @transform_10, window_bounds = array<i64: 2048, 128>}, {transform_indices = @transform_11, window_bounds = array<i64: 2048, 128>}, {transform_indices = @transform_12, window_bounds = array<i64: 16, 128>}]} {
    %get3A = arith.constant 0 : index
    %get3A_0 = arith.constant 0 : index
    %get3A_1 = vector.load %arg1[%get3A, %get3A_0] : memref<3x2048xbf16, #tpu.memory_space<vmem>>, vector<3x2048xbf16>
    %get3A_2 = arith.constant 0 : index
    %get3A_3 = arith.constant 0 : index
    %get3A_4 = vector.load %arg2[%get3A_2, %get3A_3] : memref<2048x128xf32, #tpu.memory_space<vmem>>, vector<2048x128xf32>
    %convert_element_type3A = arith.truncf %get3A_4 : vector<2048x128xf32> to vector<2048x128xbf16>
    %get3A_5 = arith.constant 0 : index
    %get3A_6 = arith.constant 0 : index
    %get3A_7 = vector.load %arg3[%get3A_5, %get3A_6] : memref<2048x128xf32, #tpu.memory_space<vmem>>, vector<2048x128xf32>
    %get3A_8 = arith.constant 0 : index
    %get3A_9 = arith.constant 0 : index
    %get3A_10 = vector.load %arg6[%get3A_8, %get3A_9] : memref<3x512xbf16, #tpu.memory_space<vmem>>, vector<3x512xbf16>
    %dot_general3A = arith.constant dense<0.000000e+00> : vector<2048x512xf32>
    %dot_general3A_11 = tpu.matmul %get3A_1, %get3A_10, %dot_general3A {dimension_numbers = #tpu.dot_dimension_numbers<[0], [0], [1], [1], [0, 1, 1, 1], [], []>, transpose_lhs_hint = false} : vector<3x2048xbf16>, vector<3x512xbf16>, vector<2048x512xf32> -> vector<2048x512xf32>
    %get3A_12 = arith.constant 0 : index
    %get3A_13 = arith.constant 0 : index
    %get3A_14 = vector.load %arg7[%get3A_12, %get3A_13] : memref<128x512xbf16, #tpu.memory_space<vmem>>, vector<128x512xbf16>
    %dot_general3A_15 = arith.constant dense<0.000000e+00> : vector<2048x512xf32>
    %dot_general3A_16 = tpu.matmul %convert_element_type3A, %get3A_14, %dot_general3A_15 {dimension_numbers = #tpu.dot_dimension_numbers<[1], [0], [0], [1], [0, 0, 1, 1], [], []>, transpose_lhs_hint = false} : vector<2048x128xbf16>, vector<128x512xbf16>, vector<2048x512xf32> -> vector<2048x512xf32>
    %add3A = arith.addf %dot_general3A_11, %dot_general3A_16 : vector<2048x512xf32>
    %get3A_17 = arith.constant 0 : index
    %get3A_18 = arith.constant 0 : index
    %get3A_19 = vector.load %arg8[%get3A_17, %get3A_18] : memref<1x512xf32, #tpu.memory_space<vmem>>, vector<1x512xf32>
    %get3A_20 = arith.constant 0 : index
    %get3A_21 = arith.constant 0 : index
    %get3A_22 = vector.load %arg9[%get3A_20, %get3A_21] : memref<1x512xf32, #tpu.memory_space<vmem>>, vector<1x512xf32>
    %add3A_23 = arith.addf %get3A_19, %get3A_22 : vector<1x512xf32>
    %add3A_24 = vector.broadcast %add3A_23 : vector<1x512xf32> to vector<2048x512xf32>
    %add3A_25 = arith.addf %add3A, %add3A_24 : vector<2048x512xf32>
    %slice3A = vector.extract_strided_slice %add3A_25 {offsets = [0, 0], sizes = [2048, 128], strides = [1, 1]} : vector<2048x512xf32> to vector<2048x128xf32>
    %mul3A = arith.constant 5.000000e-01 : f32
    %mul3A_26 = vector.broadcast %mul3A : f32 to vector<2048x128xf32>
    %mul3A_27 = arith.mulf %mul3A_26, %slice3A : vector<2048x128xf32>
    %tanh3A = math.tanh %mul3A_27 : vector<2048x128xf32>
    %mul3A_28 = arith.constant 5.000000e-01 : f32
    %mul3A_29 = vector.broadcast %mul3A_28 : f32 to vector<2048x128xf32>
    %mul3A_30 = arith.mulf %mul3A_29, %tanh3A : vector<2048x128xf32>
    %add3A_31 = arith.constant 5.000000e-01 : f32
    %add3A_32 = vector.broadcast %add3A_31 : f32 to vector<2048x128xf32>
    %add3A_33 = arith.addf %mul3A_30, %add3A_32 : vector<2048x128xf32>
    %slice3A_34 = vector.extract_strided_slice %add3A_25 {offsets = [0, 128], sizes = [2048, 128], strides = [1, 1]} : vector<2048x512xf32> to vector<2048x128xf32>
    %mul3A_35 = arith.constant 5.000000e-01 : f32
    %mul3A_36 = vector.broadcast %mul3A_35 : f32 to vector<2048x128xf32>
    %mul3A_37 = arith.mulf %mul3A_36, %slice3A_34 : vector<2048x128xf32>
    %tanh3A_38 = math.tanh %mul3A_37 : vector<2048x128xf32>
    %mul3A_39 = arith.constant 5.000000e-01 : f32
    %mul3A_40 = vector.broadcast %mul3A_39 : f32 to vector<2048x128xf32>
    %mul3A_41 = arith.mulf %mul3A_40, %tanh3A_38 : vector<2048x128xf32>
    %add3A_42 = arith.constant 5.000000e-01 : f32
    %add3A_43 = vector.broadcast %add3A_42 : f32 to vector<2048x128xf32>
    %add3A_44 = arith.addf %mul3A_41, %add3A_43 : vector<2048x128xf32>
    %slice3A_45 = vector.extract_strided_slice %add3A_25 {offsets = [0, 256], sizes = [2048, 128], strides = [1, 1]} : vector<2048x512xf32> to vector<2048x128xf32>
    %tanh3A_46 = math.tanh %slice3A_45 : vector<2048x128xf32>
    %slice3A_47 = vector.extract_strided_slice %add3A_25 {offsets = [0, 384], sizes = [2048, 128], strides = [1, 1]} : vector<2048x512xf32> to vector<2048x128xf32>
    %mul3A_48 = arith.constant 5.000000e-01 : f32
    %mul3A_49 = vector.broadcast %mul3A_48 : f32 to vector<2048x128xf32>
    %mul3A_50 = arith.mulf %mul3A_49, %slice3A_47 : vector<2048x128xf32>
    %tanh3A_51 = math.tanh %mul3A_50 : vector<2048x128xf32>
    %mul3A_52 = arith.constant 5.000000e-01 : f32
    %mul3A_53 = vector.broadcast %mul3A_52 : f32 to vector<2048x128xf32>
    %mul3A_54 = arith.mulf %mul3A_53, %tanh3A_51 : vector<2048x128xf32>
    %add3A_55 = arith.constant 5.000000e-01 : f32
    %add3A_56 = vector.broadcast %add3A_55 : f32 to vector<2048x128xf32>
    %add3A_57 = arith.addf %mul3A_54, %add3A_56 : vector<2048x128xf32>
    %mul3A_58 = arith.mulf %add3A_44, %get3A_7 : vector<2048x128xf32>
    %mul3A_59 = arith.mulf %add3A_33, %tanh3A_46 : vector<2048x128xf32>
    %add3A_60 = arith.addf %mul3A_58, %mul3A_59 : vector<2048x128xf32>
    %tanh3A_61 = math.tanh %add3A_60 : vector<2048x128xf32>
    %mul3A_62 = arith.mulf %add3A_57, %tanh3A_61 : vector<2048x128xf32>
    %swap3A = arith.constant 0 : index
    %swap3A_63 = arith.constant 0 : index
    %swap3A_64 = vector.load %arg11[%swap3A, %swap3A_63] : memref<2048x128xf32, #tpu.memory_space<vmem>>, vector<2048x128xf32>
    tpu.vector_store %arg11[%swap3A, %swap3A_63], %mul3A_62 {strides = array<i32>} : memref<2048x128xf32, #tpu.memory_space<vmem>>, vector<2048x128xf32>,
    %swap3A_65 = arith.constant 0 : index
    %swap3A_66 = arith.constant 0 : index
    %swap3A_67 = vector.load %arg12[%swap3A_65, %swap3A_66] : memref<2048x128xf32, #tpu.memory_space<vmem>>, vector<2048x128xf32>
    tpu.vector_store %arg12[%swap3A_65, %swap3A_66], %add3A_60 {strides = array<i32>} : memref<2048x128xf32, #tpu.memory_space<vmem>>, vector<2048x128xf32>,
    %get3A_68 = arith.constant 0 : index
    %get3A_69 = arith.constant 0 : index
    %get3A_70 = vector.load %arg4[%get3A_68, %get3A_69] : memref<16x128xf32, #tpu.memory_space<vmem>>, vector<16x128xf32>
    %jit3A = arith.constant -3.000000e+00 : f32
    %jit3A_71 = arith.constant 3.000000e+00 : f32
    %max3A = vector.broadcast %jit3A : f32 to vector<16x128xf32>
    %max3A_72 = arith.maximumf %max3A, %get3A_70 : vector<16x128xf32>
    %min3A = vector.broadcast %jit3A_71 : f32 to vector<16x128xf32>
    %min3A_73 = arith.minimumf %min3A, %max3A_72 : vector<16x128xf32>
    %get3A_74 = arith.constant 0 : index
    %get3A_75 = arith.constant 0 : index
    %get3A_76 = vector.load %arg5[%get3A_74, %get3A_75] : memref<16x128xf32, #tpu.memory_space<vmem>>, vector<16x128xf32>
    %jit3A_77 = arith.constant -3.000000e+00 : f32
    %jit3A_78 = arith.constant 3.000000e+00 : f32
    %max3A_79 = vector.broadcast %jit3A_77 : f32 to vector<16x128xf32>
    %max3A_80 = arith.maximumf %max3A_79, %get3A_76 : vector<16x128xf32>
    %min3A_81 = vector.broadcast %jit3A_78 : f32 to vector<16x128xf32>
    %min3A_82 = arith.minimumf %min3A_81, %max3A_80 : vector<16x128xf32>
    %sub3A = arith.constant -3.000000e+00 : f32
    %sub3A_83 = vector.broadcast %sub3A : f32 to vector<16x128xf32>
    %sub3A_84 = arith.subf %min3A_73, %sub3A_83 : vector<16x128xf32>
    %div3A = arith.constant 9.375000e-02 : f32
    %div3A_85 = vector.broadcast %div3A : f32 to vector<16x128xf32>
    %div3A_86 = arith.divf %sub3A_84, %div3A_85 : vector<16x128xf32>
    %floor3A = math.floor %div3A_86 : vector<16x128xf32>
    %convert_element_type3A_87 = arith.fptosi %floor3A : vector<16x128xf32> to vector<16x128xi32>
    %jit3A_88 = arith.constant 0 : i32
    %jit3A_89 = arith.constant 63 : i32
    %max3A_90 = vector.broadcast %jit3A_88 : i32 to vector<16x128xi32>
    %max3A_91 = arith.maxsi %max3A_90, %convert_element_type3A_87 : vector<16x128xi32>
    %min3A_92 = vector.broadcast %jit3A_89 : i32 to vector<16x128xi32>
    %min3A_93 = arith.minsi %min3A_92, %max3A_91 : vector<16x128xi32>
    %sub3A_94 = arith.constant -3.000000e+00 : f32
    %sub3A_95 = vector.broadcast %sub3A_94 : f32 to vector<16x128xf32>
    %sub3A_96 = arith.subf %min3A_82, %sub3A_95 : vector<16x128xf32>
    %div3A_97 = arith.constant 9.375000e-02 : f32
    %div3A_98 = vector.broadcast %div3A_97 : f32 to vector<16x128xf32>
    %div3A_99 = arith.divf %sub3A_96, %div3A_98 : vector<16x128xf32>
    %floor3A_100 = math.floor %div3A_99 : vector<16x128xf32>
    %convert_element_type3A_101 = arith.fptosi %floor3A_100 : vector<16x128xf32> to vector<16x128xi32>
    %jit3A_102 = arith.constant 0 : i32
    %jit3A_103 = arith.constant 63 : i32
    %max3A_104 = vector.broadcast %jit3A_102 : i32 to vector<16x128xi32>
    %max3A_105 = arith.maxsi %max3A_104, %convert_element_type3A_101 : vector<16x128xi32>
    %min3A_106 = vector.broadcast %jit3A_103 : i32 to vector<16x128xi32>
    %min3A_107 = arith.minsi %min3A_106, %max3A_105 : vector<16x128xi32>
    %mul3A_108 = arith.constant 64 : i32
    %mul3A_109 = vector.broadcast %mul3A_108 : i32 to vector<16x128xi32>
    %mul3A_110 = arith.muli %min3A_93, %mul3A_109 : vector<16x128xi32>
    %add3A_111 = arith.addi %mul3A_110, %min3A_107 : vector<16x128xi32>
    %swap3A_112 = arith.constant 0 : index
    %swap3A_113 = arith.constant 0 : index
    %swap3A_114 = vector.load %arg13[%swap3A_112, %swap3A_113] : memref<16x128xi32, #tpu.memory_space<vmem>>, vector<16x128xi32>
    tpu.vector_store %arg13[%swap3A_112, %swap3A_113], %add3A_111 {strides = array<i32>} : memref<16x128xi32, #tpu.memory_space<vmem>>, vector<16x128xi32>,
    return
  }
  func.func @transform_0(%arg0: i32) -> (i32, i32) {
    %add3A = arith.constant 24 : i32
    %add3A_0 = arith.addi %arg0, %add3A : i32
    %c0_i32 = arith.constant 0 : i32
    %c0_i32_1 = arith.constant 0 : i32
    return %c0_i32, %add3A_0 : i32, i32
  }
  func.func @transform_1(%arg0: i32) -> (i32, i32) {
    %add3A = arith.constant 24 : i32
    %add3A_0 = arith.addi %arg0, %add3A : i32
    %c0_i32 = arith.constant 0 : i32
    %c0_i32_1 = arith.constant 0 : i32
    return %add3A_0, %c0_i32 : i32, i32
  }
  func.func @transform_2(%arg0: i32) -> (i32, i32) {
    %add3A = arith.constant 24 : i32
    %add3A_0 = arith.addi %arg0, %add3A : i32
    %c0_i32 = arith.constant 0 : i32
    %c0_i32_1 = arith.constant 0 : i32
    return %add3A_0, %c0_i32 : i32, i32
  }
  func.func @transform_3(%arg0: i32) -> (i32, i32) {
    %add3A = arith.constant 24 : i32
    %add3A_0 = arith.addi %arg0, %add3A : i32
    %c0_i32 = arith.constant 0 : i32
    %c0_i32_1 = arith.constant 0 : i32
    return %add3A_0, %c0_i32 : i32, i32
  }
  func.func @transform_4(%arg0: i32) -> (i32, i32) {
    %add3A = arith.constant 24 : i32
    %add3A_0 = arith.addi %arg0, %add3A : i32
    %c0_i32 = arith.constant 0 : i32
    %c0_i32_1 = arith.constant 0 : i32
    return %add3A_0, %c0_i32 : i32, i32
  }
  func.func @transform_5(%arg0: i32) -> (i32, i32) {
    %c0_i32 = arith.constant 0 : i32
    %c0_i32_0 = arith.constant 0 : i32
    %c0_i32_1 = arith.constant 0 : i32
    return %c0_i32, %c0_i32_0 : i32, i32
  }
  func.func @transform_6(%arg0: i32) -> (i32, i32) {
    %c0_i32 = arith.constant 0 : i32
    %c0_i32_0 = arith.constant 0 : i32
    %c0_i32_1 = arith.constant 0 : i32
    return %c0_i32, %c0_i32_0 : i32, i32
  }
  func.func @transform_7(%arg0: i32) -> (i32, i32) {
    %c0_i32 = arith.constant 0 : i32
    %c0_i32_0 = arith.constant 0 : i32
    %c0_i32_1 = arith.constant 0 : i32
    return %c0_i32, %c0_i32_0 : i32, i32
  }
  func.func @transform_8(%arg0: i32) -> (i32, i32) {
    %c0_i32 = arith.constant 0 : i32
    %c0_i32_0 = arith.constant 0 : i32
    %c0_i32_1 = arith.constant 0 : i32
    return %c0_i32, %c0_i32_0 : i32, i32
  }
  func.func @transform_9(%arg0: i32) -> (i32, i32) {
    %c0_i32 = arith.constant 0 : i32
    %c0_i32_0 = arith.constant 0 : i32
    %c0_i32_1 = arith.constant 0 : i32
    return %c0_i32, %c0_i32_0 : i32, i32
  }
  func.func @transform_10(%arg0: i32) -> (i32, i32) {
    %c0_i32 = arith.constant 0 : i32
    %c0_i32_0 = arith.constant 0 : i32
    return %arg0, %c0_i32 : i32, i32
  }
  func.func @transform_11(%arg0: i32) -> (i32, i32) {
    %add3A = arith.constant 24 : i32
    %add3A_0 = arith.addi %arg0, %add3A : i32
    %c0_i32 = arith.constant 0 : i32
    %c0_i32_1 = arith.constant 0 : i32
    return %add3A_0, %c0_i32 : i32, i32
  }
  func.func @transform_12(%arg0: i32) -> (i32, i32) {
    %c0_i32 = arith.constant 0 : i32
    %c0_i32_0 = arith.constant 0 : i32
    return %arg0, %c0_i32 : i32, i32
  }
}

</mosaic_0001>

<sc_bundles>
// kernel: kernel.12.cloned.1.call-start
scs
__scs_entry_jumppad:
0x0: {  	(pc) =	sbr.rel $0x88, $3  }
0x1: {  	(tag) =	ssettag $0x0;
	lr =	simm.s32 $0x1  }
0x2: {  	[smem:$0x3F9A] =	sst lr;
	_ =	strace $0xD0000000  }
0x3: {  	_ = 	snop  }
0x4: {  	_ = 	snop  }
0x5: {  	_ = 	snop  }
0x6: {  	_ = 	snop  }
0x7: {  	_ = 	snop  }
__scs_overlays_trampoline_lowered:
0x8: {  	[smem:$0x3FA9] =	sst s0  }
0x9: {  	[smem:$0x3FAA] =	sst s1  }
0xa: {  	[smem:$0x3FAB] =	sst s2  }
0xb: {  	[smem:$0x3FAC] =	sst s3  }
0xc: {  	[smem:$0x3FAD] =	sst s4  }
0xd: {  	[smem:$0x3FAE] =	sst s5  }
0xe: {  	[smem:$0x3FAF] =	sst s6  }
0xf: {  	[smem:$0x3FB0] =	sst s7  }
0x10: {  	[smem:$0x3FB1] =	sst s8  }
0x11: {  	[smem:$0x3FB2] =	sst s9;
	s0 =	simm.s32 @!p0 $0x0  }
0x12: {  	s1 =	sld [smem:$0x3F98];
	s0 =	simm.s32 @p0 $0x1  }
0x13: {  	[smem:$0x3FB3] =	sst s0;
	s0 =	simm.s32 @!p1 $0x0  }
0x14: {  	s2 =	sld [smem:$0x3F97];
	s0 =	simm.s32 @p1 $0x1  }
0x15: {  	[smem:$0x3FB4] =	sst s0;
	s0 =	simm.s32 @!p2 $0x0  }
0x16: {  	s3 =	sld [smem:$0x3FDB];
	s0 =	simm.s32 @p2 $0x1  }
0x17: {  	s4 =	simm.s32 $0x1BF5;
	[smem:$0x3FB6] =	sst s0  }
0x18: {  	s0 =	sld [smem:$0x3F99];
	_ =	swait.ge [sflag:s4], $0x0  }
0x19: {  	s7 =	sld [smem:$0x3F9A]  }
0x1a: {  	s8 =	sadd.s32 $0xFFFFE003, lr  }
0x1b: {  	s9 =	sadd.s32 $0xFFFFFEF7, lr;
	s5 =	simm.s32 $0xFFFFFFFF;
	p2 =	slt.u32 s8, $0xFFFFF086  }
0x1c: {  	p1 =	slt.u32 s9, $0xF7A;
	s5 =	simm.s32 @!p2 $0x0  }
0x1d: {  	s5 =	simm.s32 @p1 $0x1;
	p0 =	seq.s32 s7, s2  }
0x1e: {  	s7 =	smul.u32 @!p0 $0xF7A, s2;
	p2 =	seq.s32 @!p0 s5, $0x0  }
0x1f: {  	s9 =	smul.u32 $0xF7A, s1;
	s8 =	simm.s32 @!p0 $0x1BF5;
	p2 =	por !p2, p0  }
0x20: {  	[sflag:s8] =	ssyncset.s32 @!p0 $0xFFFFF086;
	s6 =	sadd.s32 @!p0 s3, s7;
	s7 =	simm.s32 @!p0 $0x108  }
0x21: {  	s3 =	sadd.s32 s3, s9;
	s6 =	sadd.s32 @!p0 $0x88, s6;
	s7 =	simm.s32 @p2 $0x1082  }
0x22: {  	[simem:s7], [sflag:s8] =	dma.local @!p0 [hbm:s6], $0xF7A  }
0x23: {  	s9 =	sor.u32 $0xD0000000, s2;
	s6 =	simm.s32 $0x108;
	_ =	swait.ge @!p0 [sflag:s8], $0x0  }
0x24: {  	s3 =	sadd.s32 $0x88, s3;
	s6 =	simm.s32 @!p1 $0x1082;
	[sflag:s4] =	ssyncset.s32 $0xFFFFF086  }
0x25: {  	[simem:s6], [sflag:s4] =	dma.local [hbm:s3], $0xF7A  }
0x26: {  	[smem:$0x3F9A] =	sst s1;
	(tag) =	ssettag s2;
	_ =	strace s9  }
0x27: {  	s1 =	sld [smem:$0x3FAA]  }
0x28: {  	s2 =	sld [smem:$0x3FAB]  }
0x29: {  	s4 =	sld [smem:$0x3FAD]  }
0x2a: {  	p0 =	seq.s32 s5, $0x0;
	s5 =	sld [smem:$0x3FAE]  }
0x2b: {  	s6 =	sld [smem:$0x3FAF]  }
0x2c: {  	s7 =	sld [smem:$0x3FB0]  }
0x2d: {  	s3 =	simm.s32 $0x108;
	s8 =	sld [smem:$0x3FB1]  }
0x2e: {  	s3 =	simm.s32 @!p0 $0x1082;
	s9 =	sld [smem:$0x3FB2]  }
0x2f: {  	lr =	sadd.s32 s0, s3;
	s0 =	sld [smem:$0x3FA9]  }
0x30: {  	s3 =	sld [smem:$0x3FAC]  }
0x31: {  	[smem:$0x3FB5] =	sst s10  }
0x32: {  	s10 =	sld [smem:$0x3FB3];
	_ =	sdelay $0x3  }
0x33: {  	p0 =	seq.s32 s10, $0x1;
	s10 =	sld [smem:$0x3FB5];
	_ =	sdelay $0x3  }
0x34: {  	[smem:$0x3FB5] =	sst s10  }
0x35: {  	s10 =	sld [smem:$0x3FB4];
	_ =	sdelay $0x3  }
0x36: {  	p1 =	seq.s32 s10, $0x1;
	s10 =	sld [smem:$0x3FB5];
	_ =	sdelay $0x3  }
0x37: {  	[smem:$0x3FB5] =	sst s10  }
0x38: {  	s10 =	sld [smem:$0x3FB6]  }
0x39: {  	_ = 	snop;
	(pc) =	sbr.ind lr, $3  }
0x3a: {  	_ = 	snop  }
0x3b: {  	_ = 	snop  }
0x3c: {  	p2 =	seq.s32 s10, $0x1;
	s10 =	sld [smem:$0x3FB5]  }
0x3d: {  	_ =	shalt  }
0x3e: {  	_ =	shalt  }
0x3f: {  	_ =	shalt  }
0x40: {  	_ =	shalt  }
0x41: {  	_ =	shalt  }
0x42: {  	_ =	shalt  }
0x43: {  	_ =	shalt  }
0x44: {  	_ =	shalt  }
0x45: {  	_ =	shalt  }
0x46: {  	_ =	shalt  }
0x47: {  	_ =	shalt  }
0x48: {  	_ =	shalt  }
0x49: {  	_ =	shalt  }
0x4a: {  	_ =	shalt  }
0x4b: {  	_ =	shalt  }
0x4c: {  	_ =	shalt  }
0x4d: {  	_ =	shalt  }
0x4e: {  	_ =	shalt  }
0x4f: {  	_ =	shalt  }
0x50: {  	_ =	shalt  }
0x51: {  	_ =	shalt  }
0x52: {  	_ =	shalt  }
0x53: {  	_ =	shalt  }
0x54: {  	_ =	shalt  }
0x55: {  	_ =	shalt  }
0x56: {  	_ =	shalt  }
0x57: {  	_ =	shalt  }
0x58: {  	_ =	shalt  }
0x59: {  	_ =	shalt  }
0x5a: {  	_ =	shalt  }
0x5b: {  	_ =	shalt  }
0x5c: {  	_ =	shalt  }
0x5d: {  	_ =	shalt  }
0x5e: {  	_ =	shalt  }
0x5f: {  	_ =	shalt  }
0x60: {  	_ =	shalt  }
0x61: {  	_ =	shalt  }
0x62: {  	_ =	shalt  }
0x63: {  	_ =	shalt  }
0x64: {  	_ =	shalt  }
0x65: {  	_ =	shalt  }
0x66: {  	_ =	shalt  }
0x67: {  	_ =	shalt  }
0x68: {  	_ =	shalt  }
0x69: {  	_ =	shalt  }
0x6a: {  	_ =	shalt  }
0x6b: {  	_ =	shalt  }
0x6c: {  	_ =	shalt  }
0x6d: {  	_ =	shalt  }
0x6e: {  	_ =	shalt  }
0x6f: {  	_ =	shalt  }
0x70: {  	_ =	shalt  }
0x71: {  	_ =	shalt  }
0x72: {  	_ =	shalt  }
0x73: {  	_ =	shalt  }
0x74: {  	_ =	shalt  }
0x75: {  	_ =	shalt  }
0x76: {  	_ =	shalt  }
0x77: {  	_ =	shalt  }
0x78: {  	_ =	shalt  }
0x79: {  	_ =	shalt  }
0x7a: {  	_ =	shalt  }
0x7b: {  	_ =	shalt  }
0x7c: {  	_ =	shalt  }
0x7d: {  	_ =	shalt  }
0x7e: {  	_ =	shalt  }
0x7f: {  	_ =	shalt  }
0x80: {  	_ =	shalt  }
0x81: {  	_ =	shalt  }
0x82: {  	_ =	shalt  }
0x83: {  	_ =	shalt  }
0x84: {  	_ =	shalt  }
0x85: {  	_ =	shalt  }
0x86: {  	_ =	shalt  }
0x87: {  	_ =	shalt  }
.Lfunc_end0:
.L_simem_size_0:
called_computation.1_lowered:
.L_overlay_start_0:
0x88: {  	s2 =	sld [smem:$0x3FD9]  }
0x89: {  	s3 =	sld [smem:$0x3FFE];
	_ =	sdelay $0x1  }
0x8a: {  	s1 =	srdreg.scid  }
0x8b: {  	s0 =	sand.u32 $0x1, s1  }
0x8c: {  	s16 =	sshll.u32 s0, $0xA;
	s2 =	sadd.s32 s3, s2  }
0x8d: {  	s2 =	sadd.s32 s2, s16  }
0x8e: {  	[smem:$0x3FC1] =	sst s2  }
0x8f: {  	_ = 	snop  }
0x90: {  	(tm) =	ssettm $0x1  }
0x91: {  	s17 =	sld [smem:$0x3FFB];
	_ =	sdelay $0x3  }
0x92: {  	_ =	strace s17  }
0x93: {  	s2 =	sld [smem:$0x3FFC];
	_ =	sdelay $0x3  }
0x94: {  	_ =	strace s2  }
0x95: {  	s2 =	sld [smem:$0x3FFD];
	_ =	sdelay $0x3  }
0x96: {  	_ =	strace s2  }
0x97: {  	_ =	strace $0x8FFFFFFF  }
0x98: {  	s18 =	sld [smem:$0x3FDB];
	_ =	sdelay $0x1  }
0x99: {  	s19 =	simm.s32 $_scs_section_size  }
0x9a: {  	s4 =	simm.s32 $_size__tile_overlayer_lowered;
	s5 =	simm.s32 $_tile_overlayer_lowered  }
0x9b: {  	s22 =	simm.s32 $0x1BFF;
	s21 =	sshll.u32 s5, $0x1;
	s2 =	sadd.s32 s19, s18  }
0x9c: {  	s6 =	simm.s32 $0x0;
	s20 =	sshll.u32 s4, $0x1;
	s4 =	sadd.s32 s21, s2  }
0x9d: {  	[timem:s6], [sflag:s22] =	dma.local [hbm:s4], s20  }
0x9e: {  	_ =	swait.ge [sflag:s22], s20  }
0x9f: {  	s3 =	ssub.s32 $0x0, s20;
	[sflag:s22] =	ssyncset.done $0x0  }
0xa0: {  	[sflag:s22] =	ssyncadd.s32 s3;
	_ =	sdelay $0x1  }
0xa1: {  	s23 =	simm.s32 $0x1B8B  }
0xa2: {  	_ =	swait.ge [sflag:s23], $0x1  }
0xa3: {  	[sflag:s23] =	ssyncset.done $0x0  }
0xa4: {  	s25 =	simm.s32 $0x1B8E;
	s24 =	sld [smem:$0x3FFE];
	[sflag:s23] =	ssyncadd.s32 $0xFFFFFFFF  }
0xa5: {  	s26 =	simm.s32 $execute0_lowered;
	[smem:$0x3FD2] =	sst s25  }
0xa6: {  	s4 =	sshll.u32 s26, $0x1;
	_ =	strace $0x80000049;
	[dreg:$0x1] =	wrdreg $0xFFFFFFFF  }
0xa7: {  	s28 =	simm.s32 $_size_execute0_lowered;
	s2 =	sadd.s32 s2, s4;
	[dreg:$0x0] =	wrdreg $0x0  }
0xa8: {  	s4 =	sshll.u32 s28, $0x1;
	[dreg:$0x2] =	wrdreg s2  }
0xa9: {  	[dreg:$0x3] =	wrdreg s4  }
0xaa: {  	[dreg:$0x4] =	wrdreg $0xC0  }
0xab: {  	_ =	task [dreg:s6], $0x5FFFF  }
0xac: {  	[dreg:$0x1] =	wrdreg $0xFFFFFFFF  }
0xad: {  	[dreg:$0x0] =	wrdreg $0x60  }
0xae: {  	[dreg:$0x2] =	wrdreg s24  }
0xaf: {  	[dreg:$0x3] =	wrdreg $0x0  }
0xb0: {  	[dreg:$0x4] =	wrdreg $0x9  }
0xb1: {  	_ =	task.clear_ibuf [dreg:s6], $0x5FFFF;
	_ =	strace $0x90000049  }
0xb2: {  	s29 =	simm.s32 $0x9;
	_ =	strace $0x8000004B  }
0xb3: {  	_ =	swait.ge [sflag:s29], $0x1  }
0xb4: {  	[sflag:s29] =	ssyncadd.s32 $0xFFFFFFFF  }
0xb5: {  	_ =	strace $0x9000004B  }
0xb6: {  	_ =	sfence  }
0xb7: {  	s30 =	sld [smem:$0x0];
	_ =	sdelay $0x2  }
0xb8: {  	s31 =	sshll.u32 s1, $0xD;
	s1 =	sshrl.u32 s1, $0x2  }
0xb9: {  	s3 =	sand.u32 $0x4000, s31;
	s1 =	sadd.s32 s1, s30  }
0xba: {  	s0 =	sor.u32 s3, s0;
	s1 =	sshll.u32 s1, $0x11  }
0xbb: {  	s0 =	sor.u32 s1, s0  }
0xbc: {  	s0 =	sadd.s32 $0x8F2B, s0  }
0xbd: {  	[sflag:s0] =	ssyncadd.remote.s32 $0x1  }
0xbe: {  	_ =	sfence.sel $0xFFFF  }
0xbf: {  	[dreg:$0x0] =	wrdreg $0xFFFFFFFF;
	(pc) =	sbr.abs _section_cstart, $3  }
0xc0: {  	[dreg:$0x1] =	wrdreg $0xFFFFFFFF  }
0xc1: {  	_ =	task.clear_ibuf [dreg:s6], $0x2FFFF;
	_ =	strace $0x9FFFFFFF  }
0xc2: {  	(tm) =	ssettm $0x7FFFFFFF  }
0xc3: {  	_ =	shalt  }
tec
execute0_lowered:
.L_overlay_start_1:
0x0: {  	(tag) =	ssettag $0x1  }
0x1: {  	s26 =	rddreg [dreg:$0x0]  }
0x2: {  	s2 =	rddreg [dreg:$0x1]  }
0x3: {  	s0 =	rddreg [dreg:$0x2]  }
0x4: {  	s4 =	srdreg.scid;
	s3 =	simm.s32 $0x0;
	s1 =	stileid.u32  }
0x5: {  	s28 =	sand.u32 $0x1, s4;
	[smem:$0x7FF] =	sst s3;
	s5 =	sshll.u32 s1, $0x2  }
0x6: {  	s6 =	sshll.u32 s1, $0xF;
	s29 =	sshll.u32 s1, $0xC;
	s8 =	sshll.u32 s1, $0x6  }
0x7: {  	s4 =	sshll.u32 s28, $0x6;
	p0 =	seq.s32 s28, $0x0;
	s6 =	sadd.s32 s6, s2  }
0x8: {  	s10 =	sor.u32 s5, s4;
	s4 =	sadd.s32 $0x4400, s26;
	s5 =	sadd.s32 $0x14400, s26  }
0x9: {  	_ =	strace $0x8000004A;
	s7 =	sshrl.u32 s6, $0x3;
	s5 =	smov.u32 @p0 s4  }
0xa: {  	s6 =	simm.s32 $0x5;
	s4 =	sadd.s32 s5, s29;
	s5 =	sor.u32 $0x1C05, s8  }
0xb: {  	[spmem:s7], [sflag:s5] =	dma.local [hbm:s4], $0x1000  }
0xc: {  	s9 =	sshll.u32 s10, $0x4;
	s8 =	sand.u32 $0x40, s8;
	_ =	swait.ge [sflag:s6], $0x1000  }
0xd: {  	s9 =	sand.u32 $0x780, s9;
	s8 =	sadd.s32 s8, s26;
	[sflag:s6] =	ssyncset.done $0x0  }
0xe: {  	s8 =	sadd.s32 s9, s8;
	[sflag:s6] =	ssyncadd.s32 $0xFFFFF000  }
0xf: {  	s9 =	simm.s32 $0x8000;
	s8 =	sadd.s32 $0x64400, s8;
	[bflag:$0x0] =	sbarrier.arrive $0xFFFF  }
0x10: {  	[tilespmem:s9], [sflag:$0x5] =	stream.linear.gather [hbm4b:s8+s3], $0x200, $0x38;
	[tilespmem:$0x1C200] =	vst v63  }
0x11: {  	s10 =	sshll.u32 s10, $0xB;
	_ =	swait.ge [sflag:s6], $0x200  }
0x12: {  	s16 =	sadd.s32 s10, s26;
	[sflag:s6] =	ssyncset.done $0x0  }
0x13: {  	s11 =	simm.s32 $0x8200;
	s10 =	sadd.s32 $0x24400, s16;
	[sflag:s6] =	ssyncadd.s32 $0xFFFFFE00  }
0x14: {  	[tilespmem:s11], [sflag:$0x1] =	stream.linear.gather [hbm4b:s10+s3], $0x4000, $0x38;
	[tilespmem:$0x1C200] =	vst v63  }
0x15: {  	s13 =	simm.s32 $0xC200;
	s12 =	sadd.s32 $0x24C00, s16  }
0x16: {  	[tilespmem:s13], [sflag:$0x2] =	stream.linear.gather [hbm4b:s12+s3], $0x4000, $0x38;
	[tilespmem:$0x1C200] =	vst v63  }
0x17: {  	s15 =	simm.s32 $0x10200;
	s14 =	sadd.s32 $0x25400, s16  }
0x18: {  	[tilespmem:s15], [sflag:$0x3] =	stream.linear.gather [hbm4b:s14+s3], $0x4000, $0x38;
	[tilespmem:$0x1C200] =	vst v63  }
0x19: {  	s17 =	simm.s32 $0x14200;
	s18 =	simm.s32 $0x1;
	s16 =	sadd.s32 $0x25C00, s16  }
0x1a: {  	[tilespmem:s17], [sflag:$0x4] =	stream.linear.gather [hbm4b:s16+s3], $0x4000, $0x38;
	[tilespmem:$0x1C200] =	vst v63  }
0x1b: {  	_ =	swait.ge [sflag:s18], $0x4000  }
0x1c: {  	[sflag:s18] =	ssyncset.done $0x0  }
0x1d: {  	s19 =	simm.s32 $0x80;
	s20 =	simm.s32 $0x2;
	[sflag:s18] =	ssyncadd.s32 $0xFFFFC000  }
0x1e: {  	[spmem:s2] =	stream.indirect.scatter.add.f32 [tilespmem:s11], [sflag:$0x1], $0x80, s9, s19, $0xb8;
	[tilespmem:$0x1C200] =	vst v63  }
0x1f: {  	_ =	swait.ge [sflag:s20], $0x4000  }
0x20: {  	[sflag:s20] =	ssyncset.done $0x0  }
0x21: {  	s21 =	simm.s32 $0x8080;
	s22 =	simm.s32 $0x3;
	[sflag:s20] =	ssyncadd.s32 $0xFFFFC000  }
0x22: {  	[spmem:s2] =	stream.indirect.scatter.add.f32 [tilespmem:s13], [sflag:$0x2], $0x80, s21, s19, $0xb8;
	[tilespmem:$0x1C200] =	vst v63  }
0x23: {  	_ =	swait.ge [sflag:s22], $0x4000  }
0x24: {  	[sflag:s22] =	ssyncset.done $0x0  }
0x25: {  	s23 =	simm.s32 $0x8100;
	s24 =	simm.s32 $0x4;
	[sflag:s22] =	ssyncadd.s32 $0xFFFFC000  }
0x26: {  	[spmem:s2] =	stream.indirect.scatter.add.f32 [tilespmem:s15], [sflag:$0x3], $0x80, s23, s19, $0xb8;
	[tilespmem:$0x1C200] =	vst v63  }
0x27: {  	_ =	swait.ge [sflag:s24], $0x4000  }
0x28: {  	[sflag:s24] =	ssyncset.done $0x0  }
0x29: {  	s25 =	simm.s32 $0x8180;
	[sflag:s24] =	ssyncadd.s32 $0xFFFFC000  }
0x2a: {  	[spmem:s2] =	stream.indirect.scatter.add.f32 [tilespmem:s17], [sflag:$0x4], $0x80, s25, s19, $0xb8;
	[tilespmem:$0x1C200] =	vst v63  }
0x2b: {  	_ =	swait.ge [sflag:s18], $0x4000  }
0x2c: {  	[sflag:s18] =	ssyncset.done $0x0  }
0x2d: {  	[sflag:s18] =	ssyncadd.s32 $0xFFFFC000  }
0x2e: {  	_ =	swait.ge [sflag:s20], $0x4000  }
0x2f: {  	[sflag:s20] =	ssyncset.done $0x0  }
0x30: {  	[sflag:s20] =	ssyncadd.s32 $0xFFFFC000  }
0x31: {  	s28 =	ssub.s32 $0x2, s28;
	_ =	swait.ge [sflag:s22], $0x4000  }
0x32: {  	s31 =	sshrl.u32 s28, $0x1;
	[sflag:s22] =	ssyncset.done $0x0  }
0x33: {  	s30 =	sadd.s32 $0x64C00, s26;
	s28 =	ssub.s32 s28, s31;
	[sflag:s22] =	ssyncadd.s32 $0xFFFFC000  }
0x34: {  	s28 =	smax.u32 s28, $0x1;
	s26 =	sadd.s32 $0x74C00, s26;
	_ =	swait.ge [sflag:s24], $0x4000  }
0x35: {  	s26 =	smov.u32 @p0 s30;
	p0 =	sne.s32 s28, $0x1;
	[sflag:s24] =	ssyncset.done $0x0  }
.Ltmp0:
0x36: {  	[sflag:s24] =	ssyncadd.s32 $0xFFFFC000;
	(pc) =	sbr.rel @!p0 .LBB2_2-.Ltmp0, $4  }
0x37: {  	s26 =	sadd.s32 s26, s29;
	[bflag:$0x0] =	sbarrier.arrive $0xFFFF  }
0x38: {  	[hbm:s26], [sflag:s5] =	dma.local [spmem:s7], $0x1000  }
0x39: {  	_ =	swait.ge [sflag:s6], $0x1000  }
0x3a: {  	s28 =	sadd.s32 $0xFFFFFFFF, s28;
	[sflag:s6] =	ssyncset.done $0x0  }
.LBB2_1:
0x3b: {  	p0 =	sne.s32 s28, $0x1;
	s28 =	sadd.s32 $0xFFFFFFFF, s28;
	[sflag:s6] =	ssyncadd.s32 $0xFFFFF000  }
0x3c: {  	[spmem:s7], [sflag:s5] =	dma.local [hbm:s4], $0x1000  }
0x3d: {  	_ =	swait.ge [sflag:s6], $0x1000  }
0x3e: {  	[sflag:s6] =	ssyncset.done $0x0  }
0x3f: {  	[sflag:s6] =	ssyncadd.s32 $0xFFFFF000  }
0x40: {  	[bflag:$0x0] =	sbarrier.arrive $0xFFFF  }
0x41: {  	[tilespmem:s9], [sflag:$0x5] =	stream.linear.gather [hbm4b:s8+s3], $0x200, $0x38;
	[tilespmem:$0x1C200] =	vst v63  }
0x42: {  	_ =	swait.ge [sflag:s6], $0x200  }
0x43: {  	[sflag:s6] =	ssyncset.done $0x0  }
0x44: {  	[sflag:s6] =	ssyncadd.s32 $0xFFFFFE00  }
0x45: {  	[tilespmem:s11], [sflag:$0x1] =	stream.linear.gather [hbm4b:s10+s3], $0x4000, $0x38;
	[tilespmem:$0x1C200] =	vst v63  }
0x46: {  	_ = 	snop  }
0x47: {  	[tilespmem:s13], [sflag:$0x2] =	stream.linear.gather [hbm4b:s12+s3], $0x4000, $0x38;
	[tilespmem:$0x1C200] =	vst v63  }
0x48: {  	_ = 	snop  }
0x49: {  	[tilespmem:s15], [sflag:$0x3] =	stream.linear.gather [hbm4b:s14+s3], $0x4000, $0x38;
	[tilespmem:$0x1C200] =	vst v63  }
0x4a: {  	_ = 	snop  }
0x4b: {  	[tilespmem:s17], [sflag:$0x4] =	stream.linear.gather [hbm4b:s16+s3], $0x4000, $0x38;
	[tilespmem:$0x1C200] =	vst v63  }
0x4c: {  	_ =	swait.ge [sflag:s18], $0x4000  }
0x4d: {  	[sflag:s18] =	ssyncset.done $0x0  }
0x4e: {  	[sflag:s18] =	ssyncadd.s32 $0xFFFFC000  }
0x4f: {  	[spmem:s2] =	stream.indirect.scatter.add.f32 [tilespmem:s11], [sflag:$0x1], $0x80, s9, s19, $0xb8;
	[tilespmem:$0x1C200] =	vst v63  }
0x50: {  	_ =	swait.ge [sflag:s20], $0x4000  }
0x51: {  	[sflag:s20] =	ssyncset.done $0x0  }
0x52: {  	[sflag:s20] =	ssyncadd.s32 $0xFFFFC000  }
0x53: {  	[spmem:s2] =	stream.indirect.scatter.add.f32 [tilespmem:s13], [sflag:$0x2], $0x80, s21, s19, $0xb8;
	[tilespmem:$0x1C200] =	vst v63  }
0x54: {  	_ =	swait.ge [sflag:s22], $0x4000  }
0x55: {  	[sflag:s22] =	ssyncset.done $0x0  }
0x56: {  	[sflag:s22] =	ssyncadd.s32 $0xFFFFC000  }
0x57: {  	[spmem:s2] =	stream.indirect.scatter.add.f32 [tilespmem:s15], [sflag:$0x3], $0x80, s23, s19, $0xb8;
	[tilespmem:$0x1C200] =	vst v63  }
0x58: {  	_ =	swait.ge [sflag:s24], $0x4000  }
0x59: {  	[sflag:s24] =	ssyncset.done $0x0  }
0x5a: {  	[sflag:s24] =	ssyncadd.s32 $0xFFFFC000  }
0x5b: {  	[spmem:s2] =	stream.indirect.scatter.add.f32 [tilespmem:s17], [sflag:$0x4], $0x80, s25, s19, $0xb8;
	[tilespmem:$0x1C200] =	vst v63  }
0x5c: {  	_ =	swait.ge [sflag:s18], $0x4000  }
0x5d: {  	[sflag:s18] =	ssyncset.done $0x0  }
0x5e: {  	[sflag:s18] =	ssyncadd.s32 $0xFFFFC000  }
0x5f: {  	_ =	swait.ge [sflag:s20], $0x4000  }
0x60: {  	[sflag:s20] =	ssyncset.done $0x0  }
0x61: {  	[sflag:s20] =	ssyncadd.s32 $0xFFFFC000  }
0x62: {  	_ =	swait.ge [sflag:s22], $0x4000  }
0x63: {  	[sflag:s22] =	ssyncset.done $0x0  }
0x64: {  	[sflag:s22] =	ssyncadd.s32 $0xFFFFC000  }
0x65: {  	_ =	swait.ge [sflag:s24], $0x4000  }
0x66: {  	[sflag:s24] =	ssyncset.done $0x0  }
.Ltmp1:
0x67: {  	[sflag:s24] =	ssyncadd.s32 $0xFFFFC000;
	(pc) =	sbr.rel @p0 .LBB2_1-.Ltmp1, $4  }
0x68: {  	[bflag:$0x0] =	sbarrier.arrive $0xFFFF  }
0x69: {  	[hbm:s26], [sflag:s5] =	dma.local [spmem:s7], $0x1000  }
0x6a: {  	_ =	swait.ge [sflag:s6], $0x1000  }
0x6b: {  	[sflag:s6] =	ssyncset.done $0x0  }
.LBB2_2:
0x6c: {  	[sflag:s6] =	ssyncadd.s32 $0xFFFFF000  }
0x6d: {  	_ =	sfence.sel $0x180000  }
0x6e: {  	[bflag:$0x0] =	sbarrier.arrive $0xFFFF  }
0x6f: {  	p0 =	sne.s32 s1, $0x0;
	_ =	strace $0x9000004A  }
0x70: {  	s0 =	sadd.s32 @!p0 $0x100000, s0;
	[bflag:$0x2] =	sbarrier.arrive $0xFFFF  }
0x71: {  	[sflag:s0] =	ssyncadd.tile.s32 @!p0 $0x1;
	_ =	shalt  }
.Lfunc_end2:
_tile_overlayer_lowered:
.L_overlay_start_2:
0x72: {  	(tag) =	ssettag $0x2  }
0x73: {  	s0 =	rddreg [dreg:$0x0];
	s2 =	stileid.u32  }
0x74: {  	s1 =	rddreg [dreg:$0x1];
	p0 =	sne.s32 s2, $0x0  }
0x75: {  	s3 =	rddreg [dreg:$0x2];
	[bflag:$0x3] =	sbarrier.arrive $0xFFFF;
	s2 =	simm.s32 @!p0 $0x1C05  }
0x76: {  	[timem:s3], [sflag:s2] =	dma.local @!p0 [hbm:s0], s1  }
0x77: {  	s0 =	simm.s32 @!p0 $0x5  }
0x78: {  	_ =	swait.ge @!p0 [sflag:s0], s1  }
0x79: {  	s1 =	ssub.s32 @!p0 $0x0, s1;
	[sflag:s0] =	ssyncset.done @!p0 $0x0  }
0x7a: {  	[sflag:s0] =	ssyncadd.s32 @!p0 s1  }
0x7b: {  	[bflag:$0x3] =	sbarrier.arrive $0xFFFF  }
0x7c: {  	_ =	shalt  }

// kernel: kernel.15.cloned.1.call-start
scs
__scs_entry_jumppad:
0x0: {  	(pc) =	sbr.rel $0x88, $3  }
0x1: {  	(tag) =	ssettag $0x0;
	lr =	simm.s32 $0x1  }
0x2: {  	[smem:$0x3F9A] =	sst lr;
	_ =	strace $0xD0000000  }
0x3: {  	_ = 	snop  }
0x4: {  	_ = 	snop  }
0x5: {  	_ = 	snop  }
0x6: {  	_ = 	snop  }
0x7: {  	_ = 	snop  }
__scs_overlays_trampoline_lowered:
0x8: {  	[smem:$0x3FA9] =	sst s0  }
0x9: {  	[smem:$0x3FAA] =	sst s1  }
0xa: {  	[smem:$0x3FAB] =	sst s2  }
0xb: {  	[smem:$0x3FAC] =	sst s3  }
0xc: {  	[smem:$0x3FAD] =	sst s4  }
0xd: {  	[smem:$0x3FAE] =	sst s5  }
0xe: {  	[smem:$0x3FAF] =	sst s6  }
0xf: {  	[smem:$0x3FB0] =	sst s7  }
0x10: {  	[smem:$0x3FB1] =	sst s8  }
0x11: {  	[smem:$0x3FB2] =	sst s9;
	s0 =	simm.s32 @!p0 $0x0  }
0x12: {  	s1 =	sld [smem:$0x3F98];
	s0 =	simm.s32 @p0 $0x1  }
0x13: {  	[smem:$0x3FB3] =	sst s0;
	s0 =	simm.s32 @!p1 $0x0  }
0x14: {  	s2 =	sld [smem:$0x3F97];
	s0 =	simm.s32 @p1 $0x1  }
0x15: {  	[smem:$0x3FB4] =	sst s0;
	s0 =	simm.s32 @!p2 $0x0  }
0x16: {  	s3 =	sld [smem:$0x3FDB];
	s0 =	simm.s32 @p2 $0x1  }
0x17: {  	s4 =	simm.s32 $0x1BF5;
	[smem:$0x3FB6] =	sst s0  }
0x18: {  	s0 =	sld [smem:$0x3F99];
	_ =	swait.ge [sflag:s4], $0x0  }
0x19: {  	s7 =	sld [smem:$0x3F9A]  }
0x1a: {  	s8 =	sadd.s32 $0xFFFFE003, lr  }
0x1b: {  	s9 =	sadd.s32 $0xFFFFFEF7, lr;
	s5 =	simm.s32 $0xFFFFFFFF;
	p2 =	slt.u32 s8, $0xFFFFF086  }
0x1c: {  	p1 =	slt.u32 s9, $0xF7A;
	s5 =	simm.s32 @!p2 $0x0  }
0x1d: {  	s5 =	simm.s32 @p1 $0x1;
	p0 =	seq.s32 s7, s2  }
0x1e: {  	s7 =	smul.u32 @!p0 $0xF7A, s2;
	p2 =	seq.s32 @!p0 s5, $0x0  }
0x1f: {  	s9 =	smul.u32 $0xF7A, s1;
	s8 =	simm.s32 @!p0 $0x1BF5;
	p2 =	por !p2, p0  }
0x20: {  	[sflag:s8] =	ssyncset.s32 @!p0 $0xFFFFF086;
	s6 =	sadd.s32 @!p0 s3, s7;
	s7 =	simm.s32 @!p0 $0x108  }
0x21: {  	s3 =	sadd.s32 s3, s9;
	s6 =	sadd.s32 @!p0 $0x88, s6;
	s7 =	simm.s32 @p2 $0x1082  }
0x22: {  	[simem:s7], [sflag:s8] =	dma.local @!p0 [hbm:s6], $0xF7A  }
0x23: {  	s9 =	sor.u32 $0xD0000000, s2;
	s6 =	simm.s32 $0x108;
	_ =	swait.ge @!p0 [sflag:s8], $0x0  }
0x24: {  	s3 =	sadd.s32 $0x88, s3;
	s6 =	simm.s32 @!p1 $0x1082;
	[sflag:s4] =	ssyncset.s32 $0xFFFFF086  }
0x25: {  	[simem:s6], [sflag:s4] =	dma.local [hbm:s3], $0xF7A  }
0x26: {  	[smem:$0x3F9A] =	sst s1;
	(tag) =	ssettag s2;
	_ =	strace s9  }
0x27: {  	s1 =	sld [smem:$0x3FAA]  }
0x28: {  	s2 =	sld [smem:$0x3FAB]  }
0x29: {  	s4 =	sld [smem:$0x3FAD]  }
0x2a: {  	p0 =	seq.s32 s5, $0x0;
	s5 =	sld [smem:$0x3FAE]  }
0x2b: {  	s6 =	sld [smem:$0x3FAF]  }
0x2c: {  	s7 =	sld [smem:$0x3FB0]  }
0x2d: {  	s3 =	simm.s32 $0x108;
	s8 =	sld [smem:$0x3FB1]  }
0x2e: {  	s3 =	simm.s32 @!p0 $0x1082;
	s9 =	sld [smem:$0x3FB2]  }
0x2f: {  	lr =	sadd.s32 s0, s3;
	s0 =	sld [smem:$0x3FA9]  }
0x30: {  	s3 =	sld [smem:$0x3FAC]  }
0x31: {  	[smem:$0x3FB5] =	sst s10  }
0x32: {  	s10 =	sld [smem:$0x3FB3];
	_ =	sdelay $0x3  }
0x33: {  	p0 =	seq.s32 s10, $0x1;
	s10 =	sld [smem:$0x3FB5];
	_ =	sdelay $0x3  }
0x34: {  	[smem:$0x3FB5] =	sst s10  }
0x35: {  	s10 =	sld [smem:$0x3FB4];
	_ =	sdelay $0x3  }
0x36: {  	p1 =	seq.s32 s10, $0x1;
	s10 =	sld [smem:$0x3FB5];
	_ =	sdelay $0x3  }
0x37: {  	[smem:$0x3FB5] =	sst s10  }
0x38: {  	s10 =	sld [smem:$0x3FB6]  }
0x39: {  	_ = 	snop;
	(pc) =	sbr.ind lr, $3  }
0x3a: {  	_ = 	snop  }
0x3b: {  	_ = 	snop  }
0x3c: {  	p2 =	seq.s32 s10, $0x1;
	s10 =	sld [smem:$0x3FB5]  }
0x3d: {  	_ =	shalt  }
0x3e: {  	_ =	shalt  }
0x3f: {  	_ =	shalt  }
0x40: {  	_ =	shalt  }
0x41: {  	_ =	shalt  }
0x42: {  	_ =	shalt  }
0x43: {  	_ =	shalt  }
0x44: {  	_ =	shalt  }
0x45: {  	_ =	shalt  }
0x46: {  	_ =	shalt  }
0x47: {  	_ =	shalt  }
0x48: {  	_ =	shalt  }
0x49: {  	_ =	shalt  }
0x4a: {  	_ =	shalt  }
0x4b: {  	_ =	shalt  }
0x4c: {  	_ =	shalt  }
0x4d: {  	_ =	shalt  }
0x4e: {  	_ =	shalt  }
0x4f: {  	_ =	shalt  }
0x50: {  	_ =	shalt  }
0x51: {  	_ =	shalt  }
0x52: {  	_ =	shalt  }
0x53: {  	_ =	shalt  }
0x54: {  	_ =	shalt  }
0x55: {  	_ =	shalt  }
0x56: {  	_ =	shalt  }
0x57: {  	_ =	shalt  }
0x58: {  	_ =	shalt  }
0x59: {  	_ =	shalt  }
0x5a: {  	_ =	shalt  }
0x5b: {  	_ =	shalt  }
0x5c: {  	_ =	shalt  }
0x5d: {  	_ =	shalt  }
0x5e: {  	_ =	shalt  }
0x5f: {  	_ =	shalt  }
0x60: {  	_ =	shalt  }
0x61: {  	_ =	shalt  }
0x62: {  	_ =	shalt  }
0x63: {  	_ =	shalt  }
0x64: {  	_ =	shalt  }
0x65: {  	_ =	shalt  }
0x66: {  	_ =	shalt  }
0x67: {  	_ =	shalt  }
0x68: {  	_ =	shalt  }
0x69: {  	_ =	shalt  }
0x6a: {  	_ =	shalt  }
0x6b: {  	_ =	shalt  }
0x6c: {  	_ =	shalt  }
0x6d: {  	_ =	shalt  }
0x6e: {  	_ =	shalt  }
0x6f: {  	_ =	shalt  }
0x70: {  	_ =	shalt  }
0x71: {  	_ =	shalt  }
0x72: {  	_ =	shalt  }
0x73: {  	_ =	shalt  }
0x74: {  	_ =	shalt  }
0x75: {  	_ =	shalt  }
0x76: {  	_ =	shalt  }
0x77: {  	_ =	shalt  }
0x78: {  	_ =	shalt  }
0x79: {  	_ =	shalt  }
0x7a: {  	_ =	shalt  }
0x7b: {  	_ =	shalt  }
0x7c: {  	_ =	shalt  }
0x7d: {  	_ =	shalt  }
0x7e: {  	_ =	shalt  }
0x7f: {  	_ =	shalt  }
0x80: {  	_ =	shalt  }
0x81: {  	_ =	shalt  }
0x82: {  	_ =	shalt  }
0x83: {  	_ =	shalt  }
0x84: {  	_ =	shalt  }
0x85: {  	_ =	shalt  }
0x86: {  	_ =	shalt  }
0x87: {  	_ =	shalt  }
.Lfunc_end0:
.L_simem_size_0:
called_computation.2_lowered:
.L_overlay_start_0:
0x88: {  	s2 =	sld [smem:$0x3FD9]  }
0x89: {  	s3 =	sld [smem:$0x3FFE];
	_ =	sdelay $0x1  }
0x8a: {  	s1 =	srdreg.scid  }
0x8b: {  	s0 =	sand.u32 $0x1, s1  }
0x8c: {  	s14 =	sshll.u32 s0, $0xA;
	s2 =	sadd.s32 s3, s2  }
0x8d: {  	s2 =	sadd.s32 s2, s14  }
0x8e: {  	[smem:$0x3FC1] =	sst s2  }
0x8f: {  	_ = 	snop  }
0x90: {  	s2 =	sld [smem:$0x3FD0];
	_ =	sdelay $0x2  }
0x91: {  	s15 =	simm.s32 $0xA;
	s4 =	simm.s32 $0x10  }
0x92: {  	[smem:s4], [sflag:s15] =	dma.local [hbm:s2], $0x1  }
0x93: {  	_ =	swait.eq [sflag:s15], $0x1  }
0x94: {  	[sflag:s15] =	ssyncset.done $0x0  }
0x95: {  	[sflag:s15] =	ssyncadd.s32 $0xFFFFFFFF  }
0x96: {  	s16 =	sld [smem:$0x10];
	(tm) =	ssettm $0x1  }
0x97: {  	s17 =	sld [smem:$0x3FFB];
	_ =	sdelay $0x3  }
0x98: {  	_ =	strace s17  }
0x99: {  	s3 =	sld [smem:$0x3FFC];
	_ =	sdelay $0x3  }
0x9a: {  	_ =	strace s3  }
0x9b: {  	s3 =	sld [smem:$0x3FFD];
	_ =	sdelay $0x3  }
0x9c: {  	_ =	strace s3  }
0x9d: {  	_ =	strace $0x8FFFFFFF  }
0x9e: {  	s18 =	sld [smem:$0x3FDB];
	_ =	sdelay $0x1  }
0x9f: {  	s19 =	simm.s32 $_scs_section_size  }
0xa0: {  	s5 =	simm.s32 $_size__tile_overlayer_lowered;
	s6 =	simm.s32 $_tile_overlayer_lowered  }
0xa1: {  	s22 =	simm.s32 $0x1BFF;
	s21 =	sshll.u32 s6, $0x1;
	s3 =	sadd.s32 s19, s18  }
0xa2: {  	s7 =	simm.s32 $0x0;
	s20 =	sshll.u32 s5, $0x1;
	s5 =	sadd.s32 s21, s3  }
0xa3: {  	[timem:s7], [sflag:s22] =	dma.local [hbm:s5], s20  }
0xa4: {  	_ =	swait.ge [sflag:s22], s20  }
0xa5: {  	s4 =	ssub.s32 $0x0, s20;
	[sflag:s22] =	ssyncset.done $0x0  }
0xa6: {  	[sflag:s22] =	ssyncadd.s32 s4;
	_ =	sdelay $0x1  }
0xa7: {  	s23 =	simm.s32 $0x1B8B  }
0xa8: {  	_ =	swait.ge [sflag:s23], $0x1  }
0xa9: {  	[sflag:s23] =	ssyncset.done $0x0  }
0xaa: {  	s25 =	simm.s32 $0x1B8E;
	s24 =	sld [smem:$0x3FFE];
	[sflag:s23] =	ssyncadd.s32 $0xFFFFFFFF  }
0xab: {  	s26 =	simm.s32 $execute0_lowered;
	[smem:$0x3FD2] =	sst s25  }
0xac: {  	s5 =	sshll.u32 s26, $0x1;
	_ =	strace $0x8000004C;
	[dreg:$0x1] =	wrdreg $0xFFFFFFFF  }
0xad: {  	s28 =	simm.s32 $_size_execute0_lowered;
	s3 =	sadd.s32 s3, s5;
	[dreg:$0x0] =	wrdreg $0x0  }
0xae: {  	s5 =	sshll.u32 s28, $0x1;
	[dreg:$0x2] =	wrdreg s3  }
0xaf: {  	[dreg:$0x3] =	wrdreg s5  }
0xb0: {  	[dreg:$0x4] =	wrdreg $0xC0  }
0xb1: {  	_ =	task [dreg:s7], $0x5FFFF  }
0xb2: {  	[dreg:$0x1] =	wrdreg $0xFFFFFFFF  }
0xb3: {  	[dreg:$0x0] =	wrdreg $0x60  }
0xb4: {  	[dreg:$0x2] =	wrdreg s16  }
0xb5: {  	[dreg:$0x3] =	wrdreg s24  }
0xb6: {  	[dreg:$0x4] =	wrdreg $0x0  }
0xb7: {  	[dreg:$0x5] =	wrdreg $0x9  }
0xb8: {  	_ =	task.clear_ibuf [dreg:s7], $0x6FFFF;
	_ =	strace $0x9000004C  }
0xb9: {  	s29 =	simm.s32 $0x9;
	_ =	strace $0x8000004E  }
0xba: {  	_ =	swait.ge [sflag:s29], $0x1  }
0xbb: {  	[sflag:s29] =	ssyncadd.s32 $0xFFFFFFFF  }
0xbc: {  	_ =	strace $0x9000004E  }
0xbd: {  	_ =	sfence  }
0xbe: {  	s30 =	sld [smem:$0x0];
	_ =	sdelay $0x2  }
0xbf: {  	s31 =	sshll.u32 s1, $0xD;
	s1 =	sshrl.u32 s1, $0x2  }
0xc0: {  	s3 =	sand.u32 $0x4000, s31;
	s1 =	sadd.s32 s1, s30  }
0xc1: {  	s0 =	sor.u32 s3, s0;
	s1 =	sshll.u32 s1, $0x11  }
0xc2: {  	s0 =	sor.u32 s1, s0  }
0xc3: {  	s0 =	sadd.s32 $0x8F2B, s0  }
0xc4: {  	[sflag:s0] =	ssyncadd.remote.s32 $0x1  }
0xc5: {  	_ =	sfence.sel $0xFFFF  }
0xc6: {  	[dreg:$0x0] =	wrdreg $0xFFFFFFFF;
	(pc) =	sbr.abs _section_cstart, $3  }
0xc7: {  	[dreg:$0x1] =	wrdreg $0xFFFFFFFF  }
0xc8: {  	_ =	task.clear_ibuf [dreg:s7], $0x2FFFF;
	_ =	strace $0x9FFFFFFF  }
0xc9: {  	(tm) =	ssettm $0x7FFFFFFF  }
tec
execute0_lowered:
.L_overlay_start_1:
0x0: {  	(tag) =	ssettag $0x1  }
0x1: {  	s10 =	rddreg [dreg:$0x0]  }
0x2: {  	s26 =	rddreg [dreg:$0x1]  }
0x3: {  	s2 =	rddreg [dreg:$0x2]  }
0x4: {  	s0 =	rddreg [dreg:$0x3]  }
0x5: {  	s3 =	simm.s32 $0x0;
	s1 =	stileid.u32;
	s4 =	srdreg.scid  }
0x6: {  	[smem:$0x7FF] =	sst s3;
	s8 =	sshll.u32 s1, $0x6;
	s5 =	sadd.s32 $0x64C00, s26  }
0x7: {  	s6 =	sadd.s32 $0x74C00, s26;
	s29 =	sand.u32 $0x1, s4;
	s30 =	sshll.u32 s1, $0xF  }
0x8: {  	s28 =	sshll.u32 s1, $0xC;
	s9 =	sshll.u32 s1, $0x2;
	_ =	strace $0x8000004D  }
0x9: {  	p0 =	seq.s32 s29, $0x0;
	s7 =	sshll.u32 s29, $0x6;
	s11 =	sadd.s32 s30, s2  }
0xa: {  	s6 =	smov.u32 @p0 s5;
	s12 =	sor.u32 s9, s7;
	s5 =	sor.u32 $0x1C05, s8  }
0xb: {  	s7 =	sshrl.u32 s11, $0x3;
	s4 =	sadd.s32 s6, s28;
	s6 =	simm.s32 $0x5  }
0xc: {  	[spmem:s7], [sflag:s5] =	dma.local [hbm:s4], $0x1000  }
0xd: {  	s8 =	sand.u32 $0x40, s8;
	s9 =	sshll.u32 s12, $0x4;
	_ =	swait.ge [sflag:s6], $0x1000  }
0xe: {  	s8 =	sadd.s32 s8, s26;
	s9 =	sand.u32 $0x780, s9;
	[sflag:s6] =	ssyncset.done $0x0  }
0xf: {  	s8 =	sadd.s32 s9, s8;
	[sflag:s6] =	ssyncadd.s32 $0xFFFFF000  }
0x10: {  	s9 =	simm.s32 $0x8000;
	s8 =	sadd.s32 $0x84C00, s8;
	[bflag:$0x0] =	sbarrier.arrive $0xFFFF  }
0x11: {  	[tilespmem:s9], [sflag:$0x5] =	stream.linear.gather [hbm4b:s8+s3], $0x200, $0x38;
	[tilespmem:$0x1C200] =	vst v63  }
0x12: {  	_ =	swait.ge [sflag:s6], $0x200  }
0x13: {  	s31 =	sshll.u32 s12, $0xB;
	[sflag:s6] =	ssyncset.done $0x0  }
0x14: {  	s11 =	simm.s32 $0x8200;
	s10 =	sadd.s32 s10, s31;
	[sflag:s6] =	ssyncadd.s32 $0xFFFFFE00  }
0x15: {  	[tilespmem:s11], [sflag:$0x1] =	stream.linear.gather [hbm4b:s10+s3], $0x4000, $0x38;
	[tilespmem:$0x1C200] =	vst v63  }
0x16: {  	s13 =	simm.s32 $0xC200;
	s12 =	sadd.s32 $0x800, s10  }
0x17: {  	[tilespmem:s13], [sflag:$0x2] =	stream.linear.gather [hbm4b:s12+s3], $0x4000, $0x38;
	[tilespmem:$0x1C200] =	vst v63  }
0x18: {  	s15 =	simm.s32 $0x10200;
	s14 =	sadd.s32 $0x1000, s10  }
0x19: {  	[tilespmem:s15], [sflag:$0x3] =	stream.linear.gather [hbm4b:s14+s3], $0x4000, $0x38;
	[tilespmem:$0x1C200] =	vst v63  }
0x1a: {  	s17 =	simm.s32 $0x14200;
	s18 =	simm.s32 $0x1;
	s16 =	sadd.s32 $0x1800, s10  }
0x1b: {  	[tilespmem:s17], [sflag:$0x4] =	stream.linear.gather [hbm4b:s16+s3], $0x4000, $0x38;
	[tilespmem:$0x1C200] =	vst v63  }
0x1c: {  	_ =	swait.ge [sflag:s18], $0x4000  }
0x1d: {  	[sflag:s18] =	ssyncset.done $0x0  }
0x1e: {  	s19 =	simm.s32 $0x80;
	s20 =	simm.s32 $0x2;
	[sflag:s18] =	ssyncadd.s32 $0xFFFFC000  }
0x1f: {  	[spmem:s2] =	stream.indirect.scatter.add.f32 [tilespmem:s11], [sflag:$0x1], $0x80, s9, s19, $0xb8;
	[tilespmem:$0x1C200] =	vst v63  }
0x20: {  	_ =	swait.ge [sflag:s20], $0x4000  }
0x21: {  	[sflag:s20] =	ssyncset.done $0x0  }
0x22: {  	s21 =	simm.s32 $0x8080;
	s22 =	simm.s32 $0x3;
	[sflag:s20] =	ssyncadd.s32 $0xFFFFC000  }
0x23: {  	[spmem:s2] =	stream.indirect.scatter.add.f32 [tilespmem:s13], [sflag:$0x2], $0x80, s21, s19, $0xb8;
	[tilespmem:$0x1C200] =	vst v63  }
0x24: {  	_ =	swait.ge [sflag:s22], $0x4000  }
0x25: {  	[sflag:s22] =	ssyncset.done $0x0  }
0x26: {  	s23 =	simm.s32 $0x8100;
	s24 =	simm.s32 $0x4;
	[sflag:s22] =	ssyncadd.s32 $0xFFFFC000  }
0x27: {  	[spmem:s2] =	stream.indirect.scatter.add.f32 [tilespmem:s15], [sflag:$0x3], $0x80, s23, s19, $0xb8;
	[tilespmem:$0x1C200] =	vst v63  }
0x28: {  	_ =	swait.ge [sflag:s24], $0x4000  }
0x29: {  	[sflag:s24] =	ssyncset.done $0x0  }
0x2a: {  	s25 =	simm.s32 $0x8180;
	[sflag:s24] =	ssyncadd.s32 $0xFFFFC000  }
0x2b: {  	[spmem:s2] =	stream.indirect.scatter.add.f32 [tilespmem:s17], [sflag:$0x4], $0x80, s25, s19, $0xb8;
	[tilespmem:$0x1C200] =	vst v63  }
0x2c: {  	_ =	swait.ge [sflag:s18], $0x4000  }
0x2d: {  	[sflag:s18] =	ssyncset.done $0x0  }
0x2e: {  	[sflag:s18] =	ssyncadd.s32 $0xFFFFC000  }
0x2f: {  	_ =	swait.ge [sflag:s20], $0x4000  }
0x30: {  	[sflag:s20] =	ssyncset.done $0x0  }
0x31: {  	[sflag:s20] =	ssyncadd.s32 $0xFFFFC000  }
0x32: {  	s29 =	ssub.s32 $0x2, s29;
	s30 =	sadd.s32 $0x4400, s26;
	_ =	swait.ge [sflag:s22], $0x4000  }
0x33: {  	s26 =	sadd.s32 $0x14400, s26;
	s31 =	sshrl.u32 s29, $0x1;
	[sflag:s22] =	ssyncset.done $0x0  }
0x34: {  	s26 =	smov.u32 @p0 s30;
	s29 =	ssub.s32 s29, s31;
	[sflag:s22] =	ssyncadd.s32 $0xFFFFC000  }
0x35: {  	s26 =	sadd.s32 s26, s28;
	s28 =	smax.u32 s29, $0x1;
	_ =	swait.ge [sflag:s24], $0x4000  }
0x36: {  	p0 =	sne.s32 s28, $0x1;
	[sflag:s24] =	ssyncset.done $0x0  }
.Ltmp0:
0x37: {  	[sflag:s24] =	ssyncadd.s32 $0xFFFFC000;
	(pc) =	sbr.rel @!p0 .LBB2_2-.Ltmp0, $4  }
0x38: {  	[bflag:$0x0] =	sbarrier.arrive $0xFFFF  }
0x39: {  	[hbm:s26], [sflag:s5] =	dma.local [spmem:s7], $0x1000  }
0x3a: {  	_ =	swait.ge [sflag:s6], $0x1000  }
0x3b: {  	s28 =	sadd.s32 $0xFFFFFFFF, s28;
	[sflag:s6] =	ssyncset.done $0x0  }
.LBB2_1:
0x3c: {  	p0 =	sne.s32 s28, $0x1;
	s28 =	sadd.s32 $0xFFFFFFFF, s28;
	[sflag:s6] =	ssyncadd.s32 $0xFFFFF000  }
0x3d: {  	[spmem:s7], [sflag:s5] =	dma.local [hbm:s4], $0x1000  }
0x3e: {  	_ =	swait.ge [sflag:s6], $0x1000  }
0x3f: {  	[sflag:s6] =	ssyncset.done $0x0  }
0x40: {  	[sflag:s6] =	ssyncadd.s32 $0xFFFFF000  }
0x41: {  	[bflag:$0x0] =	sbarrier.arrive $0xFFFF  }
0x42: {  	[tilespmem:s9], [sflag:$0x5] =	stream.linear.gather [hbm4b:s8+s3], $0x200, $0x38;
	[tilespmem:$0x1C200] =	vst v63  }
0x43: {  	_ =	swait.ge [sflag:s6], $0x200  }
0x44: {  	[sflag:s6] =	ssyncset.done $0x0  }
0x45: {  	[sflag:s6] =	ssyncadd.s32 $0xFFFFFE00  }
0x46: {  	[tilespmem:s11], [sflag:$0x1] =	stream.linear.gather [hbm4b:s10+s3], $0x4000, $0x38;
	[tilespmem:$0x1C200] =	vst v63  }
0x47: {  	_ = 	snop  }
0x48: {  	[tilespmem:s13], [sflag:$0x2] =	stream.linear.gather [hbm4b:s12+s3], $0x4000, $0x38;
	[tilespmem:$0x1C200] =	vst v63  }
0x49: {  	_ = 	snop  }
0x4a: {  	[tilespmem:s15], [sflag:$0x3] =	stream.linear.gather [hbm4b:s14+s3], $0x4000, $0x38;
	[tilespmem:$0x1C200] =	vst v63  }
0x4b: {  	_ = 	snop  }
0x4c: {  	[tilespmem:s17], [sflag:$0x4] =	stream.linear.gather [hbm4b:s16+s3], $0x4000, $0x38;
	[tilespmem:$0x1C200] =	vst v63  }
0x4d: {  	_ =	swait.ge [sflag:s18], $0x4000  }
0x4e: {  	[sflag:s18] =	ssyncset.done $0x0  }
0x4f: {  	[sflag:s18] =	ssyncadd.s32 $0xFFFFC000  }
0x50: {  	[spmem:s2] =	stream.indirect.scatter.add.f32 [tilespmem:s11], [sflag:$0x1], $0x80, s9, s19, $0xb8;
	[tilespmem:$0x1C200] =	vst v63  }
0x51: {  	_ =	swait.ge [sflag:s20], $0x4000  }
0x52: {  	[sflag:s20] =	ssyncset.done $0x0  }
0x53: {  	[sflag:s20] =	ssyncadd.s32 $0xFFFFC000  }
0x54: {  	[spmem:s2] =	stream.indirect.scatter.add.f32 [tilespmem:s13], [sflag:$0x2], $0x80, s21, s19, $0xb8;
	[tilespmem:$0x1C200] =	vst v63  }
0x55: {  	_ =	swait.ge [sflag:s22], $0x4000  }
0x56: {  	[sflag:s22] =	ssyncset.done $0x0  }
0x57: {  	[sflag:s22] =	ssyncadd.s32 $0xFFFFC000  }
0x58: {  	[spmem:s2] =	stream.indirect.scatter.add.f32 [tilespmem:s15], [sflag:$0x3], $0x80, s23, s19, $0xb8;
	[tilespmem:$0x1C200] =	vst v63  }
0x59: {  	_ =	swait.ge [sflag:s24], $0x4000  }
0x5a: {  	[sflag:s24] =	ssyncset.done $0x0  }
0x5b: {  	[sflag:s24] =	ssyncadd.s32 $0xFFFFC000  }
0x5c: {  	[spmem:s2] =	stream.indirect.scatter.add.f32 [tilespmem:s17], [sflag:$0x4], $0x80, s25, s19, $0xb8;
	[tilespmem:$0x1C200] =	vst v63  }
0x5d: {  	_ =	swait.ge [sflag:s18], $0x4000  }
0x5e: {  	[sflag:s18] =	ssyncset.done $0x0  }
0x5f: {  	[sflag:s18] =	ssyncadd.s32 $0xFFFFC000  }
0x60: {  	_ =	swait.ge [sflag:s20], $0x4000  }
0x61: {  	[sflag:s20] =	ssyncset.done $0x0  }
0x62: {  	[sflag:s20] =	ssyncadd.s32 $0xFFFFC000  }
0x63: {  	_ =	swait.ge [sflag:s22], $0x4000  }
0x64: {  	[sflag:s22] =	ssyncset.done $0x0  }
0x65: {  	[sflag:s22] =	ssyncadd.s32 $0xFFFFC000  }
0x66: {  	_ =	swait.ge [sflag:s24], $0x4000  }
0x67: {  	[sflag:s24] =	ssyncset.done $0x0  }
.Ltmp1:
0x68: {  	[sflag:s24] =	ssyncadd.s32 $0xFFFFC000;
	(pc) =	sbr.rel @p0 .LBB2_1-.Ltmp1, $4  }
0x69: {  	[bflag:$0x0] =	sbarrier.arrive $0xFFFF  }
0x6a: {  	[hbm:s26], [sflag:s5] =	dma.local [spmem:s7], $0x1000  }
0x6b: {  	_ =	swait.ge [sflag:s6], $0x1000  }
0x6c: {  	[sflag:s6] =	ssyncset.done $0x0  }
.LBB2_2:
0x6d: {  	[sflag:s6] =	ssyncadd.s32 $0xFFFFF000  }
0x6e: {  	_ =	sfence.sel $0x180000  }
0x6f: {  	[bflag:$0x0] =	sbarrier.arrive $0xFFFF  }
0x70: {  	p0 =	sne.s32 s1, $0x0;
	_ =	strace $0x9000004D  }
0x71: {  	s0 =	sadd.s32 @!p0 $0x100000, s0;
	[bflag:$0x2] =	sbarrier.arrive $0xFFFF  }
0x72: {  	[sflag:s0] =	ssyncadd.tile.s32 @!p0 $0x1;
	_ =	shalt  }
.Lfunc_end2:
_tile_overlayer_lowered:
.L_overlay_start_2:
0x73: {  	(tag) =	ssettag $0x2  }
0x74: {  	s0 =	rddreg [dreg:$0x0];
	s2 =	stileid.u32  }
0x75: {  	s1 =	rddreg [dreg:$0x1];
	p0 =	sne.s32 s2, $0x0  }
0x76: {  	s3 =	rddreg [dreg:$0x2];
	[bflag:$0x3] =	sbarrier.arrive $0xFFFF;
	s2 =	simm.s32 @!p0 $0x1C05  }
0x77: {  	[timem:s3], [sflag:s2] =	dma.local @!p0 [hbm:s0], s1  }
0x78: {  	s0 =	simm.s32 @!p0 $0x5  }
0x79: {  	_ =	swait.ge @!p0 [sflag:s0], s1  }
0x7a: {  	s1 =	ssub.s32 @!p0 $0x0, s1;
	[sflag:s0] =	ssyncset.done @!p0 $0x0  }
0x7b: {  	[sflag:s0] =	ssyncadd.s32 @!p0 s1  }
0x7c: {  	[bflag:$0x3] =	sbarrier.arrive $0xFFFF  }
0x7d: {  	_ =	shalt  }

// kernel: kernel.18.cloned.1.call-start
scs
__scs_entry_jumppad:
0x0: {  	(pc) =	sbr.rel $0x88, $3  }
0x1: {  	(tag) =	ssettag $0x0;
	lr =	simm.s32 $0x1  }
0x2: {  	[smem:$0x3F9A] =	sst lr;
	_ =	strace $0xD0000000  }
0x3: {  	_ = 	snop  }
0x4: {  	_ = 	snop  }
0x5: {  	_ = 	snop  }
0x6: {  	_ = 	snop  }
0x7: {  	_ = 	snop  }
__scs_overlays_trampoline_lowered:
0x8: {  	[smem:$0x3FA9] =	sst s0  }
0x9: {  	[smem:$0x3FAA] =	sst s1  }
0xa: {  	[smem:$0x3FAB] =	sst s2  }
0xb: {  	[smem:$0x3FAC] =	sst s3  }
0xc: {  	[smem:$0x3FAD] =	sst s4  }
0xd: {  	[smem:$0x3FAE] =	sst s5  }
0xe: {  	[smem:$0x3FAF] =	sst s6  }
0xf: {  	[smem:$0x3FB0] =	sst s7  }
0x10: {  	[smem:$0x3FB1] =	sst s8  }
0x11: {  	[smem:$0x3FB2] =	sst s9;
	s0 =	simm.s32 @!p0 $0x0  }
0x12: {  	s1 =	sld [smem:$0x3F98];
	s0 =	simm.s32 @p0 $0x1  }
0x13: {  	[smem:$0x3FB3] =	sst s0;
	s0 =	simm.s32 @!p1 $0x0  }
0x14: {  	s2 =	sld [smem:$0x3F97];
	s0 =	simm.s32 @p1 $0x1  }
0x15: {  	[smem:$0x3FB4] =	sst s0;
	s0 =	simm.s32 @!p2 $0x0  }
0x16: {  	s3 =	sld [smem:$0x3FDB];
	s0 =	simm.s32 @p2 $0x1  }
0x17: {  	s4 =	simm.s32 $0x1BF5;
	[smem:$0x3FB6] =	sst s0  }
0x18: {  	s0 =	sld [smem:$0x3F99];
	_ =	swait.ge [sflag:s4], $0x0  }
0x19: {  	s7 =	sld [smem:$0x3F9A]  }
0x1a: {  	s8 =	sadd.s32 $0xFFFFE003, lr  }
0x1b: {  	s9 =	sadd.s32 $0xFFFFFEF7, lr;
	s5 =	simm.s32 $0xFFFFFFFF;
	p2 =	slt.u32 s8, $0xFFFFF086  }
0x1c: {  	p1 =	slt.u32 s9, $0xF7A;
	s5 =	simm.s32 @!p2 $0x0  }
0x1d: {  	s5 =	simm.s32 @p1 $0x1;
	p0 =	seq.s32 s7, s2  }
0x1e: {  	s7 =	smul.u32 @!p0 $0xF7A, s2;
	p2 =	seq.s32 @!p0 s5, $0x0  }
0x1f: {  	s9 =	smul.u32 $0xF7A, s1;
	s8 =	simm.s32 @!p0 $0x1BF5;
	p2 =	por !p2, p0  }
0x20: {  	[sflag:s8] =	ssyncset.s32 @!p0 $0xFFFFF086;
	s6 =	sadd.s32 @!p0 s3, s7;
	s7 =	simm.s32 @!p0 $0x108  }
0x21: {  	s3 =	sadd.s32 s3, s9;
	s6 =	sadd.s32 @!p0 $0x88, s6;
	s7 =	simm.s32 @p2 $0x1082  }
0x22: {  	[simem:s7], [sflag:s8] =	dma.local @!p0 [hbm:s6], $0xF7A  }
0x23: {  	s9 =	sor.u32 $0xD0000000, s2;
	s6 =	simm.s32 $0x108;
	_ =	swait.ge @!p0 [sflag:s8], $0x0  }
0x24: {  	s3 =	sadd.s32 $0x88, s3;
	s6 =	simm.s32 @!p1 $0x1082;
	[sflag:s4] =	ssyncset.s32 $0xFFFFF086  }
0x25: {  	[simem:s6], [sflag:s4] =	dma.local [hbm:s3], $0xF7A  }
0x26: {  	[smem:$0x3F9A] =	sst s1;
	(tag) =	ssettag s2;
	_ =	strace s9  }
0x27: {  	s1 =	sld [smem:$0x3FAA]  }
0x28: {  	s2 =	sld [smem:$0x3FAB]  }
0x29: {  	s4 =	sld [smem:$0x3FAD]  }
0x2a: {  	p0 =	seq.s32 s5, $0x0;
	s5 =	sld [smem:$0x3FAE]  }
0x2b: {  	s6 =	sld [smem:$0x3FAF]  }
0x2c: {  	s7 =	sld [smem:$0x3FB0]  }
0x2d: {  	s3 =	simm.s32 $0x108;
	s8 =	sld [smem:$0x3FB1]  }
0x2e: {  	s3 =	simm.s32 @!p0 $0x1082;
	s9 =	sld [smem:$0x3FB2]  }
0x2f: {  	lr =	sadd.s32 s0, s3;
	s0 =	sld [smem:$0x3FA9]  }
0x30: {  	s3 =	sld [smem:$0x3FAC]  }
0x31: {  	[smem:$0x3FB5] =	sst s10  }
0x32: {  	s10 =	sld [smem:$0x3FB3];
	_ =	sdelay $0x3  }
0x33: {  	p0 =	seq.s32 s10, $0x1;
	s10 =	sld [smem:$0x3FB5];
	_ =	sdelay $0x3  }
0x34: {  	[smem:$0x3FB5] =	sst s10  }
0x35: {  	s10 =	sld [smem:$0x3FB4];
	_ =	sdelay $0x3  }
0x36: {  	p1 =	seq.s32 s10, $0x1;
	s10 =	sld [smem:$0x3FB5];
	_ =	sdelay $0x3  }
0x37: {  	[smem:$0x3FB5] =	sst s10  }
0x38: {  	s10 =	sld [smem:$0x3FB6]  }
0x39: {  	_ = 	snop;
	(pc) =	sbr.ind lr, $3  }
0x3a: {  	_ = 	snop  }
0x3b: {  	_ = 	snop  }
0x3c: {  	p2 =	seq.s32 s10, $0x1;
	s10 =	sld [smem:$0x3FB5]  }
0x3d: {  	_ =	shalt  }
0x3e: {  	_ =	shalt  }
0x3f: {  	_ =	shalt  }
0x40: {  	_ =	shalt  }
0x41: {  	_ =	shalt  }
0x42: {  	_ =	shalt  }
0x43: {  	_ =	shalt  }
0x44: {  	_ =	shalt  }
0x45: {  	_ =	shalt  }
0x46: {  	_ =	shalt  }
0x47: {  	_ =	shalt  }
0x48: {  	_ =	shalt  }
0x49: {  	_ =	shalt  }
0x4a: {  	_ =	shalt  }
0x4b: {  	_ =	shalt  }
0x4c: {  	_ =	shalt  }
0x4d: {  	_ =	shalt  }
0x4e: {  	_ =	shalt  }
0x4f: {  	_ =	shalt  }
0x50: {  	_ =	shalt  }
0x51: {  	_ =	shalt  }
0x52: {  	_ =	shalt  }
0x53: {  	_ =	shalt  }
0x54: {  	_ =	shalt  }
0x55: {  	_ =	shalt  }
0x56: {  	_ =	shalt  }
0x57: {  	_ =	shalt  }
0x58: {  	_ =	shalt  }
0x59: {  	_ =	shalt  }
0x5a: {  	_ =	shalt  }
0x5b: {  	_ =	shalt  }
0x5c: {  	_ =	shalt  }
0x5d: {  	_ =	shalt  }
0x5e: {  	_ =	shalt  }
0x5f: {  	_ =	shalt  }
0x60: {  	_ =	shalt  }
0x61: {  	_ =	shalt  }
0x62: {  	_ =	shalt  }
0x63: {  	_ =	shalt  }
0x64: {  	_ =	shalt  }
0x65: {  	_ =	shalt  }
0x66: {  	_ =	shalt  }
0x67: {  	_ =	shalt  }
0x68: {  	_ =	shalt  }
0x69: {  	_ =	shalt  }
0x6a: {  	_ =	shalt  }
0x6b: {  	_ =	shalt  }
0x6c: {  	_ =	shalt  }
0x6d: {  	_ =	shalt  }
0x6e: {  	_ =	shalt  }
0x6f: {  	_ =	shalt  }
0x70: {  	_ =	shalt  }
0x71: {  	_ =	shalt  }
0x72: {  	_ =	shalt  }
0x73: {  	_ =	shalt  }
0x74: {  	_ =	shalt  }
0x75: {  	_ =	shalt  }
0x76: {  	_ =	shalt  }
0x77: {  	_ =	shalt  }
0x78: {  	_ =	shalt  }
0x79: {  	_ =	shalt  }
0x7a: {  	_ =	shalt  }
0x7b: {  	_ =	shalt  }
0x7c: {  	_ =	shalt  }
0x7d: {  	_ =	shalt  }
0x7e: {  	_ =	shalt  }
0x7f: {  	_ =	shalt  }
0x80: {  	_ =	shalt  }
0x81: {  	_ =	shalt  }
0x82: {  	_ =	shalt  }
0x83: {  	_ =	shalt  }
0x84: {  	_ =	shalt  }
0x85: {  	_ =	shalt  }
0x86: {  	_ =	shalt  }
0x87: {  	_ =	shalt  }
.Lfunc_end0:
.L_simem_size_0:
called_computation.3_lowered:
.L_overlay_start_0:
0x88: {  	s2 =	sld [smem:$0x3FD9]  }
0x89: {  	s3 =	sld [smem:$0x3FFE];
	_ =	sdelay $0x1  }
0x8a: {  	s1 =	srdreg.scid  }
0x8b: {  	s0 =	sand.u32 $0x1, s1  }
0x8c: {  	s14 =	sshll.u32 s0, $0xA;
	s2 =	sadd.s32 s3, s2  }
0x8d: {  	s2 =	sadd.s32 s2, s14  }
0x8e: {  	[smem:$0x3FC1] =	sst s2  }
0x8f: {  	_ = 	snop  }
0x90: {  	s2 =	sld [smem:$0x3FD0];
	_ =	sdelay $0x2  }
0x91: {  	s15 =	simm.s32 $0xA;
	s4 =	simm.s32 $0x10  }
0x92: {  	[smem:s4], [sflag:s15] =	dma.local [hbm:s2], $0x1  }
0x93: {  	_ =	swait.eq [sflag:s15], $0x1  }
0x94: {  	[sflag:s15] =	ssyncset.done $0x0  }
0x95: {  	[sflag:s15] =	ssyncadd.s32 $0xFFFFFFFF  }
0x96: {  	s16 =	sld [smem:$0x10];
	(tm) =	ssettm $0x1  }
0x97: {  	s17 =	sld [smem:$0x3FFB];
	_ =	sdelay $0x3  }
0x98: {  	_ =	strace s17  }
0x99: {  	s3 =	sld [smem:$0x3FFC];
	_ =	sdelay $0x3  }
0x9a: {  	_ =	strace s3  }
0x9b: {  	s3 =	sld [smem:$0x3FFD];
	_ =	sdelay $0x3  }
0x9c: {  	_ =	strace s3  }
0x9d: {  	_ =	strace $0x8FFFFFFF  }
0x9e: {  	s18 =	sld [smem:$0x3FDB];
	_ =	sdelay $0x1  }
0x9f: {  	s19 =	simm.s32 $_scs_section_size  }
0xa0: {  	s5 =	simm.s32 $_size__tile_overlayer_lowered;
	s6 =	simm.s32 $_tile_overlayer_lowered  }
0xa1: {  	s22 =	simm.s32 $0x1BFF;
	s21 =	sshll.u32 s6, $0x1;
	s3 =	sadd.s32 s19, s18  }
0xa2: {  	s7 =	simm.s32 $0x0;
	s20 =	sshll.u32 s5, $0x1;
	s5 =	sadd.s32 s21, s3  }
0xa3: {  	[timem:s7], [sflag:s22] =	dma.local [hbm:s5], s20  }
0xa4: {  	_ =	swait.ge [sflag:s22], s20  }
0xa5: {  	s4 =	ssub.s32 $0x0, s20;
	[sflag:s22] =	ssyncset.done $0x0  }
0xa6: {  	[sflag:s22] =	ssyncadd.s32 s4;
	_ =	sdelay $0x1  }
0xa7: {  	s23 =	simm.s32 $0x1B8B  }
0xa8: {  	_ =	swait.ge [sflag:s23], $0x1  }
0xa9: {  	[sflag:s23] =	ssyncset.done $0x0  }
0xaa: {  	s25 =	simm.s32 $0x1B8E;
	s24 =	sld [smem:$0x3FFE];
	[sflag:s23] =	ssyncadd.s32 $0xFFFFFFFF  }
0xab: {  	s26 =	simm.s32 $execute0_lowered;
	[smem:$0x3FD2] =	sst s25  }
0xac: {  	s5 =	sshll.u32 s26, $0x1;
	_ =	strace $0x8000004F;
	[dreg:$0x1] =	wrdreg $0xFFFFFFFF  }
0xad: {  	s28 =	simm.s32 $_size_execute0_lowered;
	s3 =	sadd.s32 s3, s5;
	[dreg:$0x0] =	wrdreg $0x0  }
0xae: {  	s5 =	sshll.u32 s28, $0x1;
	[dreg:$0x2] =	wrdreg s3  }
0xaf: {  	[dreg:$0x3] =	wrdreg s5  }
0xb0: {  	[dreg:$0x4] =	wrdreg $0xC0  }
0xb1: {  	_ =	task [dreg:s7], $0x5FFFF  }
0xb2: {  	[dreg:$0x1] =	wrdreg $0xFFFFFFFF  }
0xb3: {  	[dreg:$0x0] =	wrdreg $0x60  }
0xb4: {  	[dreg:$0x2] =	wrdreg s24  }
0xb5: {  	[dreg:$0x3] =	wrdreg s16  }
0xb6: {  	[dreg:$0x4] =	wrdreg $0x0  }
0xb7: {  	[dreg:$0x5] =	wrdreg $0x9  }
0xb8: {  	_ =	task.clear_ibuf [dreg:s7], $0x6FFFF;
	_ =	strace $0x9000004F  }
0xb9: {  	s29 =	simm.s32 $0x9;
	_ =	strace $0x80000051  }
0xba: {  	_ =	swait.ge [sflag:s29], $0x1  }
0xbb: {  	[sflag:s29] =	ssyncadd.s32 $0xFFFFFFFF  }
0xbc: {  	_ =	strace $0x90000051  }
0xbd: {  	_ =	sfence  }
0xbe: {  	s30 =	sld [smem:$0x0];
	_ =	sdelay $0x2  }
0xbf: {  	s31 =	sshll.u32 s1, $0xD;
	s1 =	sshrl.u32 s1, $0x2  }
0xc0: {  	s3 =	sand.u32 $0x4000, s31;
	s1 =	sadd.s32 s1, s30  }
0xc1: {  	s0 =	sor.u32 s3, s0;
	s1 =	sshll.u32 s1, $0x11  }
0xc2: {  	s0 =	sor.u32 s1, s0  }
0xc3: {  	s0 =	sadd.s32 $0x8F2B, s0  }
0xc4: {  	[sflag:s0] =	ssyncadd.remote.s32 $0x1  }
0xc5: {  	_ =	sfence.sel $0xFFFF  }
0xc6: {  	[dreg:$0x0] =	wrdreg $0xFFFFFFFF;
	(pc) =	sbr.abs _section_cstart, $3  }
0xc7: {  	[dreg:$0x1] =	wrdreg $0xFFFFFFFF  }
0xc8: {  	_ =	task.clear_ibuf [dreg:s7], $0x2FFFF;
	_ =	strace $0x9FFFFFFF  }
0xc9: {  	(tm) =	ssettm $0x7FFFFFFF  }
tec
execute0_lowered:
.L_overlay_start_1:
0x0: {  	(tag) =	ssettag $0x1  }
0x1: {  	s4 =	rddreg [dreg:$0x0]  }
0x2: {  	s5 =	rddreg [dreg:$0x1]  }
0x3: {  	s2 =	rddreg [dreg:$0x2]  }
0x4: {  	s3 =	simm.s32 $0x0;
	s10 =	stileid.u32;
	s7 =	srdreg.scid  }
0x5: {  	[smem:$0x7FF] =	sst s3;
	s0 =	sshll.u32 s10, $0xC;
	s1 =	sshll.u32 s10, $0x5  }
0x6: {  	s6 =	sshll.u32 s10, $0x8;
	s15 =	sand.u32 $0x1, s7;
	s1 =	sadd.s32 s1, s4  }
0x7: {  	_ =	strace $0x80000050;
	s0 =	sadd.s32 s0, s4;
	s1 =	sadd.s32 $0x24400, s1  }
0x8: {  	s6 =	sadd.s32 s6, s4;
	s20 =	sadd.s32 $0x14C00, s0;
	[dreg:$0x4] =	wrdreg s1  }
0x9: {  	s8 =	sshll.u32 s15, $0x13;
	s21 =	sadd.s32 $0x4C00, s0;
	[dreg:$0x5] =	wrdreg s20  }
0xa: {  	s22 =	sadd.s32 $0x3400, s6;
	s1 =	sshll.u32 s10, $0xF;
	[dreg:$0x6] =	wrdreg s21  }
0xb: {  	[dreg:$0x7] =	wrdreg s22;
	s21 =	simm.s32 $0x8000;
	s8 =	sor.u32 s1, s8  }
0xc: {  	s22 =	simm.s32 $0x8100;
	[dreg:$0x18] =	wrdreg s21;
	s11 =	sadd.s32 s5, s8  }
0xd: {  	[dreg:$0x19] =	wrdreg s22;
	s5 =	sadd.s32 $0x800, s11  }
0xe: {  	s23 =	sadd.s32 $0x1000, s11;
	[dreg:$0x8] =	wrdreg s5  }
0xf: {  	s24 =	sadd.s32 $0x1800, s11;
	[dreg:$0x9] =	wrdreg s23  }
0x10: {  	s25 =	sadd.s32 $0x2000, s11;
	[dreg:$0xa] =	wrdreg s24  }
0x11: {  	s26 =	sadd.s32 $0x2800, s11;
	[dreg:$0xb] =	wrdreg s25  }
0x12: {  	s7 =	sadd.s32 $0x3000, s11;
	[dreg:$0xc] =	wrdreg s26  }
0x13: {  	s8 =	sadd.s32 $0x3800, s11;
	[dreg:$0xd] =	wrdreg s7  }
0x14: {  	s9 =	sadd.s32 $0x4000, s11;
	[dreg:$0xe] =	wrdreg s8  }
0x15: {  	s13 =	sadd.s32 $0x4800, s11;
	[dreg:$0xf] =	wrdreg s9  }
0x16: {  	s14 =	sadd.s32 $0x5000, s11;
	[dreg:$0x10] =	wrdreg s13  }
0x17: {  	s16 =	sadd.s32 $0x5800, s11;
	[dreg:$0x11] =	wrdreg s14  }
0x18: {  	s17 =	sadd.s32 $0x6000, s11;
	[dreg:$0x12] =	wrdreg s16  }
0x19: {  	s18 =	sadd.s32 $0x6800, s11;
	[dreg:$0x13] =	wrdreg s17  }
0x1a: {  	s19 =	sadd.s32 $0x7000, s11;
	[dreg:$0x14] =	wrdreg s18  }
0x1b: {  	s20 =	sadd.s32 $0x7800, s11;
	[dreg:$0x15] =	wrdreg s19  }
0x1c: {  	[dreg:$0x16] =	wrdreg s20  }
0x1d: {  	s17 =	rddreg [dreg:$0x4]  }
0x1e: {  	s23 =	simm.s32 $0x8180;
	s19 =	rddreg [dreg:$0x18]  }
0x1f: {  	s24 =	simm.s32 $0x8200;
	[dreg:$0x1a] =	wrdreg s23  }
0x20: {  	s25 =	simm.s32 $0x8280;
	[dreg:$0x1b] =	wrdreg s24  }
0x21: {  	s26 =	simm.s32 $0x8300;
	[dreg:$0x1c] =	wrdreg s25  }
0x22: {  	s5 =	simm.s32 $0x8380;
	[dreg:$0x1d] =	wrdreg s26  }
0x23: {  	s8 =	simm.s32 $0x8500;
	[dreg:$0x1e] =	wrdreg s5  }
0x24: {  	s12 =	sshll.u32 s10, $0xB;
	s9 =	simm.s32 $0x8580;
	[smem:$0x7F6] =	sst s8  }
0x25: {  	s7 =	sadd.s32 $0xFFFFC000, s12;
	s12 =	simm.s32 $0x8600;
	[smem:$0x7F7] =	sst s9  }
0x26: {  	s13 =	simm.s32 $0x8680;
	[smem:$0x7F8] =	sst s12  }
0x27: {  	p0 =	slt.u32 s10, $0x8;
	s14 =	simm.s32 $0x8700;
	[smem:$0x7F9] =	sst s13  }
0x28: {  	s6 =	sadd.s32 $0x64400, s6;
	s16 =	simm.s32 $0x8780;
	[smem:$0x7FA] =	sst s14  }
0x29: {  	s18 =	simm.s32 $0x8800;
	s7 =	sshrl.u32 s7, $0x3;
	[smem:$0x7FB] =	sst s16  }
0x2a: {  	[tilespmem:s19], [sflag:$0x6] =	stream.linear.gather [hbm4b:s17+s3], $0x100, $0x38;
	[tilespmem:$0x1C900] =	vst v63  }
0x2b: {  	s20 =	simm.s32 $0x8880;
	[smem:$0x7FC] =	sst s18;
	s4 =	sadd.s32 s7, s4  }
0x2c: {  	[smem:$0x7FD] =	sst s20;
	s7 =	simm.s32 $0x8480;
	s4 =	sadd.s32 $0x84C00, s4  }
0x2d: {  	[smem:$0x7F5] =	sst s7;
	s4 =	smov.u32 @p0 s6  }
0x2e: {  	s6 =	simm.s32 $0x8400;
	[dreg:$0x17] =	wrdreg s4  }
0x2f: {  	s1 =	sadd.s32 s1, s2;
	s5 =	simm.s32 $0x6;
	[dreg:$0x1f] =	wrdreg s6  }
0x30: {  	s9 =	sadd.s32 $0x4400, s0;
	p0 =	sne.s32 s15, $0x0;
	_ =	swait.ge [sflag:s5], $0x100  }
0x31: {  	s6 =	sadd.s32 $0x14400, s0;
	s7 =	simm.s32 @!p0 $0x8900;
	[sflag:s5] =	ssyncset.done $0x0  }
0x32: {  	s8 =	simm.s32 @!p0 $0x0;
	s0 =	sshll.u32 @!p0 s10, $0x6;
	[sflag:s5] =	ssyncadd.s32 $0xFFFFFF00  }
0x33: {  	[tilespmem:s7], [sflag:$0x1] =	stream.linear.gather @!p0 [hbm4b:s6+s8], $0x4000, $0x38;
	[tilespmem:$0x1C900] =	vst v63  }
0x34: {  	s12 =	simm.s32 @!p0 $0xC900;
	s0 =	sor.u32 @!p0 $0x1C06, s0;
	s4 =	rddreg [dreg:$0x5]  }
0x35: {  	[tilespmem:s12], [sflag:$0x2] =	stream.linear.gather @!p0 [hbm4b:s4+s8], $0x4000, $0x38;
	[tilespmem:$0x1C900] =	vst v63  }
0x36: {  	[smem:$0x7F2] =	sst s0;
	s4 =	sshrl.u32 @!p0 s1, $0x3  }
0x37: {  	s13 =	simm.s32 @!p0 $0x6;
	[smem:$0x7F1] =	sst s4  }
0x38: {  	[spmem:s4], [sflag:s0] =	dma.local @!p0 [hbm:s9], $0x1000  }
0x39: {  	_ =	swait.ge @!p0 [sflag:s13], $0x1000  }
0x3a: {  	[sflag:s13] =	ssyncset.done @!p0 $0x0  }
0x3b: {  	s14 =	simm.s32 @!p0 $0x1;
	[sflag:s13] =	ssyncadd.s32 @!p0 $0xFFFFF000  }
0x3c: {  	_ =	swait.ge @!p0 [sflag:s14], $0x4000  }
0x3d: {  	s17 =	simm.s32 @!p0 $0x2;
	[sflag:s14] =	ssyncset.done @!p0 $0x0  }
0x3e: {  	s0 =	simm.s32 @!p0 $0x80;
	s4 =	simm.s32 @!p0 $0x8000;
	[sflag:s14] =	ssyncadd.s32 @!p0 $0xFFFFC000  }
0x3f: {  	[spmem:s2] =	stream.indirect.scatter.add.f32 @!p0 [tilespmem:s7], [sflag:$0x1], $0x80, s4, s0, $0xb8;
	[tilespmem:$0x1C900] =	vst v63  }
0x40: {  	_ =	swait.ge @!p0 [sflag:s17], $0x4000  }
0x41: {  	[sflag:s17] =	ssyncset.done @!p0 $0x0  }
0x42: {  	s4 =	simm.s32 @!p0 $0x8080;
	[sflag:s17] =	ssyncadd.s32 @!p0 $0xFFFFC000  }
0x43: {  	[spmem:s2] =	stream.indirect.scatter.add.f32 @!p0 [tilespmem:s12], [sflag:$0x2], $0x80, s4, s0, $0xb8;
	[tilespmem:$0x1C900] =	vst v63  }
0x44: {  	_ =	swait.ge @!p0 [sflag:s14], $0x4000  }
0x45: {  	[sflag:s14] =	ssyncset.done @!p0 $0x0  }
0x46: {  	[sflag:s14] =	ssyncadd.s32 @!p0 $0xFFFFC000  }
0x47: {  	p1 =	seq.s32 s15, $0x1;
	_ =	swait.ge @!p0 [sflag:s17], $0x4000  }
0x48: {  	s20 =	simm.s32 @p1 $0x0;
	[sflag:s17] =	ssyncset.done @!p0 $0x0  }
0x49: {  	s1 =	sshrl.u32 @p1 s1, $0x3;
	s7 =	simm.s32 @p1 $0x8900;
	[sflag:s17] =	ssyncadd.s32 @!p0 $0xFFFFC000  }
0x4a: {  	[tilespmem:s7], [sflag:$0x1] =	stream.linear.gather @p1 [hbm4b:s9+s20], $0x4000, $0x38;
	[tilespmem:$0x1C900] =	vst v63  }
0x4b: {  	s12 =	simm.s32 @p1 $0xC900;
	s4 =	sshll.u32 @p1 s10, $0x6;
	s0 =	rddreg [dreg:$0x6]  }
0x4c: {  	[tilespmem:s12], [sflag:$0x2] =	stream.linear.gather @p1 [hbm4b:s0+s20], $0x4000, $0x38;
	[tilespmem:$0x1C900] =	vst v63  }
0x4d: {  	[smem:$0x7F4] =	sst s1;
	s0 =	sor.u32 @p1 $0x1C06, s4  }
0x4e: {  	s24 =	simm.s32 @p1 $0x6;
	[smem:$0x7F3] =	sst s0  }
0x4f: {  	[spmem:s1], [sflag:s0] =	dma.local @p1 [hbm:s6], $0x1000  }
0x50: {  	_ =	swait.ge @p1 [sflag:s24], $0x1000  }
0x51: {  	[sflag:s24] =	ssyncset.done @p1 $0x0  }
0x52: {  	s25 =	simm.s32 @p1 $0x1;
	[sflag:s24] =	ssyncadd.s32 @p1 $0xFFFFF000  }
0x53: {  	_ =	swait.ge @p1 [sflag:s25], $0x4000  }
0x54: {  	s29 =	simm.s32 @p1 $0x2;
	[sflag:s25] =	ssyncset.done @p1 $0x0  }
0x55: {  	s26 =	simm.s32 @p1 $0x80;
	s0 =	simm.s32 @p1 $0x8000;
	[sflag:s25] =	ssyncadd.s32 @p1 $0xFFFFC000  }
0x56: {  	[spmem:s2] =	stream.indirect.scatter.add.f32 @p1 [tilespmem:s7], [sflag:$0x1], $0x80, s0, s26, $0xb8;
	[tilespmem:$0x1C900] =	vst v63  }
0x57: {  	_ =	swait.ge @p1 [sflag:s29], $0x4000  }
0x58: {  	[sflag:s29] =	ssyncset.done @p1 $0x0  }
0x59: {  	s0 =	simm.s32 @p1 $0x8080;
	[sflag:s29] =	ssyncadd.s32 @p1 $0xFFFFC000  }
0x5a: {  	[spmem:s2] =	stream.indirect.scatter.add.f32 @p1 [tilespmem:s12], [sflag:$0x2], $0x80, s0, s26, $0xb8;
	[tilespmem:$0x1C900] =	vst v63  }
0x5b: {  	_ =	swait.ge @p1 [sflag:s25], $0x4000  }
0x5c: {  	[sflag:s25] =	ssyncset.done @p1 $0x0  }
0x5d: {  	[sflag:s25] =	ssyncadd.s32 @p1 $0xFFFFC000  }
0x5e: {  	_ =	swait.ge @p1 [sflag:s29], $0x4000  }
0x5f: {  	[sflag:s29] =	ssyncset.done @p1 $0x0  }
0x60: {  	[sflag:s29] =	ssyncadd.s32 @p1 $0xFFFFC000  }
0x61: {  	[bflag:$0x0] =	sbarrier.arrive $0xFFFF  }
0x62: {  	s1 =	simm.s32 @!p0 $0x8100;
	s0 =	rddreg [dreg:$0x7]  }
0x63: {  	[tilespmem:s1], [sflag:$0x6] =	stream.linear.gather @!p0 [hbm4b:s0+s8], $0x800, $0x38;
	[tilespmem:$0x1C900] =	vst v63  }
0x64: {  	_ =	swait.ge @!p0 [sflag:s13], $0x800  }
0x65: {  	[sflag:s13] =	ssyncset.done @!p0 $0x0  }
0x66: {  	s1 =	simm.s32 @p1 $0x8100;
	s0 =	rddreg [dreg:$0x17];
	[sflag:s13] =	ssyncadd.s32 @!p0 $0xFFFFF800  }
0x67: {  	[tilespmem:s1], [sflag:$0x6] =	stream.linear.gather @p1 [hbm4b:s0+s20], $0x800, $0x38;
	[tilespmem:$0x1C900] =	vst v63  }
0x68: {  	_ =	swait.ge @p1 [sflag:s24], $0x800  }
0x69: {  	s16 =	simm.s32 $0x8900;
	[sflag:s24] =	ssyncset.done @p1 $0x0  }
0x6a: {  	s1 =	simm.s32 $0x80;
	s21 =	rddreg [dreg:$0x19];
	[sflag:s24] =	ssyncadd.s32 @p1 $0xFFFFF800  }
0x6b: {  	[tilespmem:s16], [sflag:$0x1] =	stream.indirect.gather [spmem:s2], $0x80, s21, s1, $0xb8;
	[tilespmem:$0x1C900] =	vst v63  }
0x6c: {  	s18 =	simm.s32 $0xC900;
	s22 =	rddreg [dreg:$0x1a]  }
0x6d: {  	[tilespmem:s18], [sflag:$0x2] =	stream.indirect.gather [spmem:s2], $0x80, s22, s1, $0xb8;
	[tilespmem:$0x1C900] =	vst v63  }
0x6e: {  	s28 =	simm.s32 $0x10900;
	s23 =	rddreg [dreg:$0x1b]  }
0x6f: {  	[tilespmem:s28], [sflag:$0x3] =	stream.indirect.gather [spmem:s2], $0x80, s23, s1, $0xb8;
	[tilespmem:$0x1C900] =	vst v63  }
0x70: {  	s30 =	simm.s32 $0x14900;
	s7 =	rddreg [dreg:$0x1c]  }
0x71: {  	[tilespmem:s30], [sflag:$0x4] =	stream.indirect.gather [spmem:s2], $0x80, s7, s1, $0xb8;
	[tilespmem:$0x1C900] =	vst v63  }
0x72: {  	s31 =	simm.s32 $0x1;
	s0 =	simm.s32 $0x18900;
	s10 =	rddreg [dreg:$0x1d]  }
0x73: {  	[tilespmem:s0], [sflag:$0x5] =	stream.indirect.gather [spmem:s2], $0x80, s10, s1, $0xb8;
	[tilespmem:$0x1C900] =	vst v63  }
0x74: {  	_ =	swait.ge [sflag:s31], $0x4000  }
0x75: {  	[sflag:s31] =	ssyncset.done $0x0  }
0x76: {  	[sflag:s31] =	ssyncadd.s32 $0xFFFFC000  }
0x77: {  	[hbm4b:s11+s3] =	stream.linear.scatter [tilespmem:s16], [sflag:$0x1], $0x4000, $0x38;
	[tilespmem:$0x1C900] =	vst v63  }
0x78: {  	_ =	swait.ge [sflag:s31], $0x4000  }
0x79: {  	[sflag:s31] =	ssyncset.done $0x0  }
0x7a: {  	s4 =	simm.s32 $0x2;
	s12 =	rddreg [dreg:$0x1e];
	[sflag:s31] =	ssyncadd.s32 $0xFFFFC000  }
0x7b: {  	[tilespmem:s16], [sflag:$0x1] =	stream.indirect.gather [spmem:s2], $0x80, s12, s1, $0xb8;
	[tilespmem:$0x1C900] =	vst v63  }
0x7c: {  	_ =	swait.ge [sflag:s4], $0x4000  }
0x7d: {  	[sflag:s4] =	ssyncset.done $0x0  }
0x7e: {  	s19 =	rddreg [dreg:$0x8];
	[sflag:s4] =	ssyncadd.s32 $0xFFFFC000  }
0x7f: {  	[hbm4b:s19+s3] =	stream.linear.scatter [tilespmem:s18], [sflag:$0x2], $0x4000, $0x38;
	[tilespmem:$0x1C900] =	vst v63  }
0x80: {  	_ =	swait.ge [sflag:s4], $0x4000  }
0x81: {  	[sflag:s4] =	ssyncset.done $0x0  }
0x82: {  	s7 =	simm.s32 $0x3;
	s21 =	rddreg [dreg:$0x1f];
	[sflag:s4] =	ssyncadd.s32 $0xFFFFC000  }
0x83: {  	[tilespmem:s18], [sflag:$0x2] =	stream.indirect.gather [spmem:s2], $0x80, s21, s1, $0xb8;
	[tilespmem:$0x1C900] =	vst v63  }
0x84: {  	_ =	swait.ge [sflag:s7], $0x4000  }
0x85: {  	[sflag:s7] =	ssyncset.done $0x0  }
0x86: {  	s23 =	rddreg [dreg:$0x9];
	[sflag:s7] =	ssyncadd.s32 $0xFFFFC000  }
0x87: {  	[hbm4b:s23+s3] =	stream.linear.scatter [tilespmem:s28], [sflag:$0x3], $0x4000, $0x38;
	[tilespmem:$0x1C900] =	vst v63  }
0x88: {  	_ =	swait.ge [sflag:s7], $0x4000  }
0x89: {  	s22 =	smov.u32 s11;
	s11 =	sld [smem:$0x7F5]  }
0x8a: {  	[sflag:s7] =	ssyncset.done $0x0  }
0x8b: {  	s10 =	simm.s32 $0x4;
	[sflag:s7] =	ssyncadd.s32 $0xFFFFC000  }
0x8c: {  	[tilespmem:s28], [sflag:$0x3] =	stream.indirect.gather [spmem:s2], $0x80, s11, s1, $0xb8;
	[tilespmem:$0x1C900] =	vst v63  }
0x8d: {  	_ =	swait.ge [sflag:s10], $0x4000  }
0x8e: {  	[sflag:s10] =	ssyncset.done $0x0  }
0x8f: {  	s12 =	rddreg [dreg:$0xa];
	[sflag:s10] =	ssyncadd.s32 $0xFFFFC000  }
0x90: {  	[hbm4b:s12+s3] =	stream.linear.scatter [tilespmem:s30], [sflag:$0x4], $0x4000, $0x38;
	[tilespmem:$0x1C900] =	vst v63  }
0x91: {  	_ =	swait.ge [sflag:s10], $0x4000  }
0x92: {  	s19 =	sld [smem:$0x7F6]  }
0x93: {  	[sflag:s10] =	ssyncset.done $0x0  }
0x94: {  	s11 =	simm.s32 $0x5;
	[sflag:s10] =	ssyncadd.s32 $0xFFFFC000  }
0x95: {  	[tilespmem:s30], [sflag:$0x4] =	stream.indirect.gather [spmem:s2], $0x80, s19, s1, $0xb8;
	[tilespmem:$0x1C900] =	vst v63  }
0x96: {  	_ =	swait.ge [sflag:s11], $0x4000  }
0x97: {  	[sflag:s11] =	ssyncset.done $0x0  }
0x98: {  	s21 =	rddreg [dreg:$0xb];
	[sflag:s11] =	ssyncadd.s32 $0xFFFFC000  }
0x99: {  	[hbm4b:s21+s3] =	stream.linear.scatter [tilespmem:s0], [sflag:$0x5], $0x4000, $0x38;
	[tilespmem:$0x1C900] =	vst v63  }
0x9a: {  	_ =	swait.ge [sflag:s11], $0x4000  }
0x9b: {  	s23 =	sld [smem:$0x7F7]  }
0x9c: {  	[sflag:s11] =	ssyncset.done $0x0  }
0x9d: {  	[sflag:s11] =	ssyncadd.s32 $0xFFFFC000  }
0x9e: {  	[tilespmem:s0], [sflag:$0x5] =	stream.indirect.gather [spmem:s2], $0x80, s23, s1, $0xb8;
	[tilespmem:$0x1C900] =	vst v63  }
0x9f: {  	_ =	swait.ge [sflag:s31], $0x4000  }
0xa0: {  	[sflag:s31] =	ssyncset.done $0x0  }
0xa1: {  	s19 =	rddreg [dreg:$0xc];
	[sflag:s31] =	ssyncadd.s32 $0xFFFFC000  }
0xa2: {  	[hbm4b:s19+s3] =	stream.linear.scatter [tilespmem:s16], [sflag:$0x1], $0x4000, $0x38;
	[tilespmem:$0x1C900] =	vst v63  }
0xa3: {  	_ =	swait.ge [sflag:s31], $0x4000  }
0xa4: {  	s21 =	sld [smem:$0x7F8]  }
0xa5: {  	[sflag:s31] =	ssyncset.done $0x0  }
0xa6: {  	[sflag:s31] =	ssyncadd.s32 $0xFFFFC000  }
0xa7: {  	[tilespmem:s16], [sflag:$0x1] =	stream.indirect.gather [spmem:s2], $0x80, s21, s1, $0xb8;
	[tilespmem:$0x1C900] =	vst v63  }
0xa8: {  	_ =	swait.ge [sflag:s4], $0x4000  }
0xa9: {  	[sflag:s4] =	ssyncset.done $0x0  }
0xaa: {  	s23 =	rddreg [dreg:$0xd];
	[sflag:s4] =	ssyncadd.s32 $0xFFFFC000  }
0xab: {  	[hbm4b:s23+s3] =	stream.linear.scatter [tilespmem:s18], [sflag:$0x2], $0x4000, $0x38;
	[tilespmem:$0x1C900] =	vst v63  }
0xac: {  	_ =	swait.ge [sflag:s4], $0x4000  }
0xad: {  	s19 =	sld [smem:$0x7F9]  }
0xae: {  	[sflag:s4] =	ssyncset.done $0x0  }
0xaf: {  	[sflag:s4] =	ssyncadd.s32 $0xFFFFC000  }
0xb0: {  	[tilespmem:s18], [sflag:$0x2] =	stream.indirect.gather [spmem:s2], $0x80, s19, s1, $0xb8;
	[tilespmem:$0x1C900] =	vst v63  }
0xb1: {  	_ =	swait.ge [sflag:s7], $0x4000  }
0xb2: {  	[sflag:s7] =	ssyncset.done $0x0  }
0xb3: {  	s21 =	rddreg [dreg:$0xe];
	[sflag:s7] =	ssyncadd.s32 $0xFFFFC000  }
0xb4: {  	[hbm4b:s21+s3] =	stream.linear.scatter [tilespmem:s28], [sflag:$0x3], $0x4000, $0x38;
	[tilespmem:$0x1C900] =	vst v63  }
0xb5: {  	_ =	swait.ge [sflag:s7], $0x4000  }
0xb6: {  	s23 =	sld [smem:$0x7FA]  }
0xb7: {  	[sflag:s7] =	ssyncset.done $0x0  }
0xb8: {  	[sflag:s7] =	ssyncadd.s32 $0xFFFFC000  }
0xb9: {  	[tilespmem:s28], [sflag:$0x3] =	stream.indirect.gather [spmem:s2], $0x80, s23, s1, $0xb8;
	[tilespmem:$0x1C900] =	vst v63  }
0xba: {  	_ =	swait.ge [sflag:s10], $0x4000  }
0xbb: {  	[sflag:s10] =	ssyncset.done $0x0  }
0xbc: {  	s19 =	rddreg [dreg:$0xf];
	[sflag:s10] =	ssyncadd.s32 $0xFFFFC000  }
0xbd: {  	[hbm4b:s19+s3] =	stream.linear.scatter [tilespmem:s30], [sflag:$0x4], $0x4000, $0x38;
	[tilespmem:$0x1C900] =	vst v63  }
0xbe: {  	_ =	swait.ge [sflag:s10], $0x4000  }
0xbf: {  	s21 =	sld [smem:$0x7FB]  }
0xc0: {  	[sflag:s10] =	ssyncset.done $0x0  }
0xc1: {  	[sflag:s10] =	ssyncadd.s32 $0xFFFFC000  }
0xc2: {  	[tilespmem:s30], [sflag:$0x4] =	stream.indirect.gather [spmem:s2], $0x80, s21, s1, $0xb8;
	[tilespmem:$0x1C900] =	vst v63  }
0xc3: {  	_ =	swait.ge [sflag:s11], $0x4000  }
0xc4: {  	[sflag:s11] =	ssyncset.done $0x0  }
0xc5: {  	s23 =	rddreg [dreg:$0x10];
	[sflag:s11] =	ssyncadd.s32 $0xFFFFC000  }
0xc6: {  	[hbm4b:s23+s3] =	stream.linear.scatter [tilespmem:s0], [sflag:$0x5], $0x4000, $0x38;
	[tilespmem:$0x1C900] =	vst v63  }
0xc7: {  	_ =	swait.ge [sflag:s11], $0x4000  }
0xc8: {  	s19 =	sld [smem:$0x7FC]  }
0xc9: {  	[sflag:s11] =	ssyncset.done $0x0  }
0xca: {  	[sflag:s11] =	ssyncadd.s32 $0xFFFFC000  }
0xcb: {  	[tilespmem:s0], [sflag:$0x5] =	stream.indirect.gather [spmem:s2], $0x80, s19, s1, $0xb8;
	[tilespmem:$0x1C900] =	vst v63  }
0xcc: {  	_ =	swait.ge [sflag:s31], $0x4000  }
0xcd: {  	[sflag:s31] =	ssyncset.done $0x0  }
0xce: {  	s21 =	rddreg [dreg:$0x11];
	[sflag:s31] =	ssyncadd.s32 $0xFFFFC000  }
0xcf: {  	[hbm4b:s21+s3] =	stream.linear.scatter [tilespmem:s16], [sflag:$0x1], $0x4000, $0x38;
	[tilespmem:$0x1C900] =	vst v63  }
0xd0: {  	_ =	swait.ge [sflag:s31], $0x4000  }
0xd1: {  	s23 =	sld [smem:$0x7FD]  }
0xd2: {  	[sflag:s31] =	ssyncset.done $0x0  }
0xd3: {  	[sflag:s31] =	ssyncadd.s32 $0xFFFFC000  }
0xd4: {  	[tilespmem:s16], [sflag:$0x1] =	stream.indirect.gather [spmem:s2], $0x80, s23, s1, $0xb8;
	[tilespmem:$0x1C900] =	vst v63  }
0xd5: {  	_ =	swait.ge [sflag:s4], $0x4000  }
0xd6: {  	[sflag:s4] =	ssyncset.done $0x0  }
0xd7: {  	s19 =	rddreg [dreg:$0x12];
	[sflag:s4] =	ssyncadd.s32 $0xFFFFC000  }
0xd8: {  	[hbm4b:s19+s3] =	stream.linear.scatter [tilespmem:s18], [sflag:$0x2], $0x4000, $0x38;
	[tilespmem:$0x1C900] =	vst v63  }
0xd9: {  	_ =	swait.ge [sflag:s7], $0x4000  }
0xda: {  	[sflag:s7] =	ssyncset.done $0x0  }
0xdb: {  	s21 =	rddreg [dreg:$0x13];
	[sflag:s7] =	ssyncadd.s32 $0xFFFFC000  }
0xdc: {  	[hbm4b:s21+s3] =	stream.linear.scatter [tilespmem:s28], [sflag:$0x3], $0x4000, $0x38;
	[tilespmem:$0x1C900] =	vst v63  }
0xdd: {  	_ =	swait.ge [sflag:s10], $0x4000  }
0xde: {  	[sflag:s10] =	ssyncset.done $0x0  }
0xdf: {  	s23 =	rddreg [dreg:$0x14];
	[sflag:s10] =	ssyncadd.s32 $0xFFFFC000  }
0xe0: {  	[hbm4b:s23+s3] =	stream.linear.scatter [tilespmem:s30], [sflag:$0x4], $0x4000, $0x38;
	[tilespmem:$0x1C900] =	vst v63  }
0xe1: {  	_ =	swait.ge [sflag:s11], $0x4000  }
0xe2: {  	[sflag:s11] =	ssyncset.done $0x0  }
0xe3: {  	s19 =	rddreg [dreg:$0x15];
	[sflag:s11] =	ssyncadd.s32 $0xFFFFC000  }
0xe4: {  	[hbm4b:s19+s3] =	stream.linear.scatter [tilespmem:s0], [sflag:$0x5], $0x4000, $0x38;
	[tilespmem:$0x1C900] =	vst v63  }
0xe5: {  	_ =	swait.ge [sflag:s31], $0x4000  }
0xe6: {  	[sflag:s31] =	ssyncset.done $0x0  }
0xe7: {  	s21 =	rddreg [dreg:$0x16];
	[sflag:s31] =	ssyncadd.s32 $0xFFFFC000  }
0xe8: {  	[hbm4b:s21+s3] =	stream.linear.scatter [tilespmem:s16], [sflag:$0x1], $0x4000, $0x38;
	[tilespmem:$0x1C900] =	vst v63  }
0xe9: {  	_ =	swait.ge [sflag:s4], $0x4000  }
0xea: {  	[sflag:s4] =	ssyncset.done $0x0  }
0xeb: {  	s15 =	ssub.s32 $0x2, s15;
	[sflag:s4] =	ssyncadd.s32 $0xFFFFC000  }
0xec: {  	s23 =	sshrl.u32 s15, $0x1;
	_ =	swait.ge [sflag:s7], $0x4000  }
0xed: {  	s12 =	ssub.s32 s15, s23;
	[sflag:s7] =	ssyncset.done $0x0  }
0xee: {  	s12 =	smax.u32 s12, $0x1;
	[sflag:s7] =	ssyncadd.s32 $0xFFFFC000  }
0xef: {  	s12 =	sadd.s32 $0xFFFFFFFF, s12;
	_ =	swait.ge [sflag:s10], $0x4000  }
0xf0: {  	p2 =	sne.s32 s12, $0x0;
	[sflag:s10] =	ssyncset.done $0x0  }
.Ltmp0:
0xf1: {  	[sflag:s10] =	ssyncadd.s32 $0xFFFFC000;
	(pc) =	sbr.rel @!p2 .LBB2_2-.Ltmp0, $4  }
0xf2: {  	_ =	swait.ge [sflag:s11], $0x4000  }
0xf3: {  	[sflag:s11] =	ssyncset.done $0x0  }
0xf4: {  	[sflag:s11] =	ssyncadd.s32 $0xFFFFC000  }
0xf5: {  	_ =	swait.ge [sflag:s31], $0x4000  }
.LBB2_1:
0xf6: {  	s15 =	rddreg [dreg:$0x4];
	[sflag:s31] =	ssyncset.done $0x0  }
0xf7: {  	s19 =	rddreg [dreg:$0x18];
	[sflag:s31] =	ssyncadd.s32 $0xFFFFC000  }
0xf8: {  	[tilespmem:s19], [sflag:$0x6] =	stream.linear.gather [hbm4b:s15+s3], $0x100, $0x38;
	[tilespmem:$0x1C900] =	vst v63  }
0xf9: {  	_ =	swait.ge [sflag:s5], $0x100  }
0xfa: {  	[sflag:s5] =	ssyncset.done $0x0  }
0xfb: {  	s19 =	simm.s32 @!p0 $0x8900;
	s15 =	rddreg [dreg:$0x5];
	[sflag:s5] =	ssyncadd.s32 $0xFFFFFF00  }
0xfc: {  	[tilespmem:s19], [sflag:$0x1] =	stream.linear.gather @!p0 [hbm4b:s6+s8], $0x4000, $0x38;
	[tilespmem:$0x1C900] =	vst v63  }
0xfd: {  	s21 =	simm.s32 @!p0 $0xC900;
	s23 =	sld [smem:$0x7F2]  }
0xfe: {  	[tilespmem:s21], [sflag:$0x2] =	stream.linear.gather @!p0 [hbm4b:s15+s8], $0x4000, $0x38;
	[tilespmem:$0x1C900] =	vst v63  }
0xff: {  	s15 =	sld [smem:$0x7F1];
	_ =	sdelay $0x2  }
0x100: {  	[spmem:s15], [sflag:s23] =	dma.local @!p0 [hbm:s9], $0x1000  }
0x101: {  	_ =	swait.ge @!p0 [sflag:s13], $0x1000  }
0x102: {  	[sflag:s13] =	ssyncset.done @!p0 $0x0  }
0x103: {  	[sflag:s13] =	ssyncadd.s32 @!p0 $0xFFFFF000  }
0x104: {  	_ =	swait.ge @!p0 [sflag:s14], $0x4000  }
0x105: {  	[sflag:s14] =	ssyncset.done @!p0 $0x0  }
0x106: {  	s15 =	simm.s32 @!p0 $0x80;
	s23 =	simm.s32 @!p0 $0x8000;
	[sflag:s14] =	ssyncadd.s32 @!p0 $0xFFFFC000  }
0x107: {  	[spmem:s2] =	stream.indirect.scatter.add.f32 @!p0 [tilespmem:s19], [sflag:$0x1], $0x80, s23, s15, $0xb8;
	[tilespmem:$0x1C900] =	vst v63  }
0x108: {  	_ =	swait.ge @!p0 [sflag:s17], $0x4000  }
0x109: {  	[sflag:s17] =	ssyncset.done @!p0 $0x0  }
0x10a: {  	s19 =	simm.s32 @!p0 $0x8080;
	[sflag:s17] =	ssyncadd.s32 @!p0 $0xFFFFC000  }
0x10b: {  	[spmem:s2] =	stream.indirect.scatter.add.f32 @!p0 [tilespmem:s21], [sflag:$0x2], $0x80, s19, s15, $0xb8;
	[tilespmem:$0x1C900] =	vst v63  }
0x10c: {  	_ =	swait.ge @!p0 [sflag:s14], $0x4000  }
0x10d: {  	[sflag:s14] =	ssyncset.done @!p0 $0x0  }
0x10e: {  	[sflag:s14] =	ssyncadd.s32 @!p0 $0xFFFFC000  }
0x10f: {  	_ =	swait.ge @!p0 [sflag:s17], $0x4000  }
0x110: {  	[sflag:s17] =	ssyncset.done @!p0 $0x0  }
0x111: {  	s19 =	simm.s32 @p1 $0x8900;
	s15 =	rddreg [dreg:$0x6];
	[sflag:s17] =	ssyncadd.s32 @!p0 $0xFFFFC000  }
0x112: {  	[tilespmem:s19], [sflag:$0x1] =	stream.linear.gather @p1 [hbm4b:s9+s20], $0x4000, $0x38;
	[tilespmem:$0x1C900] =	vst v63  }
0x113: {  	s21 =	simm.s32 @p1 $0xC900;
	s23 =	sld [smem:$0x7F4]  }
0x114: {  	[tilespmem:s21], [sflag:$0x2] =	stream.linear.gather @p1 [hbm4b:s15+s20], $0x4000, $0x38;
	[tilespmem:$0x1C900] =	vst v63  }
0x115: {  	s15 =	sld [smem:$0x7F3];
	_ =	sdelay $0x2  }
0x116: {  	[spmem:s23], [sflag:s15] =	dma.local @p1 [hbm:s6], $0x1000  }
0x117: {  	_ =	swait.ge @p1 [sflag:s24], $0x1000  }
0x118: {  	[sflag:s24] =	ssyncset.done @p1 $0x0  }
0x119: {  	[sflag:s24] =	ssyncadd.s32 @p1 $0xFFFFF000  }
0x11a: {  	_ =	swait.ge @p1 [sflag:s25], $0x4000  }
0x11b: {  	[sflag:s25] =	ssyncset.done @p1 $0x0  }
0x11c: {  	s15 =	simm.s32 @p1 $0x8000;
	[sflag:s25] =	ssyncadd.s32 @p1 $0xFFFFC000  }
0x11d: {  	[spmem:s2] =	stream.indirect.scatter.add.f32 @p1 [tilespmem:s19], [sflag:$0x1], $0x80, s15, s26, $0xb8;
	[tilespmem:$0x1C900] =	vst v63  }
0x11e: {  	_ =	swait.ge @p1 [sflag:s29], $0x4000  }
0x11f: {  	[sflag:s29] =	ssyncset.done @p1 $0x0  }
0x120: {  	s15 =	simm.s32 @p1 $0x8080;
	[sflag:s29] =	ssyncadd.s32 @p1 $0xFFFFC000  }
0x121: {  	[spmem:s2] =	stream.indirect.scatter.add.f32 @p1 [tilespmem:s21], [sflag:$0x2], $0x80, s15, s26, $0xb8;
	[tilespmem:$0x1C900] =	vst v63  }
0x122: {  	_ =	swait.ge @p1 [sflag:s25], $0x4000  }
0x123: {  	[sflag:s25] =	ssyncset.done @p1 $0x0  }
0x124: {  	[sflag:s25] =	ssyncadd.s32 @p1 $0xFFFFC000  }
0x125: {  	_ =	swait.ge @p1 [sflag:s29], $0x4000  }
0x126: {  	[sflag:s29] =	ssyncset.done @p1 $0x0  }
0x127: {  	[sflag:s29] =	ssyncadd.s32 @p1 $0xFFFFC000  }
0x128: {  	[bflag:$0x0] =	sbarrier.arrive $0xFFFF  }
0x129: {  	s19 =	simm.s32 @!p0 $0x8100;
	s15 =	rddreg [dreg:$0x7]  }
0x12a: {  	[tilespmem:s19], [sflag:$0x6] =	stream.linear.gather @!p0 [hbm4b:s15+s8], $0x800, $0x38;
	[tilespmem:$0x1C900] =	vst v63  }
0x12b: {  	_ =	swait.ge @!p0 [sflag:s13], $0x800  }
0x12c: {  	[sflag:s13] =	ssyncset.done @!p0 $0x0  }
0x12d: {  	s19 =	simm.s32 @p1 $0x8100;
	s15 =	rddreg [dreg:$0x17];
	[sflag:s13] =	ssyncadd.s32 @!p0 $0xFFFFF800  }
0x12e: {  	[tilespmem:s19], [sflag:$0x6] =	stream.linear.gather @p1 [hbm4b:s15+s20], $0x800, $0x38;
	[tilespmem:$0x1C900] =	vst v63  }
0x12f: {  	_ =	swait.ge @p1 [sflag:s24], $0x800  }
0x130: {  	[sflag:s24] =	ssyncset.done @p1 $0x0  }
0x131: {  	s19 =	rddreg [dreg:$0x19];
	[sflag:s24] =	ssyncadd.s32 @p1 $0xFFFFF800  }
0x132: {  	[tilespmem:s16], [sflag:$0x1] =	stream.indirect.gather [spmem:s2], $0x80, s19, s1, $0xb8;
	[tilespmem:$0x1C900] =	vst v63  }
0x133: {  	s23 =	rddreg [dreg:$0x1a]  }
0x134: {  	[tilespmem:s18], [sflag:$0x2] =	stream.indirect.gather [spmem:s2], $0x80, s23, s1, $0xb8;
	[tilespmem:$0x1C900] =	vst v63  }
0x135: {  	s21 =	rddreg [dreg:$0x1b]  }
0x136: {  	[tilespmem:s28], [sflag:$0x3] =	stream.indirect.gather [spmem:s2], $0x80, s21, s1, $0xb8;
	[tilespmem:$0x1C900] =	vst v63  }
0x137: {  	s15 =	rddreg [dreg:$0x1c]  }
0x138: {  	[tilespmem:s30], [sflag:$0x4] =	stream.indirect.gather [spmem:s2], $0x80, s15, s1, $0xb8;
	[tilespmem:$0x1C900] =	vst v63  }
0x139: {  	s23 =	rddreg [dreg:$0x1d]  }
0x13a: {  	[tilespmem:s0], [sflag:$0x5] =	stream.indirect.gather [spmem:s2], $0x80, s23, s1, $0xb8;
	[tilespmem:$0x1C900] =	vst v63  }
0x13b: {  	_ =	swait.ge [sflag:s31], $0x4000  }
0x13c: {  	[sflag:s31] =	ssyncset.done $0x0  }
0x13d: {  	[sflag:s31] =	ssyncadd.s32 $0xFFFFC000  }
0x13e: {  	[hbm4b:s22+s3] =	stream.linear.scatter [tilespmem:s16], [sflag:$0x1], $0x4000, $0x38;
	[tilespmem:$0x1C900] =	vst v63  }
0x13f: {  	_ =	swait.ge [sflag:s31], $0x4000  }
0x140: {  	[sflag:s31] =	ssyncset.done $0x0  }
0x141: {  	s21 =	rddreg [dreg:$0x1e];
	[sflag:s31] =	ssyncadd.s32 $0xFFFFC000  }
0x142: {  	[tilespmem:s16], [sflag:$0x1] =	stream.indirect.gather [spmem:s2], $0x80, s21, s1, $0xb8;
	[tilespmem:$0x1C900] =	vst v63  }
0x143: {  	_ =	swait.ge [sflag:s4], $0x4000  }
0x144: {  	[sflag:s4] =	ssyncset.done $0x0  }
0x145: {  	s23 =	rddreg [dreg:$0x8];
	[sflag:s4] =	ssyncadd.s32 $0xFFFFC000  }
0x146: {  	[hbm4b:s23+s3] =	stream.linear.scatter [tilespmem:s18], [sflag:$0x2], $0x4000, $0x38;
	[tilespmem:$0x1C900] =	vst v63  }
0x147: {  	_ =	swait.ge [sflag:s4], $0x4000  }
0x148: {  	[sflag:s4] =	ssyncset.done $0x0  }
0x149: {  	s19 =	rddreg [dreg:$0x1f];
	[sflag:s4] =	ssyncadd.s32 $0xFFFFC000  }
0x14a: {  	[tilespmem:s18], [sflag:$0x2] =	stream.indirect.gather [spmem:s2], $0x80, s19, s1, $0xb8;
	[tilespmem:$0x1C900] =	vst v63  }
0x14b: {  	_ =	swait.ge [sflag:s7], $0x4000  }
0x14c: {  	[sflag:s7] =	ssyncset.done $0x0  }
0x14d: {  	s21 =	rddreg [dreg:$0x9];
	[sflag:s7] =	ssyncadd.s32 $0xFFFFC000  }
0x14e: {  	[hbm4b:s21+s3] =	stream.linear.scatter [tilespmem:s28], [sflag:$0x3], $0x4000, $0x38;
	[tilespmem:$0x1C900] =	vst v63  }
0x14f: {  	_ =	swait.ge [sflag:s7], $0x4000  }
0x150: {  	s23 =	sld [smem:$0x7F5]  }
0x151: {  	[sflag:s7] =	ssyncset.done $0x0  }
0x152: {  	[sflag:s7] =	ssyncadd.s32 $0xFFFFC000  }
0x153: {  	[tilespmem:s28], [sflag:$0x3] =	stream.indirect.gather [spmem:s2], $0x80, s23, s1, $0xb8;
	[tilespmem:$0x1C900] =	vst v63  }
0x154: {  	_ =	swait.ge [sflag:s10], $0x4000  }
0x155: {  	[sflag:s10] =	ssyncset.done $0x0  }
0x156: {  	s19 =	rddreg [dreg:$0xa];
	[sflag:s10] =	ssyncadd.s32 $0xFFFFC000  }
0x157: {  	[hbm4b:s19+s3] =	stream.linear.scatter [tilespmem:s30], [sflag:$0x4], $0x4000, $0x38;
	[tilespmem:$0x1C900] =	vst v63  }
0x158: {  	_ =	swait.ge [sflag:s10], $0x4000  }
0x159: {  	s21 =	sld [smem:$0x7F6]  }
0x15a: {  	[sflag:s10] =	ssyncset.done $0x0  }
0x15b: {  	[sflag:s10] =	ssyncadd.s32 $0xFFFFC000  }
0x15c: {  	[tilespmem:s30], [sflag:$0x4] =	stream.indirect.gather [spmem:s2], $0x80, s21, s1, $0xb8;
	[tilespmem:$0x1C900] =	vst v63  }
0x15d: {  	_ =	swait.ge [sflag:s11], $0x4000  }
0x15e: {  	[sflag:s11] =	ssyncset.done $0x0  }
0x15f: {  	s23 =	rddreg [dreg:$0xb];
	[sflag:s11] =	ssyncadd.s32 $0xFFFFC000  }
0x160: {  	[hbm4b:s23+s3] =	stream.linear.scatter [tilespmem:s0], [sflag:$0x5], $0x4000, $0x38;
	[tilespmem:$0x1C900] =	vst v63  }
0x161: {  	_ =	swait.ge [sflag:s11], $0x4000  }
0x162: {  	s19 =	sld [smem:$0x7F7]  }
0x163: {  	[sflag:s11] =	ssyncset.done $0x0  }
0x164: {  	[sflag:s11] =	ssyncadd.s32 $0xFFFFC000  }
0x165: {  	[tilespmem:s0], [sflag:$0x5] =	stream.indirect.gather [spmem:s2], $0x80, s19, s1, $0xb8;
	[tilespmem:$0x1C900] =	vst v63  }
0x166: {  	_ =	swait.ge [sflag:s31], $0x4000  }
0x167: {  	[sflag:s31] =	ssyncset.done $0x0  }
0x168: {  	s21 =	rddreg [dreg:$0xc];
	[sflag:s31] =	ssyncadd.s32 $0xFFFFC000  }
0x169: {  	[hbm4b:s21+s3] =	stream.linear.scatter [tilespmem:s16], [sflag:$0x1], $0x4000, $0x38;
	[tilespmem:$0x1C900] =	vst v63  }
0x16a: {  	_ =	swait.ge [sflag:s31], $0x4000  }
0x16b: {  	s23 =	sld [smem:$0x7F8]  }
0x16c: {  	[sflag:s31] =	ssyncset.done $0x0  }
0x16d: {  	[sflag:s31] =	ssyncadd.s32 $0xFFFFC000  }
0x16e: {  	[tilespmem:s16], [sflag:$0x1] =	stream.indirect.gather [spmem:s2], $0x80, s23, s1, $0xb8;
	[tilespmem:$0x1C900] =	vst v63  }
0x16f: {  	_ =	swait.ge [sflag:s4], $0x4000  }
0x170: {  	[sflag:s4] =	ssyncset.done $0x0  }
0x171: {  	s19 =	rddreg [dreg:$0xd];
	[sflag:s4] =	ssyncadd.s32 $0xFFFFC000  }
0x172: {  	[hbm4b:s19+s3] =	stream.linear.scatter [tilespmem:s18], [sflag:$0x2], $0x4000, $0x38;
	[tilespmem:$0x1C900] =	vst v63  }
0x173: {  	_ =	swait.ge [sflag:s4], $0x4000  }
0x174: {  	s21 =	sld [smem:$0x7F9]  }
0x175: {  	[sflag:s4] =	ssyncset.done $0x0  }
0x176: {  	[sflag:s4] =	ssyncadd.s32 $0xFFFFC000  }
0x177: {  	[tilespmem:s18], [sflag:$0x2] =	stream.indirect.gather [spmem:s2], $0x80, s21, s1, $0xb8;
	[tilespmem:$0x1C900] =	vst v63  }
0x178: {  	_ =	swait.ge [sflag:s7], $0x4000  }
0x179: {  	[sflag:s7] =	ssyncset.done $0x0  }
0x17a: {  	s23 =	rddreg [dreg:$0xe];
	[sflag:s7] =	ssyncadd.s32 $0xFFFFC000  }
0x17b: {  	[hbm4b:s23+s3] =	stream.linear.scatter [tilespmem:s28], [sflag:$0x3], $0x4000, $0x38;
	[tilespmem:$0x1C900] =	vst v63  }
0x17c: {  	_ =	swait.ge [sflag:s7], $0x4000  }
0x17d: {  	s19 =	sld [smem:$0x7FA]  }
0x17e: {  	[sflag:s7] =	ssyncset.done $0x0  }
0x17f: {  	[sflag:s7] =	ssyncadd.s32 $0xFFFFC000  }
0x180: {  	[tilespmem:s28], [sflag:$0x3] =	stream.indirect.gather [spmem:s2], $0x80, s19, s1, $0xb8;
	[tilespmem:$0x1C900] =	vst v63  }
0x181: {  	_ =	swait.ge [sflag:s10], $0x4000  }
0x182: {  	[sflag:s10] =	ssyncset.done $0x0  }
0x183: {  	s21 =	rddreg [dreg:$0xf];
	[sflag:s10] =	ssyncadd.s32 $0xFFFFC000  }
0x184: {  	[hbm4b:s21+s3] =	stream.linear.scatter [tilespmem:s30], [sflag:$0x4], $0x4000, $0x38;
	[tilespmem:$0x1C900] =	vst v63  }
0x185: {  	_ =	swait.ge [sflag:s10], $0x4000  }
0x186: {  	s23 =	sld [smem:$0x7FB]  }
0x187: {  	[sflag:s10] =	ssyncset.done $0x0  }
0x188: {  	[sflag:s10] =	ssyncadd.s32 $0xFFFFC000  }
0x189: {  	[tilespmem:s30], [sflag:$0x4] =	stream.indirect.gather [spmem:s2], $0x80, s23, s1, $0xb8;
	[tilespmem:$0x1C900] =	vst v63  }
0x18a: {  	_ =	swait.ge [sflag:s11], $0x4000  }
0x18b: {  	[sflag:s11] =	ssyncset.done $0x0  }
0x18c: {  	s19 =	rddreg [dreg:$0x10];
	[sflag:s11] =	ssyncadd.s32 $0xFFFFC000  }
0x18d: {  	[hbm4b:s19+s3] =	stream.linear.scatter [tilespmem:s0], [sflag:$0x5], $0x4000, $0x38;
	[tilespmem:$0x1C900] =	vst v63  }
0x18e: {  	_ =	swait.ge [sflag:s11], $0x4000  }
0x18f: {  	s21 =	sld [smem:$0x7FC]  }
0x190: {  	[sflag:s11] =	ssyncset.done $0x0  }
0x191: {  	[sflag:s11] =	ssyncadd.s32 $0xFFFFC000  }
0x192: {  	[tilespmem:s0], [sflag:$0x5] =	stream.indirect.gather [spmem:s2], $0x80, s21, s1, $0xb8;
	[tilespmem:$0x1C900] =	vst v63  }
0x193: {  	_ =	swait.ge [sflag:s31], $0x4000  }
0x194: {  	[sflag:s31] =	ssyncset.done $0x0  }
0x195: {  	s23 =	rddreg [dreg:$0x11];
	[sflag:s31] =	ssyncadd.s32 $0xFFFFC000  }
0x196: {  	[hbm4b:s23+s3] =	stream.linear.scatter [tilespmem:s16], [sflag:$0x1], $0x4000, $0x38;
	[tilespmem:$0x1C900] =	vst v63  }
0x197: {  	_ =	swait.ge [sflag:s31], $0x4000  }
0x198: {  	s19 =	sld [smem:$0x7FD]  }
0x199: {  	[sflag:s31] =	ssyncset.done $0x0  }
0x19a: {  	[sflag:s31] =	ssyncadd.s32 $0xFFFFC000  }
0x19b: {  	[tilespmem:s16], [sflag:$0x1] =	stream.indirect.gather [spmem:s2], $0x80, s19, s1, $0xb8;
	[tilespmem:$0x1C900] =	vst v63  }
0x19c: {  	_ =	swait.ge [sflag:s4], $0x4000  }
0x19d: {  	[sflag:s4] =	ssyncset.done $0x0  }
0x19e: {  	s21 =	rddreg [dreg:$0x12];
	[sflag:s4] =	ssyncadd.s32 $0xFFFFC000  }
0x19f: {  	[hbm4b:s21+s3] =	stream.linear.scatter [tilespmem:s18], [sflag:$0x2], $0x4000, $0x38;
	[tilespmem:$0x1C900] =	vst v63  }
0x1a0: {  	_ =	swait.ge [sflag:s7], $0x4000  }
0x1a1: {  	[sflag:s7] =	ssyncset.done $0x0  }
0x1a2: {  	s23 =	rddreg [dreg:$0x13];
	[sflag:s7] =	ssyncadd.s32 $0xFFFFC000  }
0x1a3: {  	[hbm4b:s23+s3] =	stream.linear.scatter [tilespmem:s28], [sflag:$0x3], $0x4000, $0x38;
	[tilespmem:$0x1C900] =	vst v63  }
0x1a4: {  	_ =	swait.ge [sflag:s10], $0x4000  }
0x1a5: {  	[sflag:s10] =	ssyncset.done $0x0  }
0x1a6: {  	s19 =	rddreg [dreg:$0x14];
	[sflag:s10] =	ssyncadd.s32 $0xFFFFC000  }
0x1a7: {  	[hbm4b:s19+s3] =	stream.linear.scatter [tilespmem:s30], [sflag:$0x4], $0x4000, $0x38;
	[tilespmem:$0x1C900] =	vst v63  }
0x1a8: {  	_ =	swait.ge [sflag:s11], $0x4000  }
0x1a9: {  	[sflag:s11] =	ssyncset.done $0x0  }
0x1aa: {  	s21 =	rddreg [dreg:$0x15];
	[sflag:s11] =	ssyncadd.s32 $0xFFFFC000  }
0x1ab: {  	[hbm4b:s21+s3] =	stream.linear.scatter [tilespmem:s0], [sflag:$0x5], $0x4000, $0x38;
	[tilespmem:$0x1C900] =	vst v63  }
0x1ac: {  	_ =	swait.ge [sflag:s31], $0x4000  }
0x1ad: {  	[sflag:s31] =	ssyncset.done $0x0  }
0x1ae: {  	s23 =	rddreg [dreg:$0x16];
	[sflag:s31] =	ssyncadd.s32 $0xFFFFC000  }
0x1af: {  	[hbm4b:s23+s3] =	stream.linear.scatter [tilespmem:s16], [sflag:$0x1], $0x4000, $0x38;
	[tilespmem:$0x1C900] =	vst v63  }
0x1b0: {  	_ =	swait.ge [sflag:s4], $0x4000  }
0x1b1: {  	[sflag:s4] =	ssyncset.done $0x0  }
0x1b2: {  	[sflag:s4] =	ssyncadd.s32 $0xFFFFC000  }
0x1b3: {  	_ =	swait.ge [sflag:s7], $0x4000  }
0x1b4: {  	[sflag:s7] =	ssyncset.done $0x0  }
0x1b5: {  	[sflag:s7] =	ssyncadd.s32 $0xFFFFC000  }
0x1b6: {  	s12 =	sadd.s32 $0xFFFFFFFF, s12;
	_ =	swait.ge [sflag:s10], $0x4000  }
0x1b7: {  	p2 =	sne.s32 s12, $0x0;
	[sflag:s10] =	ssyncset.done $0x0  }
.Ltmp1:
0x1b8: {  	[sflag:s10] =	ssyncadd.s32 $0xFFFFC000;
	(pc) =	sbr.rel @p2 .LBB2_1-.Ltmp1, $4  }
0x1b9: {  	_ =	swait.ge [sflag:s11], $0x4000  }
0x1ba: {  	[sflag:s11] =	ssyncset.done $0x0  }
0x1bb: {  	[sflag:s11] =	ssyncadd.s32 $0xFFFFC000  }
0x1bc: {  	_ =	swait.ge [sflag:s31], $0x4000  }
.LBB2_2:
0x1bd: {  	[sflag:s31] =	ssyncset.done $0x0  }
0x1be: {  	[sflag:s31] =	ssyncadd.s32 $0xFFFFC000  }
0x1bf: {  	_ =	sfence.sel $0x180000  }
0x1c0: {  	[bflag:$0x0] =	sbarrier.arrive $0xFFFF  }
0x1c1: {  	_ =	strace $0x90000050  }
0x1c2: {  	s0 =	stileid.u32;
	[bflag:$0x2] =	sbarrier.arrive $0xFFFF  }
0x1c3: {  	p0 =	sne.s32 s0, $0x0;
	s0 =	rddreg [dreg:$0x3]  }
0x1c4: {  	s0 =	sadd.s32 @!p0 $0x100000, s0  }
0x1c5: {  	[sflag:s0] =	ssyncadd.tile.s32 @!p0 $0x1;
	_ =	shalt  }
.Lfunc_end2:
_tile_overlayer_lowered:
.L_overlay_start_2:
0x1c6: {  	(tag) =	ssettag $0x2  }
0x1c7: {  	s0 =	rddreg [dreg:$0x0];
	s2 =	stileid.u32  }
0x1c8: {  	s1 =	rddreg [dreg:$0x1];
	p0 =	sne.s32 s2, $0x0  }
0x1c9: {  	s3 =	rddreg [dreg:$0x2];
	[bflag:$0x3] =	sbarrier.arrive $0xFFFF;
	s2 =	simm.s32 @!p0 $0x1C06  }
0x1ca: {  	[timem:s3], [sflag:s2] =	dma.local @!p0 [hbm:s0], s1  }
0x1cb: {  	s0 =	simm.s32 @!p0 $0x6  }
0x1cc: {  	_ =	swait.ge @!p0 [sflag:s0], s1  }
0x1cd: {  	s1 =	ssub.s32 @!p0 $0x0, s1;
	[sflag:s0] =	ssyncset.done @!p0 $0x0  }
0x1ce: {  	[sflag:s0] =	ssyncadd.s32 @!p0 s1  }
0x1cf: {  	[bflag:$0x3] =	sbarrier.arrive $0xFFFF  }
0x1d0: {  	_ =	shalt  }

// kernel: kernel.9.cloned.1.call-start
scs
__scs_entry_jumppad:
0x0: {  	(pc) =	sbr.rel $0x88, $3  }
0x1: {  	(tag) =	ssettag $0x0;
	lr =	simm.s32 $0x1  }
0x2: {  	[smem:$0x3F9A] =	sst lr;
	_ =	strace $0xD0000000  }
0x3: {  	_ = 	snop  }
0x4: {  	_ = 	snop  }
0x5: {  	_ = 	snop  }
0x6: {  	_ = 	snop  }
0x7: {  	_ = 	snop  }
__scs_overlays_trampoline_lowered:
0x8: {  	[smem:$0x3FA9] =	sst s0  }
0x9: {  	[smem:$0x3FAA] =	sst s1  }
0xa: {  	[smem:$0x3FAB] =	sst s2  }
0xb: {  	[smem:$0x3FAC] =	sst s3  }
0xc: {  	[smem:$0x3FAD] =	sst s4  }
0xd: {  	[smem:$0x3FAE] =	sst s5  }
0xe: {  	[smem:$0x3FAF] =	sst s6  }
0xf: {  	[smem:$0x3FB0] =	sst s7  }
0x10: {  	[smem:$0x3FB1] =	sst s8  }
0x11: {  	[smem:$0x3FB2] =	sst s9;
	s0 =	simm.s32 @!p0 $0x0  }
0x12: {  	s1 =	sld [smem:$0x3F98];
	s0 =	simm.s32 @p0 $0x1  }
0x13: {  	[smem:$0x3FB3] =	sst s0;
	s0 =	simm.s32 @!p1 $0x0  }
0x14: {  	s2 =	sld [smem:$0x3F97];
	s0 =	simm.s32 @p1 $0x1  }
0x15: {  	[smem:$0x3FB4] =	sst s0;
	s0 =	simm.s32 @!p2 $0x0  }
0x16: {  	s3 =	sld [smem:$0x3FDB];
	s0 =	simm.s32 @p2 $0x1  }
0x17: {  	s4 =	simm.s32 $0x1BF5;
	[smem:$0x3FB6] =	sst s0  }
0x18: {  	s0 =	sld [smem:$0x3F99];
	_ =	swait.ge [sflag:s4], $0x0  }
0x19: {  	s7 =	sld [smem:$0x3F9A]  }
0x1a: {  	s8 =	sadd.s32 $0xFFFFE003, lr  }
0x1b: {  	s9 =	sadd.s32 $0xFFFFFEF7, lr;
	s5 =	simm.s32 $0xFFFFFFFF;
	p2 =	slt.u32 s8, $0xFFFFF086  }
0x1c: {  	p1 =	slt.u32 s9, $0xF7A;
	s5 =	simm.s32 @!p2 $0x0  }
0x1d: {  	s5 =	simm.s32 @p1 $0x1;
	p0 =	seq.s32 s7, s2  }
0x1e: {  	s7 =	smul.u32 @!p0 $0xF7A, s2;
	p2 =	seq.s32 @!p0 s5, $0x0  }
0x1f: {  	s9 =	smul.u32 $0xF7A, s1;
	s8 =	simm.s32 @!p0 $0x1BF5;
	p2 =	por !p2, p0  }
0x20: {  	[sflag:s8] =	ssyncset.s32 @!p0 $0xFFFFF086;
	s6 =	sadd.s32 @!p0 s3, s7;
	s7 =	simm.s32 @!p0 $0x108  }
0x21: {  	s3 =	sadd.s32 s3, s9;
	s6 =	sadd.s32 @!p0 $0x88, s6;
	s7 =	simm.s32 @p2 $0x1082  }
0x22: {  	[simem:s7], [sflag:s8] =	dma.local @!p0 [hbm:s6], $0xF7A  }
0x23: {  	s9 =	sor.u32 $0xD0000000, s2;
	s6 =	simm.s32 $0x108;
	_ =	swait.ge @!p0 [sflag:s8], $0x0  }
0x24: {  	s3 =	sadd.s32 $0x88, s3;
	s6 =	simm.s32 @!p1 $0x1082;
	[sflag:s4] =	ssyncset.s32 $0xFFFFF086  }
0x25: {  	[simem:s6], [sflag:s4] =	dma.local [hbm:s3], $0xF7A  }
0x26: {  	[smem:$0x3F9A] =	sst s1;
	(tag) =	ssettag s2;
	_ =	strace s9  }
0x27: {  	s1 =	sld [smem:$0x3FAA]  }
0x28: {  	s2 =	sld [smem:$0x3FAB]  }
0x29: {  	s4 =	sld [smem:$0x3FAD]  }
0x2a: {  	p0 =	seq.s32 s5, $0x0;
	s5 =	sld [smem:$0x3FAE]  }
0x2b: {  	s6 =	sld [smem:$0x3FAF]  }
0x2c: {  	s7 =	sld [smem:$0x3FB0]  }
0x2d: {  	s3 =	simm.s32 $0x108;
	s8 =	sld [smem:$0x3FB1]  }
0x2e: {  	s3 =	simm.s32 @!p0 $0x1082;
	s9 =	sld [smem:$0x3FB2]  }
0x2f: {  	lr =	sadd.s32 s0, s3;
	s0 =	sld [smem:$0x3FA9]  }
0x30: {  	s3 =	sld [smem:$0x3FAC]  }
0x31: {  	[smem:$0x3FB5] =	sst s10  }
0x32: {  	s10 =	sld [smem:$0x3FB3];
	_ =	sdelay $0x3  }
0x33: {  	p0 =	seq.s32 s10, $0x1;
	s10 =	sld [smem:$0x3FB5];
	_ =	sdelay $0x3  }
0x34: {  	[smem:$0x3FB5] =	sst s10  }
0x35: {  	s10 =	sld [smem:$0x3FB4];
	_ =	sdelay $0x3  }
0x36: {  	p1 =	seq.s32 s10, $0x1;
	s10 =	sld [smem:$0x3FB5];
	_ =	sdelay $0x3  }
0x37: {  	[smem:$0x3FB5] =	sst s10  }
0x38: {  	s10 =	sld [smem:$0x3FB6]  }
0x39: {  	_ = 	snop;
	(pc) =	sbr.ind lr, $3  }
0x3a: {  	_ = 	snop  }
0x3b: {  	_ = 	snop  }
0x3c: {  	p2 =	seq.s32 s10, $0x1;
	s10 =	sld [smem:$0x3FB5]  }
0x3d: {  	_ =	shalt  }
0x3e: {  	_ =	shalt  }
0x3f: {  	_ =	shalt  }
0x40: {  	_ =	shalt  }
0x41: {  	_ =	shalt  }
0x42: {  	_ =	shalt  }
0x43: {  	_ =	shalt  }
0x44: {  	_ =	shalt  }
0x45: {  	_ =	shalt  }
0x46: {  	_ =	shalt  }
0x47: {  	_ =	shalt  }
0x48: {  	_ =	shalt  }
0x49: {  	_ =	shalt  }
0x4a: {  	_ =	shalt  }
0x4b: {  	_ =	shalt  }
0x4c: {  	_ =	shalt  }
0x4d: {  	_ =	shalt  }
0x4e: {  	_ =	shalt  }
0x4f: {  	_ =	shalt  }
0x50: {  	_ =	shalt  }
0x51: {  	_ =	shalt  }
0x52: {  	_ =	shalt  }
0x53: {  	_ =	shalt  }
0x54: {  	_ =	shalt  }
0x55: {  	_ =	shalt  }
0x56: {  	_ =	shalt  }
0x57: {  	_ =	shalt  }
0x58: {  	_ =	shalt  }
0x59: {  	_ =	shalt  }
0x5a: {  	_ =	shalt  }
0x5b: {  	_ =	shalt  }
0x5c: {  	_ =	shalt  }
0x5d: {  	_ =	shalt  }
0x5e: {  	_ =	shalt  }
0x5f: {  	_ =	shalt  }
0x60: {  	_ =	shalt  }
0x61: {  	_ =	shalt  }
0x62: {  	_ =	shalt  }
0x63: {  	_ =	shalt  }
0x64: {  	_ =	shalt  }
0x65: {  	_ =	shalt  }
0x66: {  	_ =	shalt  }
0x67: {  	_ =	shalt  }
0x68: {  	_ =	shalt  }
0x69: {  	_ =	shalt  }
0x6a: {  	_ =	shalt  }
0x6b: {  	_ =	shalt  }
0x6c: {  	_ =	shalt  }
0x6d: {  	_ =	shalt  }
0x6e: {  	_ =	shalt  }
0x6f: {  	_ =	shalt  }
0x70: {  	_ =	shalt  }
0x71: {  	_ =	shalt  }
0x72: {  	_ =	shalt  }
0x73: {  	_ =	shalt  }
0x74: {  	_ =	shalt  }
0x75: {  	_ =	shalt  }
0x76: {  	_ =	shalt  }
0x77: {  	_ =	shalt  }
0x78: {  	_ =	shalt  }
0x79: {  	_ =	shalt  }
0x7a: {  	_ =	shalt  }
0x7b: {  	_ =	shalt  }
0x7c: {  	_ =	shalt  }
0x7d: {  	_ =	shalt  }
0x7e: {  	_ =	shalt  }
0x7f: {  	_ =	shalt  }
0x80: {  	_ =	shalt  }
0x81: {  	_ =	shalt  }
0x82: {  	_ =	shalt  }
0x83: {  	_ =	shalt  }
0x84: {  	_ =	shalt  }
0x85: {  	_ =	shalt  }
0x86: {  	_ =	shalt  }
0x87: {  	_ =	shalt  }
.Lfunc_end0:
.L_simem_size_0:
called_computation_lowered:
.L_overlay_start_0:
0x88: {  	s2 =	sld [smem:$0x3FD9]  }
0x89: {  	s3 =	sld [smem:$0x3FFE];
	_ =	sdelay $0x1  }
0x8a: {  	s1 =	srdreg.scid  }
0x8b: {  	s0 =	sand.u32 $0x1, s1  }
0x8c: {  	s14 =	sshll.u32 s0, $0xA;
	s2 =	sadd.s32 s3, s2  }
0x8d: {  	s2 =	sadd.s32 s2, s14  }
0x8e: {  	[smem:$0x3FC1] =	sst s2  }
0x8f: {  	_ = 	snop  }
0x90: {  	s2 =	sld [smem:$0x3FD0];
	_ =	sdelay $0x2  }
0x91: {  	s15 =	simm.s32 $0xA;
	s4 =	simm.s32 $0x10  }
0x92: {  	[smem:s4], [sflag:s15] =	dma.local [hbm:s2], $0x1  }
0x93: {  	_ =	swait.eq [sflag:s15], $0x1  }
0x94: {  	[sflag:s15] =	ssyncset.done $0x0  }
0x95: {  	[sflag:s15] =	ssyncadd.s32 $0xFFFFFFFF  }
0x96: {  	s16 =	sld [smem:$0x10];
	(tm) =	ssettm $0x1  }
0x97: {  	s17 =	sld [smem:$0x3FFB];
	_ =	sdelay $0x3  }
0x98: {  	_ =	strace s17  }
0x99: {  	s3 =	sld [smem:$0x3FFC];
	_ =	sdelay $0x3  }
0x9a: {  	_ =	strace s3  }
0x9b: {  	s3 =	sld [smem:$0x3FFD];
	_ =	sdelay $0x3  }
0x9c: {  	_ =	strace s3  }
0x9d: {  	_ =	strace $0x8FFFFFFF  }
0x9e: {  	s18 =	sld [smem:$0x3FDB];
	_ =	sdelay $0x1  }
0x9f: {  	s19 =	simm.s32 $_scs_section_size  }
0xa0: {  	s5 =	simm.s32 $_size__tile_overlayer_lowered;
	s6 =	simm.s32 $_tile_overlayer_lowered  }
0xa1: {  	s22 =	simm.s32 $0x1BFF;
	s21 =	sshll.u32 s6, $0x1;
	s3 =	sadd.s32 s19, s18  }
0xa2: {  	s7 =	simm.s32 $0x0;
	s20 =	sshll.u32 s5, $0x1;
	s5 =	sadd.s32 s21, s3  }
0xa3: {  	[timem:s7], [sflag:s22] =	dma.local [hbm:s5], s20  }
0xa4: {  	_ =	swait.ge [sflag:s22], s20  }
0xa5: {  	s4 =	ssub.s32 $0x0, s20;
	[sflag:s22] =	ssyncset.done $0x0  }
0xa6: {  	[sflag:s22] =	ssyncadd.s32 s4;
	_ =	sdelay $0x1  }
0xa7: {  	s23 =	simm.s32 $0x1B8B  }
0xa8: {  	_ =	swait.ge [sflag:s23], $0x1  }
0xa9: {  	[sflag:s23] =	ssyncset.done $0x0  }
0xaa: {  	s25 =	simm.s32 $0x1B8E;
	s24 =	sld [smem:$0x3FFE];
	[sflag:s23] =	ssyncadd.s32 $0xFFFFFFFF  }
0xab: {  	s26 =	simm.s32 $execute0_lowered;
	[smem:$0x3FD2] =	sst s25  }
0xac: {  	s5 =	sshll.u32 s26, $0x1;
	_ =	strace $0x80000046;
	[dreg:$0x1] =	wrdreg $0xFFFFFFFF  }
0xad: {  	s28 =	simm.s32 $_size_execute0_lowered;
	s3 =	sadd.s32 s3, s5;
	[dreg:$0x0] =	wrdreg $0x0  }
0xae: {  	s5 =	sshll.u32 s28, $0x1;
	[dreg:$0x2] =	wrdreg s3  }
0xaf: {  	[dreg:$0x3] =	wrdreg s5  }
0xb0: {  	[dreg:$0x4] =	wrdreg $0xC0  }
0xb1: {  	_ =	task [dreg:s7], $0x5FFFF  }
0xb2: {  	[dreg:$0x1] =	wrdreg $0xFFFFFFFF  }
0xb3: {  	[dreg:$0x0] =	wrdreg $0x60  }
0xb4: {  	[dreg:$0x2] =	wrdreg s16  }
0xb5: {  	[dreg:$0x3] =	wrdreg s24  }
0xb6: {  	[dreg:$0x4] =	wrdreg $0x0  }
0xb7: {  	[dreg:$0x5] =	wrdreg $0x9  }
0xb8: {  	_ =	task.clear_ibuf [dreg:s7], $0x6FFFF;
	_ =	strace $0x90000046  }
0xb9: {  	s29 =	simm.s32 $0x9;
	_ =	strace $0x80000048  }
0xba: {  	_ =	swait.ge [sflag:s29], $0x1  }
0xbb: {  	[sflag:s29] =	ssyncadd.s32 $0xFFFFFFFF  }
0xbc: {  	_ =	strace $0x90000048  }
0xbd: {  	_ =	sfence  }
0xbe: {  	s30 =	sld [smem:$0x0];
	_ =	sdelay $0x2  }
0xbf: {  	s31 =	sshll.u32 s1, $0xD;
	s1 =	sshrl.u32 s1, $0x2  }
0xc0: {  	s3 =	sand.u32 $0x4000, s31;
	s1 =	sadd.s32 s1, s30  }
0xc1: {  	s0 =	sor.u32 s3, s0;
	s1 =	sshll.u32 s1, $0x11  }
0xc2: {  	s0 =	sor.u32 s1, s0  }
0xc3: {  	s0 =	sadd.s32 $0x8F2B, s0  }
0xc4: {  	[sflag:s0] =	ssyncadd.remote.s32 $0x1  }
0xc5: {  	_ =	sfence.sel $0xFFFF  }
0xc6: {  	[dreg:$0x0] =	wrdreg $0xFFFFFFFF;
	(pc) =	sbr.abs _section_cstart, $3  }
0xc7: {  	[dreg:$0x1] =	wrdreg $0xFFFFFFFF  }
0xc8: {  	_ =	task.clear_ibuf [dreg:s7], $0x2FFFF;
	_ =	strace $0x9FFFFFFF  }
0xc9: {  	(tm) =	ssettm $0x7FFFFFFF  }
tec
execute0_lowered:
.L_overlay_start_1:
0x0: {  	(tag) =	ssettag $0x1  }
0x1: {  	s0 =	rddreg [dreg:$0x0]  }
0x2: {  	s1 =	rddreg [dreg:$0x1]  }
0x3: {  	s2 =	rddreg [dreg:$0x2]  }
0x4: {  	s3 =	srdreg.scid;
	s16 =	stileid.u32;
	s18 =	simm.s32 $0x8400  }
0x5: {  	s19 =	simm.s32 $0x6;
	s20 =	simm.s32 $0x8000;
	s21 =	simm.s32 $0xC400  }
0x6: {  	s22 =	simm.s32 $0x10400;
	s23 =	simm.s32 $0x18400;
	s24 =	simm.s32 $0x1  }
0x7: {  	s25 =	simm.s32 $0x80;
	s26 =	simm.s32 $0x2;
	s29 =	simm.s32 $0x3  }
0x8: {  	s31 =	simm.s32 $0x4;
	s30 =	simm.s32 $0x0;
	s14 =	sand.u32 $0x1, s3  }
0x9: {  	s3 =	simm.s32 $0x0;
	s5 =	sshll.u32 s16, $0x3;
	s28 =	sshll.u32 s16, $0xF  }
0xa: {  	s17 =	sshll.u32 s16, $0xC;
	s16 =	simm.s32 $0x14400;
	s4 =	sshll.u32 s14, $0x7  }
0xb: {  	[smem:$0x7FF] =	sst s3;
	s6 =	ssub.s32 $0x2, s14;
	p0 =	seq.s32 s14, $0x1  }
0xc: {  	s5 =	sor.u32 s5, s4;
	_ =	strace $0x80000047;
	s8 =	sshrl.u32 s6, $0x1  }
0xd: {  	s4 =	sshll.u32 s5, $0x4;
	s9 =	sshll.u32 s5, $0xB;
	s15 =	ssub.s32 s6, s8  }
0xe: {  	s7 =	sadd.s32 s4, s1;
	s4 =	sadd.s32 s28, s2;
	s6 =	sadd.s32 s0, s9  }
0xf: {  	s0 =	simm.s32 $0x14400;
	s15 =	smax.u32 s15, $0x1;
	s5 =	sadd.s32 $0x4000, s4  }
0x10: {  	s7 =	sadd.s32 $0x3400, s7;
	s8 =	sadd.s32 $0x800, s6;
	s9 =	sadd.s32 $0x1000, s6  }
0x11: {  	s10 =	sadd.s32 $0x1800, s6;
	s11 =	sadd.s32 $0x2000, s6;
	s0 =	simm.s32 @!p0 $0x4400  }
0x12: {  	s12 =	sadd.s32 $0x2800, s6;
	s13 =	sadd.s32 $0x3000, s6;
	s0 =	sadd.s32 s0, s1  }
0x13: {  	v0 =	vimm.f32 $0.0e+00;
	s14 =	sadd.s32 $0x3800, s6;
	s1 =	simm.s32 $0x5;
	s17 =	sadd.s32 s0, s17  }
.LBB2_1:
0x14: {  	s0 =	simm.s32 $0x0;
	s28 =	simm.s32 $0x200  }
.LBB2_2:
0x15: {  	p0 =	sne.s32 s28, $0xFE00;
	[tilespmem:s0+$0x8470] =	vst v0  }
0x16: {  	[tilespmem:s0+$0x8400] =	vst v0  }
0x17: {  	[tilespmem:s0+$0x8410] =	vst v0  }
.Ltmp0:
0x18: {  	[tilespmem:s0+$0x8420] =	vst v0;
	(pc) =	sbr.rel @p0 .LBB2_2-.Ltmp0, $4  }
0x19: {  	[tilespmem:s0+$0x8430] =	vst v0  }
0x1a: {  	[tilespmem:s0+$0x8440] =	vst v0  }
0x1b: {  	[tilespmem:s0+$0x8450] =	vst v0  }
0x1c: {  	[tilespmem:s0+$0x8460] =	vst v0;
	s0 =	sshra.s32 s28, $0x2;
	s28 =	sadd.s32 $0x200, s28  }
0x1d: {  	[tilespmem:s0+$0x8470] =	vst v0  }
0x1e: {  	[tilespmem:s0+$0x8400] =	vst v0  }
0x1f: {  	[tilespmem:s0+$0x8410] =	vst v0  }
0x20: {  	[tilespmem:s0+$0x8420] =	vst v0  }
0x21: {  	[tilespmem:s0+$0x8430] =	vst v0  }
0x22: {  	[tilespmem:s0+$0x8440] =	vst v0  }
0x23: {  	[tilespmem:s0+$0x8450] =	vst v0  }
0x24: {  	[tilespmem:s0+$0x8460] =	vst v0  }
0x25: {  	[spmem:s4] =	stream.linear.scatter [tilespmem:s18], [sflag:$0x6], $0x4000, $0x38;
	[tilespmem:$0x1C400] =	vst v63  }
0x26: {  	_ =	swait.ge [sflag:s19], $0x4000  }
0x27: {  	[sflag:s19] =	ssyncset.done $0x0  }
0x28: {  	[sflag:s19] =	ssyncadd.s32 $0xFFFFC000  }
0x29: {  	[spmem:s5] =	stream.linear.scatter [tilespmem:s18], [sflag:$0x6], $0x4000, $0x38;
	[tilespmem:$0x1C400] =	vst v63  }
0x2a: {  	_ =	swait.ge [sflag:s19], $0x4000  }
0x2b: {  	[sflag:s19] =	ssyncset.done $0x0  }
0x2c: {  	[sflag:s19] =	ssyncadd.s32 $0xFFFFC000  }
0x2d: {  	[bflag:$0x0] =	sbarrier.arrive $0xFFFF  }
0x2e: {  	[tilespmem:s20], [sflag:$0x6] =	stream.linear.gather [hbm4b:s7+s3], $0x400, $0x38;
	[tilespmem:$0x1C400] =	vst v63  }
0x2f: {  	_ =	swait.ge [sflag:s19], $0x400  }
0x30: {  	[sflag:s19] =	ssyncset.done $0x0  }
0x31: {  	[sflag:s19] =	ssyncadd.s32 $0xFFFFFC00  }
0x32: {  	[tilespmem:s18], [sflag:$0x1] =	stream.linear.gather [hbm4b:s6+s3], $0x4000, $0x38;
	[tilespmem:$0x1C400] =	vst v63  }
0x33: {  	_ = 	snop  }
0x34: {  	[tilespmem:s21], [sflag:$0x2] =	stream.linear.gather [hbm4b:s8+s3], $0x4000, $0x38;
	[tilespmem:$0x1C400] =	vst v63  }
0x35: {  	_ = 	snop  }
0x36: {  	[tilespmem:s22], [sflag:$0x3] =	stream.linear.gather [hbm4b:s9+s3], $0x4000, $0x38;
	[tilespmem:$0x1C400] =	vst v63  }
0x37: {  	_ = 	snop  }
0x38: {  	[tilespmem:s16], [sflag:$0x4] =	stream.linear.gather [hbm4b:s10+s3], $0x4000, $0x38;
	[tilespmem:$0x1C400] =	vst v63  }
0x39: {  	_ = 	snop  }
0x3a: {  	[tilespmem:s23], [sflag:$0x5] =	stream.linear.gather [hbm4b:s11+s3], $0x4000, $0x38;
	[tilespmem:$0x1C400] =	vst v63  }
0x3b: {  	_ =	swait.ge [sflag:s24], $0x4000  }
0x3c: {  	[sflag:s24] =	ssyncset.done $0x0  }
0x3d: {  	[sflag:s24] =	ssyncadd.s32 $0xFFFFC000  }
0x3e: {  	[spmem:s2] =	stream.indirect.scatter.add.f32 [tilespmem:s18], [sflag:$0x1], $0x80, s20, s25, $0xb8;
	[tilespmem:$0x1C400] =	vst v63  }
0x3f: {  	_ =	swait.ge [sflag:s24], $0x4000  }
0x40: {  	[sflag:s24] =	ssyncset.done $0x0  }
0x41: {  	[sflag:s24] =	ssyncadd.s32 $0xFFFFC000  }
0x42: {  	[tilespmem:s18], [sflag:$0x1] =	stream.linear.gather [hbm4b:s12+s3], $0x4000, $0x38;
	[tilespmem:$0x1C400] =	vst v63  }
0x43: {  	_ =	swait.ge [sflag:s26], $0x4000  }
0x44: {  	[sflag:s26] =	ssyncset.done $0x0  }
0x45: {  	s28 =	simm.s32 $0x8080;
	[sflag:s26] =	ssyncadd.s32 $0xFFFFC000  }
0x46: {  	[spmem:s2] =	stream.indirect.scatter.add.f32 [tilespmem:s21], [sflag:$0x2], $0x80, s28, s25, $0xb8;
	[tilespmem:$0x1C400] =	vst v63  }
0x47: {  	_ =	swait.ge [sflag:s26], $0x4000  }
0x48: {  	[sflag:s26] =	ssyncset.done $0x0  }
0x49: {  	[sflag:s26] =	ssyncadd.s32 $0xFFFFC000  }
0x4a: {  	[tilespmem:s21], [sflag:$0x2] =	stream.linear.gather [hbm4b:s13+s3], $0x4000, $0x38;
	[tilespmem:$0x1C400] =	vst v63  }
0x4b: {  	_ =	swait.ge [sflag:s29], $0x4000  }
0x4c: {  	[sflag:s29] =	ssyncset.done $0x0  }
0x4d: {  	s28 =	simm.s32 $0x8100;
	[sflag:s29] =	ssyncadd.s32 $0xFFFFC000  }
0x4e: {  	[spmem:s2] =	stream.indirect.scatter.add.f32 [tilespmem:s22], [sflag:$0x3], $0x80, s28, s25, $0xb8;
	[tilespmem:$0x1C400] =	vst v63  }
0x4f: {  	_ =	swait.ge [sflag:s29], $0x4000  }
0x50: {  	[sflag:s29] =	ssyncset.done $0x0  }
0x51: {  	[sflag:s29] =	ssyncadd.s32 $0xFFFFC000  }
0x52: {  	[tilespmem:s22], [sflag:$0x3] =	stream.linear.gather [hbm4b:s14+s3], $0x4000, $0x38;
	[tilespmem:$0x1C400] =	vst v63  }
0x53: {  	_ =	swait.ge [sflag:s31], $0x4000  }
0x54: {  	[sflag:s31] =	ssyncset.done $0x0  }
0x55: {  	s28 =	simm.s32 $0x8180;
	[sflag:s31] =	ssyncadd.s32 $0xFFFFC000  }
0x56: {  	[spmem:s2] =	stream.indirect.scatter.add.f32 [tilespmem:s16], [sflag:$0x4], $0x80, s28, s25, $0xb8;
	[tilespmem:$0x1C400] =	vst v63  }
0x57: {  	_ =	swait.ge [sflag:s1], $0x4000  }
0x58: {  	[sflag:s1] =	ssyncset.done $0x0  }
0x59: {  	s28 =	simm.s32 $0x8200;
	[sflag:s1] =	ssyncadd.s32 $0xFFFFC000  }
0x5a: {  	[spmem:s2] =	stream.indirect.scatter.add.f32 [tilespmem:s23], [sflag:$0x5], $0x80, s28, s25, $0xb8;
	[tilespmem:$0x1C400] =	vst v63  }
0x5b: {  	_ =	swait.ge [sflag:s24], $0x4000  }
0x5c: {  	[sflag:s24] =	ssyncset.done $0x0  }
0x5d: {  	s28 =	simm.s32 $0x8280;
	[sflag:s24] =	ssyncadd.s32 $0xFFFFC000  }
0x5e: {  	[spmem:s2] =	stream.indirect.scatter.add.f32 [tilespmem:s18], [sflag:$0x1], $0x80, s28, s25, $0xb8;
	[tilespmem:$0x1C400] =	vst v63  }
0x5f: {  	_ =	swait.ge [sflag:s26], $0x4000  }
0x60: {  	[sflag:s26] =	ssyncset.done $0x0  }
0x61: {  	s28 =	simm.s32 $0x8300;
	[sflag:s26] =	ssyncadd.s32 $0xFFFFC000  }
0x62: {  	[spmem:s2] =	stream.indirect.scatter.add.f32 [tilespmem:s21], [sflag:$0x2], $0x80, s28, s25, $0xb8;
	[tilespmem:$0x1C400] =	vst v63  }
0x63: {  	_ =	swait.ge [sflag:s29], $0x4000  }
0x64: {  	[sflag:s29] =	ssyncset.done $0x0  }
0x65: {  	s28 =	simm.s32 $0x8380;
	[sflag:s29] =	ssyncadd.s32 $0xFFFFC000  }
0x66: {  	[spmem:s2] =	stream.indirect.scatter.add.f32 [tilespmem:s22], [sflag:$0x3], $0x80, s28, s25, $0xb8;
	[tilespmem:$0x1C400] =	vst v63  }
0x67: {  	_ =	swait.ge [sflag:s31], $0x4000  }
0x68: {  	[sflag:s31] =	ssyncset.done $0x0  }
0x69: {  	[sflag:s31] =	ssyncadd.s32 $0xFFFFC000  }
0x6a: {  	_ =	swait.ge [sflag:s1], $0x4000  }
0x6b: {  	[sflag:s1] =	ssyncset.done $0x0  }
0x6c: {  	[sflag:s1] =	ssyncadd.s32 $0xFFFFC000  }
0x6d: {  	_ =	swait.ge [sflag:s24], $0x4000  }
0x6e: {  	[sflag:s24] =	ssyncset.done $0x0  }
0x6f: {  	[sflag:s24] =	ssyncadd.s32 $0xFFFFC000  }
0x70: {  	_ =	swait.ge [sflag:s26], $0x4000  }
0x71: {  	[sflag:s26] =	ssyncset.done $0x0  }
0x72: {  	[sflag:s26] =	ssyncadd.s32 $0xFFFFC000  }
0x73: {  	s30 =	sadd.s32 $0x1, s30;
	_ =	swait.ge [sflag:s29], $0x4000  }
0x74: {  	p0 =	sne.s32 s30, s15;
	s28 =	stileid.u32;
	[sflag:s29] =	ssyncset.done $0x0  }
0x75: {  	s0 =	sshll.u32 s28, $0x6;
	s28 =	sshrl.u32 s4, $0x3;
	[sflag:s29] =	ssyncadd.s32 $0xFFFFC000  }
.Ltmp1:
0x76: {  	s0 =	sor.u32 $0x1C06, s0;
	[bflag:$0x0] =	sbarrier.arrive $0xFFFF;
	(pc) =	sbr.rel @p0 .LBB2_1-.Ltmp1, $4  }
0x77: {  	[hbm:s17], [sflag:s0] =	dma.local [spmem:s28], $0x1000  }
0x78: {  	_ =	swait.ge [sflag:s19], $0x1000  }
0x79: {  	[sflag:s19] =	ssyncset.done $0x0  }
0x7a: {  	[sflag:s19] =	ssyncadd.s32 $0xFFFFF000  }
0x7b: {  	_ =	sfence.sel $0x180000  }
0x7c: {  	[bflag:$0x0] =	sbarrier.arrive $0xFFFF  }
0x7d: {  	_ =	strace $0x90000047  }
0x7e: {  	s0 =	stileid.u32;
	[bflag:$0x2] =	sbarrier.arrive $0xFFFF  }
0x7f: {  	p0 =	sne.s32 s0, $0x0;
	s0 =	rddreg [dreg:$0x3]  }
0x80: {  	s0 =	sadd.s32 @!p0 $0x100000, s0  }
0x81: {  	[sflag:s0] =	ssyncadd.tile.s32 @!p0 $0x1;
	_ =	shalt  }
.Lfunc_end2:
_tile_overlayer_lowered:
.L_overlay_start_2:
0x82: {  	(tag) =	ssettag $0x2  }
0x83: {  	s0 =	rddreg [dreg:$0x0];
	s2 =	stileid.u32  }
0x84: {  	s1 =	rddreg [dreg:$0x1];
	p0 =	sne.s32 s2, $0x0  }
0x85: {  	s3 =	rddreg [dreg:$0x2];
	[bflag:$0x3] =	sbarrier.arrive $0xFFFF;
	s2 =	simm.s32 @!p0 $0x1C06  }
0x86: {  	[timem:s3], [sflag:s2] =	dma.local @!p0 [hbm:s0], s1  }
0x87: {  	s0 =	simm.s32 @!p0 $0x6  }
0x88: {  	_ =	swait.ge @!p0 [sflag:s0], s1  }
0x89: {  	s1 =	ssub.s32 @!p0 $0x0, s1;
	[sflag:s0] =	ssyncset.done @!p0 $0x0  }
0x8a: {  	[sflag:s0] =	ssyncadd.s32 @!p0 s1  }
0x8b: {  	[bflag:$0x3] =	sbarrier.arrive $0xFFFF  }
0x8c: {  	_ =	shalt  }

</sc_bundles>
